<compile_context>
chip_gen: v7x
topology: tpu7x:2x2x1
jax: 0.10.2.dev20260603
libtpu: 0.0.44.dev20260713+nightly
codegen_flags: <defaults>
</compile_context>

<pallas_src>
import jax
import jax.numpy as jnp
from jax import lax
from jax.experimental import pallas as pl
from jax.experimental.pallas import tpu as pltpu
from jax.experimental.pallas import tpu_sc as plsc

LANES = 16
NC = 2
NS = 16
NW = NC * NS
DIM = 32 * 32768
CHUNK = DIM // NW
ZN = 8192
ZSL = ZN // LANES
SUB = 1024
NSUB = CHUNK // SUB
SUBSL = SUB // LANES
ZPIECES = (8, 8, 8, 4, 2, 1)
SPIECES = (32, 16, 8, 4, 2, 1)


def _sc_body(x_hbm, sparsity_hbm, out_hbm, s_v, zbuf, sbuf,
             sem_s, sem_in, sem_out, *psems):
    wid = lax.axis_index("s") * NC + lax.axis_index("c")
    base = wid * CHUNK

    h_s = pltpu.async_copy(sparsity_hbm, s_v, sem_s)
    h_in = pltpu.async_copy(x_hbm.at[pl.ds(base, CHUNK)], sbuf, sem_in)
    zero = jnp.zeros((LANES,), jnp.float32)
    for i in range(ZSL):
        zbuf[pl.ds(i * LANES, LANES)] = zero
    h_s.wait()

    m_vec = (s_v[...] * float(DIM)).astype(jnp.int32)
    m = m_vec[0]
    z = jnp.clip(m - base, 0, CHUNK)

    @pl.when(z == 0)
    def _keep_all():
        pltpu.make_async_copy(x_hbm.at[pl.ds(base, CHUNK)], sbuf,
                              sem_in).wait()
        pltpu.async_copy(sbuf, out_hbm.at[pl.ds(base, CHUNK)], sem_out).wait()

    @pl.when(z == CHUNK)
    def _prune_all():
        for q in range(CHUNK // ZN):
            pltpu.async_copy(zbuf, out_hbm.at[pl.ds(base + q * ZN, ZN)],
                             psems[q])
        pltpu.make_async_copy(x_hbm.at[pl.ds(base, CHUNK)], sbuf,
                              sem_in).wait()
        for q in range(CHUNK // ZN):
            pltpu.make_async_copy(zbuf, out_hbm.at[pl.ds(base + q * ZN, ZN)],
                                  psems[q]).wait()

    @pl.when(jnp.logical_and(z > 0, z < CHUNK))
    def _mixed():
        z_sub = z // SUB

        off = base
        r = z_sub
        for pi, szb in enumerate(ZPIECES):
            bit = (r >= szb).astype(jnp.int32)
            n = szb * SUB

            @pl.when(bit == 1)
            def _zero_piece(off=off, n=n, pi=pi):
                pltpu.async_copy(zbuf.at[pl.ds(0, n)],
                                 out_hbm.at[pl.ds(off, n)], psems[pi])

            off = off + bit * n
            r = r - bit * szb

        pltpu.make_async_copy(x_hbm.at[pl.ds(base, CHUNK)], sbuf,
                              sem_in).wait()
        bm_loc = z_sub * SUB
        bm = base + bm_loc
        iota = lax.broadcasted_iota(jnp.int32, (LANES,), 0)
        for i in range(SUBSL):
            idx = iota + (bm + i * LANES)
            v = sbuf[pl.ds(bm_loc + i * LANES, LANES)]
            sbuf[pl.ds(bm_loc + i * LANES, LANES)] = \
                jnp.where(idx >= m_vec, v, 0.0)

        n_sfx = NSUB - z_sub
        off = bm
        loc = bm_loc
        for pi, szb in enumerate(SPIECES):
            bit = (n_sfx // szb) % 2
            n = szb * SUB

            @pl.when(bit == 1)
            def _sfx_piece(off=off, loc=loc, n=n, pi=pi):
                pltpu.async_copy(sbuf.at[pl.ds(loc, n)],
                                 out_hbm.at[pl.ds(off, n)],
                                 psems[len(ZPIECES) + pi])

            off = off + bit * n
            loc = loc + bit * n

        off = base
        r = z_sub
        for pi, szb in enumerate(ZPIECES):
            bit = (r >= szb).astype(jnp.int32)
            n = szb * SUB

            @pl.when(bit == 1)
            def _zero_drain(off=off, n=n, pi=pi):
                pltpu.make_async_copy(zbuf.at[pl.ds(0, n)],
                                      out_hbm.at[pl.ds(off, n)],
                                      psems[pi]).wait()

            off = off + bit * n
            r = r - bit * szb

        off = bm
        loc = bm_loc
        for pi, szb in enumerate(SPIECES):
            bit = (n_sfx // szb) % 2
            n = szb * SUB

            @pl.when(bit == 1)
            def _sfx_drain(off=off, loc=loc, n=n, pi=pi):
                pltpu.make_async_copy(sbuf.at[pl.ds(loc, n)],
                                      out_hbm.at[pl.ds(off, n)],
                                      psems[len(ZPIECES) + pi]).wait()

            off = off + bit * n
            loc = loc + bit * n


def kernel(x, sparsity, mask, cumsum, cumsum_square, count, t, normalizer):
    xf = x.reshape(-1)
    s16 = jnp.broadcast_to(sparsity, (LANES,))
    mesh = plsc.VectorSubcoreMesh(core_axis_name="c", subcore_axis_name="s")
    run = pl.kernel(
        _sc_body,
        out_type=jax.ShapeDtypeStruct((DIM,), jnp.float32),
        mesh=mesh,
        scratch_types=(
            [pltpu.VMEM((LANES,), jnp.float32),
             pltpu.VMEM((ZN,), jnp.float32),
             pltpu.VMEM((CHUNK,), jnp.float32)]
            + [pltpu.SemaphoreType.DMA] * (3 + len(ZPIECES) + len(SPIECES))
        ),
    )
    out = run(xf, s16)
    return out.reshape(x.shape)

# --- scband reference (transcript-rebuilt; emitter-appended) ---
"""Pipeline reference for scband-bandit-pruning-callback-46514495816083 (READ-ONLY COPY).

The authoritative reference and input builder live on the scoring server;
editing this copy changes nothing except your own understanding.
"""

import jax, jax.numpy as jnp
import numpy as np


def setup_inputs(seed: int = 0) -> dict:
    key = jax.random.key(seed)
    k1, k2 = jax.random.split(key)
    shape = (32, 32768)
    x = jax.random.normal(k1, shape, dtype=jnp.float32)
    sparsity = jax.random.uniform(k2, (1,), dtype=jnp.float32)
    mask = jnp.ones(shape, dtype=bool)
    # Bandit buffers created lazily by BanditPruningCallback.initialize on the
    # first training-mode forward: all zeros, sized like the mask.
    cumsum = jnp.zeros(shape, dtype=jnp.float32)
    cumsum_square = jnp.zeros(shape, dtype=jnp.float32)
    count = jnp.zeros(shape, dtype=jnp.float32)
    t = jnp.zeros((1,), dtype=jnp.float32)  # ucbT
    normalizer = jnp.zeros((1,), dtype=jnp.float32)
    return {
        "x": x,
        "sparsity": sparsity,
        "mask": mask,
        "cumsum": cumsum,
        "cumsum_square": cumsum_square,
        "count": count,
        "t": t,
        "normalizer": normalizer,
    }


def reference(x, sparsity, mask, cumsum, cumsum_square, count, t, normalizer):
    # Faithful translation of BanditPruningFunction.forward (UCB-V-Tuned).
    mask_shape = x.shape
    cs = cumsum.reshape(-1)
    css = cumsum_square.reshape(-1)
    cnt = count.reshape(-1)
    dim = cs.size
    m = (sparsity[0] * dim).astype(jnp.int32)
    safe_count = cnt + 0.0001
    mean = cs / safe_count
    variance = css / safe_count - mean ** 2
    T = jnp.where(t == 0.0, t + 1.0, t + 0.0001)
    variance = variance + jnp.sqrt(2.0 * jnp.log(T) / safe_count)
    lower_conf_costs = mean - jnp.sqrt(jnp.log(T) * variance / safe_count)
    lower_conf_costs = jnp.where(cnt < 1.0, -jnp.inf, lower_conf_costs)
    # torch.topk(..., largest=False) == top_k of the negated costs
    order = jnp.argsort(lower_conf_costs, stable=True)
    new_mask = jnp.ones((dim,), dtype=bool).at[order].set(jnp.arange(dim) >= m)
    new_mask = new_mask.reshape(mask_shape)
    return x * new_mask

if __name__ == "__main__":
    import jax
    _d = setup_inputs()
    print(jax.jit(kernel)(*tuple(_d.values())))

</pallas_src>

<mosaic_0001>
#map = affine_map<(d0, d1) -> (0)>
module attributes {stable_mosaic.version = 14 : i64} {
  func.func @_sc_body(%arg0: i32, %arg1: i32, %arg2: memref<1048576xf32, #tpu.memory_space<hbm>>, %arg3: memref<16xf32, #tpu.memory_space<hbm>>, %arg4: memref<1048576xf32, #tpu.memory_space<hbm>>, %arg5: memref<16xf32, #tpu.memory_space<vmem>>, %arg6: memref<8192xf32, #tpu.memory_space<vmem>>, %arg7: memref<32768xf32, #tpu.memory_space<vmem>>, %arg8: memref<!tpu.dma_semaphore, #tpu.memory_space<semaphore_mem>>, %arg9: memref<!tpu.dma_semaphore, #tpu.memory_space<semaphore_mem>>, %arg10: memref<!tpu.dma_semaphore, #tpu.memory_space<semaphore_mem>>, %arg11: memref<!tpu.dma_semaphore, #tpu.memory_space<semaphore_mem>>, %arg12: memref<!tpu.dma_semaphore, #tpu.memory_space<semaphore_mem>>, %arg13: memref<!tpu.dma_semaphore, #tpu.memory_space<semaphore_mem>>, %arg14: memref<!tpu.dma_semaphore, #tpu.memory_space<semaphore_mem>>, %arg15: memref<!tpu.dma_semaphore, #tpu.memory_space<semaphore_mem>>, %arg16: memref<!tpu.dma_semaphore, #tpu.memory_space<semaphore_mem>>, %arg17: memref<!tpu.dma_semaphore, #tpu.memory_space<semaphore_mem>>, %arg18: memref<!tpu.dma_semaphore, #tpu.memory_space<semaphore_mem>>, %arg19: memref<!tpu.dma_semaphore, #tpu.memory_space<semaphore_mem>>, %arg20: memref<!tpu.dma_semaphore, #tpu.memory_space<semaphore_mem>>, %arg21: memref<!tpu.dma_semaphore, #tpu.memory_space<semaphore_mem>>, %arg22: memref<!tpu.dma_semaphore, #tpu.memory_space<semaphore_mem>>) attributes {dimension_semantics = [#tpu.dimension_semantics<core_parallel>, #tpu.dimension_semantics<subcore_parallel>], iteration_bounds = array<i64: 2, 16>, scalar_prefetch = 0 : i64, scratch_operands = 18 : i64, tpu.core_type = #tpu.core_type<sc_vector_subcore>, window_params = [{transform_indices = #map}, {transform_indices = #map}, {transform_indices = #map}]} {
    %mul3A = arith.constant 2 : i32
    %mul3A_0 = arith.muli %arg1, %mul3A : i32
    %add3A = arith.addi %mul3A_0, %arg0 : i32
    %mul3A_1 = arith.constant 32768 : i32
    %mul3A_2 = arith.muli %add3A, %mul3A_1 : i32
    tpu.enqueue_dma source(%arg3 : memref<16xf32, #tpu.memory_space<hbm>>) target(%arg5 : memref<16xf32, #tpu.memory_space<vmem>>) target_semaphore(%arg8 : memref<!tpu.dma_semaphore, #tpu.memory_space<semaphore_mem>>)
    %dma_start3A = tpu.memref_slice %arg2[%mul3A_2] : memref<1048576xf32, #tpu.memory_space<hbm>> -> memref<32768xf32, #tpu.memory_space<hbm>>
    %dma_start3A_3 = tpu.memref_slice %arg2[%mul3A_2] : memref<1048576xf32, #tpu.memory_space<hbm>> -> memref<32768xf32, #tpu.memory_space<hbm>>
    tpu.enqueue_dma source(%dma_start3A_3 : memref<32768xf32, #tpu.memory_space<hbm>>) target(%arg7 : memref<32768xf32, #tpu.memory_space<vmem>>) target_semaphore(%arg9 : memref<!tpu.dma_semaphore, #tpu.memory_space<semaphore_mem>>)
    %broadcast_in_dim3A = arith.constant 0.000000e+00 : f32
    %broadcast_in_dim3A_4 = vector.broadcast %broadcast_in_dim3A : f32 to vector<16xf32>
    %swap3A = arith.constant 0 : index
    %swap3A_5 = tpu.vector_load %arg6[%swap3A] {strides = array<i32>} : memref<8192xf32, #tpu.memory_space<vmem>>, vector<16xf32>,
    %swap3A_6 = vector.shape_cast %swap3A_5 : vector<16xf32> to vector<16xf32>
    %swap3A_7 = vector.shape_cast %broadcast_in_dim3A_4 : vector<16xf32> to vector<16xf32>
    tpu.vector_store %arg6[%swap3A], %swap3A_7 {strides = array<i32>} : memref<8192xf32, #tpu.memory_space<vmem>>, vector<16xf32>,
    %swap3A_8 = arith.constant 16 : index
    %swap3A_9 = tpu.vector_load %arg6[%swap3A_8] {strides = array<i32>} : memref<8192xf32, #tpu.memory_space<vmem>>, vector<16xf32>,
    %swap3A_10 = vector.shape_cast %swap3A_9 : vector<16xf32> to vector<16xf32>
    %swap3A_11 = vector.shape_cast %broadcast_in_dim3A_4 : vector<16xf32> to vector<16xf32>
    tpu.vector_store %arg6[%swap3A_8], %swap3A_11 {strides = array<i32>} : memref<8192xf32, #tpu.memory_space<vmem>>, vector<16xf32>,
    %swap3A_12 = arith.constant 32 : index
    %swap3A_13 = tpu.vector_load %arg6[%swap3A_12] {strides = array<i32>} : memref<8192xf32, #tpu.memory_space<vmem>>, vector<16xf32>,
    %swap3A_14 = vector.shape_cast %swap3A_13 : vector<16xf32> to vector<16xf32>
    %swap3A_15 = vector.shape_cast %broadcast_in_dim3A_4 : vector<16xf32> to vector<16xf32>
    tpu.vector_store %arg6[%swap3A_12], %swap3A_15 {strides = array<i32>} : memref<8192xf32, #tpu.memory_space<vmem>>, vector<16xf32>,
    %swap3A_16 = arith.constant 48 : index
    %swap3A_17 = tpu.vector_load %arg6[%swap3A_16] {strides = array<i32>} : memref<8192xf32, #tpu.memory_space<vmem>>, vector<16xf32>,
    %swap3A_18 = vector.shape_cast %swap3A_17 : vector<16xf32> to vector<16xf32>
    %swap3A_19 = vector.shape_cast %broadcast_in_dim3A_4 : vector<16xf32> to vector<16xf32>
    tpu.vector_store %arg6[%swap3A_16], %swap3A_19 {strides = array<i32>} : memref<8192xf32, #tpu.memory_space<vmem>>, vector<16xf32>,
    %swap3A_20 = arith.constant 64 : index
    %swap3A_21 = tpu.vector_load %arg6[%swap3A_20] {strides = array<i32>} : memref<8192xf32, #tpu.memory_space<vmem>>, vector<16xf32>,
    %swap3A_22 = vector.shape_cast %swap3A_21 : vector<16xf32> to vector<16xf32>
    %swap3A_23 = vector.shape_cast %broadcast_in_dim3A_4 : vector<16xf32> to vector<16xf32>
    tpu.vector_store %arg6[%swap3A_20], %swap3A_23 {strides = array<i32>} : memref<8192xf32, #tpu.memory_space<vmem>>, vector<16xf32>,
    %swap3A_24 = arith.constant 80 : index
    %swap3A_25 = tpu.vector_load %arg6[%swap3A_24] {strides = array<i32>} : memref<8192xf32, #tpu.memory_space<vmem>>, vector<16xf32>,
    %swap3A_26 = vector.shape_cast %swap3A_25 : vector<16xf32> to vector<16xf32>
    %swap3A_27 = vector.shape_cast %broadcast_in_dim3A_4 : vector<16xf32> to vector<16xf32>
    tpu.vector_store %arg6[%swap3A_24], %swap3A_27 {strides = array<i32>} : memref<8192xf32, #tpu.memory_space<vmem>>, vector<16xf32>,
    %swap3A_28 = arith.constant 96 : index
    %swap3A_29 = tpu.vector_load %arg6[%swap3A_28] {strides = array<i32>} : memref<8192xf32, #tpu.memory_space<vmem>>, vector<16xf32>,
    %swap3A_30 = vector.shape_cast %swap3A_29 : vector<16xf32> to vector<16xf32>
    %swap3A_31 = vector.shape_cast %broadcast_in_dim3A_4 : vector<16xf32> to vector<16xf32>
    tpu.vector_store %arg6[%swap3A_28], %swap3A_31 {strides = array<i32>} : memref<8192xf32, #tpu.memory_space<vmem>>, vector<16xf32>,
    %swap3A_32 = arith.constant 112 : index
    %swap3A_33 = tpu.vector_load %arg6[%swap3A_32] {strides = array<i32>} : memref<8192xf32, #tpu.memory_space<vmem>>, vector<16xf32>,
    %swap3A_34 = vector.shape_cast %swap3A_33 : vector<16xf32> to vector<16xf32>
    %swap3A_35 = vector.shape_cast %broadcast_in_dim3A_4 : vector<16xf32> to vector<16xf32>
    tpu.vector_store %arg6[%swap3A_32], %swap3A_35 {strides = array<i32>} : memref<8192xf32, #tpu.memory_space<vmem>>, vector<16xf32>,
    %swap3A_36 = arith.constant 128 : index
    %swap3A_37 = tpu.vector_load %arg6[%swap3A_36] {strides = array<i32>} : memref<8192xf32, #tpu.memory_space<vmem>>, vector<16xf32>,
    %swap3A_38 = vector.shape_cast %swap3A_37 : vector<16xf32> to vector<16xf32>
    %swap3A_39 = vector.shape_cast %broadcast_in_dim3A_4 : vector<16xf32> to vector<16xf32>
    tpu.vector_store %arg6[%swap3A_36], %swap3A_39 {strides = array<i32>} : memref<8192xf32, #tpu.memory_space<vmem>>, vector<16xf32>,
    %swap3A_40 = arith.constant 144 : index
    %swap3A_41 = tpu.vector_load %arg6[%swap3A_40] {strides = array<i32>} : memref<8192xf32, #tpu.memory_space<vmem>>, vector<16xf32>,
    %swap3A_42 = vector.shape_cast %swap3A_41 : vector<16xf32> to vector<16xf32>
    %swap3A_43 = vector.shape_cast %broadcast_in_dim3A_4 : vector<16xf32> to vector<16xf32>
    tpu.vector_store %arg6[%swap3A_40], %swap3A_43 {strides = array<i32>} : memref<8192xf32, #tpu.memory_space<vmem>>, vector<16xf32>,
    %swap3A_44 = arith.constant 160 : index
    %swap3A_45 = tpu.vector_load %arg6[%swap3A_44] {strides = array<i32>} : memref<8192xf32, #tpu.memory_space<vmem>>, vector<16xf32>,
    %swap3A_46 = vector.shape_cast %swap3A_45 : vector<16xf32> to vector<16xf32>
    %swap3A_47 = vector.shape_cast %broadcast_in_dim3A_4 : vector<16xf32> to vector<16xf32>
    tpu.vector_store %arg6[%swap3A_44], %swap3A_47 {strides = array<i32>} : memref<8192xf32, #tpu.memory_space<vmem>>, vector<16xf32>,
    %swap3A_48 = arith.constant 176 : index
    %swap3A_49 = tpu.vector_load %arg6[%swap3A_48] {strides = array<i32>} : memref<8192xf32, #tpu.memory_space<vmem>>, vector<16xf32>,
    %swap3A_50 = vector.shape_cast %swap3A_49 : vector<16xf32> to vector<16xf32>
    %swap3A_51 = vector.shape_cast %broadcast_in_dim3A_4 : vector<16xf32> to vector<16xf32>
    tpu.vector_store %arg6[%swap3A_48], %swap3A_51 {strides = array<i32>} : memref<8192xf32, #tpu.memory_space<vmem>>, vector<16xf32>,
    %swap3A_52 = arith.constant 192 : index
    %swap3A_53 = tpu.vector_load %arg6[%swap3A_52] {strides = array<i32>} : memref<8192xf32, #tpu.memory_space<vmem>>, vector<16xf32>,
    %swap3A_54 = vector.shape_cast %swap3A_53 : vector<16xf32> to vector<16xf32>
    %swap3A_55 = vector.shape_cast %broadcast_in_dim3A_4 : vector<16xf32> to vector<16xf32>
    tpu.vector_store %arg6[%swap3A_52], %swap3A_55 {strides = array<i32>} : memref<8192xf32, #tpu.memory_space<vmem>>, vector<16xf32>,
    %swap3A_56 = arith.constant 208 : index
    %swap3A_57 = tpu.vector_load %arg6[%swap3A_56] {strides = array<i32>} : memref<8192xf32, #tpu.memory_space<vmem>>, vector<16xf32>,
    %swap3A_58 = vector.shape_cast %swap3A_57 : vector<16xf32> to vector<16xf32>
    %swap3A_59 = vector.shape_cast %broadcast_in_dim3A_4 : vector<16xf32> to vector<16xf32>
    tpu.vector_store %arg6[%swap3A_56], %swap3A_59 {strides = array<i32>} : memref<8192xf32, #tpu.memory_space<vmem>>, vector<16xf32>,
    %swap3A_60 = arith.constant 224 : index
    %swap3A_61 = tpu.vector_load %arg6[%swap3A_60] {strides = array<i32>} : memref<8192xf32, #tpu.memory_space<vmem>>, vector<16xf32>,
    %swap3A_62 = vector.shape_cast %swap3A_61 : vector<16xf32> to vector<16xf32>
    %swap3A_63 = vector.shape_cast %broadcast_in_dim3A_4 : vector<16xf32> to vector<16xf32>
    tpu.vector_store %arg6[%swap3A_60], %swap3A_63 {strides = array<i32>} : memref<8192xf32, #tpu.memory_space<vmem>>, vector<16xf32>,
    %swap3A_64 = arith.constant 240 : index
    %swap3A_65 = tpu.vector_load %arg6[%swap3A_64] {strides = array<i32>} : memref<8192xf32, #tpu.memory_space<vmem>>, vector<16xf32>,
    %swap3A_66 = vector.shape_cast %swap3A_65 : vector<16xf32> to vector<16xf32>
    %swap3A_67 = vector.shape_cast %broadcast_in_dim3A_4 : vector<16xf32> to vector<16xf32>
    tpu.vector_store %arg6[%swap3A_64], %swap3A_67 {strides = array<i32>} : memref<8192xf32, #tpu.memory_space<vmem>>, vector<16xf32>,
    %swap3A_68 = arith.constant 256 : index
    %swap3A_69 = tpu.vector_load %arg6[%swap3A_68] {strides = array<i32>} : memref<8192xf32, #tpu.memory_space<vmem>>, vector<16xf32>,
    %swap3A_70 = vector.shape_cast %swap3A_69 : vector<16xf32> to vector<16xf32>
    %swap3A_71 = vector.shape_cast %broadcast_in_dim3A_4 : vector<16xf32> to vector<16xf32>
    tpu.vector_store %arg6[%swap3A_68], %swap3A_71 {strides = array<i32>} : memref<8192xf32, #tpu.memory_space<vmem>>, vector<16xf32>,
    %swap3A_72 = arith.constant 272 : index
    %swap3A_73 = tpu.vector_load %arg6[%swap3A_72] {strides = array<i32>} : memref<8192xf32, #tpu.memory_space<vmem>>, vector<16xf32>,
    %swap3A_74 = vector.shape_cast %swap3A_73 : vector<16xf32> to vector<16xf32>
    %swap3A_75 = vector.shape_cast %broadcast_in_dim3A_4 : vector<16xf32> to vector<16xf32>
    tpu.vector_store %arg6[%swap3A_72], %swap3A_75 {strides = array<i32>} : memref<8192xf32, #tpu.memory_space<vmem>>, vector<16xf32>,
    %swap3A_76 = arith.constant 288 : index
    %swap3A_77 = tpu.vector_load %arg6[%swap3A_76] {strides = array<i32>} : memref<8192xf32, #tpu.memory_space<vmem>>, vector<16xf32>,
    %swap3A_78 = vector.shape_cast %swap3A_77 : vector<16xf32> to vector<16xf32>
    %swap3A_79 = vector.shape_cast %broadcast_in_dim3A_4 : vector<16xf32> to vector<16xf32>
    tpu.vector_store %arg6[%swap3A_76], %swap3A_79 {strides = array<i32>} : memref<8192xf32, #tpu.memory_space<vmem>>, vector<16xf32>,
    %swap3A_80 = arith.constant 304 : index
    %swap3A_81 = tpu.vector_load %arg6[%swap3A_80] {strides = array<i32>} : memref<8192xf32, #tpu.memory_space<vmem>>, vector<16xf32>,
    %swap3A_82 = vector.shape_cast %swap3A_81 : vector<16xf32> to vector<16xf32>
    %swap3A_83 = vector.shape_cast %broadcast_in_dim3A_4 : vector<16xf32> to vector<16xf32>
    tpu.vector_store %arg6[%swap3A_80], %swap3A_83 {strides = array<i32>} : memref<8192xf32, #tpu.memory_space<vmem>>, vector<16xf32>,
    %swap3A_84 = arith.constant 320 : index
    %swap3A_85 = tpu.vector_load %arg6[%swap3A_84] {strides = array<i32>} : memref<8192xf32, #tpu.memory_space<vmem>>, vector<16xf32>,
    %swap3A_86 = vector.shape_cast %swap3A_85 : vector<16xf32> to vector<16xf32>
    %swap3A_87 = vector.shape_cast %broadcast_in_dim3A_4 : vector<16xf32> to vector<16xf32>
    tpu.vector_store %arg6[%swap3A_84], %swap3A_87 {strides = array<i32>} : memref<8192xf32, #tpu.memory_space<vmem>>, vector<16xf32>,
    %swap3A_88 = arith.constant 336 : index
    %swap3A_89 = tpu.vector_load %arg6[%swap3A_88] {strides = array<i32>} : memref<8192xf32, #tpu.memory_space<vmem>>, vector<16xf32>,
    %swap3A_90 = vector.shape_cast %swap3A_89 : vector<16xf32> to vector<16xf32>
    %swap3A_91 = vector.shape_cast %broadcast_in_dim3A_4 : vector<16xf32> to vector<16xf32>
    tpu.vector_store %arg6[%swap3A_88], %swap3A_91 {strides = array<i32>} : memref<8192xf32, #tpu.memory_space<vmem>>, vector<16xf32>,
    %swap3A_92 = arith.constant 352 : index
    %swap3A_93 = tpu.vector_load %arg6[%swap3A_92] {strides = array<i32>} : memref<8192xf32, #tpu.memory_space<vmem>>, vector<16xf32>,
    %swap3A_94 = vector.shape_cast %swap3A_93 : vector<16xf32> to vector<16xf32>
    %swap3A_95 = vector.shape_cast %broadcast_in_dim3A_4 : vector<16xf32> to vector<16xf32>
    tpu.vector_store %arg6[%swap3A_92], %swap3A_95 {strides = array<i32>} : memref<8192xf32, #tpu.memory_space<vmem>>, vector<16xf32>,
    %swap3A_96 = arith.constant 368 : index
    %swap3A_97 = tpu.vector_load %arg6[%swap3A_96] {strides = array<i32>} : memref<8192xf32, #tpu.memory_space<vmem>>, vector<16xf32>,
    %swap3A_98 = vector.shape_cast %swap3A_97 : vector<16xf32> to vector<16xf32>
    %swap3A_99 = vector.shape_cast %broadcast_in_dim3A_4 : vector<16xf32> to vector<16xf32>
    tpu.vector_store %arg6[%swap3A_96], %swap3A_99 {strides = array<i32>} : memref<8192xf32, #tpu.memory_space<vmem>>, vector<16xf32>,
    %swap3A_100 = arith.constant 384 : index
    %swap3A_101 = tpu.vector_load %arg6[%swap3A_100] {strides = array<i32>} : memref<8192xf32, #tpu.memory_space<vmem>>, vector<16xf32>,
    %swap3A_102 = vector.shape_cast %swap3A_101 : vector<16xf32> to vector<16xf32>
    %swap3A_103 = vector.shape_cast %broadcast_in_dim3A_4 : vector<16xf32> to vector<16xf32>
    tpu.vector_store %arg6[%swap3A_100], %swap3A_103 {strides = array<i32>} : memref<8192xf32, #tpu.memory_space<vmem>>, vector<16xf32>,
    %swap3A_104 = arith.constant 400 : index
    %swap3A_105 = tpu.vector_load %arg6[%swap3A_104] {strides = array<i32>} : memref<8192xf32, #tpu.memory_space<vmem>>, vector<16xf32>,
    %swap3A_106 = vector.shape_cast %swap3A_105 : vector<16xf32> to vector<16xf32>
    %swap3A_107 = vector.shape_cast %broadcast_in_dim3A_4 : vector<16xf32> to vector<16xf32>
    tpu.vector_store %arg6[%swap3A_104], %swap3A_107 {strides = array<i32>} : memref<8192xf32, #tpu.memory_space<vmem>>, vector<16xf32>,
    %swap3A_108 = arith.constant 416 : index
    %swap3A_109 = tpu.vector_load %arg6[%swap3A_108] {strides = array<i32>} : memref<8192xf32, #tpu.memory_space<vmem>>, vector<16xf32>,
    %swap3A_110 = vector.shape_cast %swap3A_109 : vector<16xf32> to vector<16xf32>
    %swap3A_111 = vector.shape_cast %broadcast_in_dim3A_4 : vector<16xf32> to vector<16xf32>
    tpu.vector_store %arg6[%swap3A_108], %swap3A_111 {strides = array<i32>} : memref<8192xf32, #tpu.memory_space<vmem>>, vector<16xf32>,
    %swap3A_112 = arith.constant 432 : index
    %swap3A_113 = tpu.vector_load %arg6[%swap3A_112] {strides = array<i32>} : memref<8192xf32, #tpu.memory_space<vmem>>, vector<16xf32>,
    %swap3A_114 = vector.shape_cast %swap3A_113 : vector<16xf32> to vector<16xf32>
    %swap3A_115 = vector.shape_cast %broadcast_in_dim3A_4 : vector<16xf32> to vector<16xf32>
    tpu.vector_store %arg6[%swap3A_112], %swap3A_115 {strides = array<i32>} : memref<8192xf32, #tpu.memory_space<vmem>>, vector<16xf32>,
    %swap3A_116 = arith.constant 448 : index
    %swap3A_117 = tpu.vector_load %arg6[%swap3A_116] {strides = array<i32>} : memref<8192xf32, #tpu.memory_space<vmem>>, vector<16xf32>,
    %swap3A_118 = vector.shape_cast %swap3A_117 : vector<16xf32> to vector<16xf32>
    %swap3A_119 = vector.shape_cast %broadcast_in_dim3A_4 : vector<16xf32> to vector<16xf32>
    tpu.vector_store %arg6[%swap3A_116], %swap3A_119 {strides = array<i32>} : memref<8192xf32, #tpu.memory_space<vmem>>, vector<16xf32>,
    %swap3A_120 = arith.constant 464 : index
    %swap3A_121 = tpu.vector_load %arg6[%swap3A_120] {strides = array<i32>} : memref<8192xf32, #tpu.memory_space<vmem>>, vector<16xf32>,
    %swap3A_122 = vector.shape_cast %swap3A_121 : vector<16xf32> to vector<16xf32>
    %swap3A_123 = vector.shape_cast %broadcast_in_dim3A_4 : vector<16xf32> to vector<16xf32>
    tpu.vector_store %arg6[%swap3A_120], %swap3A_123 {strides = array<i32>} : memref<8192xf32, #tpu.memory_space<vmem>>, vector<16xf32>,
    %swap3A_124 = arith.constant 480 : index
    %swap3A_125 = tpu.vector_load %arg6[%swap3A_124] {strides = array<i32>} : memref<8192xf32, #tpu.memory_space<vmem>>, vector<16xf32>,
    %swap3A_126 = vector.shape_cast %swap3A_125 : vector<16xf32> to vector<16xf32>
    %swap3A_127 = vector.shape_cast %broadcast_in_dim3A_4 : vector<16xf32> to vector<16xf32>
    tpu.vector_store %arg6[%swap3A_124], %swap3A_127 {strides = array<i32>} : memref<8192xf32, #tpu.memory_space<vmem>>, vector<16xf32>,
    %swap3A_128 = arith.constant 496 : index
    %swap3A_129 = tpu.vector_load %arg6[%swap3A_128] {strides = array<i32>} : memref<8192xf32, #tpu.memory_space<vmem>>, vector<16xf32>,
    %swap3A_130 = vector.shape_cast %swap3A_129 : vector<16xf32> to vector<16xf32>
    %swap3A_131 = vector.shape_cast %broadcast_in_dim3A_4 : vector<16xf32> to vector<16xf32>
    tpu.vector_store %arg6[%swap3A_128], %swap3A_131 {strides = array<i32>} : memref<8192xf32, #tpu.memory_space<vmem>>, vector<16xf32>,
    %swap3A_132 = arith.constant 512 : index
    %swap3A_133 = tpu.vector_load %arg6[%swap3A_132] {strides = array<i32>} : memref<8192xf32, #tpu.memory_space<vmem>>, vector<16xf32>,
    %swap3A_134 = vector.shape_cast %swap3A_133 : vector<16xf32> to vector<16xf32>
    %swap3A_135 = vector.shape_cast %broadcast_in_dim3A_4 : vector<16xf32> to vector<16xf32>
    tpu.vector_store %arg6[%swap3A_132], %swap3A_135 {strides = array<i32>} : memref<8192xf32, #tpu.memory_space<vmem>>, vector<16xf32>,
    %swap3A_136 = arith.constant 528 : index
    %swap3A_137 = tpu.vector_load %arg6[%swap3A_136] {strides = array<i32>} : memref<8192xf32, #tpu.memory_space<vmem>>, vector<16xf32>,
    %swap3A_138 = vector.shape_cast %swap3A_137 : vector<16xf32> to vector<16xf32>
    %swap3A_139 = vector.shape_cast %broadcast_in_dim3A_4 : vector<16xf32> to vector<16xf32>
    tpu.vector_store %arg6[%swap3A_136], %swap3A_139 {strides = array<i32>} : memref<8192xf32, #tpu.memory_space<vmem>>, vector<16xf32>,
    %swap3A_140 = arith.constant 544 : index
    %swap3A_141 = tpu.vector_load %arg6[%swap3A_140] {strides = array<i32>} : memref<8192xf32, #tpu.memory_space<vmem>>, vector<16xf32>,
    %swap3A_142 = vector.shape_cast %swap3A_141 : vector<16xf32> to vector<16xf32>
    %swap3A_143 = vector.shape_cast %broadcast_in_dim3A_4 : vector<16xf32> to vector<16xf32>
    tpu.vector_store %arg6[%swap3A_140], %swap3A_143 {strides = array<i32>} : memref<8192xf32, #tpu.memory_space<vmem>>, vector<16xf32>,
    %swap3A_144 = arith.constant 560 : index
    %swap3A_145 = tpu.vector_load %arg6[%swap3A_144] {strides = array<i32>} : memref<8192xf32, #tpu.memory_space<vmem>>, vector<16xf32>,
    %swap3A_146 = vector.shape_cast %swap3A_145 : vector<16xf32> to vector<16xf32>
    %swap3A_147 = vector.shape_cast %broadcast_in_dim3A_4 : vector<16xf32> to vector<16xf32>
    tpu.vector_store %arg6[%swap3A_144], %swap3A_147 {strides = array<i32>} : memref<8192xf32, #tpu.memory_space<vmem>>, vector<16xf32>,
    %swap3A_148 = arith.constant 576 : index
    %swap3A_149 = tpu.vector_load %arg6[%swap3A_148] {strides = array<i32>} : memref<8192xf32, #tpu.memory_space<vmem>>, vector<16xf32>,
    %swap3A_150 = vector.shape_cast %swap3A_149 : vector<16xf32> to vector<16xf32>
    %swap3A_151 = vector.shape_cast %broadcast_in_dim3A_4 : vector<16xf32> to vector<16xf32>
    tpu.vector_store %arg6[%swap3A_148], %swap3A_151 {strides = array<i32>} : memref<8192xf32, #tpu.memory_space<vmem>>, vector<16xf32>,
    %swap3A_152 = arith.constant 592 : index
    %swap3A_153 = tpu.vector_load %arg6[%swap3A_152] {strides = array<i32>} : memref<8192xf32, #tpu.memory_space<vmem>>, vector<16xf32>,
    %swap3A_154 = vector.shape_cast %swap3A_153 : vector<16xf32> to vector<16xf32>
    %swap3A_155 = vector.shape_cast %broadcast_in_dim3A_4 : vector<16xf32> to vector<16xf32>
    tpu.vector_store %arg6[%swap3A_152], %swap3A_155 {strides = array<i32>} : memref<8192xf32, #tpu.memory_space<vmem>>, vector<16xf32>,
    %swap3A_156 = arith.constant 608 : index
    %swap3A_157 = tpu.vector_load %arg6[%swap3A_156] {strides = array<i32>} : memref<8192xf32, #tpu.memory_space<vmem>>, vector<16xf32>,
    %swap3A_158 = vector.shape_cast %swap3A_157 : vector<16xf32> to vector<16xf32>
    %swap3A_159 = vector.shape_cast %broadcast_in_dim3A_4 : vector<16xf32> to vector<16xf32>
    tpu.vector_store %arg6[%swap3A_156], %swap3A_159 {strides = array<i32>} : memref<8192xf32, #tpu.memory_space<vmem>>, vector<16xf32>,
    %swap3A_160 = arith.constant 624 : index
    %swap3A_161 = tpu.vector_load %arg6[%swap3A_160] {strides = array<i32>} : memref<8192xf32, #tpu.memory_space<vmem>>, vector<16xf32>,
    %swap3A_162 = vector.shape_cast %swap3A_161 : vector<16xf32> to vector<16xf32>
    %swap3A_163 = vector.shape_cast %broadcast_in_dim3A_4 : vector<16xf32> to vector<16xf32>
    tpu.vector_store %arg6[%swap3A_160], %swap3A_163 {strides = array<i32>} : memref<8192xf32, #tpu.memory_space<vmem>>, vector<16xf32>,
    %swap3A_164 = arith.constant 640 : index
    %swap3A_165 = tpu.vector_load %arg6[%swap3A_164] {strides = array<i32>} : memref<8192xf32, #tpu.memory_space<vmem>>, vector<16xf32>,
    %swap3A_166 = vector.shape_cast %swap3A_165 : vector<16xf32> to vector<16xf32>
    %swap3A_167 = vector.shape_cast %broadcast_in_dim3A_4 : vector<16xf32> to vector<16xf32>
    tpu.vector_store %arg6[%swap3A_164], %swap3A_167 {strides = array<i32>} : memref<8192xf32, #tpu.memory_space<vmem>>, vector<16xf32>,
    %swap3A_168 = arith.constant 656 : index
    %swap3A_169 = tpu.vector_load %arg6[%swap3A_168] {strides = array<i32>} : memref<8192xf32, #tpu.memory_space<vmem>>, vector<16xf32>,
    %swap3A_170 = vector.shape_cast %swap3A_169 : vector<16xf32> to vector<16xf32>
    %swap3A_171 = vector.shape_cast %broadcast_in_dim3A_4 : vector<16xf32> to vector<16xf32>
    tpu.vector_store %arg6[%swap3A_168], %swap3A_171 {strides = array<i32>} : memref<8192xf32, #tpu.memory_space<vmem>>, vector<16xf32>,
    %swap3A_172 = arith.constant 672 : index
    %swap3A_173 = tpu.vector_load %arg6[%swap3A_172] {strides = array<i32>} : memref<8192xf32, #tpu.memory_space<vmem>>, vector<16xf32>,
    %swap3A_174 = vector.shape_cast %swap3A_173 : vector<16xf32> to vector<16xf32>
    %swap3A_175 = vector.shape_cast %broadcast_in_dim3A_4 : vector<16xf32> to vector<16xf32>
    tpu.vector_store %arg6[%swap3A_172], %swap3A_175 {strides = array<i32>} : memref<8192xf32, #tpu.memory_space<vmem>>, vector<16xf32>,
    %swap3A_176 = arith.constant 688 : index
    %swap3A_177 = tpu.vector_load %arg6[%swap3A_176] {strides = array<i32>} : memref<8192xf32, #tpu.memory_space<vmem>>, vector<16xf32>,
    %swap3A_178 = vector.shape_cast %swap3A_177 : vector<16xf32> to vector<16xf32>
    %swap3A_179 = vector.shape_cast %broadcast_in_dim3A_4 : vector<16xf32> to vector<16xf32>
    tpu.vector_store %arg6[%swap3A_176], %swap3A_179 {strides = array<i32>} : memref<8192xf32, #tpu.memory_space<vmem>>, vector<16xf32>,
    %swap3A_180 = arith.constant 704 : index
    %swap3A_181 = tpu.vector_load %arg6[%swap3A_180] {strides = array<i32>} : memref<8192xf32, #tpu.memory_space<vmem>>, vector<16xf32>,
    %swap3A_182 = vector.shape_cast %swap3A_181 : vector<16xf32> to vector<16xf32>
    %swap3A_183 = vector.shape_cast %broadcast_in_dim3A_4 : vector<16xf32> to vector<16xf32>
    tpu.vector_store %arg6[%swap3A_180], %swap3A_183 {strides = array<i32>} : memref<8192xf32, #tpu.memory_space<vmem>>, vector<16xf32>,
    %swap3A_184 = arith.constant 720 : index
    %swap3A_185 = tpu.vector_load %arg6[%swap3A_184] {strides = array<i32>} : memref<8192xf32, #tpu.memory_space<vmem>>, vector<16xf32>,
    %swap3A_186 = vector.shape_cast %swap3A_185 : vector<16xf32> to vector<16xf32>
    %swap3A_187 = vector.shape_cast %broadcast_in_dim3A_4 : vector<16xf32> to vector<16xf32>
    tpu.vector_store %arg6[%swap3A_184], %swap3A_187 {strides = array<i32>} : memref<8192xf32, #tpu.memory_space<vmem>>, vector<16xf32>,
    %swap3A_188 = arith.constant 736 : index
    %swap3A_189 = tpu.vector_load %arg6[%swap3A_188] {strides = array<i32>} : memref<8192xf32, #tpu.memory_space<vmem>>, vector<16xf32>,
    %swap3A_190 = vector.shape_cast %swap3A_189 : vector<16xf32> to vector<16xf32>
    %swap3A_191 = vector.shape_cast %broadcast_in_dim3A_4 : vector<16xf32> to vector<16xf32>
    tpu.vector_store %arg6[%swap3A_188], %swap3A_191 {strides = array<i32>} : memref<8192xf32, #tpu.memory_space<vmem>>, vector<16xf32>,
    %swap3A_192 = arith.constant 752 : index
    %swap3A_193 = tpu.vector_load %arg6[%swap3A_192] {strides = array<i32>} : memref<8192xf32, #tpu.memory_space<vmem>>, vector<16xf32>,
    %swap3A_194 = vector.shape_cast %swap3A_193 : vector<16xf32> to vector<16xf32>
    %swap3A_195 = vector.shape_cast %broadcast_in_dim3A_4 : vector<16xf32> to vector<16xf32>
    tpu.vector_store %arg6[%swap3A_192], %swap3A_195 {strides = array<i32>} : memref<8192xf32, #tpu.memory_space<vmem>>, vector<16xf32>,
    %swap3A_196 = arith.constant 768 : index
    %swap3A_197 = tpu.vector_load %arg6[%swap3A_196] {strides = array<i32>} : memref<8192xf32, #tpu.memory_space<vmem>>, vector<16xf32>,
    %swap3A_198 = vector.shape_cast %swap3A_197 : vector<16xf32> to vector<16xf32>
    %swap3A_199 = vector.shape_cast %broadcast_in_dim3A_4 : vector<16xf32> to vector<16xf32>
    tpu.vector_store %arg6[%swap3A_196], %swap3A_199 {strides = array<i32>} : memref<8192xf32, #tpu.memory_space<vmem>>, vector<16xf32>,
    %swap3A_200 = arith.constant 784 : index
    %swap3A_201 = tpu.vector_load %arg6[%swap3A_200] {strides = array<i32>} : memref<8192xf32, #tpu.memory_space<vmem>>, vector<16xf32>,
    %swap3A_202 = vector.shape_cast %swap3A_201 : vector<16xf32> to vector<16xf32>
    %swap3A_203 = vector.shape_cast %broadcast_in_dim3A_4 : vector<16xf32> to vector<16xf32>
    tpu.vector_store %arg6[%swap3A_200], %swap3A_203 {strides = array<i32>} : memref<8192xf32, #tpu.memory_space<vmem>>, vector<16xf32>,
    %swap3A_204 = arith.constant 800 : index
    %swap3A_205 = tpu.vector_load %arg6[%swap3A_204] {strides = array<i32>} : memref<8192xf32, #tpu.memory_space<vmem>>, vector<16xf32>,
    %swap3A_206 = vector.shape_cast %swap3A_205 : vector<16xf32> to vector<16xf32>
    %swap3A_207 = vector.shape_cast %broadcast_in_dim3A_4 : vector<16xf32> to vector<16xf32>
    tpu.vector_store %arg6[%swap3A_204], %swap3A_207 {strides = array<i32>} : memref<8192xf32, #tpu.memory_space<vmem>>, vector<16xf32>,
    %swap3A_208 = arith.constant 816 : index
    %swap3A_209 = tpu.vector_load %arg6[%swap3A_208] {strides = array<i32>} : memref<8192xf32, #tpu.memory_space<vmem>>, vector<16xf32>,
    %swap3A_210 = vector.shape_cast %swap3A_209 : vector<16xf32> to vector<16xf32>
    %swap3A_211 = vector.shape_cast %broadcast_in_dim3A_4 : vector<16xf32> to vector<16xf32>
    tpu.vector_store %arg6[%swap3A_208], %swap3A_211 {strides = array<i32>} : memref<8192xf32, #tpu.memory_space<vmem>>, vector<16xf32>,
    %swap3A_212 = arith.constant 832 : index
    %swap3A_213 = tpu.vector_load %arg6[%swap3A_212] {strides = array<i32>} : memref<8192xf32, #tpu.memory_space<vmem>>, vector<16xf32>,
    %swap3A_214 = vector.shape_cast %swap3A_213 : vector<16xf32> to vector<16xf32>
    %swap3A_215 = vector.shape_cast %broadcast_in_dim3A_4 : vector<16xf32> to vector<16xf32>
    tpu.vector_store %arg6[%swap3A_212], %swap3A_215 {strides = array<i32>} : memref<8192xf32, #tpu.memory_space<vmem>>, vector<16xf32>,
    %swap3A_216 = arith.constant 848 : index
    %swap3A_217 = tpu.vector_load %arg6[%swap3A_216] {strides = array<i32>} : memref<8192xf32, #tpu.memory_space<vmem>>, vector<16xf32>,
    %swap3A_218 = vector.shape_cast %swap3A_217 : vector<16xf32> to vector<16xf32>
    %swap3A_219 = vector.shape_cast %broadcast_in_dim3A_4 : vector<16xf32> to vector<16xf32>
    tpu.vector_store %arg6[%swap3A_216], %swap3A_219 {strides = array<i32>} : memref<8192xf32, #tpu.memory_space<vmem>>, vector<16xf32>,
    %swap3A_220 = arith.constant 864 : index
    %swap3A_221 = tpu.vector_load %arg6[%swap3A_220] {strides = array<i32>} : memref<8192xf32, #tpu.memory_space<vmem>>, vector<16xf32>,
    %swap3A_222 = vector.shape_cast %swap3A_221 : vector<16xf32> to vector<16xf32>
    %swap3A_223 = vector.shape_cast %broadcast_in_dim3A_4 : vector<16xf32> to vector<16xf32>
    tpu.vector_store %arg6[%swap3A_220], %swap3A_223 {strides = array<i32>} : memref<8192xf32, #tpu.memory_space<vmem>>, vector<16xf32>,
    %swap3A_224 = arith.constant 880 : index
    %swap3A_225 = tpu.vector_load %arg6[%swap3A_224] {strides = array<i32>} : memref<8192xf32, #tpu.memory_space<vmem>>, vector<16xf32>,
    %swap3A_226 = vector.shape_cast %swap3A_225 : vector<16xf32> to vector<16xf32>
    %swap3A_227 = vector.shape_cast %broadcast_in_dim3A_4 : vector<16xf32> to vector<16xf32>
    tpu.vector_store %arg6[%swap3A_224], %swap3A_227 {strides = array<i32>} : memref<8192xf32, #tpu.memory_space<vmem>>, vector<16xf32>,
    %swap3A_228 = arith.constant 896 : index
    %swap3A_229 = tpu.vector_load %arg6[%swap3A_228] {strides = array<i32>} : memref<8192xf32, #tpu.memory_space<vmem>>, vector<16xf32>,
    %swap3A_230 = vector.shape_cast %swap3A_229 : vector<16xf32> to vector<16xf32>
    %swap3A_231 = vector.shape_cast %broadcast_in_dim3A_4 : vector<16xf32> to vector<16xf32>
    tpu.vector_store %arg6[%swap3A_228], %swap3A_231 {strides = array<i32>} : memref<8192xf32, #tpu.memory_space<vmem>>, vector<16xf32>,
    %swap3A_232 = arith.constant 912 : index
    %swap3A_233 = tpu.vector_load %arg6[%swap3A_232] {strides = array<i32>} : memref<8192xf32, #tpu.memory_space<vmem>>, vector<16xf32>,
    %swap3A_234 = vector.shape_cast %swap3A_233 : vector<16xf32> to vector<16xf32>
    %swap3A_235 = vector.shape_cast %broadcast_in_dim3A_4 : vector<16xf32> to vector<16xf32>
    tpu.vector_store %arg6[%swap3A_232], %swap3A_235 {strides = array<i32>} : memref<8192xf32, #tpu.memory_space<vmem>>, vector<16xf32>,
    %swap3A_236 = arith.constant 928 : index
    %swap3A_237 = tpu.vector_load %arg6[%swap3A_236] {strides = array<i32>} : memref<8192xf32, #tpu.memory_space<vmem>>, vector<16xf32>,
    %swap3A_238 = vector.shape_cast %swap3A_237 : vector<16xf32> to vector<16xf32>
    %swap3A_239 = vector.shape_cast %broadcast_in_dim3A_4 : vector<16xf32> to vector<16xf32>
    tpu.vector_store %arg6[%swap3A_236], %swap3A_239 {strides = array<i32>} : memref<8192xf32, #tpu.memory_space<vmem>>, vector<16xf32>,
    %swap3A_240 = arith.constant 944 : index
    %swap3A_241 = tpu.vector_load %arg6[%swap3A_240] {strides = array<i32>} : memref<8192xf32, #tpu.memory_space<vmem>>, vector<16xf32>,
    %swap3A_242 = vector.shape_cast %swap3A_241 : vector<16xf32> to vector<16xf32>
    %swap3A_243 = vector.shape_cast %broadcast_in_dim3A_4 : vector<16xf32> to vector<16xf32>
    tpu.vector_store %arg6[%swap3A_240], %swap3A_243 {strides = array<i32>} : memref<8192xf32, #tpu.memory_space<vmem>>, vector<16xf32>,
    %swap3A_244 = arith.constant 960 : index
    %swap3A_245 = tpu.vector_load %arg6[%swap3A_244] {strides = array<i32>} : memref<8192xf32, #tpu.memory_space<vmem>>, vector<16xf32>,
    %swap3A_246 = vector.shape_cast %swap3A_245 : vector<16xf32> to vector<16xf32>
    %swap3A_247 = vector.shape_cast %broadcast_in_dim3A_4 : vector<16xf32> to vector<16xf32>
    tpu.vector_store %arg6[%swap3A_244], %swap3A_247 {strides = array<i32>} : memref<8192xf32, #tpu.memory_space<vmem>>, vector<16xf32>,
    %swap3A_248 = arith.constant 976 : index
    %swap3A_249 = tpu.vector_load %arg6[%swap3A_248] {strides = array<i32>} : memref<8192xf32, #tpu.memory_space<vmem>>, vector<16xf32>,
    %swap3A_250 = vector.shape_cast %swap3A_249 : vector<16xf32> to vector<16xf32>
    %swap3A_251 = vector.shape_cast %broadcast_in_dim3A_4 : vector<16xf32> to vector<16xf32>
    tpu.vector_store %arg6[%swap3A_248], %swap3A_251 {strides = array<i32>} : memref<8192xf32, #tpu.memory_space<vmem>>, vector<16xf32>,
    %swap3A_252 = arith.constant 992 : index
    %swap3A_253 = tpu.vector_load %arg6[%swap3A_252] {strides = array<i32>} : memref<8192xf32, #tpu.memory_space<vmem>>, vector<16xf32>,
    %swap3A_254 = vector.shape_cast %swap3A_253 : vector<16xf32> to vector<16xf32>
    %swap3A_255 = vector.shape_cast %broadcast_in_dim3A_4 : vector<16xf32> to vector<16xf32>
    tpu.vector_store %arg6[%swap3A_252], %swap3A_255 {strides = array<i32>} : memref<8192xf32, #tpu.memory_space<vmem>>, vector<16xf32>,
    %swap3A_256 = arith.constant 1008 : index
    %swap3A_257 = tpu.vector_load %arg6[%swap3A_256] {strides = array<i32>} : memref<8192xf32, #tpu.memory_space<vmem>>, vector<16xf32>,
    %swap3A_258 = vector.shape_cast %swap3A_257 : vector<16xf32> to vector<16xf32>
    %swap3A_259 = vector.shape_cast %broadcast_in_dim3A_4 : vector<16xf32> to vector<16xf32>
    tpu.vector_store %arg6[%swap3A_256], %swap3A_259 {strides = array<i32>} : memref<8192xf32, #tpu.memory_space<vmem>>, vector<16xf32>,
    %swap3A_260 = arith.constant 1024 : index
    %swap3A_261 = tpu.vector_load %arg6[%swap3A_260] {strides = array<i32>} : memref<8192xf32, #tpu.memory_space<vmem>>, vector<16xf32>,
    %swap3A_262 = vector.shape_cast %swap3A_261 : vector<16xf32> to vector<16xf32>
    %swap3A_263 = vector.shape_cast %broadcast_in_dim3A_4 : vector<16xf32> to vector<16xf32>
    tpu.vector_store %arg6[%swap3A_260], %swap3A_263 {strides = array<i32>} : memref<8192xf32, #tpu.memory_space<vmem>>, vector<16xf32>,
    %swap3A_264 = arith.constant 1040 : index
    %swap3A_265 = tpu.vector_load %arg6[%swap3A_264] {strides = array<i32>} : memref<8192xf32, #tpu.memory_space<vmem>>, vector<16xf32>,
    %swap3A_266 = vector.shape_cast %swap3A_265 : vector<16xf32> to vector<16xf32>
    %swap3A_267 = vector.shape_cast %broadcast_in_dim3A_4 : vector<16xf32> to vector<16xf32>
    tpu.vector_store %arg6[%swap3A_264], %swap3A_267 {strides = array<i32>} : memref<8192xf32, #tpu.memory_space<vmem>>, vector<16xf32>,
    %swap3A_268 = arith.constant 1056 : index
    %swap3A_269 = tpu.vector_load %arg6[%swap3A_268] {strides = array<i32>} : memref<8192xf32, #tpu.memory_space<vmem>>, vector<16xf32>,
    %swap3A_270 = vector.shape_cast %swap3A_269 : vector<16xf32> to vector<16xf32>
    %swap3A_271 = vector.shape_cast %broadcast_in_dim3A_4 : vector<16xf32> to vector<16xf32>
    tpu.vector_store %arg6[%swap3A_268], %swap3A_271 {strides = array<i32>} : memref<8192xf32, #tpu.memory_space<vmem>>, vector<16xf32>,
    %swap3A_272 = arith.constant 1072 : index
    %swap3A_273 = tpu.vector_load %arg6[%swap3A_272] {strides = array<i32>} : memref<8192xf32, #tpu.memory_space<vmem>>, vector<16xf32>,
    %swap3A_274 = vector.shape_cast %swap3A_273 : vector<16xf32> to vector<16xf32>
    %swap3A_275 = vector.shape_cast %broadcast_in_dim3A_4 : vector<16xf32> to vector<16xf32>
    tpu.vector_store %arg6[%swap3A_272], %swap3A_275 {strides = array<i32>} : memref<8192xf32, #tpu.memory_space<vmem>>, vector<16xf32>,
    %swap3A_276 = arith.constant 1088 : index
    %swap3A_277 = tpu.vector_load %arg6[%swap3A_276] {strides = array<i32>} : memref<8192xf32, #tpu.memory_space<vmem>>, vector<16xf32>,
    %swap3A_278 = vector.shape_cast %swap3A_277 : vector<16xf32> to vector<16xf32>
    %swap3A_279 = vector.shape_cast %broadcast_in_dim3A_4 : vector<16xf32> to vector<16xf32>
    tpu.vector_store %arg6[%swap3A_276], %swap3A_279 {strides = array<i32>} : memref<8192xf32, #tpu.memory_space<vmem>>, vector<16xf32>,
    %swap3A_280 = arith.constant 1104 : index
    %swap3A_281 = tpu.vector_load %arg6[%swap3A_280] {strides = array<i32>} : memref<8192xf32, #tpu.memory_space<vmem>>, vector<16xf32>,
    %swap3A_282 = vector.shape_cast %swap3A_281 : vector<16xf32> to vector<16xf32>
    %swap3A_283 = vector.shape_cast %broadcast_in_dim3A_4 : vector<16xf32> to vector<16xf32>
    tpu.vector_store %arg6[%swap3A_280], %swap3A_283 {strides = array<i32>} : memref<8192xf32, #tpu.memory_space<vmem>>, vector<16xf32>,
    %swap3A_284 = arith.constant 1120 : index
    %swap3A_285 = tpu.vector_load %arg6[%swap3A_284] {strides = array<i32>} : memref<8192xf32, #tpu.memory_space<vmem>>, vector<16xf32>,
    %swap3A_286 = vector.shape_cast %swap3A_285 : vector<16xf32> to vector<16xf32>
    %swap3A_287 = vector.shape_cast %broadcast_in_dim3A_4 : vector<16xf32> to vector<16xf32>
    tpu.vector_store %arg6[%swap3A_284], %swap3A_287 {strides = array<i32>} : memref<8192xf32, #tpu.memory_space<vmem>>, vector<16xf32>,
    %swap3A_288 = arith.constant 1136 : index
    %swap3A_289 = tpu.vector_load %arg6[%swap3A_288] {strides = array<i32>} : memref<8192xf32, #tpu.memory_space<vmem>>, vector<16xf32>,
    %swap3A_290 = vector.shape_cast %swap3A_289 : vector<16xf32> to vector<16xf32>
    %swap3A_291 = vector.shape_cast %broadcast_in_dim3A_4 : vector<16xf32> to vector<16xf32>
    tpu.vector_store %arg6[%swap3A_288], %swap3A_291 {strides = array<i32>} : memref<8192xf32, #tpu.memory_space<vmem>>, vector<16xf32>,
    %swap3A_292 = arith.constant 1152 : index
    %swap3A_293 = tpu.vector_load %arg6[%swap3A_292] {strides = array<i32>} : memref<8192xf32, #tpu.memory_space<vmem>>, vector<16xf32>,
    %swap3A_294 = vector.shape_cast %swap3A_293 : vector<16xf32> to vector<16xf32>
    %swap3A_295 = vector.shape_cast %broadcast_in_dim3A_4 : vector<16xf32> to vector<16xf32>
    tpu.vector_store %arg6[%swap3A_292], %swap3A_295 {strides = array<i32>} : memref<8192xf32, #tpu.memory_space<vmem>>, vector<16xf32>,
    %swap3A_296 = arith.constant 1168 : index
    %swap3A_297 = tpu.vector_load %arg6[%swap3A_296] {strides = array<i32>} : memref<8192xf32, #tpu.memory_space<vmem>>, vector<16xf32>,
    %swap3A_298 = vector.shape_cast %swap3A_297 : vector<16xf32> to vector<16xf32>
    %swap3A_299 = vector.shape_cast %broadcast_in_dim3A_4 : vector<16xf32> to vector<16xf32>
    tpu.vector_store %arg6[%swap3A_296], %swap3A_299 {strides = array<i32>} : memref<8192xf32, #tpu.memory_space<vmem>>, vector<16xf32>,
    %swap3A_300 = arith.constant 1184 : index
    %swap3A_301 = tpu.vector_load %arg6[%swap3A_300] {strides = array<i32>} : memref<8192xf32, #tpu.memory_space<vmem>>, vector<16xf32>,
    %swap3A_302 = vector.shape_cast %swap3A_301 : vector<16xf32> to vector<16xf32>
    %swap3A_303 = vector.shape_cast %broadcast_in_dim3A_4 : vector<16xf32> to vector<16xf32>
    tpu.vector_store %arg6[%swap3A_300], %swap3A_303 {strides = array<i32>} : memref<8192xf32, #tpu.memory_space<vmem>>, vector<16xf32>,
    %swap3A_304 = arith.constant 1200 : index
    %swap3A_305 = tpu.vector_load %arg6[%swap3A_304] {strides = array<i32>} : memref<8192xf32, #tpu.memory_space<vmem>>, vector<16xf32>,
    %swap3A_306 = vector.shape_cast %swap3A_305 : vector<16xf32> to vector<16xf32>
    %swap3A_307 = vector.shape_cast %broadcast_in_dim3A_4 : vector<16xf32> to vector<16xf32>
    tpu.vector_store %arg6[%swap3A_304], %swap3A_307 {strides = array<i32>} : memref<8192xf32, #tpu.memory_space<vmem>>, vector<16xf32>,
    %swap3A_308 = arith.constant 1216 : index
    %swap3A_309 = tpu.vector_load %arg6[%swap3A_308] {strides = array<i32>} : memref<8192xf32, #tpu.memory_space<vmem>>, vector<16xf32>,
    %swap3A_310 = vector.shape_cast %swap3A_309 : vector<16xf32> to vector<16xf32>
    %swap3A_311 = vector.shape_cast %broadcast_in_dim3A_4 : vector<16xf32> to vector<16xf32>
    tpu.vector_store %arg6[%swap3A_308], %swap3A_311 {strides = array<i32>} : memref<8192xf32, #tpu.memory_space<vmem>>, vector<16xf32>,
    %swap3A_312 = arith.constant 1232 : index
    %swap3A_313 = tpu.vector_load %arg6[%swap3A_312] {strides = array<i32>} : memref<8192xf32, #tpu.memory_space<vmem>>, vector<16xf32>,
    %swap3A_314 = vector.shape_cast %swap3A_313 : vector<16xf32> to vector<16xf32>
    %swap3A_315 = vector.shape_cast %broadcast_in_dim3A_4 : vector<16xf32> to vector<16xf32>
    tpu.vector_store %arg6[%swap3A_312], %swap3A_315 {strides = array<i32>} : memref<8192xf32, #tpu.memory_space<vmem>>, vector<16xf32>,
    %swap3A_316 = arith.constant 1248 : index
    %swap3A_317 = tpu.vector_load %arg6[%swap3A_316] {strides = array<i32>} : memref<8192xf32, #tpu.memory_space<vmem>>, vector<16xf32>,
    %swap3A_318 = vector.shape_cast %swap3A_317 : vector<16xf32> to vector<16xf32>
    %swap3A_319 = vector.shape_cast %broadcast_in_dim3A_4 : vector<16xf32> to vector<16xf32>
    tpu.vector_store %arg6[%swap3A_316], %swap3A_319 {strides = array<i32>} : memref<8192xf32, #tpu.memory_space<vmem>>, vector<16xf32>,
    %swap3A_320 = arith.constant 1264 : index
    %swap3A_321 = tpu.vector_load %arg6[%swap3A_320] {strides = array<i32>} : memref<8192xf32, #tpu.memory_space<vmem>>, vector<16xf32>,
    %swap3A_322 = vector.shape_cast %swap3A_321 : vector<16xf32> to vector<16xf32>
    %swap3A_323 = vector.shape_cast %broadcast_in_dim3A_4 : vector<16xf32> to vector<16xf32>
    tpu.vector_store %arg6[%swap3A_320], %swap3A_323 {strides = array<i32>} : memref<8192xf32, #tpu.memory_space<vmem>>, vector<16xf32>,
    %swap3A_324 = arith.constant 1280 : index
    %swap3A_325 = tpu.vector_load %arg6[%swap3A_324] {strides = array<i32>} : memref<8192xf32, #tpu.memory_space<vmem>>, vector<16xf32>,
    %swap3A_326 = vector.shape_cast %swap3A_325 : vector<16xf32> to vector<16xf32>
    %swap3A_327 = vector.shape_cast %broadcast_in_dim3A_4 : vector<16xf32> to vector<16xf32>
    tpu.vector_store %arg6[%swap3A_324], %swap3A_327 {strides = array<i32>} : memref<8192xf32, #tpu.memory_space<vmem>>, vector<16xf32>,
    %swap3A_328 = arith.constant 1296 : index
    %swap3A_329 = tpu.vector_load %arg6[%swap3A_328] {strides = array<i32>} : memref<8192xf32, #tpu.memory_space<vmem>>, vector<16xf32>,
    %swap3A_330 = vector.shape_cast %swap3A_329 : vector<16xf32> to vector<16xf32>
    %swap3A_331 = vector.shape_cast %broadcast_in_dim3A_4 : vector<16xf32> to vector<16xf32>
    tpu.vector_store %arg6[%swap3A_328], %swap3A_331 {strides = array<i32>} : memref<8192xf32, #tpu.memory_space<vmem>>, vector<16xf32>,
    %swap3A_332 = arith.constant 1312 : index
    %swap3A_333 = tpu.vector_load %arg6[%swap3A_332] {strides = array<i32>} : memref<8192xf32, #tpu.memory_space<vmem>>, vector<16xf32>,
    %swap3A_334 = vector.shape_cast %swap3A_333 : vector<16xf32> to vector<16xf32>
    %swap3A_335 = vector.shape_cast %broadcast_in_dim3A_4 : vector<16xf32> to vector<16xf32>
    tpu.vector_store %arg6[%swap3A_332], %swap3A_335 {strides = array<i32>} : memref<8192xf32, #tpu.memory_space<vmem>>, vector<16xf32>,
    %swap3A_336 = arith.constant 1328 : index
    %swap3A_337 = tpu.vector_load %arg6[%swap3A_336] {strides = array<i32>} : memref<8192xf32, #tpu.memory_space<vmem>>, vector<16xf32>,
    %swap3A_338 = vector.shape_cast %swap3A_337 : vector<16xf32> to vector<16xf32>
    %swap3A_339 = vector.shape_cast %broadcast_in_dim3A_4 : vector<16xf32> to vector<16xf32>
    tpu.vector_store %arg6[%swap3A_336], %swap3A_339 {strides = array<i32>} : memref<8192xf32, #tpu.memory_space<vmem>>, vector<16xf32>,
    %swap3A_340 = arith.constant 1344 : index
    %swap3A_341 = tpu.vector_load %arg6[%swap3A_340] {strides = array<i32>} : memref<8192xf32, #tpu.memory_space<vmem>>, vector<16xf32>,
    %swap3A_342 = vector.shape_cast %swap3A_341 : vector<16xf32> to vector<16xf32>
    %swap3A_343 = vector.shape_cast %broadcast_in_dim3A_4 : vector<16xf32> to vector<16xf32>
    tpu.vector_store %arg6[%swap3A_340], %swap3A_343 {strides = array<i32>} : memref<8192xf32, #tpu.memory_space<vmem>>, vector<16xf32>,
    %swap3A_344 = arith.constant 1360 : index
    %swap3A_345 = tpu.vector_load %arg6[%swap3A_344] {strides = array<i32>} : memref<8192xf32, #tpu.memory_space<vmem>>, vector<16xf32>,
    %swap3A_346 = vector.shape_cast %swap3A_345 : vector<16xf32> to vector<16xf32>
    %swap3A_347 = vector.shape_cast %broadcast_in_dim3A_4 : vector<16xf32> to vector<16xf32>
    tpu.vector_store %arg6[%swap3A_344], %swap3A_347 {strides = array<i32>} : memref<8192xf32, #tpu.memory_space<vmem>>, vector<16xf32>,
    %swap3A_348 = arith.constant 1376 : index
    %swap3A_349 = tpu.vector_load %arg6[%swap3A_348] {strides = array<i32>} : memref<8192xf32, #tpu.memory_space<vmem>>, vector<16xf32>,
    %swap3A_350 = vector.shape_cast %swap3A_349 : vector<16xf32> to vector<16xf32>
    %swap3A_351 = vector.shape_cast %broadcast_in_dim3A_4 : vector<16xf32> to vector<16xf32>
    tpu.vector_store %arg6[%swap3A_348], %swap3A_351 {strides = array<i32>} : memref<8192xf32, #tpu.memory_space<vmem>>, vector<16xf32>,
    %swap3A_352 = arith.constant 1392 : index
    %swap3A_353 = tpu.vector_load %arg6[%swap3A_352] {strides = array<i32>} : memref<8192xf32, #tpu.memory_space<vmem>>, vector<16xf32>,
    %swap3A_354 = vector.shape_cast %swap3A_353 : vector<16xf32> to vector<16xf32>
    %swap3A_355 = vector.shape_cast %broadcast_in_dim3A_4 : vector<16xf32> to vector<16xf32>
    tpu.vector_store %arg6[%swap3A_352], %swap3A_355 {strides = array<i32>} : memref<8192xf32, #tpu.memory_space<vmem>>, vector<16xf32>,
    %swap3A_356 = arith.constant 1408 : index
    %swap3A_357 = tpu.vector_load %arg6[%swap3A_356] {strides = array<i32>} : memref<8192xf32, #tpu.memory_space<vmem>>, vector<16xf32>,
    %swap3A_358 = vector.shape_cast %swap3A_357 : vector<16xf32> to vector<16xf32>
    %swap3A_359 = vector.shape_cast %broadcast_in_dim3A_4 : vector<16xf32> to vector<16xf32>
    tpu.vector_store %arg6[%swap3A_356], %swap3A_359 {strides = array<i32>} : memref<8192xf32, #tpu.memory_space<vmem>>, vector<16xf32>,
    %swap3A_360 = arith.constant 1424 : index
    %swap3A_361 = tpu.vector_load %arg6[%swap3A_360] {strides = array<i32>} : memref<8192xf32, #tpu.memory_space<vmem>>, vector<16xf32>,
    %swap3A_362 = vector.shape_cast %swap3A_361 : vector<16xf32> to vector<16xf32>
    %swap3A_363 = vector.shape_cast %broadcast_in_dim3A_4 : vector<16xf32> to vector<16xf32>
    tpu.vector_store %arg6[%swap3A_360], %swap3A_363 {strides = array<i32>} : memref<8192xf32, #tpu.memory_space<vmem>>, vector<16xf32>,
    %swap3A_364 = arith.constant 1440 : index
    %swap3A_365 = tpu.vector_load %arg6[%swap3A_364] {strides = array<i32>} : memref<8192xf32, #tpu.memory_space<vmem>>, vector<16xf32>,
    %swap3A_366 = vector.shape_cast %swap3A_365 : vector<16xf32> to vector<16xf32>
    %swap3A_367 = vector.shape_cast %broadcast_in_dim3A_4 : vector<16xf32> to vector<16xf32>
    tpu.vector_store %arg6[%swap3A_364], %swap3A_367 {strides = array<i32>} : memref<8192xf32, #tpu.memory_space<vmem>>, vector<16xf32>,
    %swap3A_368 = arith.constant 1456 : index
    %swap3A_369 = tpu.vector_load %arg6[%swap3A_368] {strides = array<i32>} : memref<8192xf32, #tpu.memory_space<vmem>>, vector<16xf32>,
    %swap3A_370 = vector.shape_cast %swap3A_369 : vector<16xf32> to vector<16xf32>
    %swap3A_371 = vector.shape_cast %broadcast_in_dim3A_4 : vector<16xf32> to vector<16xf32>
    tpu.vector_store %arg6[%swap3A_368], %swap3A_371 {strides = array<i32>} : memref<8192xf32, #tpu.memory_space<vmem>>, vector<16xf32>,
    %swap3A_372 = arith.constant 1472 : index
    %swap3A_373 = tpu.vector_load %arg6[%swap3A_372] {strides = array<i32>} : memref<8192xf32, #tpu.memory_space<vmem>>, vector<16xf32>,
    %swap3A_374 = vector.shape_cast %swap3A_373 : vector<16xf32> to vector<16xf32>
    %swap3A_375 = vector.shape_cast %broadcast_in_dim3A_4 : vector<16xf32> to vector<16xf32>
    tpu.vector_store %arg6[%swap3A_372], %swap3A_375 {strides = array<i32>} : memref<8192xf32, #tpu.memory_space<vmem>>, vector<16xf32>,
    %swap3A_376 = arith.constant 1488 : index
    %swap3A_377 = tpu.vector_load %arg6[%swap3A_376] {strides = array<i32>} : memref<8192xf32, #tpu.memory_space<vmem>>, vector<16xf32>,
    %swap3A_378 = vector.shape_cast %swap3A_377 : vector<16xf32> to vector<16xf32>
    %swap3A_379 = vector.shape_cast %broadcast_in_dim3A_4 : vector<16xf32> to vector<16xf32>
    tpu.vector_store %arg6[%swap3A_376], %swap3A_379 {strides = array<i32>} : memref<8192xf32, #tpu.memory_space<vmem>>, vector<16xf32>,
    %swap3A_380 = arith.constant 1504 : index
    %swap3A_381 = tpu.vector_load %arg6[%swap3A_380] {strides = array<i32>} : memref<8192xf32, #tpu.memory_space<vmem>>, vector<16xf32>,
    %swap3A_382 = vector.shape_cast %swap3A_381 : vector<16xf32> to vector<16xf32>
    %swap3A_383 = vector.shape_cast %broadcast_in_dim3A_4 : vector<16xf32> to vector<16xf32>
    tpu.vector_store %arg6[%swap3A_380], %swap3A_383 {strides = array<i32>} : memref<8192xf32, #tpu.memory_space<vmem>>, vector<16xf32>,
    %swap3A_384 = arith.constant 1520 : index
    %swap3A_385 = tpu.vector_load %arg6[%swap3A_384] {strides = array<i32>} : memref<8192xf32, #tpu.memory_space<vmem>>, vector<16xf32>,
    %swap3A_386 = vector.shape_cast %swap3A_385 : vector<16xf32> to vector<16xf32>
    %swap3A_387 = vector.shape_cast %broadcast_in_dim3A_4 : vector<16xf32> to vector<16xf32>
    tpu.vector_store %arg6[%swap3A_384], %swap3A_387 {strides = array<i32>} : memref<8192xf32, #tpu.memory_space<vmem>>, vector<16xf32>,
    %swap3A_388 = arith.constant 1536 : index
    %swap3A_389 = tpu.vector_load %arg6[%swap3A_388] {strides = array<i32>} : memref<8192xf32, #tpu.memory_space<vmem>>, vector<16xf32>,
    %swap3A_390 = vector.shape_cast %swap3A_389 : vector<16xf32> to vector<16xf32>
    %swap3A_391 = vector.shape_cast %broadcast_in_dim3A_4 : vector<16xf32> to vector<16xf32>
    tpu.vector_store %arg6[%swap3A_388], %swap3A_391 {strides = array<i32>} : memref<8192xf32, #tpu.memory_space<vmem>>, vector<16xf32>,
    %swap3A_392 = arith.constant 1552 : index
    %swap3A_393 = tpu.vector_load %arg6[%swap3A_392] {strides = array<i32>} : memref<8192xf32, #tpu.memory_space<vmem>>, vector<16xf32>,
    %swap3A_394 = vector.shape_cast %swap3A_393 : vector<16xf32> to vector<16xf32>
    %swap3A_395 = vector.shape_cast %broadcast_in_dim3A_4 : vector<16xf32> to vector<16xf32>
    tpu.vector_store %arg6[%swap3A_392], %swap3A_395 {strides = array<i32>} : memref<8192xf32, #tpu.memory_space<vmem>>, vector<16xf32>,
    %swap3A_396 = arith.constant 1568 : index
    %swap3A_397 = tpu.vector_load %arg6[%swap3A_396] {strides = array<i32>} : memref<8192xf32, #tpu.memory_space<vmem>>, vector<16xf32>,
    %swap3A_398 = vector.shape_cast %swap3A_397 : vector<16xf32> to vector<16xf32>
    %swap3A_399 = vector.shape_cast %broadcast_in_dim3A_4 : vector<16xf32> to vector<16xf32>
    tpu.vector_store %arg6[%swap3A_396], %swap3A_399 {strides = array<i32>} : memref<8192xf32, #tpu.memory_space<vmem>>, vector<16xf32>,
    %swap3A_400 = arith.constant 1584 : index
    %swap3A_401 = tpu.vector_load %arg6[%swap3A_400] {strides = array<i32>} : memref<8192xf32, #tpu.memory_space<vmem>>, vector<16xf32>,
    %swap3A_402 = vector.shape_cast %swap3A_401 : vector<16xf32> to vector<16xf32>
    %swap3A_403 = vector.shape_cast %broadcast_in_dim3A_4 : vector<16xf32> to vector<16xf32>
    tpu.vector_store %arg6[%swap3A_400], %swap3A_403 {strides = array<i32>} : memref<8192xf32, #tpu.memory_space<vmem>>, vector<16xf32>,
    %swap3A_404 = arith.constant 1600 : index
    %swap3A_405 = tpu.vector_load %arg6[%swap3A_404] {strides = array<i32>} : memref<8192xf32, #tpu.memory_space<vmem>>, vector<16xf32>,
    %swap3A_406 = vector.shape_cast %swap3A_405 : vector<16xf32> to vector<16xf32>
    %swap3A_407 = vector.shape_cast %broadcast_in_dim3A_4 : vector<16xf32> to vector<16xf32>
    tpu.vector_store %arg6[%swap3A_404], %swap3A_407 {strides = array<i32>} : memref<8192xf32, #tpu.memory_space<vmem>>, vector<16xf32>,
    %swap3A_408 = arith.constant 1616 : index
    %swap3A_409 = tpu.vector_load %arg6[%swap3A_408] {strides = array<i32>} : memref<8192xf32, #tpu.memory_space<vmem>>, vector<16xf32>,
    %swap3A_410 = vector.shape_cast %swap3A_409 : vector<16xf32> to vector<16xf32>
    %swap3A_411 = vector.shape_cast %broadcast_in_dim3A_4 : vector<16xf32> to vector<16xf32>
    tpu.vector_store %arg6[%swap3A_408], %swap3A_411 {strides = array<i32>} : memref<8192xf32, #tpu.memory_space<vmem>>, vector<16xf32>,
    %swap3A_412 = arith.constant 1632 : index
    %swap3A_413 = tpu.vector_load %arg6[%swap3A_412] {strides = array<i32>} : memref<8192xf32, #tpu.memory_space<vmem>>, vector<16xf32>,
    %swap3A_414 = vector.shape_cast %swap3A_413 : vector<16xf32> to vector<16xf32>
    %swap3A_415 = vector.shape_cast %broadcast_in_dim3A_4 : vector<16xf32> to vector<16xf32>
    tpu.vector_store %arg6[%swap3A_412], %swap3A_415 {strides = array<i32>} : memref<8192xf32, #tpu.memory_space<vmem>>, vector<16xf32>,
    %swap3A_416 = arith.constant 1648 : index
    %swap3A_417 = tpu.vector_load %arg6[%swap3A_416] {strides = array<i32>} : memref<8192xf32, #tpu.memory_space<vmem>>, vector<16xf32>,
    %swap3A_418 = vector.shape_cast %swap3A_417 : vector<16xf32> to vector<16xf32>
    %swap3A_419 = vector.shape_cast %broadcast_in_dim3A_4 : vector<16xf32> to vector<16xf32>
    tpu.vector_store %arg6[%swap3A_416], %swap3A_419 {strides = array<i32>} : memref<8192xf32, #tpu.memory_space<vmem>>, vector<16xf32>,
    %swap3A_420 = arith.constant 1664 : index
    %swap3A_421 = tpu.vector_load %arg6[%swap3A_420] {strides = array<i32>} : memref<8192xf32, #tpu.memory_space<vmem>>, vector<16xf32>,
    %swap3A_422 = vector.shape_cast %swap3A_421 : vector<16xf32> to vector<16xf32>
    %swap3A_423 = vector.shape_cast %broadcast_in_dim3A_4 : vector<16xf32> to vector<16xf32>
    tpu.vector_store %arg6[%swap3A_420], %swap3A_423 {strides = array<i32>} : memref<8192xf32, #tpu.memory_space<vmem>>, vector<16xf32>,
    %swap3A_424 = arith.constant 1680 : index
    %swap3A_425 = tpu.vector_load %arg6[%swap3A_424] {strides = array<i32>} : memref<8192xf32, #tpu.memory_space<vmem>>, vector<16xf32>,
    %swap3A_426 = vector.shape_cast %swap3A_425 : vector<16xf32> to vector<16xf32>
    %swap3A_427 = vector.shape_cast %broadcast_in_dim3A_4 : vector<16xf32> to vector<16xf32>
    tpu.vector_store %arg6[%swap3A_424], %swap3A_427 {strides = array<i32>} : memref<8192xf32, #tpu.memory_space<vmem>>, vector<16xf32>,
    %swap3A_428 = arith.constant 1696 : index
    %swap3A_429 = tpu.vector_load %arg6[%swap3A_428] {strides = array<i32>} : memref<8192xf32, #tpu.memory_space<vmem>>, vector<16xf32>,
    %swap3A_430 = vector.shape_cast %swap3A_429 : vector<16xf32> to vector<16xf32>
    %swap3A_431 = vector.shape_cast %broadcast_in_dim3A_4 : vector<16xf32> to vector<16xf32>
    tpu.vector_store %arg6[%swap3A_428], %swap3A_431 {strides = array<i32>} : memref<8192xf32, #tpu.memory_space<vmem>>, vector<16xf32>,
    %swap3A_432 = arith.constant 1712 : index
    %swap3A_433 = tpu.vector_load %arg6[%swap3A_432] {strides = array<i32>} : memref<8192xf32, #tpu.memory_space<vmem>>, vector<16xf32>,
    %swap3A_434 = vector.shape_cast %swap3A_433 : vector<16xf32> to vector<16xf32>
    %swap3A_435 = vector.shape_cast %broadcast_in_dim3A_4 : vector<16xf32> to vector<16xf32>
    tpu.vector_store %arg6[%swap3A_432], %swap3A_435 {strides = array<i32>} : memref<8192xf32, #tpu.memory_space<vmem>>, vector<16xf32>,
    %swap3A_436 = arith.constant 1728 : index
    %swap3A_437 = tpu.vector_load %arg6[%swap3A_436] {strides = array<i32>} : memref<8192xf32, #tpu.memory_space<vmem>>, vector<16xf32>,
    %swap3A_438 = vector.shape_cast %swap3A_437 : vector<16xf32> to vector<16xf32>
    %swap3A_439 = vector.shape_cast %broadcast_in_dim3A_4 : vector<16xf32> to vector<16xf32>
    tpu.vector_store %arg6[%swap3A_436], %swap3A_439 {strides = array<i32>} : memref<8192xf32, #tpu.memory_space<vmem>>, vector<16xf32>,
    %swap3A_440 = arith.constant 1744 : index
    %swap3A_441 = tpu.vector_load %arg6[%swap3A_440] {strides = array<i32>} : memref<8192xf32, #tpu.memory_space<vmem>>, vector<16xf32>,
    %swap3A_442 = vector.shape_cast %swap3A_441 : vector<16xf32> to vector<16xf32>
    %swap3A_443 = vector.shape_cast %broadcast_in_dim3A_4 : vector<16xf32> to vector<16xf32>
    tpu.vector_store %arg6[%swap3A_440], %swap3A_443 {strides = array<i32>} : memref<8192xf32, #tpu.memory_space<vmem>>, vector<16xf32>,
    %swap3A_444 = arith.constant 1760 : index
    %swap3A_445 = tpu.vector_load %arg6[%swap3A_444] {strides = array<i32>} : memref<8192xf32, #tpu.memory_space<vmem>>, vector<16xf32>,
    %swap3A_446 = vector.shape_cast %swap3A_445 : vector<16xf32> to vector<16xf32>
    %swap3A_447 = vector.shape_cast %broadcast_in_dim3A_4 : vector<16xf32> to vector<16xf32>
    tpu.vector_store %arg6[%swap3A_444], %swap3A_447 {strides = array<i32>} : memref<8192xf32, #tpu.memory_space<vmem>>, vector<16xf32>,
    %swap3A_448 = arith.constant 1776 : index
    %swap3A_449 = tpu.vector_load %arg6[%swap3A_448] {strides = array<i32>} : memref<8192xf32, #tpu.memory_space<vmem>>, vector<16xf32>,
    %swap3A_450 = vector.shape_cast %swap3A_449 : vector<16xf32> to vector<16xf32>
    %swap3A_451 = vector.shape_cast %broadcast_in_dim3A_4 : vector<16xf32> to vector<16xf32>
    tpu.vector_store %arg6[%swap3A_448], %swap3A_451 {strides = array<i32>} : memref<8192xf32, #tpu.memory_space<vmem>>, vector<16xf32>,
    %swap3A_452 = arith.constant 1792 : index
    %swap3A_453 = tpu.vector_load %arg6[%swap3A_452] {strides = array<i32>} : memref<8192xf32, #tpu.memory_space<vmem>>, vector<16xf32>,
    %swap3A_454 = vector.shape_cast %swap3A_453 : vector<16xf32> to vector<16xf32>
    %swap3A_455 = vector.shape_cast %broadcast_in_dim3A_4 : vector<16xf32> to vector<16xf32>
    tpu.vector_store %arg6[%swap3A_452], %swap3A_455 {strides = array<i32>} : memref<8192xf32, #tpu.memory_space<vmem>>, vector<16xf32>,
    %swap3A_456 = arith.constant 1808 : index
    %swap3A_457 = tpu.vector_load %arg6[%swap3A_456] {strides = array<i32>} : memref<8192xf32, #tpu.memory_space<vmem>>, vector<16xf32>,
    %swap3A_458 = vector.shape_cast %swap3A_457 : vector<16xf32> to vector<16xf32>
    %swap3A_459 = vector.shape_cast %broadcast_in_dim3A_4 : vector<16xf32> to vector<16xf32>
    tpu.vector_store %arg6[%swap3A_456], %swap3A_459 {strides = array<i32>} : memref<8192xf32, #tpu.memory_space<vmem>>, vector<16xf32>,
    %swap3A_460 = arith.constant 1824 : index
    %swap3A_461 = tpu.vector_load %arg6[%swap3A_460] {strides = array<i32>} : memref<8192xf32, #tpu.memory_space<vmem>>, vector<16xf32>,
    %swap3A_462 = vector.shape_cast %swap3A_461 : vector<16xf32> to vector<16xf32>
    %swap3A_463 = vector.shape_cast %broadcast_in_dim3A_4 : vector<16xf32> to vector<16xf32>
    tpu.vector_store %arg6[%swap3A_460], %swap3A_463 {strides = array<i32>} : memref<8192xf32, #tpu.memory_space<vmem>>, vector<16xf32>,
    %swap3A_464 = arith.constant 1840 : index
    %swap3A_465 = tpu.vector_load %arg6[%swap3A_464] {strides = array<i32>} : memref<8192xf32, #tpu.memory_space<vmem>>, vector<16xf32>,
    %swap3A_466 = vector.shape_cast %swap3A_465 : vector<16xf32> to vector<16xf32>
    %swap3A_467 = vector.shape_cast %broadcast_in_dim3A_4 : vector<16xf32> to vector<16xf32>
    tpu.vector_store %arg6[%swap3A_464], %swap3A_467 {strides = array<i32>} : memref<8192xf32, #tpu.memory_space<vmem>>, vector<16xf32>,
    %swap3A_468 = arith.constant 1856 : index
    %swap3A_469 = tpu.vector_load %arg6[%swap3A_468] {strides = array<i32>} : memref<8192xf32, #tpu.memory_space<vmem>>, vector<16xf32>,
    %swap3A_470 = vector.shape_cast %swap3A_469 : vector<16xf32> to vector<16xf32>
    %swap3A_471 = vector.shape_cast %broadcast_in_dim3A_4 : vector<16xf32> to vector<16xf32>
    tpu.vector_store %arg6[%swap3A_468], %swap3A_471 {strides = array<i32>} : memref<8192xf32, #tpu.memory_space<vmem>>, vector<16xf32>,
    %swap3A_472 = arith.constant 1872 : index
    %swap3A_473 = tpu.vector_load %arg6[%swap3A_472] {strides = array<i32>} : memref<8192xf32, #tpu.memory_space<vmem>>, vector<16xf32>,
    %swap3A_474 = vector.shape_cast %swap3A_473 : vector<16xf32> to vector<16xf32>
    %swap3A_475 = vector.shape_cast %broadcast_in_dim3A_4 : vector<16xf32> to vector<16xf32>
    tpu.vector_store %arg6[%swap3A_472], %swap3A_475 {strides = array<i32>} : memref<8192xf32, #tpu.memory_space<vmem>>, vector<16xf32>,
    %swap3A_476 = arith.constant 1888 : index
    %swap3A_477 = tpu.vector_load %arg6[%swap3A_476] {strides = array<i32>} : memref<8192xf32, #tpu.memory_space<vmem>>, vector<16xf32>,
    %swap3A_478 = vector.shape_cast %swap3A_477 : vector<16xf32> to vector<16xf32>
    %swap3A_479 = vector.shape_cast %broadcast_in_dim3A_4 : vector<16xf32> to vector<16xf32>
    tpu.vector_store %arg6[%swap3A_476], %swap3A_479 {strides = array<i32>} : memref<8192xf32, #tpu.memory_space<vmem>>, vector<16xf32>,
    %swap3A_480 = arith.constant 1904 : index
    %swap3A_481 = tpu.vector_load %arg6[%swap3A_480] {strides = array<i32>} : memref<8192xf32, #tpu.memory_space<vmem>>, vector<16xf32>,
    %swap3A_482 = vector.shape_cast %swap3A_481 : vector<16xf32> to vector<16xf32>
    %swap3A_483 = vector.shape_cast %broadcast_in_dim3A_4 : vector<16xf32> to vector<16xf32>
    tpu.vector_store %arg6[%swap3A_480], %swap3A_483 {strides = array<i32>} : memref<8192xf32, #tpu.memory_space<vmem>>, vector<16xf32>,
    %swap3A_484 = arith.constant 1920 : index
    %swap3A_485 = tpu.vector_load %arg6[%swap3A_484] {strides = array<i32>} : memref<8192xf32, #tpu.memory_space<vmem>>, vector<16xf32>,
    %swap3A_486 = vector.shape_cast %swap3A_485 : vector<16xf32> to vector<16xf32>
    %swap3A_487 = vector.shape_cast %broadcast_in_dim3A_4 : vector<16xf32> to vector<16xf32>
    tpu.vector_store %arg6[%swap3A_484], %swap3A_487 {strides = array<i32>} : memref<8192xf32, #tpu.memory_space<vmem>>, vector<16xf32>,
    %swap3A_488 = arith.constant 1936 : index
    %swap3A_489 = tpu.vector_load %arg6[%swap3A_488] {strides = array<i32>} : memref<8192xf32, #tpu.memory_space<vmem>>, vector<16xf32>,
    %swap3A_490 = vector.shape_cast %swap3A_489 : vector<16xf32> to vector<16xf32>
    %swap3A_491 = vector.shape_cast %broadcast_in_dim3A_4 : vector<16xf32> to vector<16xf32>
    tpu.vector_store %arg6[%swap3A_488], %swap3A_491 {strides = array<i32>} : memref<8192xf32, #tpu.memory_space<vmem>>, vector<16xf32>,
    %swap3A_492 = arith.constant 1952 : index
    %swap3A_493 = tpu.vector_load %arg6[%swap3A_492] {strides = array<i32>} : memref<8192xf32, #tpu.memory_space<vmem>>, vector<16xf32>,
    %swap3A_494 = vector.shape_cast %swap3A_493 : vector<16xf32> to vector<16xf32>
    %swap3A_495 = vector.shape_cast %broadcast_in_dim3A_4 : vector<16xf32> to vector<16xf32>
    tpu.vector_store %arg6[%swap3A_492], %swap3A_495 {strides = array<i32>} : memref<8192xf32, #tpu.memory_space<vmem>>, vector<16xf32>,
    %swap3A_496 = arith.constant 1968 : index
    %swap3A_497 = tpu.vector_load %arg6[%swap3A_496] {strides = array<i32>} : memref<8192xf32, #tpu.memory_space<vmem>>, vector<16xf32>,
    %swap3A_498 = vector.shape_cast %swap3A_497 : vector<16xf32> to vector<16xf32>
    %swap3A_499 = vector.shape_cast %broadcast_in_dim3A_4 : vector<16xf32> to vector<16xf32>
    tpu.vector_store %arg6[%swap3A_496], %swap3A_499 {strides = array<i32>} : memref<8192xf32, #tpu.memory_space<vmem>>, vector<16xf32>,
    %swap3A_500 = arith.constant 1984 : index
    %swap3A_501 = tpu.vector_load %arg6[%swap3A_500] {strides = array<i32>} : memref<8192xf32, #tpu.memory_space<vmem>>, vector<16xf32>,
    %swap3A_502 = vector.shape_cast %swap3A_501 : vector<16xf32> to vector<16xf32>
    %swap3A_503 = vector.shape_cast %broadcast_in_dim3A_4 : vector<16xf32> to vector<16xf32>
    tpu.vector_store %arg6[%swap3A_500], %swap3A_503 {strides = array<i32>} : memref<8192xf32, #tpu.memory_space<vmem>>, vector<16xf32>,
    %swap3A_504 = arith.constant 2000 : index
    %swap3A_505 = tpu.vector_load %arg6[%swap3A_504] {strides = array<i32>} : memref<8192xf32, #tpu.memory_space<vmem>>, vector<16xf32>,
    %swap3A_506 = vector.shape_cast %swap3A_505 : vector<16xf32> to vector<16xf32>
    %swap3A_507 = vector.shape_cast %broadcast_in_dim3A_4 : vector<16xf32> to vector<16xf32>
    tpu.vector_store %arg6[%swap3A_504], %swap3A_507 {strides = array<i32>} : memref<8192xf32, #tpu.memory_space<vmem>>, vector<16xf32>,
    %swap3A_508 = arith.constant 2016 : index
    %swap3A_509 = tpu.vector_load %arg6[%swap3A_508] {strides = array<i32>} : memref<8192xf32, #tpu.memory_space<vmem>>, vector<16xf32>,
    %swap3A_510 = vector.shape_cast %swap3A_509 : vector<16xf32> to vector<16xf32>
    %swap3A_511 = vector.shape_cast %broadcast_in_dim3A_4 : vector<16xf32> to vector<16xf32>
    tpu.vector_store %arg6[%swap3A_508], %swap3A_511 {strides = array<i32>} : memref<8192xf32, #tpu.memory_space<vmem>>, vector<16xf32>,
    %swap3A_512 = arith.constant 2032 : index
    %swap3A_513 = tpu.vector_load %arg6[%swap3A_512] {strides = array<i32>} : memref<8192xf32, #tpu.memory_space<vmem>>, vector<16xf32>,
    %swap3A_514 = vector.shape_cast %swap3A_513 : vector<16xf32> to vector<16xf32>
    %swap3A_515 = vector.shape_cast %broadcast_in_dim3A_4 : vector<16xf32> to vector<16xf32>
    tpu.vector_store %arg6[%swap3A_512], %swap3A_515 {strides = array<i32>} : memref<8192xf32, #tpu.memory_space<vmem>>, vector<16xf32>,
    %swap3A_516 = arith.constant 2048 : index
    %swap3A_517 = tpu.vector_load %arg6[%swap3A_516] {strides = array<i32>} : memref<8192xf32, #tpu.memory_space<vmem>>, vector<16xf32>,
    %swap3A_518 = vector.shape_cast %swap3A_517 : vector<16xf32> to vector<16xf32>
    %swap3A_519 = vector.shape_cast %broadcast_in_dim3A_4 : vector<16xf32> to vector<16xf32>
    tpu.vector_store %arg6[%swap3A_516], %swap3A_519 {strides = array<i32>} : memref<8192xf32, #tpu.memory_space<vmem>>, vector<16xf32>,
    %swap3A_520 = arith.constant 2064 : index
    %swap3A_521 = tpu.vector_load %arg6[%swap3A_520] {strides = array<i32>} : memref<8192xf32, #tpu.memory_space<vmem>>, vector<16xf32>,
    %swap3A_522 = vector.shape_cast %swap3A_521 : vector<16xf32> to vector<16xf32>
    %swap3A_523 = vector.shape_cast %broadcast_in_dim3A_4 : vector<16xf32> to vector<16xf32>
    tpu.vector_store %arg6[%swap3A_520], %swap3A_523 {strides = array<i32>} : memref<8192xf32, #tpu.memory_space<vmem>>, vector<16xf32>,
    %swap3A_524 = arith.constant 2080 : index
    %swap3A_525 = tpu.vector_load %arg6[%swap3A_524] {strides = array<i32>} : memref<8192xf32, #tpu.memory_space<vmem>>, vector<16xf32>,
    %swap3A_526 = vector.shape_cast %swap3A_525 : vector<16xf32> to vector<16xf32>
    %swap3A_527 = vector.shape_cast %broadcast_in_dim3A_4 : vector<16xf32> to vector<16xf32>
    tpu.vector_store %arg6[%swap3A_524], %swap3A_527 {strides = array<i32>} : memref<8192xf32, #tpu.memory_space<vmem>>, vector<16xf32>,
    %swap3A_528 = arith.constant 2096 : index
    %swap3A_529 = tpu.vector_load %arg6[%swap3A_528] {strides = array<i32>} : memref<8192xf32, #tpu.memory_space<vmem>>, vector<16xf32>,
    %swap3A_530 = vector.shape_cast %swap3A_529 : vector<16xf32> to vector<16xf32>
    %swap3A_531 = vector.shape_cast %broadcast_in_dim3A_4 : vector<16xf32> to vector<16xf32>
    tpu.vector_store %arg6[%swap3A_528], %swap3A_531 {strides = array<i32>} : memref<8192xf32, #tpu.memory_space<vmem>>, vector<16xf32>,
    %swap3A_532 = arith.constant 2112 : index
    %swap3A_533 = tpu.vector_load %arg6[%swap3A_532] {strides = array<i32>} : memref<8192xf32, #tpu.memory_space<vmem>>, vector<16xf32>,
    %swap3A_534 = vector.shape_cast %swap3A_533 : vector<16xf32> to vector<16xf32>
    %swap3A_535 = vector.shape_cast %broadcast_in_dim3A_4 : vector<16xf32> to vector<16xf32>
    tpu.vector_store %arg6[%swap3A_532], %swap3A_535 {strides = array<i32>} : memref<8192xf32, #tpu.memory_space<vmem>>, vector<16xf32>,
    %swap3A_536 = arith.constant 2128 : index
    %swap3A_537 = tpu.vector_load %arg6[%swap3A_536] {strides = array<i32>} : memref<8192xf32, #tpu.memory_space<vmem>>, vector<16xf32>,
    %swap3A_538 = vector.shape_cast %swap3A_537 : vector<16xf32> to vector<16xf32>
    %swap3A_539 = vector.shape_cast %broadcast_in_dim3A_4 : vector<16xf32> to vector<16xf32>
    tpu.vector_store %arg6[%swap3A_536], %swap3A_539 {strides = array<i32>} : memref<8192xf32, #tpu.memory_space<vmem>>, vector<16xf32>,
    %swap3A_540 = arith.constant 2144 : index
    %swap3A_541 = tpu.vector_load %arg6[%swap3A_540] {strides = array<i32>} : memref<8192xf32, #tpu.memory_space<vmem>>, vector<16xf32>,
    %swap3A_542 = vector.shape_cast %swap3A_541 : vector<16xf32> to vector<16xf32>
    %swap3A_543 = vector.shape_cast %broadcast_in_dim3A_4 : vector<16xf32> to vector<16xf32>
    tpu.vector_store %arg6[%swap3A_540], %swap3A_543 {strides = array<i32>} : memref<8192xf32, #tpu.memory_space<vmem>>, vector<16xf32>,
    %swap3A_544 = arith.constant 2160 : index
    %swap3A_545 = tpu.vector_load %arg6[%swap3A_544] {strides = array<i32>} : memref<8192xf32, #tpu.memory_space<vmem>>, vector<16xf32>,
    %swap3A_546 = vector.shape_cast %swap3A_545 : vector<16xf32> to vector<16xf32>
    %swap3A_547 = vector.shape_cast %broadcast_in_dim3A_4 : vector<16xf32> to vector<16xf32>
    tpu.vector_store %arg6[%swap3A_544], %swap3A_547 {strides = array<i32>} : memref<8192xf32, #tpu.memory_space<vmem>>, vector<16xf32>,
    %swap3A_548 = arith.constant 2176 : index
    %swap3A_549 = tpu.vector_load %arg6[%swap3A_548] {strides = array<i32>} : memref<8192xf32, #tpu.memory_space<vmem>>, vector<16xf32>,
    %swap3A_550 = vector.shape_cast %swap3A_549 : vector<16xf32> to vector<16xf32>
    %swap3A_551 = vector.shape_cast %broadcast_in_dim3A_4 : vector<16xf32> to vector<16xf32>
    tpu.vector_store %arg6[%swap3A_548], %swap3A_551 {strides = array<i32>} : memref<8192xf32, #tpu.memory_space<vmem>>, vector<16xf32>,
    %swap3A_552 = arith.constant 2192 : index
    %swap3A_553 = tpu.vector_load %arg6[%swap3A_552] {strides = array<i32>} : memref<8192xf32, #tpu.memory_space<vmem>>, vector<16xf32>,
    %swap3A_554 = vector.shape_cast %swap3A_553 : vector<16xf32> to vector<16xf32>
    %swap3A_555 = vector.shape_cast %broadcast_in_dim3A_4 : vector<16xf32> to vector<16xf32>
    tpu.vector_store %arg6[%swap3A_552], %swap3A_555 {strides = array<i32>} : memref<8192xf32, #tpu.memory_space<vmem>>, vector<16xf32>,
    %swap3A_556 = arith.constant 2208 : index
    %swap3A_557 = tpu.vector_load %arg6[%swap3A_556] {strides = array<i32>} : memref<8192xf32, #tpu.memory_space<vmem>>, vector<16xf32>,
    %swap3A_558 = vector.shape_cast %swap3A_557 : vector<16xf32> to vector<16xf32>
    %swap3A_559 = vector.shape_cast %broadcast_in_dim3A_4 : vector<16xf32> to vector<16xf32>
    tpu.vector_store %arg6[%swap3A_556], %swap3A_559 {strides = array<i32>} : memref<8192xf32, #tpu.memory_space<vmem>>, vector<16xf32>,
    %swap3A_560 = arith.constant 2224 : index
    %swap3A_561 = tpu.vector_load %arg6[%swap3A_560] {strides = array<i32>} : memref<8192xf32, #tpu.memory_space<vmem>>, vector<16xf32>,
    %swap3A_562 = vector.shape_cast %swap3A_561 : vector<16xf32> to vector<16xf32>
    %swap3A_563 = vector.shape_cast %broadcast_in_dim3A_4 : vector<16xf32> to vector<16xf32>
    tpu.vector_store %arg6[%swap3A_560], %swap3A_563 {strides = array<i32>} : memref<8192xf32, #tpu.memory_space<vmem>>, vector<16xf32>,
    %swap3A_564 = arith.constant 2240 : index
    %swap3A_565 = tpu.vector_load %arg6[%swap3A_564] {strides = array<i32>} : memref<8192xf32, #tpu.memory_space<vmem>>, vector<16xf32>,
    %swap3A_566 = vector.shape_cast %swap3A_565 : vector<16xf32> to vector<16xf32>
    %swap3A_567 = vector.shape_cast %broadcast_in_dim3A_4 : vector<16xf32> to vector<16xf32>
    tpu.vector_store %arg6[%swap3A_564], %swap3A_567 {strides = array<i32>} : memref<8192xf32, #tpu.memory_space<vmem>>, vector<16xf32>,
    %swap3A_568 = arith.constant 2256 : index
    %swap3A_569 = tpu.vector_load %arg6[%swap3A_568] {strides = array<i32>} : memref<8192xf32, #tpu.memory_space<vmem>>, vector<16xf32>,
    %swap3A_570 = vector.shape_cast %swap3A_569 : vector<16xf32> to vector<16xf32>
    %swap3A_571 = vector.shape_cast %broadcast_in_dim3A_4 : vector<16xf32> to vector<16xf32>
    tpu.vector_store %arg6[%swap3A_568], %swap3A_571 {strides = array<i32>} : memref<8192xf32, #tpu.memory_space<vmem>>, vector<16xf32>,
    %swap3A_572 = arith.constant 2272 : index
    %swap3A_573 = tpu.vector_load %arg6[%swap3A_572] {strides = array<i32>} : memref<8192xf32, #tpu.memory_space<vmem>>, vector<16xf32>,
    %swap3A_574 = vector.shape_cast %swap3A_573 : vector<16xf32> to vector<16xf32>
    %swap3A_575 = vector.shape_cast %broadcast_in_dim3A_4 : vector<16xf32> to vector<16xf32>
    tpu.vector_store %arg6[%swap3A_572], %swap3A_575 {strides = array<i32>} : memref<8192xf32, #tpu.memory_space<vmem>>, vector<16xf32>,
    %swap3A_576 = arith.constant 2288 : index
    %swap3A_577 = tpu.vector_load %arg6[%swap3A_576] {strides = array<i32>} : memref<8192xf32, #tpu.memory_space<vmem>>, vector<16xf32>,
    %swap3A_578 = vector.shape_cast %swap3A_577 : vector<16xf32> to vector<16xf32>
    %swap3A_579 = vector.shape_cast %broadcast_in_dim3A_4 : vector<16xf32> to vector<16xf32>
    tpu.vector_store %arg6[%swap3A_576], %swap3A_579 {strides = array<i32>} : memref<8192xf32, #tpu.memory_space<vmem>>, vector<16xf32>,
    %swap3A_580 = arith.constant 2304 : index
    %swap3A_581 = tpu.vector_load %arg6[%swap3A_580] {strides = array<i32>} : memref<8192xf32, #tpu.memory_space<vmem>>, vector<16xf32>,
    %swap3A_582 = vector.shape_cast %swap3A_581 : vector<16xf32> to vector<16xf32>
    %swap3A_583 = vector.shape_cast %broadcast_in_dim3A_4 : vector<16xf32> to vector<16xf32>
    tpu.vector_store %arg6[%swap3A_580], %swap3A_583 {strides = array<i32>} : memref<8192xf32, #tpu.memory_space<vmem>>, vector<16xf32>,
    %swap3A_584 = arith.constant 2320 : index
    %swap3A_585 = tpu.vector_load %arg6[%swap3A_584] {strides = array<i32>} : memref<8192xf32, #tpu.memory_space<vmem>>, vector<16xf32>,
    %swap3A_586 = vector.shape_cast %swap3A_585 : vector<16xf32> to vector<16xf32>
    %swap3A_587 = vector.shape_cast %broadcast_in_dim3A_4 : vector<16xf32> to vector<16xf32>
    tpu.vector_store %arg6[%swap3A_584], %swap3A_587 {strides = array<i32>} : memref<8192xf32, #tpu.memory_space<vmem>>, vector<16xf32>,
    %swap3A_588 = arith.constant 2336 : index
    %swap3A_589 = tpu.vector_load %arg6[%swap3A_588] {strides = array<i32>} : memref<8192xf32, #tpu.memory_space<vmem>>, vector<16xf32>,
    %swap3A_590 = vector.shape_cast %swap3A_589 : vector<16xf32> to vector<16xf32>
    %swap3A_591 = vector.shape_cast %broadcast_in_dim3A_4 : vector<16xf32> to vector<16xf32>
    tpu.vector_store %arg6[%swap3A_588], %swap3A_591 {strides = array<i32>} : memref<8192xf32, #tpu.memory_space<vmem>>, vector<16xf32>,
    %swap3A_592 = arith.constant 2352 : index
    %swap3A_593 = tpu.vector_load %arg6[%swap3A_592] {strides = array<i32>} : memref<8192xf32, #tpu.memory_space<vmem>>, vector<16xf32>,
    %swap3A_594 = vector.shape_cast %swap3A_593 : vector<16xf32> to vector<16xf32>
    %swap3A_595 = vector.shape_cast %broadcast_in_dim3A_4 : vector<16xf32> to vector<16xf32>
    tpu.vector_store %arg6[%swap3A_592], %swap3A_595 {strides = array<i32>} : memref<8192xf32, #tpu.memory_space<vmem>>, vector<16xf32>,
    %swap3A_596 = arith.constant 2368 : index
    %swap3A_597 = tpu.vector_load %arg6[%swap3A_596] {strides = array<i32>} : memref<8192xf32, #tpu.memory_space<vmem>>, vector<16xf32>,
    %swap3A_598 = vector.shape_cast %swap3A_597 : vector<16xf32> to vector<16xf32>
    %swap3A_599 = vector.shape_cast %broadcast_in_dim3A_4 : vector<16xf32> to vector<16xf32>
    tpu.vector_store %arg6[%swap3A_596], %swap3A_599 {strides = array<i32>} : memref<8192xf32, #tpu.memory_space<vmem>>, vector<16xf32>,
    %swap3A_600 = arith.constant 2384 : index
    %swap3A_601 = tpu.vector_load %arg6[%swap3A_600] {strides = array<i32>} : memref<8192xf32, #tpu.memory_space<vmem>>, vector<16xf32>,
    %swap3A_602 = vector.shape_cast %swap3A_601 : vector<16xf32> to vector<16xf32>
    %swap3A_603 = vector.shape_cast %broadcast_in_dim3A_4 : vector<16xf32> to vector<16xf32>
    tpu.vector_store %arg6[%swap3A_600], %swap3A_603 {strides = array<i32>} : memref<8192xf32, #tpu.memory_space<vmem>>, vector<16xf32>,
    %swap3A_604 = arith.constant 2400 : index
    %swap3A_605 = tpu.vector_load %arg6[%swap3A_604] {strides = array<i32>} : memref<8192xf32, #tpu.memory_space<vmem>>, vector<16xf32>,
    %swap3A_606 = vector.shape_cast %swap3A_605 : vector<16xf32> to vector<16xf32>
    %swap3A_607 = vector.shape_cast %broadcast_in_dim3A_4 : vector<16xf32> to vector<16xf32>
    tpu.vector_store %arg6[%swap3A_604], %swap3A_607 {strides = array<i32>} : memref<8192xf32, #tpu.memory_space<vmem>>, vector<16xf32>,
    %swap3A_608 = arith.constant 2416 : index
    %swap3A_609 = tpu.vector_load %arg6[%swap3A_608] {strides = array<i32>} : memref<8192xf32, #tpu.memory_space<vmem>>, vector<16xf32>,
    %swap3A_610 = vector.shape_cast %swap3A_609 : vector<16xf32> to vector<16xf32>
    %swap3A_611 = vector.shape_cast %broadcast_in_dim3A_4 : vector<16xf32> to vector<16xf32>
    tpu.vector_store %arg6[%swap3A_608], %swap3A_611 {strides = array<i32>} : memref<8192xf32, #tpu.memory_space<vmem>>, vector<16xf32>,
    %swap3A_612 = arith.constant 2432 : index
    %swap3A_613 = tpu.vector_load %arg6[%swap3A_612] {strides = array<i32>} : memref<8192xf32, #tpu.memory_space<vmem>>, vector<16xf32>,
    %swap3A_614 = vector.shape_cast %swap3A_613 : vector<16xf32> to vector<16xf32>
    %swap3A_615 = vector.shape_cast %broadcast_in_dim3A_4 : vector<16xf32> to vector<16xf32>
    tpu.vector_store %arg6[%swap3A_612], %swap3A_615 {strides = array<i32>} : memref<8192xf32, #tpu.memory_space<vmem>>, vector<16xf32>,
    %swap3A_616 = arith.constant 2448 : index
    %swap3A_617 = tpu.vector_load %arg6[%swap3A_616] {strides = array<i32>} : memref<8192xf32, #tpu.memory_space<vmem>>, vector<16xf32>,
    %swap3A_618 = vector.shape_cast %swap3A_617 : vector<16xf32> to vector<16xf32>
    %swap3A_619 = vector.shape_cast %broadcast_in_dim3A_4 : vector<16xf32> to vector<16xf32>
    tpu.vector_store %arg6[%swap3A_616], %swap3A_619 {strides = array<i32>} : memref<8192xf32, #tpu.memory_space<vmem>>, vector<16xf32>,
    %swap3A_620 = arith.constant 2464 : index
    %swap3A_621 = tpu.vector_load %arg6[%swap3A_620] {strides = array<i32>} : memref<8192xf32, #tpu.memory_space<vmem>>, vector<16xf32>,
    %swap3A_622 = vector.shape_cast %swap3A_621 : vector<16xf32> to vector<16xf32>
    %swap3A_623 = vector.shape_cast %broadcast_in_dim3A_4 : vector<16xf32> to vector<16xf32>
    tpu.vector_store %arg6[%swap3A_620], %swap3A_623 {strides = array<i32>} : memref<8192xf32, #tpu.memory_space<vmem>>, vector<16xf32>,
    %swap3A_624 = arith.constant 2480 : index
    %swap3A_625 = tpu.vector_load %arg6[%swap3A_624] {strides = array<i32>} : memref<8192xf32, #tpu.memory_space<vmem>>, vector<16xf32>,
    %swap3A_626 = vector.shape_cast %swap3A_625 : vector<16xf32> to vector<16xf32>
    %swap3A_627 = vector.shape_cast %broadcast_in_dim3A_4 : vector<16xf32> to vector<16xf32>
    tpu.vector_store %arg6[%swap3A_624], %swap3A_627 {strides = array<i32>} : memref<8192xf32, #tpu.memory_space<vmem>>, vector<16xf32>,
    %swap3A_628 = arith.constant 2496 : index
    %swap3A_629 = tpu.vector_load %arg6[%swap3A_628] {strides = array<i32>} : memref<8192xf32, #tpu.memory_space<vmem>>, vector<16xf32>,
    %swap3A_630 = vector.shape_cast %swap3A_629 : vector<16xf32> to vector<16xf32>
    %swap3A_631 = vector.shape_cast %broadcast_in_dim3A_4 : vector<16xf32> to vector<16xf32>
    tpu.vector_store %arg6[%swap3A_628], %swap3A_631 {strides = array<i32>} : memref<8192xf32, #tpu.memory_space<vmem>>, vector<16xf32>,
    %swap3A_632 = arith.constant 2512 : index
    %swap3A_633 = tpu.vector_load %arg6[%swap3A_632] {strides = array<i32>} : memref<8192xf32, #tpu.memory_space<vmem>>, vector<16xf32>,
    %swap3A_634 = vector.shape_cast %swap3A_633 : vector<16xf32> to vector<16xf32>
    %swap3A_635 = vector.shape_cast %broadcast_in_dim3A_4 : vector<16xf32> to vector<16xf32>
    tpu.vector_store %arg6[%swap3A_632], %swap3A_635 {strides = array<i32>} : memref<8192xf32, #tpu.memory_space<vmem>>, vector<16xf32>,
    %swap3A_636 = arith.constant 2528 : index
    %swap3A_637 = tpu.vector_load %arg6[%swap3A_636] {strides = array<i32>} : memref<8192xf32, #tpu.memory_space<vmem>>, vector<16xf32>,
    %swap3A_638 = vector.shape_cast %swap3A_637 : vector<16xf32> to vector<16xf32>
    %swap3A_639 = vector.shape_cast %broadcast_in_dim3A_4 : vector<16xf32> to vector<16xf32>
    tpu.vector_store %arg6[%swap3A_636], %swap3A_639 {strides = array<i32>} : memref<8192xf32, #tpu.memory_space<vmem>>, vector<16xf32>,
    %swap3A_640 = arith.constant 2544 : index
    %swap3A_641 = tpu.vector_load %arg6[%swap3A_640] {strides = array<i32>} : memref<8192xf32, #tpu.memory_space<vmem>>, vector<16xf32>,
    %swap3A_642 = vector.shape_cast %swap3A_641 : vector<16xf32> to vector<16xf32>
    %swap3A_643 = vector.shape_cast %broadcast_in_dim3A_4 : vector<16xf32> to vector<16xf32>
    tpu.vector_store %arg6[%swap3A_640], %swap3A_643 {strides = array<i32>} : memref<8192xf32, #tpu.memory_space<vmem>>, vector<16xf32>,
    %swap3A_644 = arith.constant 2560 : index
    %swap3A_645 = tpu.vector_load %arg6[%swap3A_644] {strides = array<i32>} : memref<8192xf32, #tpu.memory_space<vmem>>, vector<16xf32>,
    %swap3A_646 = vector.shape_cast %swap3A_645 : vector<16xf32> to vector<16xf32>
    %swap3A_647 = vector.shape_cast %broadcast_in_dim3A_4 : vector<16xf32> to vector<16xf32>
    tpu.vector_store %arg6[%swap3A_644], %swap3A_647 {strides = array<i32>} : memref<8192xf32, #tpu.memory_space<vmem>>, vector<16xf32>,
    %swap3A_648 = arith.constant 2576 : index
    %swap3A_649 = tpu.vector_load %arg6[%swap3A_648] {strides = array<i32>} : memref<8192xf32, #tpu.memory_space<vmem>>, vector<16xf32>,
    %swap3A_650 = vector.shape_cast %swap3A_649 : vector<16xf32> to vector<16xf32>
    %swap3A_651 = vector.shape_cast %broadcast_in_dim3A_4 : vector<16xf32> to vector<16xf32>
    tpu.vector_store %arg6[%swap3A_648], %swap3A_651 {strides = array<i32>} : memref<8192xf32, #tpu.memory_space<vmem>>, vector<16xf32>,
    %swap3A_652 = arith.constant 2592 : index
    %swap3A_653 = tpu.vector_load %arg6[%swap3A_652] {strides = array<i32>} : memref<8192xf32, #tpu.memory_space<vmem>>, vector<16xf32>,
    %swap3A_654 = vector.shape_cast %swap3A_653 : vector<16xf32> to vector<16xf32>
    %swap3A_655 = vector.shape_cast %broadcast_in_dim3A_4 : vector<16xf32> to vector<16xf32>
    tpu.vector_store %arg6[%swap3A_652], %swap3A_655 {strides = array<i32>} : memref<8192xf32, #tpu.memory_space<vmem>>, vector<16xf32>,
    %swap3A_656 = arith.constant 2608 : index
    %swap3A_657 = tpu.vector_load %arg6[%swap3A_656] {strides = array<i32>} : memref<8192xf32, #tpu.memory_space<vmem>>, vector<16xf32>,
    %swap3A_658 = vector.shape_cast %swap3A_657 : vector<16xf32> to vector<16xf32>
    %swap3A_659 = vector.shape_cast %broadcast_in_dim3A_4 : vector<16xf32> to vector<16xf32>
    tpu.vector_store %arg6[%swap3A_656], %swap3A_659 {strides = array<i32>} : memref<8192xf32, #tpu.memory_space<vmem>>, vector<16xf32>,
    %swap3A_660 = arith.constant 2624 : index
    %swap3A_661 = tpu.vector_load %arg6[%swap3A_660] {strides = array<i32>} : memref<8192xf32, #tpu.memory_space<vmem>>, vector<16xf32>,
    %swap3A_662 = vector.shape_cast %swap3A_661 : vector<16xf32> to vector<16xf32>
    %swap3A_663 = vector.shape_cast %broadcast_in_dim3A_4 : vector<16xf32> to vector<16xf32>
    tpu.vector_store %arg6[%swap3A_660], %swap3A_663 {strides = array<i32>} : memref<8192xf32, #tpu.memory_space<vmem>>, vector<16xf32>,
    %swap3A_664 = arith.constant 2640 : index
    %swap3A_665 = tpu.vector_load %arg6[%swap3A_664] {strides = array<i32>} : memref<8192xf32, #tpu.memory_space<vmem>>, vector<16xf32>,
    %swap3A_666 = vector.shape_cast %swap3A_665 : vector<16xf32> to vector<16xf32>
    %swap3A_667 = vector.shape_cast %broadcast_in_dim3A_4 : vector<16xf32> to vector<16xf32>
    tpu.vector_store %arg6[%swap3A_664], %swap3A_667 {strides = array<i32>} : memref<8192xf32, #tpu.memory_space<vmem>>, vector<16xf32>,
    %swap3A_668 = arith.constant 2656 : index
    %swap3A_669 = tpu.vector_load %arg6[%swap3A_668] {strides = array<i32>} : memref<8192xf32, #tpu.memory_space<vmem>>, vector<16xf32>,
    %swap3A_670 = vector.shape_cast %swap3A_669 : vector<16xf32> to vector<16xf32>
    %swap3A_671 = vector.shape_cast %broadcast_in_dim3A_4 : vector<16xf32> to vector<16xf32>
    tpu.vector_store %arg6[%swap3A_668], %swap3A_671 {strides = array<i32>} : memref<8192xf32, #tpu.memory_space<vmem>>, vector<16xf32>,
    %swap3A_672 = arith.constant 2672 : index
    %swap3A_673 = tpu.vector_load %arg6[%swap3A_672] {strides = array<i32>} : memref<8192xf32, #tpu.memory_space<vmem>>, vector<16xf32>,
    %swap3A_674 = vector.shape_cast %swap3A_673 : vector<16xf32> to vector<16xf32>
    %swap3A_675 = vector.shape_cast %broadcast_in_dim3A_4 : vector<16xf32> to vector<16xf32>
    tpu.vector_store %arg6[%swap3A_672], %swap3A_675 {strides = array<i32>} : memref<8192xf32, #tpu.memory_space<vmem>>, vector<16xf32>,
    %swap3A_676 = arith.constant 2688 : index
    %swap3A_677 = tpu.vector_load %arg6[%swap3A_676] {strides = array<i32>} : memref<8192xf32, #tpu.memory_space<vmem>>, vector<16xf32>,
    %swap3A_678 = vector.shape_cast %swap3A_677 : vector<16xf32> to vector<16xf32>
    %swap3A_679 = vector.shape_cast %broadcast_in_dim3A_4 : vector<16xf32> to vector<16xf32>
    tpu.vector_store %arg6[%swap3A_676], %swap3A_679 {strides = array<i32>} : memref<8192xf32, #tpu.memory_space<vmem>>, vector<16xf32>,
    %swap3A_680 = arith.constant 2704 : index
    %swap3A_681 = tpu.vector_load %arg6[%swap3A_680] {strides = array<i32>} : memref<8192xf32, #tpu.memory_space<vmem>>, vector<16xf32>,
    %swap3A_682 = vector.shape_cast %swap3A_681 : vector<16xf32> to vector<16xf32>
    %swap3A_683 = vector.shape_cast %broadcast_in_dim3A_4 : vector<16xf32> to vector<16xf32>
    tpu.vector_store %arg6[%swap3A_680], %swap3A_683 {strides = array<i32>} : memref<8192xf32, #tpu.memory_space<vmem>>, vector<16xf32>,
    %swap3A_684 = arith.constant 2720 : index
    %swap3A_685 = tpu.vector_load %arg6[%swap3A_684] {strides = array<i32>} : memref<8192xf32, #tpu.memory_space<vmem>>, vector<16xf32>,
    %swap3A_686 = vector.shape_cast %swap3A_685 : vector<16xf32> to vector<16xf32>
    %swap3A_687 = vector.shape_cast %broadcast_in_dim3A_4 : vector<16xf32> to vector<16xf32>
    tpu.vector_store %arg6[%swap3A_684], %swap3A_687 {strides = array<i32>} : memref<8192xf32, #tpu.memory_space<vmem>>, vector<16xf32>,
    %swap3A_688 = arith.constant 2736 : index
    %swap3A_689 = tpu.vector_load %arg6[%swap3A_688] {strides = array<i32>} : memref<8192xf32, #tpu.memory_space<vmem>>, vector<16xf32>,
    %swap3A_690 = vector.shape_cast %swap3A_689 : vector<16xf32> to vector<16xf32>
    %swap3A_691 = vector.shape_cast %broadcast_in_dim3A_4 : vector<16xf32> to vector<16xf32>
    tpu.vector_store %arg6[%swap3A_688], %swap3A_691 {strides = array<i32>} : memref<8192xf32, #tpu.memory_space<vmem>>, vector<16xf32>,
    %swap3A_692 = arith.constant 2752 : index
    %swap3A_693 = tpu.vector_load %arg6[%swap3A_692] {strides = array<i32>} : memref<8192xf32, #tpu.memory_space<vmem>>, vector<16xf32>,
    %swap3A_694 = vector.shape_cast %swap3A_693 : vector<16xf32> to vector<16xf32>
    %swap3A_695 = vector.shape_cast %broadcast_in_dim3A_4 : vector<16xf32> to vector<16xf32>
    tpu.vector_store %arg6[%swap3A_692], %swap3A_695 {strides = array<i32>} : memref<8192xf32, #tpu.memory_space<vmem>>, vector<16xf32>,
    %swap3A_696 = arith.constant 2768 : index
    %swap3A_697 = tpu.vector_load %arg6[%swap3A_696] {strides = array<i32>} : memref<8192xf32, #tpu.memory_space<vmem>>, vector<16xf32>,
    %swap3A_698 = vector.shape_cast %swap3A_697 : vector<16xf32> to vector<16xf32>
    %swap3A_699 = vector.shape_cast %broadcast_in_dim3A_4 : vector<16xf32> to vector<16xf32>
    tpu.vector_store %arg6[%swap3A_696], %swap3A_699 {strides = array<i32>} : memref<8192xf32, #tpu.memory_space<vmem>>, vector<16xf32>,
    %swap3A_700 = arith.constant 2784 : index
    %swap3A_701 = tpu.vector_load %arg6[%swap3A_700] {strides = array<i32>} : memref<8192xf32, #tpu.memory_space<vmem>>, vector<16xf32>,
    %swap3A_702 = vector.shape_cast %swap3A_701 : vector<16xf32> to vector<16xf32>
    %swap3A_703 = vector.shape_cast %broadcast_in_dim3A_4 : vector<16xf32> to vector<16xf32>
    tpu.vector_store %arg6[%swap3A_700], %swap3A_703 {strides = array<i32>} : memref<8192xf32, #tpu.memory_space<vmem>>, vector<16xf32>,
    %swap3A_704 = arith.constant 2800 : index
    %swap3A_705 = tpu.vector_load %arg6[%swap3A_704] {strides = array<i32>} : memref<8192xf32, #tpu.memory_space<vmem>>, vector<16xf32>,
    %swap3A_706 = vector.shape_cast %swap3A_705 : vector<16xf32> to vector<16xf32>
    %swap3A_707 = vector.shape_cast %broadcast_in_dim3A_4 : vector<16xf32> to vector<16xf32>
    tpu.vector_store %arg6[%swap3A_704], %swap3A_707 {strides = array<i32>} : memref<8192xf32, #tpu.memory_space<vmem>>, vector<16xf32>,
    %swap3A_708 = arith.constant 2816 : index
    %swap3A_709 = tpu.vector_load %arg6[%swap3A_708] {strides = array<i32>} : memref<8192xf32, #tpu.memory_space<vmem>>, vector<16xf32>,
    %swap3A_710 = vector.shape_cast %swap3A_709 : vector<16xf32> to vector<16xf32>
    %swap3A_711 = vector.shape_cast %broadcast_in_dim3A_4 : vector<16xf32> to vector<16xf32>
    tpu.vector_store %arg6[%swap3A_708], %swap3A_711 {strides = array<i32>} : memref<8192xf32, #tpu.memory_space<vmem>>, vector<16xf32>,
    %swap3A_712 = arith.constant 2832 : index
    %swap3A_713 = tpu.vector_load %arg6[%swap3A_712] {strides = array<i32>} : memref<8192xf32, #tpu.memory_space<vmem>>, vector<16xf32>,
    %swap3A_714 = vector.shape_cast %swap3A_713 : vector<16xf32> to vector<16xf32>
    %swap3A_715 = vector.shape_cast %broadcast_in_dim3A_4 : vector<16xf32> to vector<16xf32>
    tpu.vector_store %arg6[%swap3A_712], %swap3A_715 {strides = array<i32>} : memref<8192xf32, #tpu.memory_space<vmem>>, vector<16xf32>,
    %swap3A_716 = arith.constant 2848 : index
    %swap3A_717 = tpu.vector_load %arg6[%swap3A_716] {strides = array<i32>} : memref<8192xf32, #tpu.memory_space<vmem>>, vector<16xf32>,
    %swap3A_718 = vector.shape_cast %swap3A_717 : vector<16xf32> to vector<16xf32>
    %swap3A_719 = vector.shape_cast %broadcast_in_dim3A_4 : vector<16xf32> to vector<16xf32>
    tpu.vector_store %arg6[%swap3A_716], %swap3A_719 {strides = array<i32>} : memref<8192xf32, #tpu.memory_space<vmem>>, vector<16xf32>,
    %swap3A_720 = arith.constant 2864 : index
    %swap3A_721 = tpu.vector_load %arg6[%swap3A_720] {strides = array<i32>} : memref<8192xf32, #tpu.memory_space<vmem>>, vector<16xf32>,
    %swap3A_722 = vector.shape_cast %swap3A_721 : vector<16xf32> to vector<16xf32>
    %swap3A_723 = vector.shape_cast %broadcast_in_dim3A_4 : vector<16xf32> to vector<16xf32>
    tpu.vector_store %arg6[%swap3A_720], %swap3A_723 {strides = array<i32>} : memref<8192xf32, #tpu.memory_space<vmem>>, vector<16xf32>,
    %swap3A_724 = arith.constant 2880 : index
    %swap3A_725 = tpu.vector_load %arg6[%swap3A_724] {strides = array<i32>} : memref<8192xf32, #tpu.memory_space<vmem>>, vector<16xf32>,
    %swap3A_726 = vector.shape_cast %swap3A_725 : vector<16xf32> to vector<16xf32>
    %swap3A_727 = vector.shape_cast %broadcast_in_dim3A_4 : vector<16xf32> to vector<16xf32>
    tpu.vector_store %arg6[%swap3A_724], %swap3A_727 {strides = array<i32>} : memref<8192xf32, #tpu.memory_space<vmem>>, vector<16xf32>,
    %swap3A_728 = arith.constant 2896 : index
    %swap3A_729 = tpu.vector_load %arg6[%swap3A_728] {strides = array<i32>} : memref<8192xf32, #tpu.memory_space<vmem>>, vector<16xf32>,
    %swap3A_730 = vector.shape_cast %swap3A_729 : vector<16xf32> to vector<16xf32>
    %swap3A_731 = vector.shape_cast %broadcast_in_dim3A_4 : vector<16xf32> to vector<16xf32>
    tpu.vector_store %arg6[%swap3A_728], %swap3A_731 {strides = array<i32>} : memref<8192xf32, #tpu.memory_space<vmem>>, vector<16xf32>,
    %swap3A_732 = arith.constant 2912 : index
    %swap3A_733 = tpu.vector_load %arg6[%swap3A_732] {strides = array<i32>} : memref<8192xf32, #tpu.memory_space<vmem>>, vector<16xf32>,
    %swap3A_734 = vector.shape_cast %swap3A_733 : vector<16xf32> to vector<16xf32>
    %swap3A_735 = vector.shape_cast %broadcast_in_dim3A_4 : vector<16xf32> to vector<16xf32>
    tpu.vector_store %arg6[%swap3A_732], %swap3A_735 {strides = array<i32>} : memref<8192xf32, #tpu.memory_space<vmem>>, vector<16xf32>,
    %swap3A_736 = arith.constant 2928 : index
    %swap3A_737 = tpu.vector_load %arg6[%swap3A_736] {strides = array<i32>} : memref<8192xf32, #tpu.memory_space<vmem>>, vector<16xf32>,
    %swap3A_738 = vector.shape_cast %swap3A_737 : vector<16xf32> to vector<16xf32>
    %swap3A_739 = vector.shape_cast %broadcast_in_dim3A_4 : vector<16xf32> to vector<16xf32>
    tpu.vector_store %arg6[%swap3A_736], %swap3A_739 {strides = array<i32>} : memref<8192xf32, #tpu.memory_space<vmem>>, vector<16xf32>,
    %swap3A_740 = arith.constant 2944 : index
    %swap3A_741 = tpu.vector_load %arg6[%swap3A_740] {strides = array<i32>} : memref<8192xf32, #tpu.memory_space<vmem>>, vector<16xf32>,
    %swap3A_742 = vector.shape_cast %swap3A_741 : vector<16xf32> to vector<16xf32>
    %swap3A_743 = vector.shape_cast %broadcast_in_dim3A_4 : vector<16xf32> to vector<16xf32>
    tpu.vector_store %arg6[%swap3A_740], %swap3A_743 {strides = array<i32>} : memref<8192xf32, #tpu.memory_space<vmem>>, vector<16xf32>,
    %swap3A_744 = arith.constant 2960 : index
    %swap3A_745 = tpu.vector_load %arg6[%swap3A_744] {strides = array<i32>} : memref<8192xf32, #tpu.memory_space<vmem>>, vector<16xf32>,
    %swap3A_746 = vector.shape_cast %swap3A_745 : vector<16xf32> to vector<16xf32>
    %swap3A_747 = vector.shape_cast %broadcast_in_dim3A_4 : vector<16xf32> to vector<16xf32>
    tpu.vector_store %arg6[%swap3A_744], %swap3A_747 {strides = array<i32>} : memref<8192xf32, #tpu.memory_space<vmem>>, vector<16xf32>,
    %swap3A_748 = arith.constant 2976 : index
    %swap3A_749 = tpu.vector_load %arg6[%swap3A_748] {strides = array<i32>} : memref<8192xf32, #tpu.memory_space<vmem>>, vector<16xf32>,
    %swap3A_750 = vector.shape_cast %swap3A_749 : vector<16xf32> to vector<16xf32>
    %swap3A_751 = vector.shape_cast %broadcast_in_dim3A_4 : vector<16xf32> to vector<16xf32>
    tpu.vector_store %arg6[%swap3A_748], %swap3A_751 {strides = array<i32>} : memref<8192xf32, #tpu.memory_space<vmem>>, vector<16xf32>,
    %swap3A_752 = arith.constant 2992 : index
    %swap3A_753 = tpu.vector_load %arg6[%swap3A_752] {strides = array<i32>} : memref<8192xf32, #tpu.memory_space<vmem>>, vector<16xf32>,
    %swap3A_754 = vector.shape_cast %swap3A_753 : vector<16xf32> to vector<16xf32>
    %swap3A_755 = vector.shape_cast %broadcast_in_dim3A_4 : vector<16xf32> to vector<16xf32>
    tpu.vector_store %arg6[%swap3A_752], %swap3A_755 {strides = array<i32>} : memref<8192xf32, #tpu.memory_space<vmem>>, vector<16xf32>,
    %swap3A_756 = arith.constant 3008 : index
    %swap3A_757 = tpu.vector_load %arg6[%swap3A_756] {strides = array<i32>} : memref<8192xf32, #tpu.memory_space<vmem>>, vector<16xf32>,
    %swap3A_758 = vector.shape_cast %swap3A_757 : vector<16xf32> to vector<16xf32>
    %swap3A_759 = vector.shape_cast %broadcast_in_dim3A_4 : vector<16xf32> to vector<16xf32>
    tpu.vector_store %arg6[%swap3A_756], %swap3A_759 {strides = array<i32>} : memref<8192xf32, #tpu.memory_space<vmem>>, vector<16xf32>,
    %swap3A_760 = arith.constant 3024 : index
    %swap3A_761 = tpu.vector_load %arg6[%swap3A_760] {strides = array<i32>} : memref<8192xf32, #tpu.memory_space<vmem>>, vector<16xf32>,
    %swap3A_762 = vector.shape_cast %swap3A_761 : vector<16xf32> to vector<16xf32>
    %swap3A_763 = vector.shape_cast %broadcast_in_dim3A_4 : vector<16xf32> to vector<16xf32>
    tpu.vector_store %arg6[%swap3A_760], %swap3A_763 {strides = array<i32>} : memref<8192xf32, #tpu.memory_space<vmem>>, vector<16xf32>,
    %swap3A_764 = arith.constant 3040 : index
    %swap3A_765 = tpu.vector_load %arg6[%swap3A_764] {strides = array<i32>} : memref<8192xf32, #tpu.memory_space<vmem>>, vector<16xf32>,
    %swap3A_766 = vector.shape_cast %swap3A_765 : vector<16xf32> to vector<16xf32>
    %swap3A_767 = vector.shape_cast %broadcast_in_dim3A_4 : vector<16xf32> to vector<16xf32>
    tpu.vector_store %arg6[%swap3A_764], %swap3A_767 {strides = array<i32>} : memref<8192xf32, #tpu.memory_space<vmem>>, vector<16xf32>,
    %swap3A_768 = arith.constant 3056 : index
    %swap3A_769 = tpu.vector_load %arg6[%swap3A_768] {strides = array<i32>} : memref<8192xf32, #tpu.memory_space<vmem>>, vector<16xf32>,
    %swap3A_770 = vector.shape_cast %swap3A_769 : vector<16xf32> to vector<16xf32>
    %swap3A_771 = vector.shape_cast %broadcast_in_dim3A_4 : vector<16xf32> to vector<16xf32>
    tpu.vector_store %arg6[%swap3A_768], %swap3A_771 {strides = array<i32>} : memref<8192xf32, #tpu.memory_space<vmem>>, vector<16xf32>,
    %swap3A_772 = arith.constant 3072 : index
    %swap3A_773 = tpu.vector_load %arg6[%swap3A_772] {strides = array<i32>} : memref<8192xf32, #tpu.memory_space<vmem>>, vector<16xf32>,
    %swap3A_774 = vector.shape_cast %swap3A_773 : vector<16xf32> to vector<16xf32>
    %swap3A_775 = vector.shape_cast %broadcast_in_dim3A_4 : vector<16xf32> to vector<16xf32>
    tpu.vector_store %arg6[%swap3A_772], %swap3A_775 {strides = array<i32>} : memref<8192xf32, #tpu.memory_space<vmem>>, vector<16xf32>,
    %swap3A_776 = arith.constant 3088 : index
    %swap3A_777 = tpu.vector_load %arg6[%swap3A_776] {strides = array<i32>} : memref<8192xf32, #tpu.memory_space<vmem>>, vector<16xf32>,
    %swap3A_778 = vector.shape_cast %swap3A_777 : vector<16xf32> to vector<16xf32>
    %swap3A_779 = vector.shape_cast %broadcast_in_dim3A_4 : vector<16xf32> to vector<16xf32>
    tpu.vector_store %arg6[%swap3A_776], %swap3A_779 {strides = array<i32>} : memref<8192xf32, #tpu.memory_space<vmem>>, vector<16xf32>,
    %swap3A_780 = arith.constant 3104 : index
    %swap3A_781 = tpu.vector_load %arg6[%swap3A_780] {strides = array<i32>} : memref<8192xf32, #tpu.memory_space<vmem>>, vector<16xf32>,
    %swap3A_782 = vector.shape_cast %swap3A_781 : vector<16xf32> to vector<16xf32>
    %swap3A_783 = vector.shape_cast %broadcast_in_dim3A_4 : vector<16xf32> to vector<16xf32>
    tpu.vector_store %arg6[%swap3A_780], %swap3A_783 {strides = array<i32>} : memref<8192xf32, #tpu.memory_space<vmem>>, vector<16xf32>,
    %swap3A_784 = arith.constant 3120 : index
    %swap3A_785 = tpu.vector_load %arg6[%swap3A_784] {strides = array<i32>} : memref<8192xf32, #tpu.memory_space<vmem>>, vector<16xf32>,
    %swap3A_786 = vector.shape_cast %swap3A_785 : vector<16xf32> to vector<16xf32>
    %swap3A_787 = vector.shape_cast %broadcast_in_dim3A_4 : vector<16xf32> to vector<16xf32>
    tpu.vector_store %arg6[%swap3A_784], %swap3A_787 {strides = array<i32>} : memref<8192xf32, #tpu.memory_space<vmem>>, vector<16xf32>,
    %swap3A_788 = arith.constant 3136 : index
    %swap3A_789 = tpu.vector_load %arg6[%swap3A_788] {strides = array<i32>} : memref<8192xf32, #tpu.memory_space<vmem>>, vector<16xf32>,
    %swap3A_790 = vector.shape_cast %swap3A_789 : vector<16xf32> to vector<16xf32>
    %swap3A_791 = vector.shape_cast %broadcast_in_dim3A_4 : vector<16xf32> to vector<16xf32>
    tpu.vector_store %arg6[%swap3A_788], %swap3A_791 {strides = array<i32>} : memref<8192xf32, #tpu.memory_space<vmem>>, vector<16xf32>,
    %swap3A_792 = arith.constant 3152 : index
    %swap3A_793 = tpu.vector_load %arg6[%swap3A_792] {strides = array<i32>} : memref<8192xf32, #tpu.memory_space<vmem>>, vector<16xf32>,
    %swap3A_794 = vector.shape_cast %swap3A_793 : vector<16xf32> to vector<16xf32>
    %swap3A_795 = vector.shape_cast %broadcast_in_dim3A_4 : vector<16xf32> to vector<16xf32>
    tpu.vector_store %arg6[%swap3A_792], %swap3A_795 {strides = array<i32>} : memref<8192xf32, #tpu.memory_space<vmem>>, vector<16xf32>,
    %swap3A_796 = arith.constant 3168 : index
    %swap3A_797 = tpu.vector_load %arg6[%swap3A_796] {strides = array<i32>} : memref<8192xf32, #tpu.memory_space<vmem>>, vector<16xf32>,
    %swap3A_798 = vector.shape_cast %swap3A_797 : vector<16xf32> to vector<16xf32>
    %swap3A_799 = vector.shape_cast %broadcast_in_dim3A_4 : vector<16xf32> to vector<16xf32>
    tpu.vector_store %arg6[%swap3A_796], %swap3A_799 {strides = array<i32>} : memref<8192xf32, #tpu.memory_space<vmem>>, vector<16xf32>,
    %swap3A_800 = arith.constant 3184 : index
    %swap3A_801 = tpu.vector_load %arg6[%swap3A_800] {strides = array<i32>} : memref<8192xf32, #tpu.memory_space<vmem>>, vector<16xf32>,
    %swap3A_802 = vector.shape_cast %swap3A_801 : vector<16xf32> to vector<16xf32>
    %swap3A_803 = vector.shape_cast %broadcast_in_dim3A_4 : vector<16xf32> to vector<16xf32>
    tpu.vector_store %arg6[%swap3A_800], %swap3A_803 {strides = array<i32>} : memref<8192xf32, #tpu.memory_space<vmem>>, vector<16xf32>,
    %swap3A_804 = arith.constant 3200 : index
    %swap3A_805 = tpu.vector_load %arg6[%swap3A_804] {strides = array<i32>} : memref<8192xf32, #tpu.memory_space<vmem>>, vector<16xf32>,
    %swap3A_806 = vector.shape_cast %swap3A_805 : vector<16xf32> to vector<16xf32>
    %swap3A_807 = vector.shape_cast %broadcast_in_dim3A_4 : vector<16xf32> to vector<16xf32>
    tpu.vector_store %arg6[%swap3A_804], %swap3A_807 {strides = array<i32>} : memref<8192xf32, #tpu.memory_space<vmem>>, vector<16xf32>,
    %swap3A_808 = arith.constant 3216 : index
    %swap3A_809 = tpu.vector_load %arg6[%swap3A_808] {strides = array<i32>} : memref<8192xf32, #tpu.memory_space<vmem>>, vector<16xf32>,
    %swap3A_810 = vector.shape_cast %swap3A_809 : vector<16xf32> to vector<16xf32>
    %swap3A_811 = vector.shape_cast %broadcast_in_dim3A_4 : vector<16xf32> to vector<16xf32>
    tpu.vector_store %arg6[%swap3A_808], %swap3A_811 {strides = array<i32>} : memref<8192xf32, #tpu.memory_space<vmem>>, vector<16xf32>,
    %swap3A_812 = arith.constant 3232 : index
    %swap3A_813 = tpu.vector_load %arg6[%swap3A_812] {strides = array<i32>} : memref<8192xf32, #tpu.memory_space<vmem>>, vector<16xf32>,
    %swap3A_814 = vector.shape_cast %swap3A_813 : vector<16xf32> to vector<16xf32>
    %swap3A_815 = vector.shape_cast %broadcast_in_dim3A_4 : vector<16xf32> to vector<16xf32>
    tpu.vector_store %arg6[%swap3A_812], %swap3A_815 {strides = array<i32>} : memref<8192xf32, #tpu.memory_space<vmem>>, vector<16xf32>,
    %swap3A_816 = arith.constant 3248 : index
    %swap3A_817 = tpu.vector_load %arg6[%swap3A_816] {strides = array<i32>} : memref<8192xf32, #tpu.memory_space<vmem>>, vector<16xf32>,
    %swap3A_818 = vector.shape_cast %swap3A_817 : vector<16xf32> to vector<16xf32>
    %swap3A_819 = vector.shape_cast %broadcast_in_dim3A_4 : vector<16xf32> to vector<16xf32>
    tpu.vector_store %arg6[%swap3A_816], %swap3A_819 {strides = array<i32>} : memref<8192xf32, #tpu.memory_space<vmem>>, vector<16xf32>,
    %swap3A_820 = arith.constant 3264 : index
    %swap3A_821 = tpu.vector_load %arg6[%swap3A_820] {strides = array<i32>} : memref<8192xf32, #tpu.memory_space<vmem>>, vector<16xf32>,
    %swap3A_822 = vector.shape_cast %swap3A_821 : vector<16xf32> to vector<16xf32>
    %swap3A_823 = vector.shape_cast %broadcast_in_dim3A_4 : vector<16xf32> to vector<16xf32>
    tpu.vector_store %arg6[%swap3A_820], %swap3A_823 {strides = array<i32>} : memref<8192xf32, #tpu.memory_space<vmem>>, vector<16xf32>,
    %swap3A_824 = arith.constant 3280 : index
    %swap3A_825 = tpu.vector_load %arg6[%swap3A_824] {strides = array<i32>} : memref<8192xf32, #tpu.memory_space<vmem>>, vector<16xf32>,
    %swap3A_826 = vector.shape_cast %swap3A_825 : vector<16xf32> to vector<16xf32>
    %swap3A_827 = vector.shape_cast %broadcast_in_dim3A_4 : vector<16xf32> to vector<16xf32>
    tpu.vector_store %arg6[%swap3A_824], %swap3A_827 {strides = array<i32>} : memref<8192xf32, #tpu.memory_space<vmem>>, vector<16xf32>,
    %swap3A_828 = arith.constant 3296 : index
    %swap3A_829 = tpu.vector_load %arg6[%swap3A_828] {strides = array<i32>} : memref<8192xf32, #tpu.memory_space<vmem>>, vector<16xf32>,
    %swap3A_830 = vector.shape_cast %swap3A_829 : vector<16xf32> to vector<16xf32>
    %swap3A_831 = vector.shape_cast %broadcast_in_dim3A_4 : vector<16xf32> to vector<16xf32>
    tpu.vector_store %arg6[%swap3A_828], %swap3A_831 {strides = array<i32>} : memref<8192xf32, #tpu.memory_space<vmem>>, vector<16xf32>,
    %swap3A_832 = arith.constant 3312 : index
    %swap3A_833 = tpu.vector_load %arg6[%swap3A_832] {strides = array<i32>} : memref<8192xf32, #tpu.memory_space<vmem>>, vector<16xf32>,
    %swap3A_834 = vector.shape_cast %swap3A_833 : vector<16xf32> to vector<16xf32>
    %swap3A_835 = vector.shape_cast %broadcast_in_dim3A_4 : vector<16xf32> to vector<16xf32>
    tpu.vector_store %arg6[%swap3A_832], %swap3A_835 {strides = array<i32>} : memref<8192xf32, #tpu.memory_space<vmem>>, vector<16xf32>,
    %swap3A_836 = arith.constant 3328 : index
    %swap3A_837 = tpu.vector_load %arg6[%swap3A_836] {strides = array<i32>} : memref<8192xf32, #tpu.memory_space<vmem>>, vector<16xf32>,
    %swap3A_838 = vector.shape_cast %swap3A_837 : vector<16xf32> to vector<16xf32>
    %swap3A_839 = vector.shape_cast %broadcast_in_dim3A_4 : vector<16xf32> to vector<16xf32>
    tpu.vector_store %arg6[%swap3A_836], %swap3A_839 {strides = array<i32>} : memref<8192xf32, #tpu.memory_space<vmem>>, vector<16xf32>,
    %swap3A_840 = arith.constant 3344 : index
    %swap3A_841 = tpu.vector_load %arg6[%swap3A_840] {strides = array<i32>} : memref<8192xf32, #tpu.memory_space<vmem>>, vector<16xf32>,
    %swap3A_842 = vector.shape_cast %swap3A_841 : vector<16xf32> to vector<16xf32>
    %swap3A_843 = vector.shape_cast %broadcast_in_dim3A_4 : vector<16xf32> to vector<16xf32>
    tpu.vector_store %arg6[%swap3A_840], %swap3A_843 {strides = array<i32>} : memref<8192xf32, #tpu.memory_space<vmem>>, vector<16xf32>,
    %swap3A_844 = arith.constant 3360 : index
    %swap3A_845 = tpu.vector_load %arg6[%swap3A_844] {strides = array<i32>} : memref<8192xf32, #tpu.memory_space<vmem>>, vector<16xf32>,
    %swap3A_846 = vector.shape_cast %swap3A_845 : vector<16xf32> to vector<16xf32>
    %swap3A_847 = vector.shape_cast %broadcast_in_dim3A_4 : vector<16xf32> to vector<16xf32>
    tpu.vector_store %arg6[%swap3A_844], %swap3A_847 {strides = array<i32>} : memref<8192xf32, #tpu.memory_space<vmem>>, vector<16xf32>,
    %swap3A_848 = arith.constant 3376 : index
    %swap3A_849 = tpu.vector_load %arg6[%swap3A_848] {strides = array<i32>} : memref<8192xf32, #tpu.memory_space<vmem>>, vector<16xf32>,
    %swap3A_850 = vector.shape_cast %swap3A_849 : vector<16xf32> to vector<16xf32>
    %swap3A_851 = vector.shape_cast %broadcast_in_dim3A_4 : vector<16xf32> to vector<16xf32>
    tpu.vector_store %arg6[%swap3A_848], %swap3A_851 {strides = array<i32>} : memref<8192xf32, #tpu.memory_space<vmem>>, vector<16xf32>,
    %swap3A_852 = arith.constant 3392 : index
    %swap3A_853 = tpu.vector_load %arg6[%swap3A_852] {strides = array<i32>} : memref<8192xf32, #tpu.memory_space<vmem>>, vector<16xf32>,
    %swap3A_854 = vector.shape_cast %swap3A_853 : vector<16xf32> to vector<16xf32>
    %swap3A_855 = vector.shape_cast %broadcast_in_dim3A_4 : vector<16xf32> to vector<16xf32>
    tpu.vector_store %arg6[%swap3A_852], %swap3A_855 {strides = array<i32>} : memref<8192xf32, #tpu.memory_space<vmem>>, vector<16xf32>,
    %swap3A_856 = arith.constant 3408 : index
    %swap3A_857 = tpu.vector_load %arg6[%swap3A_856] {strides = array<i32>} : memref<8192xf32, #tpu.memory_space<vmem>>, vector<16xf32>,
    %swap3A_858 = vector.shape_cast %swap3A_857 : vector<16xf32> to vector<16xf32>
    %swap3A_859 = vector.shape_cast %broadcast_in_dim3A_4 : vector<16xf32> to vector<16xf32>
    tpu.vector_store %arg6[%swap3A_856], %swap3A_859 {strides = array<i32>} : memref<8192xf32, #tpu.memory_space<vmem>>, vector<16xf32>,
    %swap3A_860 = arith.constant 3424 : index
    %swap3A_861 = tpu.vector_load %arg6[%swap3A_860] {strides = array<i32>} : memref<8192xf32, #tpu.memory_space<vmem>>, vector<16xf32>,
    %swap3A_862 = vector.shape_cast %swap3A_861 : vector<16xf32> to vector<16xf32>
    %swap3A_863 = vector.shape_cast %broadcast_in_dim3A_4 : vector<16xf32> to vector<16xf32>
    tpu.vector_store %arg6[%swap3A_860], %swap3A_863 {strides = array<i32>} : memref<8192xf32, #tpu.memory_space<vmem>>, vector<16xf32>,
    %swap3A_864 = arith.constant 3440 : index
    %swap3A_865 = tpu.vector_load %arg6[%swap3A_864] {strides = array<i32>} : memref<8192xf32, #tpu.memory_space<vmem>>, vector<16xf32>,
    %swap3A_866 = vector.shape_cast %swap3A_865 : vector<16xf32> to vector<16xf32>
    %swap3A_867 = vector.shape_cast %broadcast_in_dim3A_4 : vector<16xf32> to vector<16xf32>
    tpu.vector_store %arg6[%swap3A_864], %swap3A_867 {strides = array<i32>} : memref<8192xf32, #tpu.memory_space<vmem>>, vector<16xf32>,
    %swap3A_868 = arith.constant 3456 : index
    %swap3A_869 = tpu.vector_load %arg6[%swap3A_868] {strides = array<i32>} : memref<8192xf32, #tpu.memory_space<vmem>>, vector<16xf32>,
    %swap3A_870 = vector.shape_cast %swap3A_869 : vector<16xf32> to vector<16xf32>
    %swap3A_871 = vector.shape_cast %broadcast_in_dim3A_4 : vector<16xf32> to vector<16xf32>
    tpu.vector_store %arg6[%swap3A_868], %swap3A_871 {strides = array<i32>} : memref<8192xf32, #tpu.memory_space<vmem>>, vector<16xf32>,
    %swap3A_872 = arith.constant 3472 : index
    %swap3A_873 = tpu.vector_load %arg6[%swap3A_872] {strides = array<i32>} : memref<8192xf32, #tpu.memory_space<vmem>>, vector<16xf32>,
    %swap3A_874 = vector.shape_cast %swap3A_873 : vector<16xf32> to vector<16xf32>
    %swap3A_875 = vector.shape_cast %broadcast_in_dim3A_4 : vector<16xf32> to vector<16xf32>
    tpu.vector_store %arg6[%swap3A_872], %swap3A_875 {strides = array<i32>} : memref<8192xf32, #tpu.memory_space<vmem>>, vector<16xf32>,
    %swap3A_876 = arith.constant 3488 : index
    %swap3A_877 = tpu.vector_load %arg6[%swap3A_876] {strides = array<i32>} : memref<8192xf32, #tpu.memory_space<vmem>>, vector<16xf32>,
    %swap3A_878 = vector.shape_cast %swap3A_877 : vector<16xf32> to vector<16xf32>
    %swap3A_879 = vector.shape_cast %broadcast_in_dim3A_4 : vector<16xf32> to vector<16xf32>
    tpu.vector_store %arg6[%swap3A_876], %swap3A_879 {strides = array<i32>} : memref<8192xf32, #tpu.memory_space<vmem>>, vector<16xf32>,
    %swap3A_880 = arith.constant 3504 : index
    %swap3A_881 = tpu.vector_load %arg6[%swap3A_880] {strides = array<i32>} : memref<8192xf32, #tpu.memory_space<vmem>>, vector<16xf32>,
    %swap3A_882 = vector.shape_cast %swap3A_881 : vector<16xf32> to vector<16xf32>
    %swap3A_883 = vector.shape_cast %broadcast_in_dim3A_4 : vector<16xf32> to vector<16xf32>
    tpu.vector_store %arg6[%swap3A_880], %swap3A_883 {strides = array<i32>} : memref<8192xf32, #tpu.memory_space<vmem>>, vector<16xf32>,
    %swap3A_884 = arith.constant 3520 : index
    %swap3A_885 = tpu.vector_load %arg6[%swap3A_884] {strides = array<i32>} : memref<8192xf32, #tpu.memory_space<vmem>>, vector<16xf32>,
    %swap3A_886 = vector.shape_cast %swap3A_885 : vector<16xf32> to vector<16xf32>
    %swap3A_887 = vector.shape_cast %broadcast_in_dim3A_4 : vector<16xf32> to vector<16xf32>
    tpu.vector_store %arg6[%swap3A_884], %swap3A_887 {strides = array<i32>} : memref<8192xf32, #tpu.memory_space<vmem>>, vector<16xf32>,
    %swap3A_888 = arith.constant 3536 : index
    %swap3A_889 = tpu.vector_load %arg6[%swap3A_888] {strides = array<i32>} : memref<8192xf32, #tpu.memory_space<vmem>>, vector<16xf32>,
    %swap3A_890 = vector.shape_cast %swap3A_889 : vector<16xf32> to vector<16xf32>
    %swap3A_891 = vector.shape_cast %broadcast_in_dim3A_4 : vector<16xf32> to vector<16xf32>
    tpu.vector_store %arg6[%swap3A_888], %swap3A_891 {strides = array<i32>} : memref<8192xf32, #tpu.memory_space<vmem>>, vector<16xf32>,
    %swap3A_892 = arith.constant 3552 : index
    %swap3A_893 = tpu.vector_load %arg6[%swap3A_892] {strides = array<i32>} : memref<8192xf32, #tpu.memory_space<vmem>>, vector<16xf32>,
    %swap3A_894 = vector.shape_cast %swap3A_893 : vector<16xf32> to vector<16xf32>
    %swap3A_895 = vector.shape_cast %broadcast_in_dim3A_4 : vector<16xf32> to vector<16xf32>
    tpu.vector_store %arg6[%swap3A_892], %swap3A_895 {strides = array<i32>} : memref<8192xf32, #tpu.memory_space<vmem>>, vector<16xf32>,
    %swap3A_896 = arith.constant 3568 : index
    %swap3A_897 = tpu.vector_load %arg6[%swap3A_896] {strides = array<i32>} : memref<8192xf32, #tpu.memory_space<vmem>>, vector<16xf32>,
    %swap3A_898 = vector.shape_cast %swap3A_897 : vector<16xf32> to vector<16xf32>
    %swap3A_899 = vector.shape_cast %broadcast_in_dim3A_4 : vector<16xf32> to vector<16xf32>
    tpu.vector_store %arg6[%swap3A_896], %swap3A_899 {strides = array<i32>} : memref<8192xf32, #tpu.memory_space<vmem>>, vector<16xf32>,
    %swap3A_900 = arith.constant 3584 : index
    %swap3A_901 = tpu.vector_load %arg6[%swap3A_900] {strides = array<i32>} : memref<8192xf32, #tpu.memory_space<vmem>>, vector<16xf32>,
    %swap3A_902 = vector.shape_cast %swap3A_901 : vector<16xf32> to vector<16xf32>
    %swap3A_903 = vector.shape_cast %broadcast_in_dim3A_4 : vector<16xf32> to vector<16xf32>
    tpu.vector_store %arg6[%swap3A_900], %swap3A_903 {strides = array<i32>} : memref<8192xf32, #tpu.memory_space<vmem>>, vector<16xf32>,
    %swap3A_904 = arith.constant 3600 : index
    %swap3A_905 = tpu.vector_load %arg6[%swap3A_904] {strides = array<i32>} : memref<8192xf32, #tpu.memory_space<vmem>>, vector<16xf32>,
    %swap3A_906 = vector.shape_cast %swap3A_905 : vector<16xf32> to vector<16xf32>
    %swap3A_907 = vector.shape_cast %broadcast_in_dim3A_4 : vector<16xf32> to vector<16xf32>
    tpu.vector_store %arg6[%swap3A_904], %swap3A_907 {strides = array<i32>} : memref<8192xf32, #tpu.memory_space<vmem>>, vector<16xf32>,
    %swap3A_908 = arith.constant 3616 : index
    %swap3A_909 = tpu.vector_load %arg6[%swap3A_908] {strides = array<i32>} : memref<8192xf32, #tpu.memory_space<vmem>>, vector<16xf32>,
    %swap3A_910 = vector.shape_cast %swap3A_909 : vector<16xf32> to vector<16xf32>
    %swap3A_911 = vector.shape_cast %broadcast_in_dim3A_4 : vector<16xf32> to vector<16xf32>
    tpu.vector_store %arg6[%swap3A_908], %swap3A_911 {strides = array<i32>} : memref<8192xf32, #tpu.memory_space<vmem>>, vector<16xf32>,
    %swap3A_912 = arith.constant 3632 : index
    %swap3A_913 = tpu.vector_load %arg6[%swap3A_912] {strides = array<i32>} : memref<8192xf32, #tpu.memory_space<vmem>>, vector<16xf32>,
    %swap3A_914 = vector.shape_cast %swap3A_913 : vector<16xf32> to vector<16xf32>
    %swap3A_915 = vector.shape_cast %broadcast_in_dim3A_4 : vector<16xf32> to vector<16xf32>
    tpu.vector_store %arg6[%swap3A_912], %swap3A_915 {strides = array<i32>} : memref<8192xf32, #tpu.memory_space<vmem>>, vector<16xf32>,
    %swap3A_916 = arith.constant 3648 : index
    %swap3A_917 = tpu.vector_load %arg6[%swap3A_916] {strides = array<i32>} : memref<8192xf32, #tpu.memory_space<vmem>>, vector<16xf32>,
    %swap3A_918 = vector.shape_cast %swap3A_917 : vector<16xf32> to vector<16xf32>
    %swap3A_919 = vector.shape_cast %broadcast_in_dim3A_4 : vector<16xf32> to vector<16xf32>
    tpu.vector_store %arg6[%swap3A_916], %swap3A_919 {strides = array<i32>} : memref<8192xf32, #tpu.memory_space<vmem>>, vector<16xf32>,
    %swap3A_920 = arith.constant 3664 : index
    %swap3A_921 = tpu.vector_load %arg6[%swap3A_920] {strides = array<i32>} : memref<8192xf32, #tpu.memory_space<vmem>>, vector<16xf32>,
    %swap3A_922 = vector.shape_cast %swap3A_921 : vector<16xf32> to vector<16xf32>
    %swap3A_923 = vector.shape_cast %broadcast_in_dim3A_4 : vector<16xf32> to vector<16xf32>
    tpu.vector_store %arg6[%swap3A_920], %swap3A_923 {strides = array<i32>} : memref<8192xf32, #tpu.memory_space<vmem>>, vector<16xf32>,
    %swap3A_924 = arith.constant 3680 : index
    %swap3A_925 = tpu.vector_load %arg6[%swap3A_924] {strides = array<i32>} : memref<8192xf32, #tpu.memory_space<vmem>>, vector<16xf32>,
    %swap3A_926 = vector.shape_cast %swap3A_925 : vector<16xf32> to vector<16xf32>
    %swap3A_927 = vector.shape_cast %broadcast_in_dim3A_4 : vector<16xf32> to vector<16xf32>
    tpu.vector_store %arg6[%swap3A_924], %swap3A_927 {strides = array<i32>} : memref<8192xf32, #tpu.memory_space<vmem>>, vector<16xf32>,
    %swap3A_928 = arith.constant 3696 : index
    %swap3A_929 = tpu.vector_load %arg6[%swap3A_928] {strides = array<i32>} : memref<8192xf32, #tpu.memory_space<vmem>>, vector<16xf32>,
    %swap3A_930 = vector.shape_cast %swap3A_929 : vector<16xf32> to vector<16xf32>
    %swap3A_931 = vector.shape_cast %broadcast_in_dim3A_4 : vector<16xf32> to vector<16xf32>
    tpu.vector_store %arg6[%swap3A_928], %swap3A_931 {strides = array<i32>} : memref<8192xf32, #tpu.memory_space<vmem>>, vector<16xf32>,
    %swap3A_932 = arith.constant 3712 : index
    %swap3A_933 = tpu.vector_load %arg6[%swap3A_932] {strides = array<i32>} : memref<8192xf32, #tpu.memory_space<vmem>>, vector<16xf32>,
    %swap3A_934 = vector.shape_cast %swap3A_933 : vector<16xf32> to vector<16xf32>
    %swap3A_935 = vector.shape_cast %broadcast_in_dim3A_4 : vector<16xf32> to vector<16xf32>
    tpu.vector_store %arg6[%swap3A_932], %swap3A_935 {strides = array<i32>} : memref<8192xf32, #tpu.memory_space<vmem>>, vector<16xf32>,
    %swap3A_936 = arith.constant 3728 : index
    %swap3A_937 = tpu.vector_load %arg6[%swap3A_936] {strides = array<i32>} : memref<8192xf32, #tpu.memory_space<vmem>>, vector<16xf32>,
    %swap3A_938 = vector.shape_cast %swap3A_937 : vector<16xf32> to vector<16xf32>
    %swap3A_939 = vector.shape_cast %broadcast_in_dim3A_4 : vector<16xf32> to vector<16xf32>
    tpu.vector_store %arg6[%swap3A_936], %swap3A_939 {strides = array<i32>} : memref<8192xf32, #tpu.memory_space<vmem>>, vector<16xf32>,
    %swap3A_940 = arith.constant 3744 : index
    %swap3A_941 = tpu.vector_load %arg6[%swap3A_940] {strides = array<i32>} : memref<8192xf32, #tpu.memory_space<vmem>>, vector<16xf32>,
    %swap3A_942 = vector.shape_cast %swap3A_941 : vector<16xf32> to vector<16xf32>
    %swap3A_943 = vector.shape_cast %broadcast_in_dim3A_4 : vector<16xf32> to vector<16xf32>
    tpu.vector_store %arg6[%swap3A_940], %swap3A_943 {strides = array<i32>} : memref<8192xf32, #tpu.memory_space<vmem>>, vector<16xf32>,
    %swap3A_944 = arith.constant 3760 : index
    %swap3A_945 = tpu.vector_load %arg6[%swap3A_944] {strides = array<i32>} : memref<8192xf32, #tpu.memory_space<vmem>>, vector<16xf32>,
    %swap3A_946 = vector.shape_cast %swap3A_945 : vector<16xf32> to vector<16xf32>
    %swap3A_947 = vector.shape_cast %broadcast_in_dim3A_4 : vector<16xf32> to vector<16xf32>
    tpu.vector_store %arg6[%swap3A_944], %swap3A_947 {strides = array<i32>} : memref<8192xf32, #tpu.memory_space<vmem>>, vector<16xf32>,
    %swap3A_948 = arith.constant 3776 : index
    %swap3A_949 = tpu.vector_load %arg6[%swap3A_948] {strides = array<i32>} : memref<8192xf32, #tpu.memory_space<vmem>>, vector<16xf32>,
    %swap3A_950 = vector.shape_cast %swap3A_949 : vector<16xf32> to vector<16xf32>
    %swap3A_951 = vector.shape_cast %broadcast_in_dim3A_4 : vector<16xf32> to vector<16xf32>
    tpu.vector_store %arg6[%swap3A_948], %swap3A_951 {strides = array<i32>} : memref<8192xf32, #tpu.memory_space<vmem>>, vector<16xf32>,
    %swap3A_952 = arith.constant 3792 : index
    %swap3A_953 = tpu.vector_load %arg6[%swap3A_952] {strides = array<i32>} : memref<8192xf32, #tpu.memory_space<vmem>>, vector<16xf32>,
    %swap3A_954 = vector.shape_cast %swap3A_953 : vector<16xf32> to vector<16xf32>
    %swap3A_955 = vector.shape_cast %broadcast_in_dim3A_4 : vector<16xf32> to vector<16xf32>
    tpu.vector_store %arg6[%swap3A_952], %swap3A_955 {strides = array<i32>} : memref<8192xf32, #tpu.memory_space<vmem>>, vector<16xf32>,
    %swap3A_956 = arith.constant 3808 : index
    %swap3A_957 = tpu.vector_load %arg6[%swap3A_956] {strides = array<i32>} : memref<8192xf32, #tpu.memory_space<vmem>>, vector<16xf32>,
    %swap3A_958 = vector.shape_cast %swap3A_957 : vector<16xf32> to vector<16xf32>
    %swap3A_959 = vector.shape_cast %broadcast_in_dim3A_4 : vector<16xf32> to vector<16xf32>
    tpu.vector_store %arg6[%swap3A_956], %swap3A_959 {strides = array<i32>} : memref<8192xf32, #tpu.memory_space<vmem>>, vector<16xf32>,
    %swap3A_960 = arith.constant 3824 : index
    %swap3A_961 = tpu.vector_load %arg6[%swap3A_960] {strides = array<i32>} : memref<8192xf32, #tpu.memory_space<vmem>>, vector<16xf32>,
    %swap3A_962 = vector.shape_cast %swap3A_961 : vector<16xf32> to vector<16xf32>
    %swap3A_963 = vector.shape_cast %broadcast_in_dim3A_4 : vector<16xf32> to vector<16xf32>
    tpu.vector_store %arg6[%swap3A_960], %swap3A_963 {strides = array<i32>} : memref<8192xf32, #tpu.memory_space<vmem>>, vector<16xf32>,
    %swap3A_964 = arith.constant 3840 : index
    %swap3A_965 = tpu.vector_load %arg6[%swap3A_964] {strides = array<i32>} : memref<8192xf32, #tpu.memory_space<vmem>>, vector<16xf32>,
    %swap3A_966 = vector.shape_cast %swap3A_965 : vector<16xf32> to vector<16xf32>
    %swap3A_967 = vector.shape_cast %broadcast_in_dim3A_4 : vector<16xf32> to vector<16xf32>
    tpu.vector_store %arg6[%swap3A_964], %swap3A_967 {strides = array<i32>} : memref<8192xf32, #tpu.memory_space<vmem>>, vector<16xf32>,
    %swap3A_968 = arith.constant 3856 : index
    %swap3A_969 = tpu.vector_load %arg6[%swap3A_968] {strides = array<i32>} : memref<8192xf32, #tpu.memory_space<vmem>>, vector<16xf32>,
    %swap3A_970 = vector.shape_cast %swap3A_969 : vector<16xf32> to vector<16xf32>
    %swap3A_971 = vector.shape_cast %broadcast_in_dim3A_4 : vector<16xf32> to vector<16xf32>
    tpu.vector_store %arg6[%swap3A_968], %swap3A_971 {strides = array<i32>} : memref<8192xf32, #tpu.memory_space<vmem>>, vector<16xf32>,
    %swap3A_972 = arith.constant 3872 : index
    %swap3A_973 = tpu.vector_load %arg6[%swap3A_972] {strides = array<i32>} : memref<8192xf32, #tpu.memory_space<vmem>>, vector<16xf32>,
    %swap3A_974 = vector.shape_cast %swap3A_973 : vector<16xf32> to vector<16xf32>
    %swap3A_975 = vector.shape_cast %broadcast_in_dim3A_4 : vector<16xf32> to vector<16xf32>
    tpu.vector_store %arg6[%swap3A_972], %swap3A_975 {strides = array<i32>} : memref<8192xf32, #tpu.memory_space<vmem>>, vector<16xf32>,
    %swap3A_976 = arith.constant 3888 : index
    %swap3A_977 = tpu.vector_load %arg6[%swap3A_976] {strides = array<i32>} : memref<8192xf32, #tpu.memory_space<vmem>>, vector<16xf32>,
    %swap3A_978 = vector.shape_cast %swap3A_977 : vector<16xf32> to vector<16xf32>
    %swap3A_979 = vector.shape_cast %broadcast_in_dim3A_4 : vector<16xf32> to vector<16xf32>
    tpu.vector_store %arg6[%swap3A_976], %swap3A_979 {strides = array<i32>} : memref<8192xf32, #tpu.memory_space<vmem>>, vector<16xf32>,
    %swap3A_980 = arith.constant 3904 : index
    %swap3A_981 = tpu.vector_load %arg6[%swap3A_980] {strides = array<i32>} : memref<8192xf32, #tpu.memory_space<vmem>>, vector<16xf32>,
    %swap3A_982 = vector.shape_cast %swap3A_981 : vector<16xf32> to vector<16xf32>
    %swap3A_983 = vector.shape_cast %broadcast_in_dim3A_4 : vector<16xf32> to vector<16xf32>
    tpu.vector_store %arg6[%swap3A_980], %swap3A_983 {strides = array<i32>} : memref<8192xf32, #tpu.memory_space<vmem>>, vector<16xf32>,
    %swap3A_984 = arith.constant 3920 : index
    %swap3A_985 = tpu.vector_load %arg6[%swap3A_984] {strides = array<i32>} : memref<8192xf32, #tpu.memory_space<vmem>>, vector<16xf32>,
    %swap3A_986 = vector.shape_cast %swap3A_985 : vector<16xf32> to vector<16xf32>
    %swap3A_987 = vector.shape_cast %broadcast_in_dim3A_4 : vector<16xf32> to vector<16xf32>
    tpu.vector_store %arg6[%swap3A_984], %swap3A_987 {strides = array<i32>} : memref<8192xf32, #tpu.memory_space<vmem>>, vector<16xf32>,
    %swap3A_988 = arith.constant 3936 : index
    %swap3A_989 = tpu.vector_load %arg6[%swap3A_988] {strides = array<i32>} : memref<8192xf32, #tpu.memory_space<vmem>>, vector<16xf32>,
    %swap3A_990 = vector.shape_cast %swap3A_989 : vector<16xf32> to vector<16xf32>
    %swap3A_991 = vector.shape_cast %broadcast_in_dim3A_4 : vector<16xf32> to vector<16xf32>
    tpu.vector_store %arg6[%swap3A_988], %swap3A_991 {strides = array<i32>} : memref<8192xf32, #tpu.memory_space<vmem>>, vector<16xf32>,
    %swap3A_992 = arith.constant 3952 : index
    %swap3A_993 = tpu.vector_load %arg6[%swap3A_992] {strides = array<i32>} : memref<8192xf32, #tpu.memory_space<vmem>>, vector<16xf32>,
    %swap3A_994 = vector.shape_cast %swap3A_993 : vector<16xf32> to vector<16xf32>
    %swap3A_995 = vector.shape_cast %broadcast_in_dim3A_4 : vector<16xf32> to vector<16xf32>
    tpu.vector_store %arg6[%swap3A_992], %swap3A_995 {strides = array<i32>} : memref<8192xf32, #tpu.memory_space<vmem>>, vector<16xf32>,
    %swap3A_996 = arith.constant 3968 : index
    %swap3A_997 = tpu.vector_load %arg6[%swap3A_996] {strides = array<i32>} : memref<8192xf32, #tpu.memory_space<vmem>>, vector<16xf32>,
    %swap3A_998 = vector.shape_cast %swap3A_997 : vector<16xf32> to vector<16xf32>
    %swap3A_999 = vector.shape_cast %broadcast_in_dim3A_4 : vector<16xf32> to vector<16xf32>
    tpu.vector_store %arg6[%swap3A_996], %swap3A_999 {strides = array<i32>} : memref<8192xf32, #tpu.memory_space<vmem>>, vector<16xf32>,
    %swap3A_1000 = arith.constant 3984 : index
    %swap3A_1001 = tpu.vector_load %arg6[%swap3A_1000] {strides = array<i32>} : memref<8192xf32, #tpu.memory_space<vmem>>, vector<16xf32>,
    %swap3A_1002 = vector.shape_cast %swap3A_1001 : vector<16xf32> to vector<16xf32>
    %swap3A_1003 = vector.shape_cast %broadcast_in_dim3A_4 : vector<16xf32> to vector<16xf32>
    tpu.vector_store %arg6[%swap3A_1000], %swap3A_1003 {strides = array<i32>} : memref<8192xf32, #tpu.memory_space<vmem>>, vector<16xf32>,
    %swap3A_1004 = arith.constant 4000 : index
    %swap3A_1005 = tpu.vector_load %arg6[%swap3A_1004] {strides = array<i32>} : memref<8192xf32, #tpu.memory_space<vmem>>, vector<16xf32>,
    %swap3A_1006 = vector.shape_cast %swap3A_1005 : vector<16xf32> to vector<16xf32>
    %swap3A_1007 = vector.shape_cast %broadcast_in_dim3A_4 : vector<16xf32> to vector<16xf32>
    tpu.vector_store %arg6[%swap3A_1004], %swap3A_1007 {strides = array<i32>} : memref<8192xf32, #tpu.memory_space<vmem>>, vector<16xf32>,
    %swap3A_1008 = arith.constant 4016 : index
    %swap3A_1009 = tpu.vector_load %arg6[%swap3A_1008] {strides = array<i32>} : memref<8192xf32, #tpu.memory_space<vmem>>, vector<16xf32>,
    %swap3A_1010 = vector.shape_cast %swap3A_1009 : vector<16xf32> to vector<16xf32>
    %swap3A_1011 = vector.shape_cast %broadcast_in_dim3A_4 : vector<16xf32> to vector<16xf32>
    tpu.vector_store %arg6[%swap3A_1008], %swap3A_1011 {strides = array<i32>} : memref<8192xf32, #tpu.memory_space<vmem>>, vector<16xf32>,
    %swap3A_1012 = arith.constant 4032 : index
    %swap3A_1013 = tpu.vector_load %arg6[%swap3A_1012] {strides = array<i32>} : memref<8192xf32, #tpu.memory_space<vmem>>, vector<16xf32>,
    %swap3A_1014 = vector.shape_cast %swap3A_1013 : vector<16xf32> to vector<16xf32>
    %swap3A_1015 = vector.shape_cast %broadcast_in_dim3A_4 : vector<16xf32> to vector<16xf32>
    tpu.vector_store %arg6[%swap3A_1012], %swap3A_1015 {strides = array<i32>} : memref<8192xf32, #tpu.memory_space<vmem>>, vector<16xf32>,
    %swap3A_1016 = arith.constant 4048 : index
    %swap3A_1017 = tpu.vector_load %arg6[%swap3A_1016] {strides = array<i32>} : memref<8192xf32, #tpu.memory_space<vmem>>, vector<16xf32>,
    %swap3A_1018 = vector.shape_cast %swap3A_1017 : vector<16xf32> to vector<16xf32>
    %swap3A_1019 = vector.shape_cast %broadcast_in_dim3A_4 : vector<16xf32> to vector<16xf32>
    tpu.vector_store %arg6[%swap3A_1016], %swap3A_1019 {strides = array<i32>} : memref<8192xf32, #tpu.memory_space<vmem>>, vector<16xf32>,
    %swap3A_1020 = arith.constant 4064 : index
    %swap3A_1021 = tpu.vector_load %arg6[%swap3A_1020] {strides = array<i32>} : memref<8192xf32, #tpu.memory_space<vmem>>, vector<16xf32>,
    %swap3A_1022 = vector.shape_cast %swap3A_1021 : vector<16xf32> to vector<16xf32>
    %swap3A_1023 = vector.shape_cast %broadcast_in_dim3A_4 : vector<16xf32> to vector<16xf32>
    tpu.vector_store %arg6[%swap3A_1020], %swap3A_1023 {strides = array<i32>} : memref<8192xf32, #tpu.memory_space<vmem>>, vector<16xf32>,
    %swap3A_1024 = arith.constant 4080 : index
    %swap3A_1025 = tpu.vector_load %arg6[%swap3A_1024] {strides = array<i32>} : memref<8192xf32, #tpu.memory_space<vmem>>, vector<16xf32>,
    %swap3A_1026 = vector.shape_cast %swap3A_1025 : vector<16xf32> to vector<16xf32>
    %swap3A_1027 = vector.shape_cast %broadcast_in_dim3A_4 : vector<16xf32> to vector<16xf32>
    tpu.vector_store %arg6[%swap3A_1024], %swap3A_1027 {strides = array<i32>} : memref<8192xf32, #tpu.memory_space<vmem>>, vector<16xf32>,
    %swap3A_1028 = arith.constant 4096 : index
    %swap3A_1029 = tpu.vector_load %arg6[%swap3A_1028] {strides = array<i32>} : memref<8192xf32, #tpu.memory_space<vmem>>, vector<16xf32>,
    %swap3A_1030 = vector.shape_cast %swap3A_1029 : vector<16xf32> to vector<16xf32>
    %swap3A_1031 = vector.shape_cast %broadcast_in_dim3A_4 : vector<16xf32> to vector<16xf32>
    tpu.vector_store %arg6[%swap3A_1028], %swap3A_1031 {strides = array<i32>} : memref<8192xf32, #tpu.memory_space<vmem>>, vector<16xf32>,
    %swap3A_1032 = arith.constant 4112 : index
    %swap3A_1033 = tpu.vector_load %arg6[%swap3A_1032] {strides = array<i32>} : memref<8192xf32, #tpu.memory_space<vmem>>, vector<16xf32>,
    %swap3A_1034 = vector.shape_cast %swap3A_1033 : vector<16xf32> to vector<16xf32>
    %swap3A_1035 = vector.shape_cast %broadcast_in_dim3A_4 : vector<16xf32> to vector<16xf32>
    tpu.vector_store %arg6[%swap3A_1032], %swap3A_1035 {strides = array<i32>} : memref<8192xf32, #tpu.memory_space<vmem>>, vector<16xf32>,
    %swap3A_1036 = arith.constant 4128 : index
    %swap3A_1037 = tpu.vector_load %arg6[%swap3A_1036] {strides = array<i32>} : memref<8192xf32, #tpu.memory_space<vmem>>, vector<16xf32>,
    %swap3A_1038 = vector.shape_cast %swap3A_1037 : vector<16xf32> to vector<16xf32>
    %swap3A_1039 = vector.shape_cast %broadcast_in_dim3A_4 : vector<16xf32> to vector<16xf32>
    tpu.vector_store %arg6[%swap3A_1036], %swap3A_1039 {strides = array<i32>} : memref<8192xf32, #tpu.memory_space<vmem>>, vector<16xf32>,
    %swap3A_1040 = arith.constant 4144 : index
    %swap3A_1041 = tpu.vector_load %arg6[%swap3A_1040] {strides = array<i32>} : memref<8192xf32, #tpu.memory_space<vmem>>, vector<16xf32>,
    %swap3A_1042 = vector.shape_cast %swap3A_1041 : vector<16xf32> to vector<16xf32>
    %swap3A_1043 = vector.shape_cast %broadcast_in_dim3A_4 : vector<16xf32> to vector<16xf32>
    tpu.vector_store %arg6[%swap3A_1040], %swap3A_1043 {strides = array<i32>} : memref<8192xf32, #tpu.memory_space<vmem>>, vector<16xf32>,
    %swap3A_1044 = arith.constant 4160 : index
    %swap3A_1045 = tpu.vector_load %arg6[%swap3A_1044] {strides = array<i32>} : memref<8192xf32, #tpu.memory_space<vmem>>, vector<16xf32>,
    %swap3A_1046 = vector.shape_cast %swap3A_1045 : vector<16xf32> to vector<16xf32>
    %swap3A_1047 = vector.shape_cast %broadcast_in_dim3A_4 : vector<16xf32> to vector<16xf32>
    tpu.vector_store %arg6[%swap3A_1044], %swap3A_1047 {strides = array<i32>} : memref<8192xf32, #tpu.memory_space<vmem>>, vector<16xf32>,
    %swap3A_1048 = arith.constant 4176 : index
    %swap3A_1049 = tpu.vector_load %arg6[%swap3A_1048] {strides = array<i32>} : memref<8192xf32, #tpu.memory_space<vmem>>, vector<16xf32>,
    %swap3A_1050 = vector.shape_cast %swap3A_1049 : vector<16xf32> to vector<16xf32>
    %swap3A_1051 = vector.shape_cast %broadcast_in_dim3A_4 : vector<16xf32> to vector<16xf32>
    tpu.vector_store %arg6[%swap3A_1048], %swap3A_1051 {strides = array<i32>} : memref<8192xf32, #tpu.memory_space<vmem>>, vector<16xf32>,
    %swap3A_1052 = arith.constant 4192 : index
    %swap3A_1053 = tpu.vector_load %arg6[%swap3A_1052] {strides = array<i32>} : memref<8192xf32, #tpu.memory_space<vmem>>, vector<16xf32>,
    %swap3A_1054 = vector.shape_cast %swap3A_1053 : vector<16xf32> to vector<16xf32>
    %swap3A_1055 = vector.shape_cast %broadcast_in_dim3A_4 : vector<16xf32> to vector<16xf32>
    tpu.vector_store %arg6[%swap3A_1052], %swap3A_1055 {strides = array<i32>} : memref<8192xf32, #tpu.memory_space<vmem>>, vector<16xf32>,
    %swap3A_1056 = arith.constant 4208 : index
    %swap3A_1057 = tpu.vector_load %arg6[%swap3A_1056] {strides = array<i32>} : memref<8192xf32, #tpu.memory_space<vmem>>, vector<16xf32>,
    %swap3A_1058 = vector.shape_cast %swap3A_1057 : vector<16xf32> to vector<16xf32>
    %swap3A_1059 = vector.shape_cast %broadcast_in_dim3A_4 : vector<16xf32> to vector<16xf32>
    tpu.vector_store %arg6[%swap3A_1056], %swap3A_1059 {strides = array<i32>} : memref<8192xf32, #tpu.memory_space<vmem>>, vector<16xf32>,
    %swap3A_1060 = arith.constant 4224 : index
    %swap3A_1061 = tpu.vector_load %arg6[%swap3A_1060] {strides = array<i32>} : memref<8192xf32, #tpu.memory_space<vmem>>, vector<16xf32>,
    %swap3A_1062 = vector.shape_cast %swap3A_1061 : vector<16xf32> to vector<16xf32>
    %swap3A_1063 = vector.shape_cast %broadcast_in_dim3A_4 : vector<16xf32> to vector<16xf32>
    tpu.vector_store %arg6[%swap3A_1060], %swap3A_1063 {strides = array<i32>} : memref<8192xf32, #tpu.memory_space<vmem>>, vector<16xf32>,
    %swap3A_1064 = arith.constant 4240 : index
    %swap3A_1065 = tpu.vector_load %arg6[%swap3A_1064] {strides = array<i32>} : memref<8192xf32, #tpu.memory_space<vmem>>, vector<16xf32>,
    %swap3A_1066 = vector.shape_cast %swap3A_1065 : vector<16xf32> to vector<16xf32>
    %swap3A_1067 = vector.shape_cast %broadcast_in_dim3A_4 : vector<16xf32> to vector<16xf32>
    tpu.vector_store %arg6[%swap3A_1064], %swap3A_1067 {strides = array<i32>} : memref<8192xf32, #tpu.memory_space<vmem>>, vector<16xf32>,
    %swap3A_1068 = arith.constant 4256 : index
    %swap3A_1069 = tpu.vector_load %arg6[%swap3A_1068] {strides = array<i32>} : memref<8192xf32, #tpu.memory_space<vmem>>, vector<16xf32>,
    %swap3A_1070 = vector.shape_cast %swap3A_1069 : vector<16xf32> to vector<16xf32>
    %swap3A_1071 = vector.shape_cast %broadcast_in_dim3A_4 : vector<16xf32> to vector<16xf32>
    tpu.vector_store %arg6[%swap3A_1068], %swap3A_1071 {strides = array<i32>} : memref<8192xf32, #tpu.memory_space<vmem>>, vector<16xf32>,
    %swap3A_1072 = arith.constant 4272 : index
    %swap3A_1073 = tpu.vector_load %arg6[%swap3A_1072] {strides = array<i32>} : memref<8192xf32, #tpu.memory_space<vmem>>, vector<16xf32>,
    %swap3A_1074 = vector.shape_cast %swap3A_1073 : vector<16xf32> to vector<16xf32>
    %swap3A_1075 = vector.shape_cast %broadcast_in_dim3A_4 : vector<16xf32> to vector<16xf32>
    tpu.vector_store %arg6[%swap3A_1072], %swap3A_1075 {strides = array<i32>} : memref<8192xf32, #tpu.memory_space<vmem>>, vector<16xf32>,
    %swap3A_1076 = arith.constant 4288 : index
    %swap3A_1077 = tpu.vector_load %arg6[%swap3A_1076] {strides = array<i32>} : memref<8192xf32, #tpu.memory_space<vmem>>, vector<16xf32>,
    %swap3A_1078 = vector.shape_cast %swap3A_1077 : vector<16xf32> to vector<16xf32>
    %swap3A_1079 = vector.shape_cast %broadcast_in_dim3A_4 : vector<16xf32> to vector<16xf32>
    tpu.vector_store %arg6[%swap3A_1076], %swap3A_1079 {strides = array<i32>} : memref<8192xf32, #tpu.memory_space<vmem>>, vector<16xf32>,
    %swap3A_1080 = arith.constant 4304 : index
    %swap3A_1081 = tpu.vector_load %arg6[%swap3A_1080] {strides = array<i32>} : memref<8192xf32, #tpu.memory_space<vmem>>, vector<16xf32>,
    %swap3A_1082 = vector.shape_cast %swap3A_1081 : vector<16xf32> to vector<16xf32>
    %swap3A_1083 = vector.shape_cast %broadcast_in_dim3A_4 : vector<16xf32> to vector<16xf32>
    tpu.vector_store %arg6[%swap3A_1080], %swap3A_1083 {strides = array<i32>} : memref<8192xf32, #tpu.memory_space<vmem>>, vector<16xf32>,
    %swap3A_1084 = arith.constant 4320 : index
    %swap3A_1085 = tpu.vector_load %arg6[%swap3A_1084] {strides = array<i32>} : memref<8192xf32, #tpu.memory_space<vmem>>, vector<16xf32>,
    %swap3A_1086 = vector.shape_cast %swap3A_1085 : vector<16xf32> to vector<16xf32>
    %swap3A_1087 = vector.shape_cast %broadcast_in_dim3A_4 : vector<16xf32> to vector<16xf32>
    tpu.vector_store %arg6[%swap3A_1084], %swap3A_1087 {strides = array<i32>} : memref<8192xf32, #tpu.memory_space<vmem>>, vector<16xf32>,
    %swap3A_1088 = arith.constant 4336 : index
    %swap3A_1089 = tpu.vector_load %arg6[%swap3A_1088] {strides = array<i32>} : memref<8192xf32, #tpu.memory_space<vmem>>, vector<16xf32>,
    %swap3A_1090 = vector.shape_cast %swap3A_1089 : vector<16xf32> to vector<16xf32>
    %swap3A_1091 = vector.shape_cast %broadcast_in_dim3A_4 : vector<16xf32> to vector<16xf32>
    tpu.vector_store %arg6[%swap3A_1088], %swap3A_1091 {strides = array<i32>} : memref<8192xf32, #tpu.memory_space<vmem>>, vector<16xf32>,
    %swap3A_1092 = arith.constant 4352 : index
    %swap3A_1093 = tpu.vector_load %arg6[%swap3A_1092] {strides = array<i32>} : memref<8192xf32, #tpu.memory_space<vmem>>, vector<16xf32>,
    %swap3A_1094 = vector.shape_cast %swap3A_1093 : vector<16xf32> to vector<16xf32>
    %swap3A_1095 = vector.shape_cast %broadcast_in_dim3A_4 : vector<16xf32> to vector<16xf32>
    tpu.vector_store %arg6[%swap3A_1092], %swap3A_1095 {strides = array<i32>} : memref<8192xf32, #tpu.memory_space<vmem>>, vector<16xf32>,
    %swap3A_1096 = arith.constant 4368 : index
    %swap3A_1097 = tpu.vector_load %arg6[%swap3A_1096] {strides = array<i32>} : memref<8192xf32, #tpu.memory_space<vmem>>, vector<16xf32>,
    %swap3A_1098 = vector.shape_cast %swap3A_1097 : vector<16xf32> to vector<16xf32>
    %swap3A_1099 = vector.shape_cast %broadcast_in_dim3A_4 : vector<16xf32> to vector<16xf32>
    tpu.vector_store %arg6[%swap3A_1096], %swap3A_1099 {strides = array<i32>} : memref<8192xf32, #tpu.memory_space<vmem>>, vector<16xf32>,
    %swap3A_1100 = arith.constant 4384 : index
    %swap3A_1101 = tpu.vector_load %arg6[%swap3A_1100] {strides = array<i32>} : memref<8192xf32, #tpu.memory_space<vmem>>, vector<16xf32>,
    %swap3A_1102 = vector.shape_cast %swap3A_1101 : vector<16xf32> to vector<16xf32>
    %swap3A_1103 = vector.shape_cast %broadcast_in_dim3A_4 : vector<16xf32> to vector<16xf32>
    tpu.vector_store %arg6[%swap3A_1100], %swap3A_1103 {strides = array<i32>} : memref<8192xf32, #tpu.memory_space<vmem>>, vector<16xf32>,
    %swap3A_1104 = arith.constant 4400 : index
    %swap3A_1105 = tpu.vector_load %arg6[%swap3A_1104] {strides = array<i32>} : memref<8192xf32, #tpu.memory_space<vmem>>, vector<16xf32>,
    %swap3A_1106 = vector.shape_cast %swap3A_1105 : vector<16xf32> to vector<16xf32>
    %swap3A_1107 = vector.shape_cast %broadcast_in_dim3A_4 : vector<16xf32> to vector<16xf32>
    tpu.vector_store %arg6[%swap3A_1104], %swap3A_1107 {strides = array<i32>} : memref<8192xf32, #tpu.memory_space<vmem>>, vector<16xf32>,
    %swap3A_1108 = arith.constant 4416 : index
    %swap3A_1109 = tpu.vector_load %arg6[%swap3A_1108] {strides = array<i32>} : memref<8192xf32, #tpu.memory_space<vmem>>, vector<16xf32>,
    %swap3A_1110 = vector.shape_cast %swap3A_1109 : vector<16xf32> to vector<16xf32>
    %swap3A_1111 = vector.shape_cast %broadcast_in_dim3A_4 : vector<16xf32> to vector<16xf32>
    tpu.vector_store %arg6[%swap3A_1108], %swap3A_1111 {strides = array<i32>} : memref<8192xf32, #tpu.memory_space<vmem>>, vector<16xf32>,
    %swap3A_1112 = arith.constant 4432 : index
    %swap3A_1113 = tpu.vector_load %arg6[%swap3A_1112] {strides = array<i32>} : memref<8192xf32, #tpu.memory_space<vmem>>, vector<16xf32>,
    %swap3A_1114 = vector.shape_cast %swap3A_1113 : vector<16xf32> to vector<16xf32>
    %swap3A_1115 = vector.shape_cast %broadcast_in_dim3A_4 : vector<16xf32> to vector<16xf32>
    tpu.vector_store %arg6[%swap3A_1112], %swap3A_1115 {strides = array<i32>} : memref<8192xf32, #tpu.memory_space<vmem>>, vector<16xf32>,
    %swap3A_1116 = arith.constant 4448 : index
    %swap3A_1117 = tpu.vector_load %arg6[%swap3A_1116] {strides = array<i32>} : memref<8192xf32, #tpu.memory_space<vmem>>, vector<16xf32>,
    %swap3A_1118 = vector.shape_cast %swap3A_1117 : vector<16xf32> to vector<16xf32>
    %swap3A_1119 = vector.shape_cast %broadcast_in_dim3A_4 : vector<16xf32> to vector<16xf32>
    tpu.vector_store %arg6[%swap3A_1116], %swap3A_1119 {strides = array<i32>} : memref<8192xf32, #tpu.memory_space<vmem>>, vector<16xf32>,
    %swap3A_1120 = arith.constant 4464 : index
    %swap3A_1121 = tpu.vector_load %arg6[%swap3A_1120] {strides = array<i32>} : memref<8192xf32, #tpu.memory_space<vmem>>, vector<16xf32>,
    %swap3A_1122 = vector.shape_cast %swap3A_1121 : vector<16xf32> to vector<16xf32>
    %swap3A_1123 = vector.shape_cast %broadcast_in_dim3A_4 : vector<16xf32> to vector<16xf32>
    tpu.vector_store %arg6[%swap3A_1120], %swap3A_1123 {strides = array<i32>} : memref<8192xf32, #tpu.memory_space<vmem>>, vector<16xf32>,
    %swap3A_1124 = arith.constant 4480 : index
    %swap3A_1125 = tpu.vector_load %arg6[%swap3A_1124] {strides = array<i32>} : memref<8192xf32, #tpu.memory_space<vmem>>, vector<16xf32>,
    %swap3A_1126 = vector.shape_cast %swap3A_1125 : vector<16xf32> to vector<16xf32>
    %swap3A_1127 = vector.shape_cast %broadcast_in_dim3A_4 : vector<16xf32> to vector<16xf32>
    tpu.vector_store %arg6[%swap3A_1124], %swap3A_1127 {strides = array<i32>} : memref<8192xf32, #tpu.memory_space<vmem>>, vector<16xf32>,
    %swap3A_1128 = arith.constant 4496 : index
    %swap3A_1129 = tpu.vector_load %arg6[%swap3A_1128] {strides = array<i32>} : memref<8192xf32, #tpu.memory_space<vmem>>, vector<16xf32>,
    %swap3A_1130 = vector.shape_cast %swap3A_1129 : vector<16xf32> to vector<16xf32>
    %swap3A_1131 = vector.shape_cast %broadcast_in_dim3A_4 : vector<16xf32> to vector<16xf32>
    tpu.vector_store %arg6[%swap3A_1128], %swap3A_1131 {strides = array<i32>} : memref<8192xf32, #tpu.memory_space<vmem>>, vector<16xf32>,
    %swap3A_1132 = arith.constant 4512 : index
    %swap3A_1133 = tpu.vector_load %arg6[%swap3A_1132] {strides = array<i32>} : memref<8192xf32, #tpu.memory_space<vmem>>, vector<16xf32>,
    %swap3A_1134 = vector.shape_cast %swap3A_1133 : vector<16xf32> to vector<16xf32>
    %swap3A_1135 = vector.shape_cast %broadcast_in_dim3A_4 : vector<16xf32> to vector<16xf32>
    tpu.vector_store %arg6[%swap3A_1132], %swap3A_1135 {strides = array<i32>} : memref<8192xf32, #tpu.memory_space<vmem>>, vector<16xf32>,
    %swap3A_1136 = arith.constant 4528 : index
    %swap3A_1137 = tpu.vector_load %arg6[%swap3A_1136] {strides = array<i32>} : memref<8192xf32, #tpu.memory_space<vmem>>, vector<16xf32>,
    %swap3A_1138 = vector.shape_cast %swap3A_1137 : vector<16xf32> to vector<16xf32>
    %swap3A_1139 = vector.shape_cast %broadcast_in_dim3A_4 : vector<16xf32> to vector<16xf32>
    tpu.vector_store %arg6[%swap3A_1136], %swap3A_1139 {strides = array<i32>} : memref<8192xf32, #tpu.memory_space<vmem>>, vector<16xf32>,
    %swap3A_1140 = arith.constant 4544 : index
    %swap3A_1141 = tpu.vector_load %arg6[%swap3A_1140] {strides = array<i32>} : memref<8192xf32, #tpu.memory_space<vmem>>, vector<16xf32>,
    %swap3A_1142 = vector.shape_cast %swap3A_1141 : vector<16xf32> to vector<16xf32>
    %swap3A_1143 = vector.shape_cast %broadcast_in_dim3A_4 : vector<16xf32> to vector<16xf32>
    tpu.vector_store %arg6[%swap3A_1140], %swap3A_1143 {strides = array<i32>} : memref<8192xf32, #tpu.memory_space<vmem>>, vector<16xf32>,
    %swap3A_1144 = arith.constant 4560 : index
    %swap3A_1145 = tpu.vector_load %arg6[%swap3A_1144] {strides = array<i32>} : memref<8192xf32, #tpu.memory_space<vmem>>, vector<16xf32>,
    %swap3A_1146 = vector.shape_cast %swap3A_1145 : vector<16xf32> to vector<16xf32>
    %swap3A_1147 = vector.shape_cast %broadcast_in_dim3A_4 : vector<16xf32> to vector<16xf32>
    tpu.vector_store %arg6[%swap3A_1144], %swap3A_1147 {strides = array<i32>} : memref<8192xf32, #tpu.memory_space<vmem>>, vector<16xf32>,
    %swap3A_1148 = arith.constant 4576 : index
    %swap3A_1149 = tpu.vector_load %arg6[%swap3A_1148] {strides = array<i32>} : memref<8192xf32, #tpu.memory_space<vmem>>, vector<16xf32>,
    %swap3A_1150 = vector.shape_cast %swap3A_1149 : vector<16xf32> to vector<16xf32>
    %swap3A_1151 = vector.shape_cast %broadcast_in_dim3A_4 : vector<16xf32> to vector<16xf32>
    tpu.vector_store %arg6[%swap3A_1148], %swap3A_1151 {strides = array<i32>} : memref<8192xf32, #tpu.memory_space<vmem>>, vector<16xf32>,
    %swap3A_1152 = arith.constant 4592 : index
    %swap3A_1153 = tpu.vector_load %arg6[%swap3A_1152] {strides = array<i32>} : memref<8192xf32, #tpu.memory_space<vmem>>, vector<16xf32>,
    %swap3A_1154 = vector.shape_cast %swap3A_1153 : vector<16xf32> to vector<16xf32>
    %swap3A_1155 = vector.shape_cast %broadcast_in_dim3A_4 : vector<16xf32> to vector<16xf32>
    tpu.vector_store %arg6[%swap3A_1152], %swap3A_1155 {strides = array<i32>} : memref<8192xf32, #tpu.memory_space<vmem>>, vector<16xf32>,
    %swap3A_1156 = arith.constant 4608 : index
    %swap3A_1157 = tpu.vector_load %arg6[%swap3A_1156] {strides = array<i32>} : memref<8192xf32, #tpu.memory_space<vmem>>, vector<16xf32>,
    %swap3A_1158 = vector.shape_cast %swap3A_1157 : vector<16xf32> to vector<16xf32>
    %swap3A_1159 = vector.shape_cast %broadcast_in_dim3A_4 : vector<16xf32> to vector<16xf32>
    tpu.vector_store %arg6[%swap3A_1156], %swap3A_1159 {strides = array<i32>} : memref<8192xf32, #tpu.memory_space<vmem>>, vector<16xf32>,
    %swap3A_1160 = arith.constant 4624 : index
    %swap3A_1161 = tpu.vector_load %arg6[%swap3A_1160] {strides = array<i32>} : memref<8192xf32, #tpu.memory_space<vmem>>, vector<16xf32>,
    %swap3A_1162 = vector.shape_cast %swap3A_1161 : vector<16xf32> to vector<16xf32>
    %swap3A_1163 = vector.shape_cast %broadcast_in_dim3A_4 : vector<16xf32> to vector<16xf32>
    tpu.vector_store %arg6[%swap3A_1160], %swap3A_1163 {strides = array<i32>} : memref<8192xf32, #tpu.memory_space<vmem>>, vector<16xf32>,
    %swap3A_1164 = arith.constant 4640 : index
    %swap3A_1165 = tpu.vector_load %arg6[%swap3A_1164] {strides = array<i32>} : memref<8192xf32, #tpu.memory_space<vmem>>, vector<16xf32>,
    %swap3A_1166 = vector.shape_cast %swap3A_1165 : vector<16xf32> to vector<16xf32>
    %swap3A_1167 = vector.shape_cast %broadcast_in_dim3A_4 : vector<16xf32> to vector<16xf32>
    tpu.vector_store %arg6[%swap3A_1164], %swap3A_1167 {strides = array<i32>} : memref<8192xf32, #tpu.memory_space<vmem>>, vector<16xf32>,
    %swap3A_1168 = arith.constant 4656 : index
    %swap3A_1169 = tpu.vector_load %arg6[%swap3A_1168] {strides = array<i32>} : memref<8192xf32, #tpu.memory_space<vmem>>, vector<16xf32>,
    %swap3A_1170 = vector.shape_cast %swap3A_1169 : vector<16xf32> to vector<16xf32>
    %swap3A_1171 = vector.shape_cast %broadcast_in_dim3A_4 : vector<16xf32> to vector<16xf32>
    tpu.vector_store %arg6[%swap3A_1168], %swap3A_1171 {strides = array<i32>} : memref<8192xf32, #tpu.memory_space<vmem>>, vector<16xf32>,
    %swap3A_1172 = arith.constant 4672 : index
    %swap3A_1173 = tpu.vector_load %arg6[%swap3A_1172] {strides = array<i32>} : memref<8192xf32, #tpu.memory_space<vmem>>, vector<16xf32>,
    %swap3A_1174 = vector.shape_cast %swap3A_1173 : vector<16xf32> to vector<16xf32>
    %swap3A_1175 = vector.shape_cast %broadcast_in_dim3A_4 : vector<16xf32> to vector<16xf32>
    tpu.vector_store %arg6[%swap3A_1172], %swap3A_1175 {strides = array<i32>} : memref<8192xf32, #tpu.memory_space<vmem>>, vector<16xf32>,
    %swap3A_1176 = arith.constant 4688 : index
    %swap3A_1177 = tpu.vector_load %arg6[%swap3A_1176] {strides = array<i32>} : memref<8192xf32, #tpu.memory_space<vmem>>, vector<16xf32>,
    %swap3A_1178 = vector.shape_cast %swap3A_1177 : vector<16xf32> to vector<16xf32>
    %swap3A_1179 = vector.shape_cast %broadcast_in_dim3A_4 : vector<16xf32> to vector<16xf32>
    tpu.vector_store %arg6[%swap3A_1176], %swap3A_1179 {strides = array<i32>} : memref<8192xf32, #tpu.memory_space<vmem>>, vector<16xf32>,
    %swap3A_1180 = arith.constant 4704 : index
    %swap3A_1181 = tpu.vector_load %arg6[%swap3A_1180] {strides = array<i32>} : memref<8192xf32, #tpu.memory_space<vmem>>, vector<16xf32>,
    %swap3A_1182 = vector.shape_cast %swap3A_1181 : vector<16xf32> to vector<16xf32>
    %swap3A_1183 = vector.shape_cast %broadcast_in_dim3A_4 : vector<16xf32> to vector<16xf32>
    tpu.vector_store %arg6[%swap3A_1180], %swap3A_1183 {strides = array<i32>} : memref<8192xf32, #tpu.memory_space<vmem>>, vector<16xf32>,
    %swap3A_1184 = arith.constant 4720 : index
    %swap3A_1185 = tpu.vector_load %arg6[%swap3A_1184] {strides = array<i32>} : memref<8192xf32, #tpu.memory_space<vmem>>, vector<16xf32>,
    %swap3A_1186 = vector.shape_cast %swap3A_1185 : vector<16xf32> to vector<16xf32>
    %swap3A_1187 = vector.shape_cast %broadcast_in_dim3A_4 : vector<16xf32> to vector<16xf32>
    tpu.vector_store %arg6[%swap3A_1184], %swap3A_1187 {strides = array<i32>} : memref<8192xf32, #tpu.memory_space<vmem>>, vector<16xf32>,
    %swap3A_1188 = arith.constant 4736 : index
    %swap3A_1189 = tpu.vector_load %arg6[%swap3A_1188] {strides = array<i32>} : memref<8192xf32, #tpu.memory_space<vmem>>, vector<16xf32>,
    %swap3A_1190 = vector.shape_cast %swap3A_1189 : vector<16xf32> to vector<16xf32>
    %swap3A_1191 = vector.shape_cast %broadcast_in_dim3A_4 : vector<16xf32> to vector<16xf32>
    tpu.vector_store %arg6[%swap3A_1188], %swap3A_1191 {strides = array<i32>} : memref<8192xf32, #tpu.memory_space<vmem>>, vector<16xf32>,
    %swap3A_1192 = arith.constant 4752 : index
    %swap3A_1193 = tpu.vector_load %arg6[%swap3A_1192] {strides = array<i32>} : memref<8192xf32, #tpu.memory_space<vmem>>, vector<16xf32>,
    %swap3A_1194 = vector.shape_cast %swap3A_1193 : vector<16xf32> to vector<16xf32>
    %swap3A_1195 = vector.shape_cast %broadcast_in_dim3A_4 : vector<16xf32> to vector<16xf32>
    tpu.vector_store %arg6[%swap3A_1192], %swap3A_1195 {strides = array<i32>} : memref<8192xf32, #tpu.memory_space<vmem>>, vector<16xf32>,
    %swap3A_1196 = arith.constant 4768 : index
    %swap3A_1197 = tpu.vector_load %arg6[%swap3A_1196] {strides = array<i32>} : memref<8192xf32, #tpu.memory_space<vmem>>, vector<16xf32>,
    %swap3A_1198 = vector.shape_cast %swap3A_1197 : vector<16xf32> to vector<16xf32>
    %swap3A_1199 = vector.shape_cast %broadcast_in_dim3A_4 : vector<16xf32> to vector<16xf32>
    tpu.vector_store %arg6[%swap3A_1196], %swap3A_1199 {strides = array<i32>} : memref<8192xf32, #tpu.memory_space<vmem>>, vector<16xf32>,
    %swap3A_1200 = arith.constant 4784 : index
    %swap3A_1201 = tpu.vector_load %arg6[%swap3A_1200] {strides = array<i32>} : memref<8192xf32, #tpu.memory_space<vmem>>, vector<16xf32>,
    %swap3A_1202 = vector.shape_cast %swap3A_1201 : vector<16xf32> to vector<16xf32>
    %swap3A_1203 = vector.shape_cast %broadcast_in_dim3A_4 : vector<16xf32> to vector<16xf32>
    tpu.vector_store %arg6[%swap3A_1200], %swap3A_1203 {strides = array<i32>} : memref<8192xf32, #tpu.memory_space<vmem>>, vector<16xf32>,
    %swap3A_1204 = arith.constant 4800 : index
    %swap3A_1205 = tpu.vector_load %arg6[%swap3A_1204] {strides = array<i32>} : memref<8192xf32, #tpu.memory_space<vmem>>, vector<16xf32>,
    %swap3A_1206 = vector.shape_cast %swap3A_1205 : vector<16xf32> to vector<16xf32>
    %swap3A_1207 = vector.shape_cast %broadcast_in_dim3A_4 : vector<16xf32> to vector<16xf32>
    tpu.vector_store %arg6[%swap3A_1204], %swap3A_1207 {strides = array<i32>} : memref<8192xf32, #tpu.memory_space<vmem>>, vector<16xf32>,
    %swap3A_1208 = arith.constant 4816 : index
    %swap3A_1209 = tpu.vector_load %arg6[%swap3A_1208] {strides = array<i32>} : memref<8192xf32, #tpu.memory_space<vmem>>, vector<16xf32>,
    %swap3A_1210 = vector.shape_cast %swap3A_1209 : vector<16xf32> to vector<16xf32>
    %swap3A_1211 = vector.shape_cast %broadcast_in_dim3A_4 : vector<16xf32> to vector<16xf32>
    tpu.vector_store %arg6[%swap3A_1208], %swap3A_1211 {strides = array<i32>} : memref<8192xf32, #tpu.memory_space<vmem>>, vector<16xf32>,
    %swap3A_1212 = arith.constant 4832 : index
    %swap3A_1213 = tpu.vector_load %arg6[%swap3A_1212] {strides = array<i32>} : memref<8192xf32, #tpu.memory_space<vmem>>, vector<16xf32>,
    %swap3A_1214 = vector.shape_cast %swap3A_1213 : vector<16xf32> to vector<16xf32>
    %swap3A_1215 = vector.shape_cast %broadcast_in_dim3A_4 : vector<16xf32> to vector<16xf32>
    tpu.vector_store %arg6[%swap3A_1212], %swap3A_1215 {strides = array<i32>} : memref<8192xf32, #tpu.memory_space<vmem>>, vector<16xf32>,
    %swap3A_1216 = arith.constant 4848 : index
    %swap3A_1217 = tpu.vector_load %arg6[%swap3A_1216] {strides = array<i32>} : memref<8192xf32, #tpu.memory_space<vmem>>, vector<16xf32>,
    %swap3A_1218 = vector.shape_cast %swap3A_1217 : vector<16xf32> to vector<16xf32>
    %swap3A_1219 = vector.shape_cast %broadcast_in_dim3A_4 : vector<16xf32> to vector<16xf32>
    tpu.vector_store %arg6[%swap3A_1216], %swap3A_1219 {strides = array<i32>} : memref<8192xf32, #tpu.memory_space<vmem>>, vector<16xf32>,
    %swap3A_1220 = arith.constant 4864 : index
    %swap3A_1221 = tpu.vector_load %arg6[%swap3A_1220] {strides = array<i32>} : memref<8192xf32, #tpu.memory_space<vmem>>, vector<16xf32>,
    %swap3A_1222 = vector.shape_cast %swap3A_1221 : vector<16xf32> to vector<16xf32>
    %swap3A_1223 = vector.shape_cast %broadcast_in_dim3A_4 : vector<16xf32> to vector<16xf32>
    tpu.vector_store %arg6[%swap3A_1220], %swap3A_1223 {strides = array<i32>} : memref<8192xf32, #tpu.memory_space<vmem>>, vector<16xf32>,
    %swap3A_1224 = arith.constant 4880 : index
    %swap3A_1225 = tpu.vector_load %arg6[%swap3A_1224] {strides = array<i32>} : memref<8192xf32, #tpu.memory_space<vmem>>, vector<16xf32>,
    %swap3A_1226 = vector.shape_cast %swap3A_1225 : vector<16xf32> to vector<16xf32>
    %swap3A_1227 = vector.shape_cast %broadcast_in_dim3A_4 : vector<16xf32> to vector<16xf32>
    tpu.vector_store %arg6[%swap3A_1224], %swap3A_1227 {strides = array<i32>} : memref<8192xf32, #tpu.memory_space<vmem>>, vector<16xf32>,
    %swap3A_1228 = arith.constant 4896 : index
    %swap3A_1229 = tpu.vector_load %arg6[%swap3A_1228] {strides = array<i32>} : memref<8192xf32, #tpu.memory_space<vmem>>, vector<16xf32>,
    %swap3A_1230 = vector.shape_cast %swap3A_1229 : vector<16xf32> to vector<16xf32>
    %swap3A_1231 = vector.shape_cast %broadcast_in_dim3A_4 : vector<16xf32> to vector<16xf32>
    tpu.vector_store %arg6[%swap3A_1228], %swap3A_1231 {strides = array<i32>} : memref<8192xf32, #tpu.memory_space<vmem>>, vector<16xf32>,
    %swap3A_1232 = arith.constant 4912 : index
    %swap3A_1233 = tpu.vector_load %arg6[%swap3A_1232] {strides = array<i32>} : memref<8192xf32, #tpu.memory_space<vmem>>, vector<16xf32>,
    %swap3A_1234 = vector.shape_cast %swap3A_1233 : vector<16xf32> to vector<16xf32>
    %swap3A_1235 = vector.shape_cast %broadcast_in_dim3A_4 : vector<16xf32> to vector<16xf32>
    tpu.vector_store %arg6[%swap3A_1232], %swap3A_1235 {strides = array<i32>} : memref<8192xf32, #tpu.memory_space<vmem>>, vector<16xf32>,
    %swap3A_1236 = arith.constant 4928 : index
    %swap3A_1237 = tpu.vector_load %arg6[%swap3A_1236] {strides = array<i32>} : memref<8192xf32, #tpu.memory_space<vmem>>, vector<16xf32>,
    %swap3A_1238 = vector.shape_cast %swap3A_1237 : vector<16xf32> to vector<16xf32>
    %swap3A_1239 = vector.shape_cast %broadcast_in_dim3A_4 : vector<16xf32> to vector<16xf32>
    tpu.vector_store %arg6[%swap3A_1236], %swap3A_1239 {strides = array<i32>} : memref<8192xf32, #tpu.memory_space<vmem>>, vector<16xf32>,
    %swap3A_1240 = arith.constant 4944 : index
    %swap3A_1241 = tpu.vector_load %arg6[%swap3A_1240] {strides = array<i32>} : memref<8192xf32, #tpu.memory_space<vmem>>, vector<16xf32>,
    %swap3A_1242 = vector.shape_cast %swap3A_1241 : vector<16xf32> to vector<16xf32>
    %swap3A_1243 = vector.shape_cast %broadcast_in_dim3A_4 : vector<16xf32> to vector<16xf32>
    tpu.vector_store %arg6[%swap3A_1240], %swap3A_1243 {strides = array<i32>} : memref<8192xf32, #tpu.memory_space<vmem>>, vector<16xf32>,
    %swap3A_1244 = arith.constant 4960 : index
    %swap3A_1245 = tpu.vector_load %arg6[%swap3A_1244] {strides = array<i32>} : memref<8192xf32, #tpu.memory_space<vmem>>, vector<16xf32>,
    %swap3A_1246 = vector.shape_cast %swap3A_1245 : vector<16xf32> to vector<16xf32>
    %swap3A_1247 = vector.shape_cast %broadcast_in_dim3A_4 : vector<16xf32> to vector<16xf32>
    tpu.vector_store %arg6[%swap3A_1244], %swap3A_1247 {strides = array<i32>} : memref<8192xf32, #tpu.memory_space<vmem>>, vector<16xf32>,
    %swap3A_1248 = arith.constant 4976 : index
    %swap3A_1249 = tpu.vector_load %arg6[%swap3A_1248] {strides = array<i32>} : memref<8192xf32, #tpu.memory_space<vmem>>, vector<16xf32>,
    %swap3A_1250 = vector.shape_cast %swap3A_1249 : vector<16xf32> to vector<16xf32>
    %swap3A_1251 = vector.shape_cast %broadcast_in_dim3A_4 : vector<16xf32> to vector<16xf32>
    tpu.vector_store %arg6[%swap3A_1248], %swap3A_1251 {strides = array<i32>} : memref<8192xf32, #tpu.memory_space<vmem>>, vector<16xf32>,
    %swap3A_1252 = arith.constant 4992 : index
    %swap3A_1253 = tpu.vector_load %arg6[%swap3A_1252] {strides = array<i32>} : memref<8192xf32, #tpu.memory_space<vmem>>, vector<16xf32>,
    %swap3A_1254 = vector.shape_cast %swap3A_1253 : vector<16xf32> to vector<16xf32>
    %swap3A_1255 = vector.shape_cast %broadcast_in_dim3A_4 : vector<16xf32> to vector<16xf32>
    tpu.vector_store %arg6[%swap3A_1252], %swap3A_1255 {strides = array<i32>} : memref<8192xf32, #tpu.memory_space<vmem>>, vector<16xf32>,
    %swap3A_1256 = arith.constant 5008 : index
    %swap3A_1257 = tpu.vector_load %arg6[%swap3A_1256] {strides = array<i32>} : memref<8192xf32, #tpu.memory_space<vmem>>, vector<16xf32>,
    %swap3A_1258 = vector.shape_cast %swap3A_1257 : vector<16xf32> to vector<16xf32>
    %swap3A_1259 = vector.shape_cast %broadcast_in_dim3A_4 : vector<16xf32> to vector<16xf32>
    tpu.vector_store %arg6[%swap3A_1256], %swap3A_1259 {strides = array<i32>} : memref<8192xf32, #tpu.memory_space<vmem>>, vector<16xf32>,
    %swap3A_1260 = arith.constant 5024 : index
    %swap3A_1261 = tpu.vector_load %arg6[%swap3A_1260] {strides = array<i32>} : memref<8192xf32, #tpu.memory_space<vmem>>, vector<16xf32>,
    %swap3A_1262 = vector.shape_cast %swap3A_1261 : vector<16xf32> to vector<16xf32>
    %swap3A_1263 = vector.shape_cast %broadcast_in_dim3A_4 : vector<16xf32> to vector<16xf32>
    tpu.vector_store %arg6[%swap3A_1260], %swap3A_1263 {strides = array<i32>} : memref<8192xf32, #tpu.memory_space<vmem>>, vector<16xf32>,
    %swap3A_1264 = arith.constant 5040 : index
    %swap3A_1265 = tpu.vector_load %arg6[%swap3A_1264] {strides = array<i32>} : memref<8192xf32, #tpu.memory_space<vmem>>, vector<16xf32>,
    %swap3A_1266 = vector.shape_cast %swap3A_1265 : vector<16xf32> to vector<16xf32>
    %swap3A_1267 = vector.shape_cast %broadcast_in_dim3A_4 : vector<16xf32> to vector<16xf32>
    tpu.vector_store %arg6[%swap3A_1264], %swap3A_1267 {strides = array<i32>} : memref<8192xf32, #tpu.memory_space<vmem>>, vector<16xf32>,
    %swap3A_1268 = arith.constant 5056 : index
    %swap3A_1269 = tpu.vector_load %arg6[%swap3A_1268] {strides = array<i32>} : memref<8192xf32, #tpu.memory_space<vmem>>, vector<16xf32>,
    %swap3A_1270 = vector.shape_cast %swap3A_1269 : vector<16xf32> to vector<16xf32>
    %swap3A_1271 = vector.shape_cast %broadcast_in_dim3A_4 : vector<16xf32> to vector<16xf32>
    tpu.vector_store %arg6[%swap3A_1268], %swap3A_1271 {strides = array<i32>} : memref<8192xf32, #tpu.memory_space<vmem>>, vector<16xf32>,
    %swap3A_1272 = arith.constant 5072 : index
    %swap3A_1273 = tpu.vector_load %arg6[%swap3A_1272] {strides = array<i32>} : memref<8192xf32, #tpu.memory_space<vmem>>, vector<16xf32>,
    %swap3A_1274 = vector.shape_cast %swap3A_1273 : vector<16xf32> to vector<16xf32>
    %swap3A_1275 = vector.shape_cast %broadcast_in_dim3A_4 : vector<16xf32> to vector<16xf32>
    tpu.vector_store %arg6[%swap3A_1272], %swap3A_1275 {strides = array<i32>} : memref<8192xf32, #tpu.memory_space<vmem>>, vector<16xf32>,
    %swap3A_1276 = arith.constant 5088 : index
    %swap3A_1277 = tpu.vector_load %arg6[%swap3A_1276] {strides = array<i32>} : memref<8192xf32, #tpu.memory_space<vmem>>, vector<16xf32>,
    %swap3A_1278 = vector.shape_cast %swap3A_1277 : vector<16xf32> to vector<16xf32>
    %swap3A_1279 = vector.shape_cast %broadcast_in_dim3A_4 : vector<16xf32> to vector<16xf32>
    tpu.vector_store %arg6[%swap3A_1276], %swap3A_1279 {strides = array<i32>} : memref<8192xf32, #tpu.memory_space<vmem>>, vector<16xf32>,
    %swap3A_1280 = arith.constant 5104 : index
    %swap3A_1281 = tpu.vector_load %arg6[%swap3A_1280] {strides = array<i32>} : memref<8192xf32, #tpu.memory_space<vmem>>, vector<16xf32>,
    %swap3A_1282 = vector.shape_cast %swap3A_1281 : vector<16xf32> to vector<16xf32>
    %swap3A_1283 = vector.shape_cast %broadcast_in_dim3A_4 : vector<16xf32> to vector<16xf32>
    tpu.vector_store %arg6[%swap3A_1280], %swap3A_1283 {strides = array<i32>} : memref<8192xf32, #tpu.memory_space<vmem>>, vector<16xf32>,
    %swap3A_1284 = arith.constant 5120 : index
    %swap3A_1285 = tpu.vector_load %arg6[%swap3A_1284] {strides = array<i32>} : memref<8192xf32, #tpu.memory_space<vmem>>, vector<16xf32>,
    %swap3A_1286 = vector.shape_cast %swap3A_1285 : vector<16xf32> to vector<16xf32>
    %swap3A_1287 = vector.shape_cast %broadcast_in_dim3A_4 : vector<16xf32> to vector<16xf32>
    tpu.vector_store %arg6[%swap3A_1284], %swap3A_1287 {strides = array<i32>} : memref<8192xf32, #tpu.memory_space<vmem>>, vector<16xf32>,
    %swap3A_1288 = arith.constant 5136 : index
    %swap3A_1289 = tpu.vector_load %arg6[%swap3A_1288] {strides = array<i32>} : memref<8192xf32, #tpu.memory_space<vmem>>, vector<16xf32>,
    %swap3A_1290 = vector.shape_cast %swap3A_1289 : vector<16xf32> to vector<16xf32>
    %swap3A_1291 = vector.shape_cast %broadcast_in_dim3A_4 : vector<16xf32> to vector<16xf32>
    tpu.vector_store %arg6[%swap3A_1288], %swap3A_1291 {strides = array<i32>} : memref<8192xf32, #tpu.memory_space<vmem>>, vector<16xf32>,
    %swap3A_1292 = arith.constant 5152 : index
    %swap3A_1293 = tpu.vector_load %arg6[%swap3A_1292] {strides = array<i32>} : memref<8192xf32, #tpu.memory_space<vmem>>, vector<16xf32>,
    %swap3A_1294 = vector.shape_cast %swap3A_1293 : vector<16xf32> to vector<16xf32>
    %swap3A_1295 = vector.shape_cast %broadcast_in_dim3A_4 : vector<16xf32> to vector<16xf32>
    tpu.vector_store %arg6[%swap3A_1292], %swap3A_1295 {strides = array<i32>} : memref<8192xf32, #tpu.memory_space<vmem>>, vector<16xf32>,
    %swap3A_1296 = arith.constant 5168 : index
    %swap3A_1297 = tpu.vector_load %arg6[%swap3A_1296] {strides = array<i32>} : memref<8192xf32, #tpu.memory_space<vmem>>, vector<16xf32>,
    %swap3A_1298 = vector.shape_cast %swap3A_1297 : vector<16xf32> to vector<16xf32>
    %swap3A_1299 = vector.shape_cast %broadcast_in_dim3A_4 : vector<16xf32> to vector<16xf32>
    tpu.vector_store %arg6[%swap3A_1296], %swap3A_1299 {strides = array<i32>} : memref<8192xf32, #tpu.memory_space<vmem>>, vector<16xf32>,
    %swap3A_1300 = arith.constant 5184 : index
    %swap3A_1301 = tpu.vector_load %arg6[%swap3A_1300] {strides = array<i32>} : memref<8192xf32, #tpu.memory_space<vmem>>, vector<16xf32>,
    %swap3A_1302 = vector.shape_cast %swap3A_1301 : vector<16xf32> to vector<16xf32>
    %swap3A_1303 = vector.shape_cast %broadcast_in_dim3A_4 : vector<16xf32> to vector<16xf32>
    tpu.vector_store %arg6[%swap3A_1300], %swap3A_1303 {strides = array<i32>} : memref<8192xf32, #tpu.memory_space<vmem>>, vector<16xf32>,
    %swap3A_1304 = arith.constant 5200 : index
    %swap3A_1305 = tpu.vector_load %arg6[%swap3A_1304] {strides = array<i32>} : memref<8192xf32, #tpu.memory_space<vmem>>, vector<16xf32>,
    %swap3A_1306 = vector.shape_cast %swap3A_1305 : vector<16xf32> to vector<16xf32>
    %swap3A_1307 = vector.shape_cast %broadcast_in_dim3A_4 : vector<16xf32> to vector<16xf32>
    tpu.vector_store %arg6[%swap3A_1304], %swap3A_1307 {strides = array<i32>} : memref<8192xf32, #tpu.memory_space<vmem>>, vector<16xf32>,
    %swap3A_1308 = arith.constant 5216 : index
    %swap3A_1309 = tpu.vector_load %arg6[%swap3A_1308] {strides = array<i32>} : memref<8192xf32, #tpu.memory_space<vmem>>, vector<16xf32>,
    %swap3A_1310 = vector.shape_cast %swap3A_1309 : vector<16xf32> to vector<16xf32>
    %swap3A_1311 = vector.shape_cast %broadcast_in_dim3A_4 : vector<16xf32> to vector<16xf32>
    tpu.vector_store %arg6[%swap3A_1308], %swap3A_1311 {strides = array<i32>} : memref<8192xf32, #tpu.memory_space<vmem>>, vector<16xf32>,
    %swap3A_1312 = arith.constant 5232 : index
    %swap3A_1313 = tpu.vector_load %arg6[%swap3A_1312] {strides = array<i32>} : memref<8192xf32, #tpu.memory_space<vmem>>, vector<16xf32>,
    %swap3A_1314 = vector.shape_cast %swap3A_1313 : vector<16xf32> to vector<16xf32>
    %swap3A_1315 = vector.shape_cast %broadcast_in_dim3A_4 : vector<16xf32> to vector<16xf32>
    tpu.vector_store %arg6[%swap3A_1312], %swap3A_1315 {strides = array<i32>} : memref<8192xf32, #tpu.memory_space<vmem>>, vector<16xf32>,
    %swap3A_1316 = arith.constant 5248 : index
    %swap3A_1317 = tpu.vector_load %arg6[%swap3A_1316] {strides = array<i32>} : memref<8192xf32, #tpu.memory_space<vmem>>, vector<16xf32>,
    %swap3A_1318 = vector.shape_cast %swap3A_1317 : vector<16xf32> to vector<16xf32>
    %swap3A_1319 = vector.shape_cast %broadcast_in_dim3A_4 : vector<16xf32> to vector<16xf32>
    tpu.vector_store %arg6[%swap3A_1316], %swap3A_1319 {strides = array<i32>} : memref<8192xf32, #tpu.memory_space<vmem>>, vector<16xf32>,
    %swap3A_1320 = arith.constant 5264 : index
    %swap3A_1321 = tpu.vector_load %arg6[%swap3A_1320] {strides = array<i32>} : memref<8192xf32, #tpu.memory_space<vmem>>, vector<16xf32>,
    %swap3A_1322 = vector.shape_cast %swap3A_1321 : vector<16xf32> to vector<16xf32>
    %swap3A_1323 = vector.shape_cast %broadcast_in_dim3A_4 : vector<16xf32> to vector<16xf32>
    tpu.vector_store %arg6[%swap3A_1320], %swap3A_1323 {strides = array<i32>} : memref<8192xf32, #tpu.memory_space<vmem>>, vector<16xf32>,
    %swap3A_1324 = arith.constant 5280 : index
    %swap3A_1325 = tpu.vector_load %arg6[%swap3A_1324] {strides = array<i32>} : memref<8192xf32, #tpu.memory_space<vmem>>, vector<16xf32>,
    %swap3A_1326 = vector.shape_cast %swap3A_1325 : vector<16xf32> to vector<16xf32>
    %swap3A_1327 = vector.shape_cast %broadcast_in_dim3A_4 : vector<16xf32> to vector<16xf32>
    tpu.vector_store %arg6[%swap3A_1324], %swap3A_1327 {strides = array<i32>} : memref<8192xf32, #tpu.memory_space<vmem>>, vector<16xf32>,
    %swap3A_1328 = arith.constant 5296 : index
    %swap3A_1329 = tpu.vector_load %arg6[%swap3A_1328] {strides = array<i32>} : memref<8192xf32, #tpu.memory_space<vmem>>, vector<16xf32>,
    %swap3A_1330 = vector.shape_cast %swap3A_1329 : vector<16xf32> to vector<16xf32>
    %swap3A_1331 = vector.shape_cast %broadcast_in_dim3A_4 : vector<16xf32> to vector<16xf32>
    tpu.vector_store %arg6[%swap3A_1328], %swap3A_1331 {strides = array<i32>} : memref<8192xf32, #tpu.memory_space<vmem>>, vector<16xf32>,
    %swap3A_1332 = arith.constant 5312 : index
    %swap3A_1333 = tpu.vector_load %arg6[%swap3A_1332] {strides = array<i32>} : memref<8192xf32, #tpu.memory_space<vmem>>, vector<16xf32>,
    %swap3A_1334 = vector.shape_cast %swap3A_1333 : vector<16xf32> to vector<16xf32>
    %swap3A_1335 = vector.shape_cast %broadcast_in_dim3A_4 : vector<16xf32> to vector<16xf32>
    tpu.vector_store %arg6[%swap3A_1332], %swap3A_1335 {strides = array<i32>} : memref<8192xf32, #tpu.memory_space<vmem>>, vector<16xf32>,
    %swap3A_1336 = arith.constant 5328 : index
    %swap3A_1337 = tpu.vector_load %arg6[%swap3A_1336] {strides = array<i32>} : memref<8192xf32, #tpu.memory_space<vmem>>, vector<16xf32>,
    %swap3A_1338 = vector.shape_cast %swap3A_1337 : vector<16xf32> to vector<16xf32>
    %swap3A_1339 = vector.shape_cast %broadcast_in_dim3A_4 : vector<16xf32> to vector<16xf32>
    tpu.vector_store %arg6[%swap3A_1336], %swap3A_1339 {strides = array<i32>} : memref<8192xf32, #tpu.memory_space<vmem>>, vector<16xf32>,
    %swap3A_1340 = arith.constant 5344 : index
    %swap3A_1341 = tpu.vector_load %arg6[%swap3A_1340] {strides = array<i32>} : memref<8192xf32, #tpu.memory_space<vmem>>, vector<16xf32>,
    %swap3A_1342 = vector.shape_cast %swap3A_1341 : vector<16xf32> to vector<16xf32>
    %swap3A_1343 = vector.shape_cast %broadcast_in_dim3A_4 : vector<16xf32> to vector<16xf32>
    tpu.vector_store %arg6[%swap3A_1340], %swap3A_1343 {strides = array<i32>} : memref<8192xf32, #tpu.memory_space<vmem>>, vector<16xf32>,
    %swap3A_1344 = arith.constant 5360 : index
    %swap3A_1345 = tpu.vector_load %arg6[%swap3A_1344] {strides = array<i32>} : memref<8192xf32, #tpu.memory_space<vmem>>, vector<16xf32>,
    %swap3A_1346 = vector.shape_cast %swap3A_1345 : vector<16xf32> to vector<16xf32>
    %swap3A_1347 = vector.shape_cast %broadcast_in_dim3A_4 : vector<16xf32> to vector<16xf32>
    tpu.vector_store %arg6[%swap3A_1344], %swap3A_1347 {strides = array<i32>} : memref<8192xf32, #tpu.memory_space<vmem>>, vector<16xf32>,
    %swap3A_1348 = arith.constant 5376 : index
    %swap3A_1349 = tpu.vector_load %arg6[%swap3A_1348] {strides = array<i32>} : memref<8192xf32, #tpu.memory_space<vmem>>, vector<16xf32>,
    %swap3A_1350 = vector.shape_cast %swap3A_1349 : vector<16xf32> to vector<16xf32>
    %swap3A_1351 = vector.shape_cast %broadcast_in_dim3A_4 : vector<16xf32> to vector<16xf32>
    tpu.vector_store %arg6[%swap3A_1348], %swap3A_1351 {strides = array<i32>} : memref<8192xf32, #tpu.memory_space<vmem>>, vector<16xf32>,
    %swap3A_1352 = arith.constant 5392 : index
    %swap3A_1353 = tpu.vector_load %arg6[%swap3A_1352] {strides = array<i32>} : memref<8192xf32, #tpu.memory_space<vmem>>, vector<16xf32>,
    %swap3A_1354 = vector.shape_cast %swap3A_1353 : vector<16xf32> to vector<16xf32>
    %swap3A_1355 = vector.shape_cast %broadcast_in_dim3A_4 : vector<16xf32> to vector<16xf32>
    tpu.vector_store %arg6[%swap3A_1352], %swap3A_1355 {strides = array<i32>} : memref<8192xf32, #tpu.memory_space<vmem>>, vector<16xf32>,
    %swap3A_1356 = arith.constant 5408 : index
    %swap3A_1357 = tpu.vector_load %arg6[%swap3A_1356] {strides = array<i32>} : memref<8192xf32, #tpu.memory_space<vmem>>, vector<16xf32>,
    %swap3A_1358 = vector.shape_cast %swap3A_1357 : vector<16xf32> to vector<16xf32>
    %swap3A_1359 = vector.shape_cast %broadcast_in_dim3A_4 : vector<16xf32> to vector<16xf32>
    tpu.vector_store %arg6[%swap3A_1356], %swap3A_1359 {strides = array<i32>} : memref<8192xf32, #tpu.memory_space<vmem>>, vector<16xf32>,
    %swap3A_1360 = arith.constant 5424 : index
    %swap3A_1361 = tpu.vector_load %arg6[%swap3A_1360] {strides = array<i32>} : memref<8192xf32, #tpu.memory_space<vmem>>, vector<16xf32>,
    %swap3A_1362 = vector.shape_cast %swap3A_1361 : vector<16xf32> to vector<16xf32>
    %swap3A_1363 = vector.shape_cast %broadcast_in_dim3A_4 : vector<16xf32> to vector<16xf32>
    tpu.vector_store %arg6[%swap3A_1360], %swap3A_1363 {strides = array<i32>} : memref<8192xf32, #tpu.memory_space<vmem>>, vector<16xf32>,
    %swap3A_1364 = arith.constant 5440 : index
    %swap3A_1365 = tpu.vector_load %arg6[%swap3A_1364] {strides = array<i32>} : memref<8192xf32, #tpu.memory_space<vmem>>, vector<16xf32>,
    %swap3A_1366 = vector.shape_cast %swap3A_1365 : vector<16xf32> to vector<16xf32>
    %swap3A_1367 = vector.shape_cast %broadcast_in_dim3A_4 : vector<16xf32> to vector<16xf32>
    tpu.vector_store %arg6[%swap3A_1364], %swap3A_1367 {strides = array<i32>} : memref<8192xf32, #tpu.memory_space<vmem>>, vector<16xf32>,
    %swap3A_1368 = arith.constant 5456 : index
    %swap3A_1369 = tpu.vector_load %arg6[%swap3A_1368] {strides = array<i32>} : memref<8192xf32, #tpu.memory_space<vmem>>, vector<16xf32>,
    %swap3A_1370 = vector.shape_cast %swap3A_1369 : vector<16xf32> to vector<16xf32>
    %swap3A_1371 = vector.shape_cast %broadcast_in_dim3A_4 : vector<16xf32> to vector<16xf32>
    tpu.vector_store %arg6[%swap3A_1368], %swap3A_1371 {strides = array<i32>} : memref<8192xf32, #tpu.memory_space<vmem>>, vector<16xf32>,
    %swap3A_1372 = arith.constant 5472 : index
    %swap3A_1373 = tpu.vector_load %arg6[%swap3A_1372] {strides = array<i32>} : memref<8192xf32, #tpu.memory_space<vmem>>, vector<16xf32>,
    %swap3A_1374 = vector.shape_cast %swap3A_1373 : vector<16xf32> to vector<16xf32>
    %swap3A_1375 = vector.shape_cast %broadcast_in_dim3A_4 : vector<16xf32> to vector<16xf32>
    tpu.vector_store %arg6[%swap3A_1372], %swap3A_1375 {strides = array<i32>} : memref<8192xf32, #tpu.memory_space<vmem>>, vector<16xf32>,
    %swap3A_1376 = arith.constant 5488 : index
    %swap3A_1377 = tpu.vector_load %arg6[%swap3A_1376] {strides = array<i32>} : memref<8192xf32, #tpu.memory_space<vmem>>, vector<16xf32>,
    %swap3A_1378 = vector.shape_cast %swap3A_1377 : vector<16xf32> to vector<16xf32>
    %swap3A_1379 = vector.shape_cast %broadcast_in_dim3A_4 : vector<16xf32> to vector<16xf32>
    tpu.vector_store %arg6[%swap3A_1376], %swap3A_1379 {strides = array<i32>} : memref<8192xf32, #tpu.memory_space<vmem>>, vector<16xf32>,
    %swap3A_1380 = arith.constant 5504 : index
    %swap3A_1381 = tpu.vector_load %arg6[%swap3A_1380] {strides = array<i32>} : memref<8192xf32, #tpu.memory_space<vmem>>, vector<16xf32>,
    %swap3A_1382 = vector.shape_cast %swap3A_1381 : vector<16xf32> to vector<16xf32>
    %swap3A_1383 = vector.shape_cast %broadcast_in_dim3A_4 : vector<16xf32> to vector<16xf32>
    tpu.vector_store %arg6[%swap3A_1380], %swap3A_1383 {strides = array<i32>} : memref<8192xf32, #tpu.memory_space<vmem>>, vector<16xf32>,
    %swap3A_1384 = arith.constant 5520 : index
    %swap3A_1385 = tpu.vector_load %arg6[%swap3A_1384] {strides = array<i32>} : memref<8192xf32, #tpu.memory_space<vmem>>, vector<16xf32>,
    %swap3A_1386 = vector.shape_cast %swap3A_1385 : vector<16xf32> to vector<16xf32>
    %swap3A_1387 = vector.shape_cast %broadcast_in_dim3A_4 : vector<16xf32> to vector<16xf32>
    tpu.vector_store %arg6[%swap3A_1384], %swap3A_1387 {strides = array<i32>} : memref<8192xf32, #tpu.memory_space<vmem>>, vector<16xf32>,
    %swap3A_1388 = arith.constant 5536 : index
    %swap3A_1389 = tpu.vector_load %arg6[%swap3A_1388] {strides = array<i32>} : memref<8192xf32, #tpu.memory_space<vmem>>, vector<16xf32>,
    %swap3A_1390 = vector.shape_cast %swap3A_1389 : vector<16xf32> to vector<16xf32>
    %swap3A_1391 = vector.shape_cast %broadcast_in_dim3A_4 : vector<16xf32> to vector<16xf32>
    tpu.vector_store %arg6[%swap3A_1388], %swap3A_1391 {strides = array<i32>} : memref<8192xf32, #tpu.memory_space<vmem>>, vector<16xf32>,
    %swap3A_1392 = arith.constant 5552 : index
    %swap3A_1393 = tpu.vector_load %arg6[%swap3A_1392] {strides = array<i32>} : memref<8192xf32, #tpu.memory_space<vmem>>, vector<16xf32>,
    %swap3A_1394 = vector.shape_cast %swap3A_1393 : vector<16xf32> to vector<16xf32>
    %swap3A_1395 = vector.shape_cast %broadcast_in_dim3A_4 : vector<16xf32> to vector<16xf32>
    tpu.vector_store %arg6[%swap3A_1392], %swap3A_1395 {strides = array<i32>} : memref<8192xf32, #tpu.memory_space<vmem>>, vector<16xf32>,
    %swap3A_1396 = arith.constant 5568 : index
    %swap3A_1397 = tpu.vector_load %arg6[%swap3A_1396] {strides = array<i32>} : memref<8192xf32, #tpu.memory_space<vmem>>, vector<16xf32>,
    %swap3A_1398 = vector.shape_cast %swap3A_1397 : vector<16xf32> to vector<16xf32>
    %swap3A_1399 = vector.shape_cast %broadcast_in_dim3A_4 : vector<16xf32> to vector<16xf32>
    tpu.vector_store %arg6[%swap3A_1396], %swap3A_1399 {strides = array<i32>} : memref<8192xf32, #tpu.memory_space<vmem>>, vector<16xf32>,
    %swap3A_1400 = arith.constant 5584 : index
    %swap3A_1401 = tpu.vector_load %arg6[%swap3A_1400] {strides = array<i32>} : memref<8192xf32, #tpu.memory_space<vmem>>, vector<16xf32>,
    %swap3A_1402 = vector.shape_cast %swap3A_1401 : vector<16xf32> to vector<16xf32>
    %swap3A_1403 = vector.shape_cast %broadcast_in_dim3A_4 : vector<16xf32> to vector<16xf32>
    tpu.vector_store %arg6[%swap3A_1400], %swap3A_1403 {strides = array<i32>} : memref<8192xf32, #tpu.memory_space<vmem>>, vector<16xf32>,
    %swap3A_1404 = arith.constant 5600 : index
    %swap3A_1405 = tpu.vector_load %arg6[%swap3A_1404] {strides = array<i32>} : memref<8192xf32, #tpu.memory_space<vmem>>, vector<16xf32>,
    %swap3A_1406 = vector.shape_cast %swap3A_1405 : vector<16xf32> to vector<16xf32>
    %swap3A_1407 = vector.shape_cast %broadcast_in_dim3A_4 : vector<16xf32> to vector<16xf32>
    tpu.vector_store %arg6[%swap3A_1404], %swap3A_1407 {strides = array<i32>} : memref<8192xf32, #tpu.memory_space<vmem>>, vector<16xf32>,
    %swap3A_1408 = arith.constant 5616 : index
    %swap3A_1409 = tpu.vector_load %arg6[%swap3A_1408] {strides = array<i32>} : memref<8192xf32, #tpu.memory_space<vmem>>, vector<16xf32>,
    %swap3A_1410 = vector.shape_cast %swap3A_1409 : vector<16xf32> to vector<16xf32>
    %swap3A_1411 = vector.shape_cast %broadcast_in_dim3A_4 : vector<16xf32> to vector<16xf32>
    tpu.vector_store %arg6[%swap3A_1408], %swap3A_1411 {strides = array<i32>} : memref<8192xf32, #tpu.memory_space<vmem>>, vector<16xf32>,
    %swap3A_1412 = arith.constant 5632 : index
    %swap3A_1413 = tpu.vector_load %arg6[%swap3A_1412] {strides = array<i32>} : memref<8192xf32, #tpu.memory_space<vmem>>, vector<16xf32>,
    %swap3A_1414 = vector.shape_cast %swap3A_1413 : vector<16xf32> to vector<16xf32>
    %swap3A_1415 = vector.shape_cast %broadcast_in_dim3A_4 : vector<16xf32> to vector<16xf32>
    tpu.vector_store %arg6[%swap3A_1412], %swap3A_1415 {strides = array<i32>} : memref<8192xf32, #tpu.memory_space<vmem>>, vector<16xf32>,
    %swap3A_1416 = arith.constant 5648 : index
    %swap3A_1417 = tpu.vector_load %arg6[%swap3A_1416] {strides = array<i32>} : memref<8192xf32, #tpu.memory_space<vmem>>, vector<16xf32>,
    %swap3A_1418 = vector.shape_cast %swap3A_1417 : vector<16xf32> to vector<16xf32>
    %swap3A_1419 = vector.shape_cast %broadcast_in_dim3A_4 : vector<16xf32> to vector<16xf32>
    tpu.vector_store %arg6[%swap3A_1416], %swap3A_1419 {strides = array<i32>} : memref<8192xf32, #tpu.memory_space<vmem>>, vector<16xf32>,
    %swap3A_1420 = arith.constant 5664 : index
    %swap3A_1421 = tpu.vector_load %arg6[%swap3A_1420] {strides = array<i32>} : memref<8192xf32, #tpu.memory_space<vmem>>, vector<16xf32>,
    %swap3A_1422 = vector.shape_cast %swap3A_1421 : vector<16xf32> to vector<16xf32>
    %swap3A_1423 = vector.shape_cast %broadcast_in_dim3A_4 : vector<16xf32> to vector<16xf32>
    tpu.vector_store %arg6[%swap3A_1420], %swap3A_1423 {strides = array<i32>} : memref<8192xf32, #tpu.memory_space<vmem>>, vector<16xf32>,
    %swap3A_1424 = arith.constant 5680 : index
    %swap3A_1425 = tpu.vector_load %arg6[%swap3A_1424] {strides = array<i32>} : memref<8192xf32, #tpu.memory_space<vmem>>, vector<16xf32>,
    %swap3A_1426 = vector.shape_cast %swap3A_1425 : vector<16xf32> to vector<16xf32>
    %swap3A_1427 = vector.shape_cast %broadcast_in_dim3A_4 : vector<16xf32> to vector<16xf32>
    tpu.vector_store %arg6[%swap3A_1424], %swap3A_1427 {strides = array<i32>} : memref<8192xf32, #tpu.memory_space<vmem>>, vector<16xf32>,
    %swap3A_1428 = arith.constant 5696 : index
    %swap3A_1429 = tpu.vector_load %arg6[%swap3A_1428] {strides = array<i32>} : memref<8192xf32, #tpu.memory_space<vmem>>, vector<16xf32>,
    %swap3A_1430 = vector.shape_cast %swap3A_1429 : vector<16xf32> to vector<16xf32>
    %swap3A_1431 = vector.shape_cast %broadcast_in_dim3A_4 : vector<16xf32> to vector<16xf32>
    tpu.vector_store %arg6[%swap3A_1428], %swap3A_1431 {strides = array<i32>} : memref<8192xf32, #tpu.memory_space<vmem>>, vector<16xf32>,
    %swap3A_1432 = arith.constant 5712 : index
    %swap3A_1433 = tpu.vector_load %arg6[%swap3A_1432] {strides = array<i32>} : memref<8192xf32, #tpu.memory_space<vmem>>, vector<16xf32>,
    %swap3A_1434 = vector.shape_cast %swap3A_1433 : vector<16xf32> to vector<16xf32>
    %swap3A_1435 = vector.shape_cast %broadcast_in_dim3A_4 : vector<16xf32> to vector<16xf32>
    tpu.vector_store %arg6[%swap3A_1432], %swap3A_1435 {strides = array<i32>} : memref<8192xf32, #tpu.memory_space<vmem>>, vector<16xf32>,
    %swap3A_1436 = arith.constant 5728 : index
    %swap3A_1437 = tpu.vector_load %arg6[%swap3A_1436] {strides = array<i32>} : memref<8192xf32, #tpu.memory_space<vmem>>, vector<16xf32>,
    %swap3A_1438 = vector.shape_cast %swap3A_1437 : vector<16xf32> to vector<16xf32>
    %swap3A_1439 = vector.shape_cast %broadcast_in_dim3A_4 : vector<16xf32> to vector<16xf32>
    tpu.vector_store %arg6[%swap3A_1436], %swap3A_1439 {strides = array<i32>} : memref<8192xf32, #tpu.memory_space<vmem>>, vector<16xf32>,
    %swap3A_1440 = arith.constant 5744 : index
    %swap3A_1441 = tpu.vector_load %arg6[%swap3A_1440] {strides = array<i32>} : memref<8192xf32, #tpu.memory_space<vmem>>, vector<16xf32>,
    %swap3A_1442 = vector.shape_cast %swap3A_1441 : vector<16xf32> to vector<16xf32>
    %swap3A_1443 = vector.shape_cast %broadcast_in_dim3A_4 : vector<16xf32> to vector<16xf32>
    tpu.vector_store %arg6[%swap3A_1440], %swap3A_1443 {strides = array<i32>} : memref<8192xf32, #tpu.memory_space<vmem>>, vector<16xf32>,
    %swap3A_1444 = arith.constant 5760 : index
    %swap3A_1445 = tpu.vector_load %arg6[%swap3A_1444] {strides = array<i32>} : memref<8192xf32, #tpu.memory_space<vmem>>, vector<16xf32>,
    %swap3A_1446 = vector.shape_cast %swap3A_1445 : vector<16xf32> to vector<16xf32>
    %swap3A_1447 = vector.shape_cast %broadcast_in_dim3A_4 : vector<16xf32> to vector<16xf32>
    tpu.vector_store %arg6[%swap3A_1444], %swap3A_1447 {strides = array<i32>} : memref<8192xf32, #tpu.memory_space<vmem>>, vector<16xf32>,
    %swap3A_1448 = arith.constant 5776 : index
    %swap3A_1449 = tpu.vector_load %arg6[%swap3A_1448] {strides = array<i32>} : memref<8192xf32, #tpu.memory_space<vmem>>, vector<16xf32>,
    %swap3A_1450 = vector.shape_cast %swap3A_1449 : vector<16xf32> to vector<16xf32>
    %swap3A_1451 = vector.shape_cast %broadcast_in_dim3A_4 : vector<16xf32> to vector<16xf32>
    tpu.vector_store %arg6[%swap3A_1448], %swap3A_1451 {strides = array<i32>} : memref<8192xf32, #tpu.memory_space<vmem>>, vector<16xf32>,
    %swap3A_1452 = arith.constant 5792 : index
    %swap3A_1453 = tpu.vector_load %arg6[%swap3A_1452] {strides = array<i32>} : memref<8192xf32, #tpu.memory_space<vmem>>, vector<16xf32>,
    %swap3A_1454 = vector.shape_cast %swap3A_1453 : vector<16xf32> to vector<16xf32>
    %swap3A_1455 = vector.shape_cast %broadcast_in_dim3A_4 : vector<16xf32> to vector<16xf32>
    tpu.vector_store %arg6[%swap3A_1452], %swap3A_1455 {strides = array<i32>} : memref<8192xf32, #tpu.memory_space<vmem>>, vector<16xf32>,
    %swap3A_1456 = arith.constant 5808 : index
    %swap3A_1457 = tpu.vector_load %arg6[%swap3A_1456] {strides = array<i32>} : memref<8192xf32, #tpu.memory_space<vmem>>, vector<16xf32>,
    %swap3A_1458 = vector.shape_cast %swap3A_1457 : vector<16xf32> to vector<16xf32>
    %swap3A_1459 = vector.shape_cast %broadcast_in_dim3A_4 : vector<16xf32> to vector<16xf32>
    tpu.vector_store %arg6[%swap3A_1456], %swap3A_1459 {strides = array<i32>} : memref<8192xf32, #tpu.memory_space<vmem>>, vector<16xf32>,
    %swap3A_1460 = arith.constant 5824 : index
    %swap3A_1461 = tpu.vector_load %arg6[%swap3A_1460] {strides = array<i32>} : memref<8192xf32, #tpu.memory_space<vmem>>, vector<16xf32>,
    %swap3A_1462 = vector.shape_cast %swap3A_1461 : vector<16xf32> to vector<16xf32>
    %swap3A_1463 = vector.shape_cast %broadcast_in_dim3A_4 : vector<16xf32> to vector<16xf32>
    tpu.vector_store %arg6[%swap3A_1460], %swap3A_1463 {strides = array<i32>} : memref<8192xf32, #tpu.memory_space<vmem>>, vector<16xf32>,
    %swap3A_1464 = arith.constant 5840 : index
    %swap3A_1465 = tpu.vector_load %arg6[%swap3A_1464] {strides = array<i32>} : memref<8192xf32, #tpu.memory_space<vmem>>, vector<16xf32>,
    %swap3A_1466 = vector.shape_cast %swap3A_1465 : vector<16xf32> to vector<16xf32>
    %swap3A_1467 = vector.shape_cast %broadcast_in_dim3A_4 : vector<16xf32> to vector<16xf32>
    tpu.vector_store %arg6[%swap3A_1464], %swap3A_1467 {strides = array<i32>} : memref<8192xf32, #tpu.memory_space<vmem>>, vector<16xf32>,
    %swap3A_1468 = arith.constant 5856 : index
    %swap3A_1469 = tpu.vector_load %arg6[%swap3A_1468] {strides = array<i32>} : memref<8192xf32, #tpu.memory_space<vmem>>, vector<16xf32>,
    %swap3A_1470 = vector.shape_cast %swap3A_1469 : vector<16xf32> to vector<16xf32>
    %swap3A_1471 = vector.shape_cast %broadcast_in_dim3A_4 : vector<16xf32> to vector<16xf32>
    tpu.vector_store %arg6[%swap3A_1468], %swap3A_1471 {strides = array<i32>} : memref<8192xf32, #tpu.memory_space<vmem>>, vector<16xf32>,
    %swap3A_1472 = arith.constant 5872 : index
    %swap3A_1473 = tpu.vector_load %arg6[%swap3A_1472] {strides = array<i32>} : memref<8192xf32, #tpu.memory_space<vmem>>, vector<16xf32>,
    %swap3A_1474 = vector.shape_cast %swap3A_1473 : vector<16xf32> to vector<16xf32>
    %swap3A_1475 = vector.shape_cast %broadcast_in_dim3A_4 : vector<16xf32> to vector<16xf32>
    tpu.vector_store %arg6[%swap3A_1472], %swap3A_1475 {strides = array<i32>} : memref<8192xf32, #tpu.memory_space<vmem>>, vector<16xf32>,
    %swap3A_1476 = arith.constant 5888 : index
    %swap3A_1477 = tpu.vector_load %arg6[%swap3A_1476] {strides = array<i32>} : memref<8192xf32, #tpu.memory_space<vmem>>, vector<16xf32>,
    %swap3A_1478 = vector.shape_cast %swap3A_1477 : vector<16xf32> to vector<16xf32>
    %swap3A_1479 = vector.shape_cast %broadcast_in_dim3A_4 : vector<16xf32> to vector<16xf32>
    tpu.vector_store %arg6[%swap3A_1476], %swap3A_1479 {strides = array<i32>} : memref<8192xf32, #tpu.memory_space<vmem>>, vector<16xf32>,
    %swap3A_1480 = arith.constant 5904 : index
    %swap3A_1481 = tpu.vector_load %arg6[%swap3A_1480] {strides = array<i32>} : memref<8192xf32, #tpu.memory_space<vmem>>, vector<16xf32>,
    %swap3A_1482 = vector.shape_cast %swap3A_1481 : vector<16xf32> to vector<16xf32>
    %swap3A_1483 = vector.shape_cast %broadcast_in_dim3A_4 : vector<16xf32> to vector<16xf32>
    tpu.vector_store %arg6[%swap3A_1480], %swap3A_1483 {strides = array<i32>} : memref<8192xf32, #tpu.memory_space<vmem>>, vector<16xf32>,
    %swap3A_1484 = arith.constant 5920 : index
    %swap3A_1485 = tpu.vector_load %arg6[%swap3A_1484] {strides = array<i32>} : memref<8192xf32, #tpu.memory_space<vmem>>, vector<16xf32>,
    %swap3A_1486 = vector.shape_cast %swap3A_1485 : vector<16xf32> to vector<16xf32>
    %swap3A_1487 = vector.shape_cast %broadcast_in_dim3A_4 : vector<16xf32> to vector<16xf32>
    tpu.vector_store %arg6[%swap3A_1484], %swap3A_1487 {strides = array<i32>} : memref<8192xf32, #tpu.memory_space<vmem>>, vector<16xf32>,
    %swap3A_1488 = arith.constant 5936 : index
    %swap3A_1489 = tpu.vector_load %arg6[%swap3A_1488] {strides = array<i32>} : memref<8192xf32, #tpu.memory_space<vmem>>, vector<16xf32>,
    %swap3A_1490 = vector.shape_cast %swap3A_1489 : vector<16xf32> to vector<16xf32>
    %swap3A_1491 = vector.shape_cast %broadcast_in_dim3A_4 : vector<16xf32> to vector<16xf32>
    tpu.vector_store %arg6[%swap3A_1488], %swap3A_1491 {strides = array<i32>} : memref<8192xf32, #tpu.memory_space<vmem>>, vector<16xf32>,
    %swap3A_1492 = arith.constant 5952 : index
    %swap3A_1493 = tpu.vector_load %arg6[%swap3A_1492] {strides = array<i32>} : memref<8192xf32, #tpu.memory_space<vmem>>, vector<16xf32>,
    %swap3A_1494 = vector.shape_cast %swap3A_1493 : vector<16xf32> to vector<16xf32>
    %swap3A_1495 = vector.shape_cast %broadcast_in_dim3A_4 : vector<16xf32> to vector<16xf32>
    tpu.vector_store %arg6[%swap3A_1492], %swap3A_1495 {strides = array<i32>} : memref<8192xf32, #tpu.memory_space<vmem>>, vector<16xf32>,
    %swap3A_1496 = arith.constant 5968 : index
    %swap3A_1497 = tpu.vector_load %arg6[%swap3A_1496] {strides = array<i32>} : memref<8192xf32, #tpu.memory_space<vmem>>, vector<16xf32>,
    %swap3A_1498 = vector.shape_cast %swap3A_1497 : vector<16xf32> to vector<16xf32>
    %swap3A_1499 = vector.shape_cast %broadcast_in_dim3A_4 : vector<16xf32> to vector<16xf32>
    tpu.vector_store %arg6[%swap3A_1496], %swap3A_1499 {strides = array<i32>} : memref<8192xf32, #tpu.memory_space<vmem>>, vector<16xf32>,
    %swap3A_1500 = arith.constant 5984 : index
    %swap3A_1501 = tpu.vector_load %arg6[%swap3A_1500] {strides = array<i32>} : memref<8192xf32, #tpu.memory_space<vmem>>, vector<16xf32>,
    %swap3A_1502 = vector.shape_cast %swap3A_1501 : vector<16xf32> to vector<16xf32>
    %swap3A_1503 = vector.shape_cast %broadcast_in_dim3A_4 : vector<16xf32> to vector<16xf32>
    tpu.vector_store %arg6[%swap3A_1500], %swap3A_1503 {strides = array<i32>} : memref<8192xf32, #tpu.memory_space<vmem>>, vector<16xf32>,
    %swap3A_1504 = arith.constant 6000 : index
    %swap3A_1505 = tpu.vector_load %arg6[%swap3A_1504] {strides = array<i32>} : memref<8192xf32, #tpu.memory_space<vmem>>, vector<16xf32>,
    %swap3A_1506 = vector.shape_cast %swap3A_1505 : vector<16xf32> to vector<16xf32>
    %swap3A_1507 = vector.shape_cast %broadcast_in_dim3A_4 : vector<16xf32> to vector<16xf32>
    tpu.vector_store %arg6[%swap3A_1504], %swap3A_1507 {strides = array<i32>} : memref<8192xf32, #tpu.memory_space<vmem>>, vector<16xf32>,
    %swap3A_1508 = arith.constant 6016 : index
    %swap3A_1509 = tpu.vector_load %arg6[%swap3A_1508] {strides = array<i32>} : memref<8192xf32, #tpu.memory_space<vmem>>, vector<16xf32>,
    %swap3A_1510 = vector.shape_cast %swap3A_1509 : vector<16xf32> to vector<16xf32>
    %swap3A_1511 = vector.shape_cast %broadcast_in_dim3A_4 : vector<16xf32> to vector<16xf32>
    tpu.vector_store %arg6[%swap3A_1508], %swap3A_1511 {strides = array<i32>} : memref<8192xf32, #tpu.memory_space<vmem>>, vector<16xf32>,
    %swap3A_1512 = arith.constant 6032 : index
    %swap3A_1513 = tpu.vector_load %arg6[%swap3A_1512] {strides = array<i32>} : memref<8192xf32, #tpu.memory_space<vmem>>, vector<16xf32>,
    %swap3A_1514 = vector.shape_cast %swap3A_1513 : vector<16xf32> to vector<16xf32>
    %swap3A_1515 = vector.shape_cast %broadcast_in_dim3A_4 : vector<16xf32> to vector<16xf32>
    tpu.vector_store %arg6[%swap3A_1512], %swap3A_1515 {strides = array<i32>} : memref<8192xf32, #tpu.memory_space<vmem>>, vector<16xf32>,
    %swap3A_1516 = arith.constant 6048 : index
    %swap3A_1517 = tpu.vector_load %arg6[%swap3A_1516] {strides = array<i32>} : memref<8192xf32, #tpu.memory_space<vmem>>, vector<16xf32>,
    %swap3A_1518 = vector.shape_cast %swap3A_1517 : vector<16xf32> to vector<16xf32>
    %swap3A_1519 = vector.shape_cast %broadcast_in_dim3A_4 : vector<16xf32> to vector<16xf32>
    tpu.vector_store %arg6[%swap3A_1516], %swap3A_1519 {strides = array<i32>} : memref<8192xf32, #tpu.memory_space<vmem>>, vector<16xf32>,
    %swap3A_1520 = arith.constant 6064 : index
    %swap3A_1521 = tpu.vector_load %arg6[%swap3A_1520] {strides = array<i32>} : memref<8192xf32, #tpu.memory_space<vmem>>, vector<16xf32>,
    %swap3A_1522 = vector.shape_cast %swap3A_1521 : vector<16xf32> to vector<16xf32>
    %swap3A_1523 = vector.shape_cast %broadcast_in_dim3A_4 : vector<16xf32> to vector<16xf32>
    tpu.vector_store %arg6[%swap3A_1520], %swap3A_1523 {strides = array<i32>} : memref<8192xf32, #tpu.memory_space<vmem>>, vector<16xf32>,
    %swap3A_1524 = arith.constant 6080 : index
    %swap3A_1525 = tpu.vector_load %arg6[%swap3A_1524] {strides = array<i32>} : memref<8192xf32, #tpu.memory_space<vmem>>, vector<16xf32>,
    %swap3A_1526 = vector.shape_cast %swap3A_1525 : vector<16xf32> to vector<16xf32>
    %swap3A_1527 = vector.shape_cast %broadcast_in_dim3A_4 : vector<16xf32> to vector<16xf32>
    tpu.vector_store %arg6[%swap3A_1524], %swap3A_1527 {strides = array<i32>} : memref<8192xf32, #tpu.memory_space<vmem>>, vector<16xf32>,
    %swap3A_1528 = arith.constant 6096 : index
    %swap3A_1529 = tpu.vector_load %arg6[%swap3A_1528] {strides = array<i32>} : memref<8192xf32, #tpu.memory_space<vmem>>, vector<16xf32>,
    %swap3A_1530 = vector.shape_cast %swap3A_1529 : vector<16xf32> to vector<16xf32>
    %swap3A_1531 = vector.shape_cast %broadcast_in_dim3A_4 : vector<16xf32> to vector<16xf32>
    tpu.vector_store %arg6[%swap3A_1528], %swap3A_1531 {strides = array<i32>} : memref<8192xf32, #tpu.memory_space<vmem>>, vector<16xf32>,
    %swap3A_1532 = arith.constant 6112 : index
    %swap3A_1533 = tpu.vector_load %arg6[%swap3A_1532] {strides = array<i32>} : memref<8192xf32, #tpu.memory_space<vmem>>, vector<16xf32>,
    %swap3A_1534 = vector.shape_cast %swap3A_1533 : vector<16xf32> to vector<16xf32>
    %swap3A_1535 = vector.shape_cast %broadcast_in_dim3A_4 : vector<16xf32> to vector<16xf32>
    tpu.vector_store %arg6[%swap3A_1532], %swap3A_1535 {strides = array<i32>} : memref<8192xf32, #tpu.memory_space<vmem>>, vector<16xf32>,
    %swap3A_1536 = arith.constant 6128 : index
    %swap3A_1537 = tpu.vector_load %arg6[%swap3A_1536] {strides = array<i32>} : memref<8192xf32, #tpu.memory_space<vmem>>, vector<16xf32>,
    %swap3A_1538 = vector.shape_cast %swap3A_1537 : vector<16xf32> to vector<16xf32>
    %swap3A_1539 = vector.shape_cast %broadcast_in_dim3A_4 : vector<16xf32> to vector<16xf32>
    tpu.vector_store %arg6[%swap3A_1536], %swap3A_1539 {strides = array<i32>} : memref<8192xf32, #tpu.memory_space<vmem>>, vector<16xf32>,
    %swap3A_1540 = arith.constant 6144 : index
    %swap3A_1541 = tpu.vector_load %arg6[%swap3A_1540] {strides = array<i32>} : memref<8192xf32, #tpu.memory_space<vmem>>, vector<16xf32>,
    %swap3A_1542 = vector.shape_cast %swap3A_1541 : vector<16xf32> to vector<16xf32>
    %swap3A_1543 = vector.shape_cast %broadcast_in_dim3A_4 : vector<16xf32> to vector<16xf32>
    tpu.vector_store %arg6[%swap3A_1540], %swap3A_1543 {strides = array<i32>} : memref<8192xf32, #tpu.memory_space<vmem>>, vector<16xf32>,
    %swap3A_1544 = arith.constant 6160 : index
    %swap3A_1545 = tpu.vector_load %arg6[%swap3A_1544] {strides = array<i32>} : memref<8192xf32, #tpu.memory_space<vmem>>, vector<16xf32>,
    %swap3A_1546 = vector.shape_cast %swap3A_1545 : vector<16xf32> to vector<16xf32>
    %swap3A_1547 = vector.shape_cast %broadcast_in_dim3A_4 : vector<16xf32> to vector<16xf32>
    tpu.vector_store %arg6[%swap3A_1544], %swap3A_1547 {strides = array<i32>} : memref<8192xf32, #tpu.memory_space<vmem>>, vector<16xf32>,
    %swap3A_1548 = arith.constant 6176 : index
    %swap3A_1549 = tpu.vector_load %arg6[%swap3A_1548] {strides = array<i32>} : memref<8192xf32, #tpu.memory_space<vmem>>, vector<16xf32>,
    %swap3A_1550 = vector.shape_cast %swap3A_1549 : vector<16xf32> to vector<16xf32>
    %swap3A_1551 = vector.shape_cast %broadcast_in_dim3A_4 : vector<16xf32> to vector<16xf32>
    tpu.vector_store %arg6[%swap3A_1548], %swap3A_1551 {strides = array<i32>} : memref<8192xf32, #tpu.memory_space<vmem>>, vector<16xf32>,
    %swap3A_1552 = arith.constant 6192 : index
    %swap3A_1553 = tpu.vector_load %arg6[%swap3A_1552] {strides = array<i32>} : memref<8192xf32, #tpu.memory_space<vmem>>, vector<16xf32>,
    %swap3A_1554 = vector.shape_cast %swap3A_1553 : vector<16xf32> to vector<16xf32>
    %swap3A_1555 = vector.shape_cast %broadcast_in_dim3A_4 : vector<16xf32> to vector<16xf32>
    tpu.vector_store %arg6[%swap3A_1552], %swap3A_1555 {strides = array<i32>} : memref<8192xf32, #tpu.memory_space<vmem>>, vector<16xf32>,
    %swap3A_1556 = arith.constant 6208 : index
    %swap3A_1557 = tpu.vector_load %arg6[%swap3A_1556] {strides = array<i32>} : memref<8192xf32, #tpu.memory_space<vmem>>, vector<16xf32>,
    %swap3A_1558 = vector.shape_cast %swap3A_1557 : vector<16xf32> to vector<16xf32>
    %swap3A_1559 = vector.shape_cast %broadcast_in_dim3A_4 : vector<16xf32> to vector<16xf32>
    tpu.vector_store %arg6[%swap3A_1556], %swap3A_1559 {strides = array<i32>} : memref<8192xf32, #tpu.memory_space<vmem>>, vector<16xf32>,
    %swap3A_1560 = arith.constant 6224 : index
    %swap3A_1561 = tpu.vector_load %arg6[%swap3A_1560] {strides = array<i32>} : memref<8192xf32, #tpu.memory_space<vmem>>, vector<16xf32>,
    %swap3A_1562 = vector.shape_cast %swap3A_1561 : vector<16xf32> to vector<16xf32>
    %swap3A_1563 = vector.shape_cast %broadcast_in_dim3A_4 : vector<16xf32> to vector<16xf32>
    tpu.vector_store %arg6[%swap3A_1560], %swap3A_1563 {strides = array<i32>} : memref<8192xf32, #tpu.memory_space<vmem>>, vector<16xf32>,
    %swap3A_1564 = arith.constant 6240 : index
    %swap3A_1565 = tpu.vector_load %arg6[%swap3A_1564] {strides = array<i32>} : memref<8192xf32, #tpu.memory_space<vmem>>, vector<16xf32>,
    %swap3A_1566 = vector.shape_cast %swap3A_1565 : vector<16xf32> to vector<16xf32>
    %swap3A_1567 = vector.shape_cast %broadcast_in_dim3A_4 : vector<16xf32> to vector<16xf32>
    tpu.vector_store %arg6[%swap3A_1564], %swap3A_1567 {strides = array<i32>} : memref<8192xf32, #tpu.memory_space<vmem>>, vector<16xf32>,
    %swap3A_1568 = arith.constant 6256 : index
    %swap3A_1569 = tpu.vector_load %arg6[%swap3A_1568] {strides = array<i32>} : memref<8192xf32, #tpu.memory_space<vmem>>, vector<16xf32>,
    %swap3A_1570 = vector.shape_cast %swap3A_1569 : vector<16xf32> to vector<16xf32>
    %swap3A_1571 = vector.shape_cast %broadcast_in_dim3A_4 : vector<16xf32> to vector<16xf32>
    tpu.vector_store %arg6[%swap3A_1568], %swap3A_1571 {strides = array<i32>} : memref<8192xf32, #tpu.memory_space<vmem>>, vector<16xf32>,
    %swap3A_1572 = arith.constant 6272 : index
    %swap3A_1573 = tpu.vector_load %arg6[%swap3A_1572] {strides = array<i32>} : memref<8192xf32, #tpu.memory_space<vmem>>, vector<16xf32>,
    %swap3A_1574 = vector.shape_cast %swap3A_1573 : vector<16xf32> to vector<16xf32>
    %swap3A_1575 = vector.shape_cast %broadcast_in_dim3A_4 : vector<16xf32> to vector<16xf32>
    tpu.vector_store %arg6[%swap3A_1572], %swap3A_1575 {strides = array<i32>} : memref<8192xf32, #tpu.memory_space<vmem>>, vector<16xf32>,
    %swap3A_1576 = arith.constant 6288 : index
    %swap3A_1577 = tpu.vector_load %arg6[%swap3A_1576] {strides = array<i32>} : memref<8192xf32, #tpu.memory_space<vmem>>, vector<16xf32>,
    %swap3A_1578 = vector.shape_cast %swap3A_1577 : vector<16xf32> to vector<16xf32>
    %swap3A_1579 = vector.shape_cast %broadcast_in_dim3A_4 : vector<16xf32> to vector<16xf32>
    tpu.vector_store %arg6[%swap3A_1576], %swap3A_1579 {strides = array<i32>} : memref<8192xf32, #tpu.memory_space<vmem>>, vector<16xf32>,
    %swap3A_1580 = arith.constant 6304 : index
    %swap3A_1581 = tpu.vector_load %arg6[%swap3A_1580] {strides = array<i32>} : memref<8192xf32, #tpu.memory_space<vmem>>, vector<16xf32>,
    %swap3A_1582 = vector.shape_cast %swap3A_1581 : vector<16xf32> to vector<16xf32>
    %swap3A_1583 = vector.shape_cast %broadcast_in_dim3A_4 : vector<16xf32> to vector<16xf32>
    tpu.vector_store %arg6[%swap3A_1580], %swap3A_1583 {strides = array<i32>} : memref<8192xf32, #tpu.memory_space<vmem>>, vector<16xf32>,
    %swap3A_1584 = arith.constant 6320 : index
    %swap3A_1585 = tpu.vector_load %arg6[%swap3A_1584] {strides = array<i32>} : memref<8192xf32, #tpu.memory_space<vmem>>, vector<16xf32>,
    %swap3A_1586 = vector.shape_cast %swap3A_1585 : vector<16xf32> to vector<16xf32>
    %swap3A_1587 = vector.shape_cast %broadcast_in_dim3A_4 : vector<16xf32> to vector<16xf32>
    tpu.vector_store %arg6[%swap3A_1584], %swap3A_1587 {strides = array<i32>} : memref<8192xf32, #tpu.memory_space<vmem>>, vector<16xf32>,
    %swap3A_1588 = arith.constant 6336 : index
    %swap3A_1589 = tpu.vector_load %arg6[%swap3A_1588] {strides = array<i32>} : memref<8192xf32, #tpu.memory_space<vmem>>, vector<16xf32>,
    %swap3A_1590 = vector.shape_cast %swap3A_1589 : vector<16xf32> to vector<16xf32>
    %swap3A_1591 = vector.shape_cast %broadcast_in_dim3A_4 : vector<16xf32> to vector<16xf32>
    tpu.vector_store %arg6[%swap3A_1588], %swap3A_1591 {strides = array<i32>} : memref<8192xf32, #tpu.memory_space<vmem>>, vector<16xf32>,
    %swap3A_1592 = arith.constant 6352 : index
    %swap3A_1593 = tpu.vector_load %arg6[%swap3A_1592] {strides = array<i32>} : memref<8192xf32, #tpu.memory_space<vmem>>, vector<16xf32>,
    %swap3A_1594 = vector.shape_cast %swap3A_1593 : vector<16xf32> to vector<16xf32>
    %swap3A_1595 = vector.shape_cast %broadcast_in_dim3A_4 : vector<16xf32> to vector<16xf32>
    tpu.vector_store %arg6[%swap3A_1592], %swap3A_1595 {strides = array<i32>} : memref<8192xf32, #tpu.memory_space<vmem>>, vector<16xf32>,
    %swap3A_1596 = arith.constant 6368 : index
    %swap3A_1597 = tpu.vector_load %arg6[%swap3A_1596] {strides = array<i32>} : memref<8192xf32, #tpu.memory_space<vmem>>, vector<16xf32>,
    %swap3A_1598 = vector.shape_cast %swap3A_1597 : vector<16xf32> to vector<16xf32>
    %swap3A_1599 = vector.shape_cast %broadcast_in_dim3A_4 : vector<16xf32> to vector<16xf32>
    tpu.vector_store %arg6[%swap3A_1596], %swap3A_1599 {strides = array<i32>} : memref<8192xf32, #tpu.memory_space<vmem>>, vector<16xf32>,
    %swap3A_1600 = arith.constant 6384 : index
    %swap3A_1601 = tpu.vector_load %arg6[%swap3A_1600] {strides = array<i32>} : memref<8192xf32, #tpu.memory_space<vmem>>, vector<16xf32>,
    %swap3A_1602 = vector.shape_cast %swap3A_1601 : vector<16xf32> to vector<16xf32>
    %swap3A_1603 = vector.shape_cast %broadcast_in_dim3A_4 : vector<16xf32> to vector<16xf32>
    tpu.vector_store %arg6[%swap3A_1600], %swap3A_1603 {strides = array<i32>} : memref<8192xf32, #tpu.memory_space<vmem>>, vector<16xf32>,
    %swap3A_1604 = arith.constant 6400 : index
    %swap3A_1605 = tpu.vector_load %arg6[%swap3A_1604] {strides = array<i32>} : memref<8192xf32, #tpu.memory_space<vmem>>, vector<16xf32>,
    %swap3A_1606 = vector.shape_cast %swap3A_1605 : vector<16xf32> to vector<16xf32>
    %swap3A_1607 = vector.shape_cast %broadcast_in_dim3A_4 : vector<16xf32> to vector<16xf32>
    tpu.vector_store %arg6[%swap3A_1604], %swap3A_1607 {strides = array<i32>} : memref<8192xf32, #tpu.memory_space<vmem>>, vector<16xf32>,
    %swap3A_1608 = arith.constant 6416 : index
    %swap3A_1609 = tpu.vector_load %arg6[%swap3A_1608] {strides = array<i32>} : memref<8192xf32, #tpu.memory_space<vmem>>, vector<16xf32>,
    %swap3A_1610 = vector.shape_cast %swap3A_1609 : vector<16xf32> to vector<16xf32>
    %swap3A_1611 = vector.shape_cast %broadcast_in_dim3A_4 : vector<16xf32> to vector<16xf32>
    tpu.vector_store %arg6[%swap3A_1608], %swap3A_1611 {strides = array<i32>} : memref<8192xf32, #tpu.memory_space<vmem>>, vector<16xf32>,
    %swap3A_1612 = arith.constant 6432 : index
    %swap3A_1613 = tpu.vector_load %arg6[%swap3A_1612] {strides = array<i32>} : memref<8192xf32, #tpu.memory_space<vmem>>, vector<16xf32>,
    %swap3A_1614 = vector.shape_cast %swap3A_1613 : vector<16xf32> to vector<16xf32>
    %swap3A_1615 = vector.shape_cast %broadcast_in_dim3A_4 : vector<16xf32> to vector<16xf32>
    tpu.vector_store %arg6[%swap3A_1612], %swap3A_1615 {strides = array<i32>} : memref<8192xf32, #tpu.memory_space<vmem>>, vector<16xf32>,
    %swap3A_1616 = arith.constant 6448 : index
    %swap3A_1617 = tpu.vector_load %arg6[%swap3A_1616] {strides = array<i32>} : memref<8192xf32, #tpu.memory_space<vmem>>, vector<16xf32>,
    %swap3A_1618 = vector.shape_cast %swap3A_1617 : vector<16xf32> to vector<16xf32>
    %swap3A_1619 = vector.shape_cast %broadcast_in_dim3A_4 : vector<16xf32> to vector<16xf32>
    tpu.vector_store %arg6[%swap3A_1616], %swap3A_1619 {strides = array<i32>} : memref<8192xf32, #tpu.memory_space<vmem>>, vector<16xf32>,
    %swap3A_1620 = arith.constant 6464 : index
    %swap3A_1621 = tpu.vector_load %arg6[%swap3A_1620] {strides = array<i32>} : memref<8192xf32, #tpu.memory_space<vmem>>, vector<16xf32>,
    %swap3A_1622 = vector.shape_cast %swap3A_1621 : vector<16xf32> to vector<16xf32>
    %swap3A_1623 = vector.shape_cast %broadcast_in_dim3A_4 : vector<16xf32> to vector<16xf32>
    tpu.vector_store %arg6[%swap3A_1620], %swap3A_1623 {strides = array<i32>} : memref<8192xf32, #tpu.memory_space<vmem>>, vector<16xf32>,
    %swap3A_1624 = arith.constant 6480 : index
    %swap3A_1625 = tpu.vector_load %arg6[%swap3A_1624] {strides = array<i32>} : memref<8192xf32, #tpu.memory_space<vmem>>, vector<16xf32>,
    %swap3A_1626 = vector.shape_cast %swap3A_1625 : vector<16xf32> to vector<16xf32>
    %swap3A_1627 = vector.shape_cast %broadcast_in_dim3A_4 : vector<16xf32> to vector<16xf32>
    tpu.vector_store %arg6[%swap3A_1624], %swap3A_1627 {strides = array<i32>} : memref<8192xf32, #tpu.memory_space<vmem>>, vector<16xf32>,
    %swap3A_1628 = arith.constant 6496 : index
    %swap3A_1629 = tpu.vector_load %arg6[%swap3A_1628] {strides = array<i32>} : memref<8192xf32, #tpu.memory_space<vmem>>, vector<16xf32>,
    %swap3A_1630 = vector.shape_cast %swap3A_1629 : vector<16xf32> to vector<16xf32>
    %swap3A_1631 = vector.shape_cast %broadcast_in_dim3A_4 : vector<16xf32> to vector<16xf32>
    tpu.vector_store %arg6[%swap3A_1628], %swap3A_1631 {strides = array<i32>} : memref<8192xf32, #tpu.memory_space<vmem>>, vector<16xf32>,
    %swap3A_1632 = arith.constant 6512 : index
    %swap3A_1633 = tpu.vector_load %arg6[%swap3A_1632] {strides = array<i32>} : memref<8192xf32, #tpu.memory_space<vmem>>, vector<16xf32>,
    %swap3A_1634 = vector.shape_cast %swap3A_1633 : vector<16xf32> to vector<16xf32>
    %swap3A_1635 = vector.shape_cast %broadcast_in_dim3A_4 : vector<16xf32> to vector<16xf32>
    tpu.vector_store %arg6[%swap3A_1632], %swap3A_1635 {strides = array<i32>} : memref<8192xf32, #tpu.memory_space<vmem>>, vector<16xf32>,
    %swap3A_1636 = arith.constant 6528 : index
    %swap3A_1637 = tpu.vector_load %arg6[%swap3A_1636] {strides = array<i32>} : memref<8192xf32, #tpu.memory_space<vmem>>, vector<16xf32>,
    %swap3A_1638 = vector.shape_cast %swap3A_1637 : vector<16xf32> to vector<16xf32>
    %swap3A_1639 = vector.shape_cast %broadcast_in_dim3A_4 : vector<16xf32> to vector<16xf32>
    tpu.vector_store %arg6[%swap3A_1636], %swap3A_1639 {strides = array<i32>} : memref<8192xf32, #tpu.memory_space<vmem>>, vector<16xf32>,
    %swap3A_1640 = arith.constant 6544 : index
    %swap3A_1641 = tpu.vector_load %arg6[%swap3A_1640] {strides = array<i32>} : memref<8192xf32, #tpu.memory_space<vmem>>, vector<16xf32>,
    %swap3A_1642 = vector.shape_cast %swap3A_1641 : vector<16xf32> to vector<16xf32>
    %swap3A_1643 = vector.shape_cast %broadcast_in_dim3A_4 : vector<16xf32> to vector<16xf32>
    tpu.vector_store %arg6[%swap3A_1640], %swap3A_1643 {strides = array<i32>} : memref<8192xf32, #tpu.memory_space<vmem>>, vector<16xf32>,
    %swap3A_1644 = arith.constant 6560 : index
    %swap3A_1645 = tpu.vector_load %arg6[%swap3A_1644] {strides = array<i32>} : memref<8192xf32, #tpu.memory_space<vmem>>, vector<16xf32>,
    %swap3A_1646 = vector.shape_cast %swap3A_1645 : vector<16xf32> to vector<16xf32>
    %swap3A_1647 = vector.shape_cast %broadcast_in_dim3A_4 : vector<16xf32> to vector<16xf32>
    tpu.vector_store %arg6[%swap3A_1644], %swap3A_1647 {strides = array<i32>} : memref<8192xf32, #tpu.memory_space<vmem>>, vector<16xf32>,
    %swap3A_1648 = arith.constant 6576 : index
    %swap3A_1649 = tpu.vector_load %arg6[%swap3A_1648] {strides = array<i32>} : memref<8192xf32, #tpu.memory_space<vmem>>, vector<16xf32>,
    %swap3A_1650 = vector.shape_cast %swap3A_1649 : vector<16xf32> to vector<16xf32>
    %swap3A_1651 = vector.shape_cast %broadcast_in_dim3A_4 : vector<16xf32> to vector<16xf32>
    tpu.vector_store %arg6[%swap3A_1648], %swap3A_1651 {strides = array<i32>} : memref<8192xf32, #tpu.memory_space<vmem>>, vector<16xf32>,
    %swap3A_1652 = arith.constant 6592 : index
    %swap3A_1653 = tpu.vector_load %arg6[%swap3A_1652] {strides = array<i32>} : memref<8192xf32, #tpu.memory_space<vmem>>, vector<16xf32>,
    %swap3A_1654 = vector.shape_cast %swap3A_1653 : vector<16xf32> to vector<16xf32>
    %swap3A_1655 = vector.shape_cast %broadcast_in_dim3A_4 : vector<16xf32> to vector<16xf32>
    tpu.vector_store %arg6[%swap3A_1652], %swap3A_1655 {strides = array<i32>} : memref<8192xf32, #tpu.memory_space<vmem>>, vector<16xf32>,
    %swap3A_1656 = arith.constant 6608 : index
    %swap3A_1657 = tpu.vector_load %arg6[%swap3A_1656] {strides = array<i32>} : memref<8192xf32, #tpu.memory_space<vmem>>, vector<16xf32>,
    %swap3A_1658 = vector.shape_cast %swap3A_1657 : vector<16xf32> to vector<16xf32>
    %swap3A_1659 = vector.shape_cast %broadcast_in_dim3A_4 : vector<16xf32> to vector<16xf32>
    tpu.vector_store %arg6[%swap3A_1656], %swap3A_1659 {strides = array<i32>} : memref<8192xf32, #tpu.memory_space<vmem>>, vector<16xf32>,
    %swap3A_1660 = arith.constant 6624 : index
    %swap3A_1661 = tpu.vector_load %arg6[%swap3A_1660] {strides = array<i32>} : memref<8192xf32, #tpu.memory_space<vmem>>, vector<16xf32>,
    %swap3A_1662 = vector.shape_cast %swap3A_1661 : vector<16xf32> to vector<16xf32>
    %swap3A_1663 = vector.shape_cast %broadcast_in_dim3A_4 : vector<16xf32> to vector<16xf32>
    tpu.vector_store %arg6[%swap3A_1660], %swap3A_1663 {strides = array<i32>} : memref<8192xf32, #tpu.memory_space<vmem>>, vector<16xf32>,
    %swap3A_1664 = arith.constant 6640 : index
    %swap3A_1665 = tpu.vector_load %arg6[%swap3A_1664] {strides = array<i32>} : memref<8192xf32, #tpu.memory_space<vmem>>, vector<16xf32>,
    %swap3A_1666 = vector.shape_cast %swap3A_1665 : vector<16xf32> to vector<16xf32>
    %swap3A_1667 = vector.shape_cast %broadcast_in_dim3A_4 : vector<16xf32> to vector<16xf32>
    tpu.vector_store %arg6[%swap3A_1664], %swap3A_1667 {strides = array<i32>} : memref<8192xf32, #tpu.memory_space<vmem>>, vector<16xf32>,
    %swap3A_1668 = arith.constant 6656 : index
    %swap3A_1669 = tpu.vector_load %arg6[%swap3A_1668] {strides = array<i32>} : memref<8192xf32, #tpu.memory_space<vmem>>, vector<16xf32>,
    %swap3A_1670 = vector.shape_cast %swap3A_1669 : vector<16xf32> to vector<16xf32>
    %swap3A_1671 = vector.shape_cast %broadcast_in_dim3A_4 : vector<16xf32> to vector<16xf32>
    tpu.vector_store %arg6[%swap3A_1668], %swap3A_1671 {strides = array<i32>} : memref<8192xf32, #tpu.memory_space<vmem>>, vector<16xf32>,
    %swap3A_1672 = arith.constant 6672 : index
    %swap3A_1673 = tpu.vector_load %arg6[%swap3A_1672] {strides = array<i32>} : memref<8192xf32, #tpu.memory_space<vmem>>, vector<16xf32>,
    %swap3A_1674 = vector.shape_cast %swap3A_1673 : vector<16xf32> to vector<16xf32>
    %swap3A_1675 = vector.shape_cast %broadcast_in_dim3A_4 : vector<16xf32> to vector<16xf32>
    tpu.vector_store %arg6[%swap3A_1672], %swap3A_1675 {strides = array<i32>} : memref<8192xf32, #tpu.memory_space<vmem>>, vector<16xf32>,
    %swap3A_1676 = arith.constant 6688 : index
    %swap3A_1677 = tpu.vector_load %arg6[%swap3A_1676] {strides = array<i32>} : memref<8192xf32, #tpu.memory_space<vmem>>, vector<16xf32>,
    %swap3A_1678 = vector.shape_cast %swap3A_1677 : vector<16xf32> to vector<16xf32>
    %swap3A_1679 = vector.shape_cast %broadcast_in_dim3A_4 : vector<16xf32> to vector<16xf32>
    tpu.vector_store %arg6[%swap3A_1676], %swap3A_1679 {strides = array<i32>} : memref<8192xf32, #tpu.memory_space<vmem>>, vector<16xf32>,
    %swap3A_1680 = arith.constant 6704 : index
    %swap3A_1681 = tpu.vector_load %arg6[%swap3A_1680] {strides = array<i32>} : memref<8192xf32, #tpu.memory_space<vmem>>, vector<16xf32>,
    %swap3A_1682 = vector.shape_cast %swap3A_1681 : vector<16xf32> to vector<16xf32>
    %swap3A_1683 = vector.shape_cast %broadcast_in_dim3A_4 : vector<16xf32> to vector<16xf32>
    tpu.vector_store %arg6[%swap3A_1680], %swap3A_1683 {strides = array<i32>} : memref<8192xf32, #tpu.memory_space<vmem>>, vector<16xf32>,
    %swap3A_1684 = arith.constant 6720 : index
    %swap3A_1685 = tpu.vector_load %arg6[%swap3A_1684] {strides = array<i32>} : memref<8192xf32, #tpu.memory_space<vmem>>, vector<16xf32>,
    %swap3A_1686 = vector.shape_cast %swap3A_1685 : vector<16xf32> to vector<16xf32>
    %swap3A_1687 = vector.shape_cast %broadcast_in_dim3A_4 : vector<16xf32> to vector<16xf32>
    tpu.vector_store %arg6[%swap3A_1684], %swap3A_1687 {strides = array<i32>} : memref<8192xf32, #tpu.memory_space<vmem>>, vector<16xf32>,
    %swap3A_1688 = arith.constant 6736 : index
    %swap3A_1689 = tpu.vector_load %arg6[%swap3A_1688] {strides = array<i32>} : memref<8192xf32, #tpu.memory_space<vmem>>, vector<16xf32>,
    %swap3A_1690 = vector.shape_cast %swap3A_1689 : vector<16xf32> to vector<16xf32>
    %swap3A_1691 = vector.shape_cast %broadcast_in_dim3A_4 : vector<16xf32> to vector<16xf32>
    tpu.vector_store %arg6[%swap3A_1688], %swap3A_1691 {strides = array<i32>} : memref<8192xf32, #tpu.memory_space<vmem>>, vector<16xf32>,
    %swap3A_1692 = arith.constant 6752 : index
    %swap3A_1693 = tpu.vector_load %arg6[%swap3A_1692] {strides = array<i32>} : memref<8192xf32, #tpu.memory_space<vmem>>, vector<16xf32>,
    %swap3A_1694 = vector.shape_cast %swap3A_1693 : vector<16xf32> to vector<16xf32>
    %swap3A_1695 = vector.shape_cast %broadcast_in_dim3A_4 : vector<16xf32> to vector<16xf32>
    tpu.vector_store %arg6[%swap3A_1692], %swap3A_1695 {strides = array<i32>} : memref<8192xf32, #tpu.memory_space<vmem>>, vector<16xf32>,
    %swap3A_1696 = arith.constant 6768 : index
    %swap3A_1697 = tpu.vector_load %arg6[%swap3A_1696] {strides = array<i32>} : memref<8192xf32, #tpu.memory_space<vmem>>, vector<16xf32>,
    %swap3A_1698 = vector.shape_cast %swap3A_1697 : vector<16xf32> to vector<16xf32>
    %swap3A_1699 = vector.shape_cast %broadcast_in_dim3A_4 : vector<16xf32> to vector<16xf32>
    tpu.vector_store %arg6[%swap3A_1696], %swap3A_1699 {strides = array<i32>} : memref<8192xf32, #tpu.memory_space<vmem>>, vector<16xf32>,
    %swap3A_1700 = arith.constant 6784 : index
    %swap3A_1701 = tpu.vector_load %arg6[%swap3A_1700] {strides = array<i32>} : memref<8192xf32, #tpu.memory_space<vmem>>, vector<16xf32>,
    %swap3A_1702 = vector.shape_cast %swap3A_1701 : vector<16xf32> to vector<16xf32>
    %swap3A_1703 = vector.shape_cast %broadcast_in_dim3A_4 : vector<16xf32> to vector<16xf32>
    tpu.vector_store %arg6[%swap3A_1700], %swap3A_1703 {strides = array<i32>} : memref<8192xf32, #tpu.memory_space<vmem>>, vector<16xf32>,
    %swap3A_1704 = arith.constant 6800 : index
    %swap3A_1705 = tpu.vector_load %arg6[%swap3A_1704] {strides = array<i32>} : memref<8192xf32, #tpu.memory_space<vmem>>, vector<16xf32>,
    %swap3A_1706 = vector.shape_cast %swap3A_1705 : vector<16xf32> to vector<16xf32>
    %swap3A_1707 = vector.shape_cast %broadcast_in_dim3A_4 : vector<16xf32> to vector<16xf32>
    tpu.vector_store %arg6[%swap3A_1704], %swap3A_1707 {strides = array<i32>} : memref<8192xf32, #tpu.memory_space<vmem>>, vector<16xf32>,
    %swap3A_1708 = arith.constant 6816 : index
    %swap3A_1709 = tpu.vector_load %arg6[%swap3A_1708] {strides = array<i32>} : memref<8192xf32, #tpu.memory_space<vmem>>, vector<16xf32>,
    %swap3A_1710 = vector.shape_cast %swap3A_1709 : vector<16xf32> to vector<16xf32>
    %swap3A_1711 = vector.shape_cast %broadcast_in_dim3A_4 : vector<16xf32> to vector<16xf32>
    tpu.vector_store %arg6[%swap3A_1708], %swap3A_1711 {strides = array<i32>} : memref<8192xf32, #tpu.memory_space<vmem>>, vector<16xf32>,
    %swap3A_1712 = arith.constant 6832 : index
    %swap3A_1713 = tpu.vector_load %arg6[%swap3A_1712] {strides = array<i32>} : memref<8192xf32, #tpu.memory_space<vmem>>, vector<16xf32>,
    %swap3A_1714 = vector.shape_cast %swap3A_1713 : vector<16xf32> to vector<16xf32>
    %swap3A_1715 = vector.shape_cast %broadcast_in_dim3A_4 : vector<16xf32> to vector<16xf32>
    tpu.vector_store %arg6[%swap3A_1712], %swap3A_1715 {strides = array<i32>} : memref<8192xf32, #tpu.memory_space<vmem>>, vector<16xf32>,
    %swap3A_1716 = arith.constant 6848 : index
    %swap3A_1717 = tpu.vector_load %arg6[%swap3A_1716] {strides = array<i32>} : memref<8192xf32, #tpu.memory_space<vmem>>, vector<16xf32>,
    %swap3A_1718 = vector.shape_cast %swap3A_1717 : vector<16xf32> to vector<16xf32>
    %swap3A_1719 = vector.shape_cast %broadcast_in_dim3A_4 : vector<16xf32> to vector<16xf32>
    tpu.vector_store %arg6[%swap3A_1716], %swap3A_1719 {strides = array<i32>} : memref<8192xf32, #tpu.memory_space<vmem>>, vector<16xf32>,
    %swap3A_1720 = arith.constant 6864 : index
    %swap3A_1721 = tpu.vector_load %arg6[%swap3A_1720] {strides = array<i32>} : memref<8192xf32, #tpu.memory_space<vmem>>, vector<16xf32>,
    %swap3A_1722 = vector.shape_cast %swap3A_1721 : vector<16xf32> to vector<16xf32>
    %swap3A_1723 = vector.shape_cast %broadcast_in_dim3A_4 : vector<16xf32> to vector<16xf32>
    tpu.vector_store %arg6[%swap3A_1720], %swap3A_1723 {strides = array<i32>} : memref<8192xf32, #tpu.memory_space<vmem>>, vector<16xf32>,
    %swap3A_1724 = arith.constant 6880 : index
    %swap3A_1725 = tpu.vector_load %arg6[%swap3A_1724] {strides = array<i32>} : memref<8192xf32, #tpu.memory_space<vmem>>, vector<16xf32>,
    %swap3A_1726 = vector.shape_cast %swap3A_1725 : vector<16xf32> to vector<16xf32>
    %swap3A_1727 = vector.shape_cast %broadcast_in_dim3A_4 : vector<16xf32> to vector<16xf32>
    tpu.vector_store %arg6[%swap3A_1724], %swap3A_1727 {strides = array<i32>} : memref<8192xf32, #tpu.memory_space<vmem>>, vector<16xf32>,
    %swap3A_1728 = arith.constant 6896 : index
    %swap3A_1729 = tpu.vector_load %arg6[%swap3A_1728] {strides = array<i32>} : memref<8192xf32, #tpu.memory_space<vmem>>, vector<16xf32>,
    %swap3A_1730 = vector.shape_cast %swap3A_1729 : vector<16xf32> to vector<16xf32>
    %swap3A_1731 = vector.shape_cast %broadcast_in_dim3A_4 : vector<16xf32> to vector<16xf32>
    tpu.vector_store %arg6[%swap3A_1728], %swap3A_1731 {strides = array<i32>} : memref<8192xf32, #tpu.memory_space<vmem>>, vector<16xf32>,
    %swap3A_1732 = arith.constant 6912 : index
    %swap3A_1733 = tpu.vector_load %arg6[%swap3A_1732] {strides = array<i32>} : memref<8192xf32, #tpu.memory_space<vmem>>, vector<16xf32>,
    %swap3A_1734 = vector.shape_cast %swap3A_1733 : vector<16xf32> to vector<16xf32>
    %swap3A_1735 = vector.shape_cast %broadcast_in_dim3A_4 : vector<16xf32> to vector<16xf32>
    tpu.vector_store %arg6[%swap3A_1732], %swap3A_1735 {strides = array<i32>} : memref<8192xf32, #tpu.memory_space<vmem>>, vector<16xf32>,
    %swap3A_1736 = arith.constant 6928 : index
    %swap3A_1737 = tpu.vector_load %arg6[%swap3A_1736] {strides = array<i32>} : memref<8192xf32, #tpu.memory_space<vmem>>, vector<16xf32>,
    %swap3A_1738 = vector.shape_cast %swap3A_1737 : vector<16xf32> to vector<16xf32>
    %swap3A_1739 = vector.shape_cast %broadcast_in_dim3A_4 : vector<16xf32> to vector<16xf32>
    tpu.vector_store %arg6[%swap3A_1736], %swap3A_1739 {strides = array<i32>} : memref<8192xf32, #tpu.memory_space<vmem>>, vector<16xf32>,
    %swap3A_1740 = arith.constant 6944 : index
    %swap3A_1741 = tpu.vector_load %arg6[%swap3A_1740] {strides = array<i32>} : memref<8192xf32, #tpu.memory_space<vmem>>, vector<16xf32>,
    %swap3A_1742 = vector.shape_cast %swap3A_1741 : vector<16xf32> to vector<16xf32>
    %swap3A_1743 = vector.shape_cast %broadcast_in_dim3A_4 : vector<16xf32> to vector<16xf32>
    tpu.vector_store %arg6[%swap3A_1740], %swap3A_1743 {strides = array<i32>} : memref<8192xf32, #tpu.memory_space<vmem>>, vector<16xf32>,
    %swap3A_1744 = arith.constant 6960 : index
    %swap3A_1745 = tpu.vector_load %arg6[%swap3A_1744] {strides = array<i32>} : memref<8192xf32, #tpu.memory_space<vmem>>, vector<16xf32>,
    %swap3A_1746 = vector.shape_cast %swap3A_1745 : vector<16xf32> to vector<16xf32>
    %swap3A_1747 = vector.shape_cast %broadcast_in_dim3A_4 : vector<16xf32> to vector<16xf32>
    tpu.vector_store %arg6[%swap3A_1744], %swap3A_1747 {strides = array<i32>} : memref<8192xf32, #tpu.memory_space<vmem>>, vector<16xf32>,
    %swap3A_1748 = arith.constant 6976 : index
    %swap3A_1749 = tpu.vector_load %arg6[%swap3A_1748] {strides = array<i32>} : memref<8192xf32, #tpu.memory_space<vmem>>, vector<16xf32>,
    %swap3A_1750 = vector.shape_cast %swap3A_1749 : vector<16xf32> to vector<16xf32>
    %swap3A_1751 = vector.shape_cast %broadcast_in_dim3A_4 : vector<16xf32> to vector<16xf32>
    tpu.vector_store %arg6[%swap3A_1748], %swap3A_1751 {strides = array<i32>} : memref<8192xf32, #tpu.memory_space<vmem>>, vector<16xf32>,
    %swap3A_1752 = arith.constant 6992 : index
    %swap3A_1753 = tpu.vector_load %arg6[%swap3A_1752] {strides = array<i32>} : memref<8192xf32, #tpu.memory_space<vmem>>, vector<16xf32>,
    %swap3A_1754 = vector.shape_cast %swap3A_1753 : vector<16xf32> to vector<16xf32>
    %swap3A_1755 = vector.shape_cast %broadcast_in_dim3A_4 : vector<16xf32> to vector<16xf32>
    tpu.vector_store %arg6[%swap3A_1752], %swap3A_1755 {strides = array<i32>} : memref<8192xf32, #tpu.memory_space<vmem>>, vector<16xf32>,
    %swap3A_1756 = arith.constant 7008 : index
    %swap3A_1757 = tpu.vector_load %arg6[%swap3A_1756] {strides = array<i32>} : memref<8192xf32, #tpu.memory_space<vmem>>, vector<16xf32>,
    %swap3A_1758 = vector.shape_cast %swap3A_1757 : vector<16xf32> to vector<16xf32>
    %swap3A_1759 = vector.shape_cast %broadcast_in_dim3A_4 : vector<16xf32> to vector<16xf32>
    tpu.vector_store %arg6[%swap3A_1756], %swap3A_1759 {strides = array<i32>} : memref<8192xf32, #tpu.memory_space<vmem>>, vector<16xf32>,
    %swap3A_1760 = arith.constant 7024 : index
    %swap3A_1761 = tpu.vector_load %arg6[%swap3A_1760] {strides = array<i32>} : memref<8192xf32, #tpu.memory_space<vmem>>, vector<16xf32>,
    %swap3A_1762 = vector.shape_cast %swap3A_1761 : vector<16xf32> to vector<16xf32>
    %swap3A_1763 = vector.shape_cast %broadcast_in_dim3A_4 : vector<16xf32> to vector<16xf32>
    tpu.vector_store %arg6[%swap3A_1760], %swap3A_1763 {strides = array<i32>} : memref<8192xf32, #tpu.memory_space<vmem>>, vector<16xf32>,
    %swap3A_1764 = arith.constant 7040 : index
    %swap3A_1765 = tpu.vector_load %arg6[%swap3A_1764] {strides = array<i32>} : memref<8192xf32, #tpu.memory_space<vmem>>, vector<16xf32>,
    %swap3A_1766 = vector.shape_cast %swap3A_1765 : vector<16xf32> to vector<16xf32>
    %swap3A_1767 = vector.shape_cast %broadcast_in_dim3A_4 : vector<16xf32> to vector<16xf32>
    tpu.vector_store %arg6[%swap3A_1764], %swap3A_1767 {strides = array<i32>} : memref<8192xf32, #tpu.memory_space<vmem>>, vector<16xf32>,
    %swap3A_1768 = arith.constant 7056 : index
    %swap3A_1769 = tpu.vector_load %arg6[%swap3A_1768] {strides = array<i32>} : memref<8192xf32, #tpu.memory_space<vmem>>, vector<16xf32>,
    %swap3A_1770 = vector.shape_cast %swap3A_1769 : vector<16xf32> to vector<16xf32>
    %swap3A_1771 = vector.shape_cast %broadcast_in_dim3A_4 : vector<16xf32> to vector<16xf32>
    tpu.vector_store %arg6[%swap3A_1768], %swap3A_1771 {strides = array<i32>} : memref<8192xf32, #tpu.memory_space<vmem>>, vector<16xf32>,
    %swap3A_1772 = arith.constant 7072 : index
    %swap3A_1773 = tpu.vector_load %arg6[%swap3A_1772] {strides = array<i32>} : memref<8192xf32, #tpu.memory_space<vmem>>, vector<16xf32>,
    %swap3A_1774 = vector.shape_cast %swap3A_1773 : vector<16xf32> to vector<16xf32>
    %swap3A_1775 = vector.shape_cast %broadcast_in_dim3A_4 : vector<16xf32> to vector<16xf32>
    tpu.vector_store %arg6[%swap3A_1772], %swap3A_1775 {strides = array<i32>} : memref<8192xf32, #tpu.memory_space<vmem>>, vector<16xf32>,
    %swap3A_1776 = arith.constant 7088 : index
    %swap3A_1777 = tpu.vector_load %arg6[%swap3A_1776] {strides = array<i32>} : memref<8192xf32, #tpu.memory_space<vmem>>, vector<16xf32>,
    %swap3A_1778 = vector.shape_cast %swap3A_1777 : vector<16xf32> to vector<16xf32>
    %swap3A_1779 = vector.shape_cast %broadcast_in_dim3A_4 : vector<16xf32> to vector<16xf32>
    tpu.vector_store %arg6[%swap3A_1776], %swap3A_1779 {strides = array<i32>} : memref<8192xf32, #tpu.memory_space<vmem>>, vector<16xf32>,
    %swap3A_1780 = arith.constant 7104 : index
    %swap3A_1781 = tpu.vector_load %arg6[%swap3A_1780] {strides = array<i32>} : memref<8192xf32, #tpu.memory_space<vmem>>, vector<16xf32>,
    %swap3A_1782 = vector.shape_cast %swap3A_1781 : vector<16xf32> to vector<16xf32>
    %swap3A_1783 = vector.shape_cast %broadcast_in_dim3A_4 : vector<16xf32> to vector<16xf32>
    tpu.vector_store %arg6[%swap3A_1780], %swap3A_1783 {strides = array<i32>} : memref<8192xf32, #tpu.memory_space<vmem>>, vector<16xf32>,
    %swap3A_1784 = arith.constant 7120 : index
    %swap3A_1785 = tpu.vector_load %arg6[%swap3A_1784] {strides = array<i32>} : memref<8192xf32, #tpu.memory_space<vmem>>, vector<16xf32>,
    %swap3A_1786 = vector.shape_cast %swap3A_1785 : vector<16xf32> to vector<16xf32>
    %swap3A_1787 = vector.shape_cast %broadcast_in_dim3A_4 : vector<16xf32> to vector<16xf32>
    tpu.vector_store %arg6[%swap3A_1784], %swap3A_1787 {strides = array<i32>} : memref<8192xf32, #tpu.memory_space<vmem>>, vector<16xf32>,
    %swap3A_1788 = arith.constant 7136 : index
    %swap3A_1789 = tpu.vector_load %arg6[%swap3A_1788] {strides = array<i32>} : memref<8192xf32, #tpu.memory_space<vmem>>, vector<16xf32>,
    %swap3A_1790 = vector.shape_cast %swap3A_1789 : vector<16xf32> to vector<16xf32>
    %swap3A_1791 = vector.shape_cast %broadcast_in_dim3A_4 : vector<16xf32> to vector<16xf32>
    tpu.vector_store %arg6[%swap3A_1788], %swap3A_1791 {strides = array<i32>} : memref<8192xf32, #tpu.memory_space<vmem>>, vector<16xf32>,
    %swap3A_1792 = arith.constant 7152 : index
    %swap3A_1793 = tpu.vector_load %arg6[%swap3A_1792] {strides = array<i32>} : memref<8192xf32, #tpu.memory_space<vmem>>, vector<16xf32>,
    %swap3A_1794 = vector.shape_cast %swap3A_1793 : vector<16xf32> to vector<16xf32>
    %swap3A_1795 = vector.shape_cast %broadcast_in_dim3A_4 : vector<16xf32> to vector<16xf32>
    tpu.vector_store %arg6[%swap3A_1792], %swap3A_1795 {strides = array<i32>} : memref<8192xf32, #tpu.memory_space<vmem>>, vector<16xf32>,
    %swap3A_1796 = arith.constant 7168 : index
    %swap3A_1797 = tpu.vector_load %arg6[%swap3A_1796] {strides = array<i32>} : memref<8192xf32, #tpu.memory_space<vmem>>, vector<16xf32>,
    %swap3A_1798 = vector.shape_cast %swap3A_1797 : vector<16xf32> to vector<16xf32>
    %swap3A_1799 = vector.shape_cast %broadcast_in_dim3A_4 : vector<16xf32> to vector<16xf32>
    tpu.vector_store %arg6[%swap3A_1796], %swap3A_1799 {strides = array<i32>} : memref<8192xf32, #tpu.memory_space<vmem>>, vector<16xf32>,
    %swap3A_1800 = arith.constant 7184 : index
    %swap3A_1801 = tpu.vector_load %arg6[%swap3A_1800] {strides = array<i32>} : memref<8192xf32, #tpu.memory_space<vmem>>, vector<16xf32>,
    %swap3A_1802 = vector.shape_cast %swap3A_1801 : vector<16xf32> to vector<16xf32>
    %swap3A_1803 = vector.shape_cast %broadcast_in_dim3A_4 : vector<16xf32> to vector<16xf32>
    tpu.vector_store %arg6[%swap3A_1800], %swap3A_1803 {strides = array<i32>} : memref<8192xf32, #tpu.memory_space<vmem>>, vector<16xf32>,
    %swap3A_1804 = arith.constant 7200 : index
    %swap3A_1805 = tpu.vector_load %arg6[%swap3A_1804] {strides = array<i32>} : memref<8192xf32, #tpu.memory_space<vmem>>, vector<16xf32>,
    %swap3A_1806 = vector.shape_cast %swap3A_1805 : vector<16xf32> to vector<16xf32>
    %swap3A_1807 = vector.shape_cast %broadcast_in_dim3A_4 : vector<16xf32> to vector<16xf32>
    tpu.vector_store %arg6[%swap3A_1804], %swap3A_1807 {strides = array<i32>} : memref<8192xf32, #tpu.memory_space<vmem>>, vector<16xf32>,
    %swap3A_1808 = arith.constant 7216 : index
    %swap3A_1809 = tpu.vector_load %arg6[%swap3A_1808] {strides = array<i32>} : memref<8192xf32, #tpu.memory_space<vmem>>, vector<16xf32>,
    %swap3A_1810 = vector.shape_cast %swap3A_1809 : vector<16xf32> to vector<16xf32>
    %swap3A_1811 = vector.shape_cast %broadcast_in_dim3A_4 : vector<16xf32> to vector<16xf32>
    tpu.vector_store %arg6[%swap3A_1808], %swap3A_1811 {strides = array<i32>} : memref<8192xf32, #tpu.memory_space<vmem>>, vector<16xf32>,
    %swap3A_1812 = arith.constant 7232 : index
    %swap3A_1813 = tpu.vector_load %arg6[%swap3A_1812] {strides = array<i32>} : memref<8192xf32, #tpu.memory_space<vmem>>, vector<16xf32>,
    %swap3A_1814 = vector.shape_cast %swap3A_1813 : vector<16xf32> to vector<16xf32>
    %swap3A_1815 = vector.shape_cast %broadcast_in_dim3A_4 : vector<16xf32> to vector<16xf32>
    tpu.vector_store %arg6[%swap3A_1812], %swap3A_1815 {strides = array<i32>} : memref<8192xf32, #tpu.memory_space<vmem>>, vector<16xf32>,
    %swap3A_1816 = arith.constant 7248 : index
    %swap3A_1817 = tpu.vector_load %arg6[%swap3A_1816] {strides = array<i32>} : memref<8192xf32, #tpu.memory_space<vmem>>, vector<16xf32>,
    %swap3A_1818 = vector.shape_cast %swap3A_1817 : vector<16xf32> to vector<16xf32>
    %swap3A_1819 = vector.shape_cast %broadcast_in_dim3A_4 : vector<16xf32> to vector<16xf32>
    tpu.vector_store %arg6[%swap3A_1816], %swap3A_1819 {strides = array<i32>} : memref<8192xf32, #tpu.memory_space<vmem>>, vector<16xf32>,
    %swap3A_1820 = arith.constant 7264 : index
    %swap3A_1821 = tpu.vector_load %arg6[%swap3A_1820] {strides = array<i32>} : memref<8192xf32, #tpu.memory_space<vmem>>, vector<16xf32>,
    %swap3A_1822 = vector.shape_cast %swap3A_1821 : vector<16xf32> to vector<16xf32>
    %swap3A_1823 = vector.shape_cast %broadcast_in_dim3A_4 : vector<16xf32> to vector<16xf32>
    tpu.vector_store %arg6[%swap3A_1820], %swap3A_1823 {strides = array<i32>} : memref<8192xf32, #tpu.memory_space<vmem>>, vector<16xf32>,
    %swap3A_1824 = arith.constant 7280 : index
    %swap3A_1825 = tpu.vector_load %arg6[%swap3A_1824] {strides = array<i32>} : memref<8192xf32, #tpu.memory_space<vmem>>, vector<16xf32>,
    %swap3A_1826 = vector.shape_cast %swap3A_1825 : vector<16xf32> to vector<16xf32>
    %swap3A_1827 = vector.shape_cast %broadcast_in_dim3A_4 : vector<16xf32> to vector<16xf32>
    tpu.vector_store %arg6[%swap3A_1824], %swap3A_1827 {strides = array<i32>} : memref<8192xf32, #tpu.memory_space<vmem>>, vector<16xf32>,
    %swap3A_1828 = arith.constant 7296 : index
    %swap3A_1829 = tpu.vector_load %arg6[%swap3A_1828] {strides = array<i32>} : memref<8192xf32, #tpu.memory_space<vmem>>, vector<16xf32>,
    %swap3A_1830 = vector.shape_cast %swap3A_1829 : vector<16xf32> to vector<16xf32>
    %swap3A_1831 = vector.shape_cast %broadcast_in_dim3A_4 : vector<16xf32> to vector<16xf32>
    tpu.vector_store %arg6[%swap3A_1828], %swap3A_1831 {strides = array<i32>} : memref<8192xf32, #tpu.memory_space<vmem>>, vector<16xf32>,
    %swap3A_1832 = arith.constant 7312 : index
    %swap3A_1833 = tpu.vector_load %arg6[%swap3A_1832] {strides = array<i32>} : memref<8192xf32, #tpu.memory_space<vmem>>, vector<16xf32>,
    %swap3A_1834 = vector.shape_cast %swap3A_1833 : vector<16xf32> to vector<16xf32>
    %swap3A_1835 = vector.shape_cast %broadcast_in_dim3A_4 : vector<16xf32> to vector<16xf32>
    tpu.vector_store %arg6[%swap3A_1832], %swap3A_1835 {strides = array<i32>} : memref<8192xf32, #tpu.memory_space<vmem>>, vector<16xf32>,
    %swap3A_1836 = arith.constant 7328 : index
    %swap3A_1837 = tpu.vector_load %arg6[%swap3A_1836] {strides = array<i32>} : memref<8192xf32, #tpu.memory_space<vmem>>, vector<16xf32>,
    %swap3A_1838 = vector.shape_cast %swap3A_1837 : vector<16xf32> to vector<16xf32>
    %swap3A_1839 = vector.shape_cast %broadcast_in_dim3A_4 : vector<16xf32> to vector<16xf32>
    tpu.vector_store %arg6[%swap3A_1836], %swap3A_1839 {strides = array<i32>} : memref<8192xf32, #tpu.memory_space<vmem>>, vector<16xf32>,
    %swap3A_1840 = arith.constant 7344 : index
    %swap3A_1841 = tpu.vector_load %arg6[%swap3A_1840] {strides = array<i32>} : memref<8192xf32, #tpu.memory_space<vmem>>, vector<16xf32>,
    %swap3A_1842 = vector.shape_cast %swap3A_1841 : vector<16xf32> to vector<16xf32>
    %swap3A_1843 = vector.shape_cast %broadcast_in_dim3A_4 : vector<16xf32> to vector<16xf32>
    tpu.vector_store %arg6[%swap3A_1840], %swap3A_1843 {strides = array<i32>} : memref<8192xf32, #tpu.memory_space<vmem>>, vector<16xf32>,
    %swap3A_1844 = arith.constant 7360 : index
    %swap3A_1845 = tpu.vector_load %arg6[%swap3A_1844] {strides = array<i32>} : memref<8192xf32, #tpu.memory_space<vmem>>, vector<16xf32>,
    %swap3A_1846 = vector.shape_cast %swap3A_1845 : vector<16xf32> to vector<16xf32>
    %swap3A_1847 = vector.shape_cast %broadcast_in_dim3A_4 : vector<16xf32> to vector<16xf32>
    tpu.vector_store %arg6[%swap3A_1844], %swap3A_1847 {strides = array<i32>} : memref<8192xf32, #tpu.memory_space<vmem>>, vector<16xf32>,
    %swap3A_1848 = arith.constant 7376 : index
    %swap3A_1849 = tpu.vector_load %arg6[%swap3A_1848] {strides = array<i32>} : memref<8192xf32, #tpu.memory_space<vmem>>, vector<16xf32>,
    %swap3A_1850 = vector.shape_cast %swap3A_1849 : vector<16xf32> to vector<16xf32>
    %swap3A_1851 = vector.shape_cast %broadcast_in_dim3A_4 : vector<16xf32> to vector<16xf32>
    tpu.vector_store %arg6[%swap3A_1848], %swap3A_1851 {strides = array<i32>} : memref<8192xf32, #tpu.memory_space<vmem>>, vector<16xf32>,
    %swap3A_1852 = arith.constant 7392 : index
    %swap3A_1853 = tpu.vector_load %arg6[%swap3A_1852] {strides = array<i32>} : memref<8192xf32, #tpu.memory_space<vmem>>, vector<16xf32>,
    %swap3A_1854 = vector.shape_cast %swap3A_1853 : vector<16xf32> to vector<16xf32>
    %swap3A_1855 = vector.shape_cast %broadcast_in_dim3A_4 : vector<16xf32> to vector<16xf32>
    tpu.vector_store %arg6[%swap3A_1852], %swap3A_1855 {strides = array<i32>} : memref<8192xf32, #tpu.memory_space<vmem>>, vector<16xf32>,
    %swap3A_1856 = arith.constant 7408 : index
    %swap3A_1857 = tpu.vector_load %arg6[%swap3A_1856] {strides = array<i32>} : memref<8192xf32, #tpu.memory_space<vmem>>, vector<16xf32>,
    %swap3A_1858 = vector.shape_cast %swap3A_1857 : vector<16xf32> to vector<16xf32>
    %swap3A_1859 = vector.shape_cast %broadcast_in_dim3A_4 : vector<16xf32> to vector<16xf32>
    tpu.vector_store %arg6[%swap3A_1856], %swap3A_1859 {strides = array<i32>} : memref<8192xf32, #tpu.memory_space<vmem>>, vector<16xf32>,
    %swap3A_1860 = arith.constant 7424 : index
    %swap3A_1861 = tpu.vector_load %arg6[%swap3A_1860] {strides = array<i32>} : memref<8192xf32, #tpu.memory_space<vmem>>, vector<16xf32>,
    %swap3A_1862 = vector.shape_cast %swap3A_1861 : vector<16xf32> to vector<16xf32>
    %swap3A_1863 = vector.shape_cast %broadcast_in_dim3A_4 : vector<16xf32> to vector<16xf32>
    tpu.vector_store %arg6[%swap3A_1860], %swap3A_1863 {strides = array<i32>} : memref<8192xf32, #tpu.memory_space<vmem>>, vector<16xf32>,
    %swap3A_1864 = arith.constant 7440 : index
    %swap3A_1865 = tpu.vector_load %arg6[%swap3A_1864] {strides = array<i32>} : memref<8192xf32, #tpu.memory_space<vmem>>, vector<16xf32>,
    %swap3A_1866 = vector.shape_cast %swap3A_1865 : vector<16xf32> to vector<16xf32>
    %swap3A_1867 = vector.shape_cast %broadcast_in_dim3A_4 : vector<16xf32> to vector<16xf32>
    tpu.vector_store %arg6[%swap3A_1864], %swap3A_1867 {strides = array<i32>} : memref<8192xf32, #tpu.memory_space<vmem>>, vector<16xf32>,
    %swap3A_1868 = arith.constant 7456 : index
    %swap3A_1869 = tpu.vector_load %arg6[%swap3A_1868] {strides = array<i32>} : memref<8192xf32, #tpu.memory_space<vmem>>, vector<16xf32>,
    %swap3A_1870 = vector.shape_cast %swap3A_1869 : vector<16xf32> to vector<16xf32>
    %swap3A_1871 = vector.shape_cast %broadcast_in_dim3A_4 : vector<16xf32> to vector<16xf32>
    tpu.vector_store %arg6[%swap3A_1868], %swap3A_1871 {strides = array<i32>} : memref<8192xf32, #tpu.memory_space<vmem>>, vector<16xf32>,
    %swap3A_1872 = arith.constant 7472 : index
    %swap3A_1873 = tpu.vector_load %arg6[%swap3A_1872] {strides = array<i32>} : memref<8192xf32, #tpu.memory_space<vmem>>, vector<16xf32>,
    %swap3A_1874 = vector.shape_cast %swap3A_1873 : vector<16xf32> to vector<16xf32>
    %swap3A_1875 = vector.shape_cast %broadcast_in_dim3A_4 : vector<16xf32> to vector<16xf32>
    tpu.vector_store %arg6[%swap3A_1872], %swap3A_1875 {strides = array<i32>} : memref<8192xf32, #tpu.memory_space<vmem>>, vector<16xf32>,
    %swap3A_1876 = arith.constant 7488 : index
    %swap3A_1877 = tpu.vector_load %arg6[%swap3A_1876] {strides = array<i32>} : memref<8192xf32, #tpu.memory_space<vmem>>, vector<16xf32>,
    %swap3A_1878 = vector.shape_cast %swap3A_1877 : vector<16xf32> to vector<16xf32>
    %swap3A_1879 = vector.shape_cast %broadcast_in_dim3A_4 : vector<16xf32> to vector<16xf32>
    tpu.vector_store %arg6[%swap3A_1876], %swap3A_1879 {strides = array<i32>} : memref<8192xf32, #tpu.memory_space<vmem>>, vector<16xf32>,
    %swap3A_1880 = arith.constant 7504 : index
    %swap3A_1881 = tpu.vector_load %arg6[%swap3A_1880] {strides = array<i32>} : memref<8192xf32, #tpu.memory_space<vmem>>, vector<16xf32>,
    %swap3A_1882 = vector.shape_cast %swap3A_1881 : vector<16xf32> to vector<16xf32>
    %swap3A_1883 = vector.shape_cast %broadcast_in_dim3A_4 : vector<16xf32> to vector<16xf32>
    tpu.vector_store %arg6[%swap3A_1880], %swap3A_1883 {strides = array<i32>} : memref<8192xf32, #tpu.memory_space<vmem>>, vector<16xf32>,
    %swap3A_1884 = arith.constant 7520 : index
    %swap3A_1885 = tpu.vector_load %arg6[%swap3A_1884] {strides = array<i32>} : memref<8192xf32, #tpu.memory_space<vmem>>, vector<16xf32>,
    %swap3A_1886 = vector.shape_cast %swap3A_1885 : vector<16xf32> to vector<16xf32>
    %swap3A_1887 = vector.shape_cast %broadcast_in_dim3A_4 : vector<16xf32> to vector<16xf32>
    tpu.vector_store %arg6[%swap3A_1884], %swap3A_1887 {strides = array<i32>} : memref<8192xf32, #tpu.memory_space<vmem>>, vector<16xf32>,
    %swap3A_1888 = arith.constant 7536 : index
    %swap3A_1889 = tpu.vector_load %arg6[%swap3A_1888] {strides = array<i32>} : memref<8192xf32, #tpu.memory_space<vmem>>, vector<16xf32>,
    %swap3A_1890 = vector.shape_cast %swap3A_1889 : vector<16xf32> to vector<16xf32>
    %swap3A_1891 = vector.shape_cast %broadcast_in_dim3A_4 : vector<16xf32> to vector<16xf32>
    tpu.vector_store %arg6[%swap3A_1888], %swap3A_1891 {strides = array<i32>} : memref<8192xf32, #tpu.memory_space<vmem>>, vector<16xf32>,
    %swap3A_1892 = arith.constant 7552 : index
    %swap3A_1893 = tpu.vector_load %arg6[%swap3A_1892] {strides = array<i32>} : memref<8192xf32, #tpu.memory_space<vmem>>, vector<16xf32>,
    %swap3A_1894 = vector.shape_cast %swap3A_1893 : vector<16xf32> to vector<16xf32>
    %swap3A_1895 = vector.shape_cast %broadcast_in_dim3A_4 : vector<16xf32> to vector<16xf32>
    tpu.vector_store %arg6[%swap3A_1892], %swap3A_1895 {strides = array<i32>} : memref<8192xf32, #tpu.memory_space<vmem>>, vector<16xf32>,
    %swap3A_1896 = arith.constant 7568 : index
    %swap3A_1897 = tpu.vector_load %arg6[%swap3A_1896] {strides = array<i32>} : memref<8192xf32, #tpu.memory_space<vmem>>, vector<16xf32>,
    %swap3A_1898 = vector.shape_cast %swap3A_1897 : vector<16xf32> to vector<16xf32>
    %swap3A_1899 = vector.shape_cast %broadcast_in_dim3A_4 : vector<16xf32> to vector<16xf32>
    tpu.vector_store %arg6[%swap3A_1896], %swap3A_1899 {strides = array<i32>} : memref<8192xf32, #tpu.memory_space<vmem>>, vector<16xf32>,
    %swap3A_1900 = arith.constant 7584 : index
    %swap3A_1901 = tpu.vector_load %arg6[%swap3A_1900] {strides = array<i32>} : memref<8192xf32, #tpu.memory_space<vmem>>, vector<16xf32>,
    %swap3A_1902 = vector.shape_cast %swap3A_1901 : vector<16xf32> to vector<16xf32>
    %swap3A_1903 = vector.shape_cast %broadcast_in_dim3A_4 : vector<16xf32> to vector<16xf32>
    tpu.vector_store %arg6[%swap3A_1900], %swap3A_1903 {strides = array<i32>} : memref<8192xf32, #tpu.memory_space<vmem>>, vector<16xf32>,
    %swap3A_1904 = arith.constant 7600 : index
    %swap3A_1905 = tpu.vector_load %arg6[%swap3A_1904] {strides = array<i32>} : memref<8192xf32, #tpu.memory_space<vmem>>, vector<16xf32>,
    %swap3A_1906 = vector.shape_cast %swap3A_1905 : vector<16xf32> to vector<16xf32>
    %swap3A_1907 = vector.shape_cast %broadcast_in_dim3A_4 : vector<16xf32> to vector<16xf32>
    tpu.vector_store %arg6[%swap3A_1904], %swap3A_1907 {strides = array<i32>} : memref<8192xf32, #tpu.memory_space<vmem>>, vector<16xf32>,
    %swap3A_1908 = arith.constant 7616 : index
    %swap3A_1909 = tpu.vector_load %arg6[%swap3A_1908] {strides = array<i32>} : memref<8192xf32, #tpu.memory_space<vmem>>, vector<16xf32>,
    %swap3A_1910 = vector.shape_cast %swap3A_1909 : vector<16xf32> to vector<16xf32>
    %swap3A_1911 = vector.shape_cast %broadcast_in_dim3A_4 : vector<16xf32> to vector<16xf32>
    tpu.vector_store %arg6[%swap3A_1908], %swap3A_1911 {strides = array<i32>} : memref<8192xf32, #tpu.memory_space<vmem>>, vector<16xf32>,
    %swap3A_1912 = arith.constant 7632 : index
    %swap3A_1913 = tpu.vector_load %arg6[%swap3A_1912] {strides = array<i32>} : memref<8192xf32, #tpu.memory_space<vmem>>, vector<16xf32>,
    %swap3A_1914 = vector.shape_cast %swap3A_1913 : vector<16xf32> to vector<16xf32>
    %swap3A_1915 = vector.shape_cast %broadcast_in_dim3A_4 : vector<16xf32> to vector<16xf32>
    tpu.vector_store %arg6[%swap3A_1912], %swap3A_1915 {strides = array<i32>} : memref<8192xf32, #tpu.memory_space<vmem>>, vector<16xf32>,
    %swap3A_1916 = arith.constant 7648 : index
    %swap3A_1917 = tpu.vector_load %arg6[%swap3A_1916] {strides = array<i32>} : memref<8192xf32, #tpu.memory_space<vmem>>, vector<16xf32>,
    %swap3A_1918 = vector.shape_cast %swap3A_1917 : vector<16xf32> to vector<16xf32>
    %swap3A_1919 = vector.shape_cast %broadcast_in_dim3A_4 : vector<16xf32> to vector<16xf32>
    tpu.vector_store %arg6[%swap3A_1916], %swap3A_1919 {strides = array<i32>} : memref<8192xf32, #tpu.memory_space<vmem>>, vector<16xf32>,
    %swap3A_1920 = arith.constant 7664 : index
    %swap3A_1921 = tpu.vector_load %arg6[%swap3A_1920] {strides = array<i32>} : memref<8192xf32, #tpu.memory_space<vmem>>, vector<16xf32>,
    %swap3A_1922 = vector.shape_cast %swap3A_1921 : vector<16xf32> to vector<16xf32>
    %swap3A_1923 = vector.shape_cast %broadcast_in_dim3A_4 : vector<16xf32> to vector<16xf32>
    tpu.vector_store %arg6[%swap3A_1920], %swap3A_1923 {strides = array<i32>} : memref<8192xf32, #tpu.memory_space<vmem>>, vector<16xf32>,
    %swap3A_1924 = arith.constant 7680 : index
    %swap3A_1925 = tpu.vector_load %arg6[%swap3A_1924] {strides = array<i32>} : memref<8192xf32, #tpu.memory_space<vmem>>, vector<16xf32>,
    %swap3A_1926 = vector.shape_cast %swap3A_1925 : vector<16xf32> to vector<16xf32>
    %swap3A_1927 = vector.shape_cast %broadcast_in_dim3A_4 : vector<16xf32> to vector<16xf32>
    tpu.vector_store %arg6[%swap3A_1924], %swap3A_1927 {strides = array<i32>} : memref<8192xf32, #tpu.memory_space<vmem>>, vector<16xf32>,
    %swap3A_1928 = arith.constant 7696 : index
    %swap3A_1929 = tpu.vector_load %arg6[%swap3A_1928] {strides = array<i32>} : memref<8192xf32, #tpu.memory_space<vmem>>, vector<16xf32>,
    %swap3A_1930 = vector.shape_cast %swap3A_1929 : vector<16xf32> to vector<16xf32>
    %swap3A_1931 = vector.shape_cast %broadcast_in_dim3A_4 : vector<16xf32> to vector<16xf32>
    tpu.vector_store %arg6[%swap3A_1928], %swap3A_1931 {strides = array<i32>} : memref<8192xf32, #tpu.memory_space<vmem>>, vector<16xf32>,
    %swap3A_1932 = arith.constant 7712 : index
    %swap3A_1933 = tpu.vector_load %arg6[%swap3A_1932] {strides = array<i32>} : memref<8192xf32, #tpu.memory_space<vmem>>, vector<16xf32>,
    %swap3A_1934 = vector.shape_cast %swap3A_1933 : vector<16xf32> to vector<16xf32>
    %swap3A_1935 = vector.shape_cast %broadcast_in_dim3A_4 : vector<16xf32> to vector<16xf32>
    tpu.vector_store %arg6[%swap3A_1932], %swap3A_1935 {strides = array<i32>} : memref<8192xf32, #tpu.memory_space<vmem>>, vector<16xf32>,
    %swap3A_1936 = arith.constant 7728 : index
    %swap3A_1937 = tpu.vector_load %arg6[%swap3A_1936] {strides = array<i32>} : memref<8192xf32, #tpu.memory_space<vmem>>, vector<16xf32>,
    %swap3A_1938 = vector.shape_cast %swap3A_1937 : vector<16xf32> to vector<16xf32>
    %swap3A_1939 = vector.shape_cast %broadcast_in_dim3A_4 : vector<16xf32> to vector<16xf32>
    tpu.vector_store %arg6[%swap3A_1936], %swap3A_1939 {strides = array<i32>} : memref<8192xf32, #tpu.memory_space<vmem>>, vector<16xf32>,
    %swap3A_1940 = arith.constant 7744 : index
    %swap3A_1941 = tpu.vector_load %arg6[%swap3A_1940] {strides = array<i32>} : memref<8192xf32, #tpu.memory_space<vmem>>, vector<16xf32>,
    %swap3A_1942 = vector.shape_cast %swap3A_1941 : vector<16xf32> to vector<16xf32>
    %swap3A_1943 = vector.shape_cast %broadcast_in_dim3A_4 : vector<16xf32> to vector<16xf32>
    tpu.vector_store %arg6[%swap3A_1940], %swap3A_1943 {strides = array<i32>} : memref<8192xf32, #tpu.memory_space<vmem>>, vector<16xf32>,
    %swap3A_1944 = arith.constant 7760 : index
    %swap3A_1945 = tpu.vector_load %arg6[%swap3A_1944] {strides = array<i32>} : memref<8192xf32, #tpu.memory_space<vmem>>, vector<16xf32>,
    %swap3A_1946 = vector.shape_cast %swap3A_1945 : vector<16xf32> to vector<16xf32>
    %swap3A_1947 = vector.shape_cast %broadcast_in_dim3A_4 : vector<16xf32> to vector<16xf32>
    tpu.vector_store %arg6[%swap3A_1944], %swap3A_1947 {strides = array<i32>} : memref<8192xf32, #tpu.memory_space<vmem>>, vector<16xf32>,
    %swap3A_1948 = arith.constant 7776 : index
    %swap3A_1949 = tpu.vector_load %arg6[%swap3A_1948] {strides = array<i32>} : memref<8192xf32, #tpu.memory_space<vmem>>, vector<16xf32>,
    %swap3A_1950 = vector.shape_cast %swap3A_1949 : vector<16xf32> to vector<16xf32>
    %swap3A_1951 = vector.shape_cast %broadcast_in_dim3A_4 : vector<16xf32> to vector<16xf32>
    tpu.vector_store %arg6[%swap3A_1948], %swap3A_1951 {strides = array<i32>} : memref<8192xf32, #tpu.memory_space<vmem>>, vector<16xf32>,
    %swap3A_1952 = arith.constant 7792 : index
    %swap3A_1953 = tpu.vector_load %arg6[%swap3A_1952] {strides = array<i32>} : memref<8192xf32, #tpu.memory_space<vmem>>, vector<16xf32>,
    %swap3A_1954 = vector.shape_cast %swap3A_1953 : vector<16xf32> to vector<16xf32>
    %swap3A_1955 = vector.shape_cast %broadcast_in_dim3A_4 : vector<16xf32> to vector<16xf32>
    tpu.vector_store %arg6[%swap3A_1952], %swap3A_1955 {strides = array<i32>} : memref<8192xf32, #tpu.memory_space<vmem>>, vector<16xf32>,
    %swap3A_1956 = arith.constant 7808 : index
    %swap3A_1957 = tpu.vector_load %arg6[%swap3A_1956] {strides = array<i32>} : memref<8192xf32, #tpu.memory_space<vmem>>, vector<16xf32>,
    %swap3A_1958 = vector.shape_cast %swap3A_1957 : vector<16xf32> to vector<16xf32>
    %swap3A_1959 = vector.shape_cast %broadcast_in_dim3A_4 : vector<16xf32> to vector<16xf32>
    tpu.vector_store %arg6[%swap3A_1956], %swap3A_1959 {strides = array<i32>} : memref<8192xf32, #tpu.memory_space<vmem>>, vector<16xf32>,
    %swap3A_1960 = arith.constant 7824 : index
    %swap3A_1961 = tpu.vector_load %arg6[%swap3A_1960] {strides = array<i32>} : memref<8192xf32, #tpu.memory_space<vmem>>, vector<16xf32>,
    %swap3A_1962 = vector.shape_cast %swap3A_1961 : vector<16xf32> to vector<16xf32>
    %swap3A_1963 = vector.shape_cast %broadcast_in_dim3A_4 : vector<16xf32> to vector<16xf32>
    tpu.vector_store %arg6[%swap3A_1960], %swap3A_1963 {strides = array<i32>} : memref<8192xf32, #tpu.memory_space<vmem>>, vector<16xf32>,
    %swap3A_1964 = arith.constant 7840 : index
    %swap3A_1965 = tpu.vector_load %arg6[%swap3A_1964] {strides = array<i32>} : memref<8192xf32, #tpu.memory_space<vmem>>, vector<16xf32>,
    %swap3A_1966 = vector.shape_cast %swap3A_1965 : vector<16xf32> to vector<16xf32>
    %swap3A_1967 = vector.shape_cast %broadcast_in_dim3A_4 : vector<16xf32> to vector<16xf32>
    tpu.vector_store %arg6[%swap3A_1964], %swap3A_1967 {strides = array<i32>} : memref<8192xf32, #tpu.memory_space<vmem>>, vector<16xf32>,
    %swap3A_1968 = arith.constant 7856 : index
    %swap3A_1969 = tpu.vector_load %arg6[%swap3A_1968] {strides = array<i32>} : memref<8192xf32, #tpu.memory_space<vmem>>, vector<16xf32>,
    %swap3A_1970 = vector.shape_cast %swap3A_1969 : vector<16xf32> to vector<16xf32>
    %swap3A_1971 = vector.shape_cast %broadcast_in_dim3A_4 : vector<16xf32> to vector<16xf32>
    tpu.vector_store %arg6[%swap3A_1968], %swap3A_1971 {strides = array<i32>} : memref<8192xf32, #tpu.memory_space<vmem>>, vector<16xf32>,
    %swap3A_1972 = arith.constant 7872 : index
    %swap3A_1973 = tpu.vector_load %arg6[%swap3A_1972] {strides = array<i32>} : memref<8192xf32, #tpu.memory_space<vmem>>, vector<16xf32>,
    %swap3A_1974 = vector.shape_cast %swap3A_1973 : vector<16xf32> to vector<16xf32>
    %swap3A_1975 = vector.shape_cast %broadcast_in_dim3A_4 : vector<16xf32> to vector<16xf32>
    tpu.vector_store %arg6[%swap3A_1972], %swap3A_1975 {strides = array<i32>} : memref<8192xf32, #tpu.memory_space<vmem>>, vector<16xf32>,
    %swap3A_1976 = arith.constant 7888 : index
    %swap3A_1977 = tpu.vector_load %arg6[%swap3A_1976] {strides = array<i32>} : memref<8192xf32, #tpu.memory_space<vmem>>, vector<16xf32>,
    %swap3A_1978 = vector.shape_cast %swap3A_1977 : vector<16xf32> to vector<16xf32>
    %swap3A_1979 = vector.shape_cast %broadcast_in_dim3A_4 : vector<16xf32> to vector<16xf32>
    tpu.vector_store %arg6[%swap3A_1976], %swap3A_1979 {strides = array<i32>} : memref<8192xf32, #tpu.memory_space<vmem>>, vector<16xf32>,
    %swap3A_1980 = arith.constant 7904 : index
    %swap3A_1981 = tpu.vector_load %arg6[%swap3A_1980] {strides = array<i32>} : memref<8192xf32, #tpu.memory_space<vmem>>, vector<16xf32>,
    %swap3A_1982 = vector.shape_cast %swap3A_1981 : vector<16xf32> to vector<16xf32>
    %swap3A_1983 = vector.shape_cast %broadcast_in_dim3A_4 : vector<16xf32> to vector<16xf32>
    tpu.vector_store %arg6[%swap3A_1980], %swap3A_1983 {strides = array<i32>} : memref<8192xf32, #tpu.memory_space<vmem>>, vector<16xf32>,
    %swap3A_1984 = arith.constant 7920 : index
    %swap3A_1985 = tpu.vector_load %arg6[%swap3A_1984] {strides = array<i32>} : memref<8192xf32, #tpu.memory_space<vmem>>, vector<16xf32>,
    %swap3A_1986 = vector.shape_cast %swap3A_1985 : vector<16xf32> to vector<16xf32>
    %swap3A_1987 = vector.shape_cast %broadcast_in_dim3A_4 : vector<16xf32> to vector<16xf32>
    tpu.vector_store %arg6[%swap3A_1984], %swap3A_1987 {strides = array<i32>} : memref<8192xf32, #tpu.memory_space<vmem>>, vector<16xf32>,
    %swap3A_1988 = arith.constant 7936 : index
    %swap3A_1989 = tpu.vector_load %arg6[%swap3A_1988] {strides = array<i32>} : memref<8192xf32, #tpu.memory_space<vmem>>, vector<16xf32>,
    %swap3A_1990 = vector.shape_cast %swap3A_1989 : vector<16xf32> to vector<16xf32>
    %swap3A_1991 = vector.shape_cast %broadcast_in_dim3A_4 : vector<16xf32> to vector<16xf32>
    tpu.vector_store %arg6[%swap3A_1988], %swap3A_1991 {strides = array<i32>} : memref<8192xf32, #tpu.memory_space<vmem>>, vector<16xf32>,
    %swap3A_1992 = arith.constant 7952 : index
    %swap3A_1993 = tpu.vector_load %arg6[%swap3A_1992] {strides = array<i32>} : memref<8192xf32, #tpu.memory_space<vmem>>, vector<16xf32>,
    %swap3A_1994 = vector.shape_cast %swap3A_1993 : vector<16xf32> to vector<16xf32>
    %swap3A_1995 = vector.shape_cast %broadcast_in_dim3A_4 : vector<16xf32> to vector<16xf32>
    tpu.vector_store %arg6[%swap3A_1992], %swap3A_1995 {strides = array<i32>} : memref<8192xf32, #tpu.memory_space<vmem>>, vector<16xf32>,
    %swap3A_1996 = arith.constant 7968 : index
    %swap3A_1997 = tpu.vector_load %arg6[%swap3A_1996] {strides = array<i32>} : memref<8192xf32, #tpu.memory_space<vmem>>, vector<16xf32>,
    %swap3A_1998 = vector.shape_cast %swap3A_1997 : vector<16xf32> to vector<16xf32>
    %swap3A_1999 = vector.shape_cast %broadcast_in_dim3A_4 : vector<16xf32> to vector<16xf32>
    tpu.vector_store %arg6[%swap3A_1996], %swap3A_1999 {strides = array<i32>} : memref<8192xf32, #tpu.memory_space<vmem>>, vector<16xf32>,
    %swap3A_2000 = arith.constant 7984 : index
    %swap3A_2001 = tpu.vector_load %arg6[%swap3A_2000] {strides = array<i32>} : memref<8192xf32, #tpu.memory_space<vmem>>, vector<16xf32>,
    %swap3A_2002 = vector.shape_cast %swap3A_2001 : vector<16xf32> to vector<16xf32>
    %swap3A_2003 = vector.shape_cast %broadcast_in_dim3A_4 : vector<16xf32> to vector<16xf32>
    tpu.vector_store %arg6[%swap3A_2000], %swap3A_2003 {strides = array<i32>} : memref<8192xf32, #tpu.memory_space<vmem>>, vector<16xf32>,
    %swap3A_2004 = arith.constant 8000 : index
    %swap3A_2005 = tpu.vector_load %arg6[%swap3A_2004] {strides = array<i32>} : memref<8192xf32, #tpu.memory_space<vmem>>, vector<16xf32>,
    %swap3A_2006 = vector.shape_cast %swap3A_2005 : vector<16xf32> to vector<16xf32>
    %swap3A_2007 = vector.shape_cast %broadcast_in_dim3A_4 : vector<16xf32> to vector<16xf32>
    tpu.vector_store %arg6[%swap3A_2004], %swap3A_2007 {strides = array<i32>} : memref<8192xf32, #tpu.memory_space<vmem>>, vector<16xf32>,
    %swap3A_2008 = arith.constant 8016 : index
    %swap3A_2009 = tpu.vector_load %arg6[%swap3A_2008] {strides = array<i32>} : memref<8192xf32, #tpu.memory_space<vmem>>, vector<16xf32>,
    %swap3A_2010 = vector.shape_cast %swap3A_2009 : vector<16xf32> to vector<16xf32>
    %swap3A_2011 = vector.shape_cast %broadcast_in_dim3A_4 : vector<16xf32> to vector<16xf32>
    tpu.vector_store %arg6[%swap3A_2008], %swap3A_2011 {strides = array<i32>} : memref<8192xf32, #tpu.memory_space<vmem>>, vector<16xf32>,
    %swap3A_2012 = arith.constant 8032 : index
    %swap3A_2013 = tpu.vector_load %arg6[%swap3A_2012] {strides = array<i32>} : memref<8192xf32, #tpu.memory_space<vmem>>, vector<16xf32>,
    %swap3A_2014 = vector.shape_cast %swap3A_2013 : vector<16xf32> to vector<16xf32>
    %swap3A_2015 = vector.shape_cast %broadcast_in_dim3A_4 : vector<16xf32> to vector<16xf32>
    tpu.vector_store %arg6[%swap3A_2012], %swap3A_2015 {strides = array<i32>} : memref<8192xf32, #tpu.memory_space<vmem>>, vector<16xf32>,
    %swap3A_2016 = arith.constant 8048 : index
    %swap3A_2017 = tpu.vector_load %arg6[%swap3A_2016] {strides = array<i32>} : memref<8192xf32, #tpu.memory_space<vmem>>, vector<16xf32>,
    %swap3A_2018 = vector.shape_cast %swap3A_2017 : vector<16xf32> to vector<16xf32>
    %swap3A_2019 = vector.shape_cast %broadcast_in_dim3A_4 : vector<16xf32> to vector<16xf32>
    tpu.vector_store %arg6[%swap3A_2016], %swap3A_2019 {strides = array<i32>} : memref<8192xf32, #tpu.memory_space<vmem>>, vector<16xf32>,
    %swap3A_2020 = arith.constant 8064 : index
    %swap3A_2021 = tpu.vector_load %arg6[%swap3A_2020] {strides = array<i32>} : memref<8192xf32, #tpu.memory_space<vmem>>, vector<16xf32>,
    %swap3A_2022 = vector.shape_cast %swap3A_2021 : vector<16xf32> to vector<16xf32>
    %swap3A_2023 = vector.shape_cast %broadcast_in_dim3A_4 : vector<16xf32> to vector<16xf32>
    tpu.vector_store %arg6[%swap3A_2020], %swap3A_2023 {strides = array<i32>} : memref<8192xf32, #tpu.memory_space<vmem>>, vector<16xf32>,
    %swap3A_2024 = arith.constant 8080 : index
    %swap3A_2025 = tpu.vector_load %arg6[%swap3A_2024] {strides = array<i32>} : memref<8192xf32, #tpu.memory_space<vmem>>, vector<16xf32>,
    %swap3A_2026 = vector.shape_cast %swap3A_2025 : vector<16xf32> to vector<16xf32>
    %swap3A_2027 = vector.shape_cast %broadcast_in_dim3A_4 : vector<16xf32> to vector<16xf32>
    tpu.vector_store %arg6[%swap3A_2024], %swap3A_2027 {strides = array<i32>} : memref<8192xf32, #tpu.memory_space<vmem>>, vector<16xf32>,
    %swap3A_2028 = arith.constant 8096 : index
    %swap3A_2029 = tpu.vector_load %arg6[%swap3A_2028] {strides = array<i32>} : memref<8192xf32, #tpu.memory_space<vmem>>, vector<16xf32>,
    %swap3A_2030 = vector.shape_cast %swap3A_2029 : vector<16xf32> to vector<16xf32>
    %swap3A_2031 = vector.shape_cast %broadcast_in_dim3A_4 : vector<16xf32> to vector<16xf32>
    tpu.vector_store %arg6[%swap3A_2028], %swap3A_2031 {strides = array<i32>} : memref<8192xf32, #tpu.memory_space<vmem>>, vector<16xf32>,
    %swap3A_2032 = arith.constant 8112 : index
    %swap3A_2033 = tpu.vector_load %arg6[%swap3A_2032] {strides = array<i32>} : memref<8192xf32, #tpu.memory_space<vmem>>, vector<16xf32>,
    %swap3A_2034 = vector.shape_cast %swap3A_2033 : vector<16xf32> to vector<16xf32>
    %swap3A_2035 = vector.shape_cast %broadcast_in_dim3A_4 : vector<16xf32> to vector<16xf32>
    tpu.vector_store %arg6[%swap3A_2032], %swap3A_2035 {strides = array<i32>} : memref<8192xf32, #tpu.memory_space<vmem>>, vector<16xf32>,
    %swap3A_2036 = arith.constant 8128 : index
    %swap3A_2037 = tpu.vector_load %arg6[%swap3A_2036] {strides = array<i32>} : memref<8192xf32, #tpu.memory_space<vmem>>, vector<16xf32>,
    %swap3A_2038 = vector.shape_cast %swap3A_2037 : vector<16xf32> to vector<16xf32>
    %swap3A_2039 = vector.shape_cast %broadcast_in_dim3A_4 : vector<16xf32> to vector<16xf32>
    tpu.vector_store %arg6[%swap3A_2036], %swap3A_2039 {strides = array<i32>} : memref<8192xf32, #tpu.memory_space<vmem>>, vector<16xf32>,
    %swap3A_2040 = arith.constant 8144 : index
    %swap3A_2041 = tpu.vector_load %arg6[%swap3A_2040] {strides = array<i32>} : memref<8192xf32, #tpu.memory_space<vmem>>, vector<16xf32>,
    %swap3A_2042 = vector.shape_cast %swap3A_2041 : vector<16xf32> to vector<16xf32>
    %swap3A_2043 = vector.shape_cast %broadcast_in_dim3A_4 : vector<16xf32> to vector<16xf32>
    tpu.vector_store %arg6[%swap3A_2040], %swap3A_2043 {strides = array<i32>} : memref<8192xf32, #tpu.memory_space<vmem>>, vector<16xf32>,
    %swap3A_2044 = arith.constant 8160 : index
    %swap3A_2045 = tpu.vector_load %arg6[%swap3A_2044] {strides = array<i32>} : memref<8192xf32, #tpu.memory_space<vmem>>, vector<16xf32>,
    %swap3A_2046 = vector.shape_cast %swap3A_2045 : vector<16xf32> to vector<16xf32>
    %swap3A_2047 = vector.shape_cast %broadcast_in_dim3A_4 : vector<16xf32> to vector<16xf32>
    tpu.vector_store %arg6[%swap3A_2044], %swap3A_2047 {strides = array<i32>} : memref<8192xf32, #tpu.memory_space<vmem>>, vector<16xf32>,
    %swap3A_2048 = arith.constant 8176 : index
    %swap3A_2049 = tpu.vector_load %arg6[%swap3A_2048] {strides = array<i32>} : memref<8192xf32, #tpu.memory_space<vmem>>, vector<16xf32>,
    %swap3A_2050 = vector.shape_cast %swap3A_2049 : vector<16xf32> to vector<16xf32>
    %swap3A_2051 = vector.shape_cast %broadcast_in_dim3A_4 : vector<16xf32> to vector<16xf32>
    tpu.vector_store %arg6[%swap3A_2048], %swap3A_2051 {strides = array<i32>} : memref<8192xf32, #tpu.memory_space<vmem>>, vector<16xf32>,
    tpu.wait_dma2 semaphore(%arg8 : memref<!tpu.dma_semaphore, #tpu.memory_space<semaphore_mem>>) src(%arg3 : memref<16xf32, #tpu.memory_space<hbm>>) dst(%arg5 : memref<16xf32, #tpu.memory_space<vmem>>)
    %get3A = arith.constant 0 : index
    %get3A_2052 = tpu.vector_load %arg5[%get3A] {strides = array<i32>} : memref<16xf32, #tpu.memory_space<vmem>>, vector<16xf32>,
    %get3A_2053 = vector.shape_cast %get3A_2052 : vector<16xf32> to vector<16xf32>
    %mul3A_2054 = arith.constant 0x49800000 : f32
    %mul3A_2055 = vector.broadcast %mul3A_2054 : f32 to vector<16xf32>
    %mul3A_2056 = arith.mulf %get3A_2053, %mul3A_2055 : vector<16xf32>
    %convert_element_type3A = arith.fptosi %mul3A_2056 : vector<16xf32> to vector<16xi32>
    %slice3A = vector.extract_strided_slice %convert_element_type3A {offsets = [0], sizes = [1], strides = [1]} : vector<16xi32> to vector<1xi32>
    %squeeze3A = vector.extract %slice3A[0] : i32 from vector<1xi32>
    %sub3A = arith.subi %squeeze3A, %mul3A_2 : i32
    %jit3A = arith.constant 0 : i32
    %jit3A_2057 = arith.constant 32768 : i32
    %max3A = arith.maxsi %jit3A, %sub3A : i32
    %min3A = arith.minsi %jit3A_2057, %max3A : i32
    %eq3A = arith.constant 0 : i32
    %eq3A_2058 = arith.cmpi eq, %min3A, %eq3A : i32
    %convert_element_type3A_2059 = arith.extui %eq3A_2058 : i1 to i32
    %cond3A = arith.constant 0 : i32
    %cond3A_2060 = arith.cmpi ne, %convert_element_type3A_2059, %cond3A : i32
    scf.if %cond3A_2060 {
      %dma_wait3A = tpu.memref_slice %arg2[%mul3A_2] : memref<1048576xf32, #tpu.memory_space<hbm>> -> memref<32768xf32, #tpu.memory_space<hbm>>
      %dma_wait3A_2071 = tpu.memref_slice %arg2[%mul3A_2] : memref<1048576xf32, #tpu.memory_space<hbm>> -> memref<32768xf32, #tpu.memory_space<hbm>>
      tpu.wait_dma2 semaphore(%arg9 : memref<!tpu.dma_semaphore, #tpu.memory_space<semaphore_mem>>) src(%dma_wait3A_2071 : memref<32768xf32, #tpu.memory_space<hbm>>) dst(%arg7 : memref<32768xf32, #tpu.memory_space<vmem>>)
      %dma_start3A_2072 = tpu.memref_slice %arg4[%mul3A_2] : memref<1048576xf32, #tpu.memory_space<hbm>> -> memref<32768xf32, #tpu.memory_space<hbm>>
      %dma_start3A_2073 = tpu.memref_slice %arg4[%mul3A_2] : memref<1048576xf32, #tpu.memory_space<hbm>> -> memref<32768xf32, #tpu.memory_space<hbm>>
      tpu.enqueue_dma source(%arg7 : memref<32768xf32, #tpu.memory_space<vmem>>) target(%dma_start3A_2073 : memref<32768xf32, #tpu.memory_space<hbm>>) target_semaphore(%arg10 : memref<!tpu.dma_semaphore, #tpu.memory_space<semaphore_mem>>)
      %dma_wait3A_2074 = tpu.memref_slice %arg4[%mul3A_2] : memref<1048576xf32, #tpu.memory_space<hbm>> -> memref<32768xf32, #tpu.memory_space<hbm>>
      %dma_wait3A_2075 = tpu.memref_slice %arg4[%mul3A_2] : memref<1048576xf32, #tpu.memory_space<hbm>> -> memref<32768xf32, #tpu.memory_space<hbm>>
      tpu.wait_dma2 semaphore(%arg10 : memref<!tpu.dma_semaphore, #tpu.memory_space<semaphore_mem>>) src(%arg7 : memref<32768xf32, #tpu.memory_space<vmem>>) dst(%dma_wait3A_2075 : memref<32768xf32, #tpu.memory_space<hbm>>)
    } else {
    }
    %eq3A_2061 = arith.constant 32768 : i32
    %eq3A_2062 = arith.cmpi eq, %min3A, %eq3A_2061 : i32
    %convert_element_type3A_2063 = arith.extui %eq3A_2062 : i1 to i32
    %cond3A_2064 = arith.constant 0 : i32
    %cond3A_2065 = arith.cmpi ne, %convert_element_type3A_2063, %cond3A_2064 : i32
    scf.if %cond3A_2065 {
      %add3A_2071 = arith.constant 0 : i32
      %add3A_2072 = arith.addi %mul3A_2, %add3A_2071 : i32
      %dma_start3A_2073 = tpu.memref_slice %arg4[%add3A_2072] : memref<1048576xf32, #tpu.memory_space<hbm>> -> memref<8192xf32, #tpu.memory_space<hbm>>
      %dma_start3A_2074 = tpu.memref_slice %arg4[%add3A_2072] : memref<1048576xf32, #tpu.memory_space<hbm>> -> memref<8192xf32, #tpu.memory_space<hbm>>
      tpu.enqueue_dma source(%arg6 : memref<8192xf32, #tpu.memory_space<vmem>>) target(%dma_start3A_2074 : memref<8192xf32, #tpu.memory_space<hbm>>) target_semaphore(%arg11 : memref<!tpu.dma_semaphore, #tpu.memory_space<semaphore_mem>>)
      %add3A_2075 = arith.constant 8192 : i32
      %add3A_2076 = arith.addi %mul3A_2, %add3A_2075 : i32
      %dma_start3A_2077 = tpu.memref_slice %arg4[%add3A_2076] : memref<1048576xf32, #tpu.memory_space<hbm>> -> memref<8192xf32, #tpu.memory_space<hbm>>
      %dma_start3A_2078 = tpu.memref_slice %arg4[%add3A_2076] : memref<1048576xf32, #tpu.memory_space<hbm>> -> memref<8192xf32, #tpu.memory_space<hbm>>
      tpu.enqueue_dma source(%arg6 : memref<8192xf32, #tpu.memory_space<vmem>>) target(%dma_start3A_2078 : memref<8192xf32, #tpu.memory_space<hbm>>) target_semaphore(%arg12 : memref<!tpu.dma_semaphore, #tpu.memory_space<semaphore_mem>>)
      %add3A_2079 = arith.constant 16384 : i32
      %add3A_2080 = arith.addi %mul3A_2, %add3A_2079 : i32
      %dma_start3A_2081 = tpu.memref_slice %arg4[%add3A_2080] : memref<1048576xf32, #tpu.memory_space<hbm>> -> memref<8192xf32, #tpu.memory_space<hbm>>
      %dma_start3A_2082 = tpu.memref_slice %arg4[%add3A_2080] : memref<1048576xf32, #tpu.memory_space<hbm>> -> memref<8192xf32, #tpu.memory_space<hbm>>
      tpu.enqueue_dma source(%arg6 : memref<8192xf32, #tpu.memory_space<vmem>>) target(%dma_start3A_2082 : memref<8192xf32, #tpu.memory_space<hbm>>) target_semaphore(%arg13 : memref<!tpu.dma_semaphore, #tpu.memory_space<semaphore_mem>>)
      %add3A_2083 = arith.constant 24576 : i32
      %add3A_2084 = arith.addi %mul3A_2, %add3A_2083 : i32
      %dma_start3A_2085 = tpu.memref_slice %arg4[%add3A_2084] : memref<1048576xf32, #tpu.memory_space<hbm>> -> memref<8192xf32, #tpu.memory_space<hbm>>
      %dma_start3A_2086 = tpu.memref_slice %arg4[%add3A_2084] : memref<1048576xf32, #tpu.memory_space<hbm>> -> memref<8192xf32, #tpu.memory_space<hbm>>
      tpu.enqueue_dma source(%arg6 : memref<8192xf32, #tpu.memory_space<vmem>>) target(%dma_start3A_2086 : memref<8192xf32, #tpu.memory_space<hbm>>) target_semaphore(%arg14 : memref<!tpu.dma_semaphore, #tpu.memory_space<semaphore_mem>>)
      %dma_wait3A = tpu.memref_slice %arg2[%mul3A_2] : memref<1048576xf32, #tpu.memory_space<hbm>> -> memref<32768xf32, #tpu.memory_space<hbm>>
      %dma_wait3A_2087 = tpu.memref_slice %arg2[%mul3A_2] : memref<1048576xf32, #tpu.memory_space<hbm>> -> memref<32768xf32, #tpu.memory_space<hbm>>
      tpu.wait_dma2 semaphore(%arg9 : memref<!tpu.dma_semaphore, #tpu.memory_space<semaphore_mem>>) src(%dma_wait3A_2087 : memref<32768xf32, #tpu.memory_space<hbm>>) dst(%arg7 : memref<32768xf32, #tpu.memory_space<vmem>>)
      %add3A_2088 = arith.constant 0 : i32
      %add3A_2089 = arith.addi %mul3A_2, %add3A_2088 : i32
      %dma_wait3A_2090 = tpu.memref_slice %arg4[%add3A_2089] : memref<1048576xf32, #tpu.memory_space<hbm>> -> memref<8192xf32, #tpu.memory_space<hbm>>
      %dma_wait3A_2091 = tpu.memref_slice %arg4[%add3A_2089] : memref<1048576xf32, #tpu.memory_space<hbm>> -> memref<8192xf32, #tpu.memory_space<hbm>>
      tpu.wait_dma2 semaphore(%arg11 : memref<!tpu.dma_semaphore, #tpu.memory_space<semaphore_mem>>) src(%arg6 : memref<8192xf32, #tpu.memory_space<vmem>>) dst(%dma_wait3A_2091 : memref<8192xf32, #tpu.memory_space<hbm>>)
      %add3A_2092 = arith.constant 8192 : i32
      %add3A_2093 = arith.addi %mul3A_2, %add3A_2092 : i32
      %dma_wait3A_2094 = tpu.memref_slice %arg4[%add3A_2093] : memref<1048576xf32, #tpu.memory_space<hbm>> -> memref<8192xf32, #tpu.memory_space<hbm>>
      %dma_wait3A_2095 = tpu.memref_slice %arg4[%add3A_2093] : memref<1048576xf32, #tpu.memory_space<hbm>> -> memref<8192xf32, #tpu.memory_space<hbm>>
      tpu.wait_dma2 semaphore(%arg12 : memref<!tpu.dma_semaphore, #tpu.memory_space<semaphore_mem>>) src(%arg6 : memref<8192xf32, #tpu.memory_space<vmem>>) dst(%dma_wait3A_2095 : memref<8192xf32, #tpu.memory_space<hbm>>)
      %add3A_2096 = arith.constant 16384 : i32
      %add3A_2097 = arith.addi %mul3A_2, %add3A_2096 : i32
      %dma_wait3A_2098 = tpu.memref_slice %arg4[%add3A_2097] : memref<1048576xf32, #tpu.memory_space<hbm>> -> memref<8192xf32, #tpu.memory_space<hbm>>
      %dma_wait3A_2099 = tpu.memref_slice %arg4[%add3A_2097] : memref<1048576xf32, #tpu.memory_space<hbm>> -> memref<8192xf32, #tpu.memory_space<hbm>>
      tpu.wait_dma2 semaphore(%arg13 : memref<!tpu.dma_semaphore, #tpu.memory_space<semaphore_mem>>) src(%arg6 : memref<8192xf32, #tpu.memory_space<vmem>>) dst(%dma_wait3A_2099 : memref<8192xf32, #tpu.memory_space<hbm>>)
      %add3A_2100 = arith.constant 24576 : i32
      %add3A_2101 = arith.addi %mul3A_2, %add3A_2100 : i32
      %dma_wait3A_2102 = tpu.memref_slice %arg4[%add3A_2101] : memref<1048576xf32, #tpu.memory_space<hbm>> -> memref<8192xf32, #tpu.memory_space<hbm>>
      %dma_wait3A_2103 = tpu.memref_slice %arg4[%add3A_2101] : memref<1048576xf32, #tpu.memory_space<hbm>> -> memref<8192xf32, #tpu.memory_space<hbm>>
      tpu.wait_dma2 semaphore(%arg14 : memref<!tpu.dma_semaphore, #tpu.memory_space<semaphore_mem>>) src(%arg6 : memref<8192xf32, #tpu.memory_space<vmem>>) dst(%dma_wait3A_2103 : memref<8192xf32, #tpu.memory_space<hbm>>)
    } else {
    }
    %gt3A = arith.constant 0 : i32
    %gt3A_2066 = arith.cmpi sgt, %min3A, %gt3A : i32
    %lt3A = arith.constant 32768 : i32
    %lt3A_2067 = arith.cmpi slt, %min3A, %lt3A : i32
    %and3A = arith.andi %gt3A_2066, %lt3A_2067 : i1
    %convert_element_type3A_2068 = arith.extui %and3A : i1 to i32
    %cond3A_2069 = arith.constant 0 : i32
    %cond3A_2070 = arith.cmpi ne, %convert_element_type3A_2068, %cond3A_2069 : i32
    scf.if %cond3A_2070 {
      %jit3A_2071 = arith.constant 1024 : i32
      %div3A = arith.divsi %min3A, %jit3A_2071 : i32
      %sign3A = arith.constant 0 : i32
      %sign3A_2072 = arith.cmpi sgt, %min3A, %sign3A : i32
      %sign3A_2073 = arith.extui %sign3A_2072 : i1 to i32
      %sign3A_2074 = arith.constant 0 : i32
      %sign3A_2075 = arith.cmpi slt, %min3A, %sign3A_2074 : i32
      %sign3A_2076 = arith.extui %sign3A_2075 : i1 to i32
      %sign3A_2077 = arith.subi %sign3A_2073, %sign3A_2076 : i32
      %sign3A_2078 = arith.constant 0 : i32
      %sign3A_2079 = arith.cmpi sgt, %jit3A_2071, %sign3A_2078 : i32
      %sign3A_2080 = arith.extui %sign3A_2079 : i1 to i32
      %sign3A_2081 = arith.constant 0 : i32
      %sign3A_2082 = arith.cmpi slt, %jit3A_2071, %sign3A_2081 : i32
      %sign3A_2083 = arith.extui %sign3A_2082 : i1 to i32
      %sign3A_2084 = arith.subi %sign3A_2080, %sign3A_2083 : i32
      %ne3A = arith.cmpi ne, %sign3A_2077, %sign3A_2084 : i32
      %rem3A = arith.remsi %min3A, %jit3A_2071 : i32
      %ne3A_2085 = arith.constant 0 : i32
      %ne3A_2086 = arith.cmpi ne, %rem3A, %ne3A_2085 : i32
      %and3A_2087 = arith.andi %ne3A, %ne3A_2086 : i1
      %sub3A_2088 = arith.constant 1 : i32
      %sub3A_2089 = arith.subi %div3A, %sub3A_2088 : i32
      %select_n3A = arith.select %and3A_2087, %sub3A_2089, %div3A : i32
      %ge3A = arith.constant 8 : i32
      %ge3A_2090 = arith.cmpi sge, %select_n3A, %ge3A : i32
      %convert_element_type3A_2091 = arith.extui %ge3A_2090 : i1 to i32
      %eq3A_2092 = arith.constant 1 : i32
      %eq3A_2093 = arith.cmpi eq, %convert_element_type3A_2091, %eq3A_2092 : i32
      %convert_element_type3A_2094 = arith.extui %eq3A_2093 : i1 to i32
      %cond3A_2095 = arith.constant 0 : i32
      %cond3A_2096 = arith.cmpi ne, %convert_element_type3A_2094, %cond3A_2095 : i32
      scf.if %cond3A_2096 {
        %dma_start3A_4091 = arith.constant 0 : i32
        %dma_start3A_4092 = tpu.memref_slice %arg6[%dma_start3A_4091] : memref<8192xf32, #tpu.memory_space<vmem>> -> memref<8192xf32, #tpu.memory_space<vmem>>
        %dma_start3A_4093 = tpu.memref_slice %arg4[%mul3A_2] : memref<1048576xf32, #tpu.memory_space<hbm>> -> memref<8192xf32, #tpu.memory_space<hbm>>
        %dma_start3A_4094 = tpu.memref_slice %arg4[%mul3A_2] : memref<1048576xf32, #tpu.memory_space<hbm>> -> memref<8192xf32, #tpu.memory_space<hbm>>
        %dma_start3A_4095 = arith.constant 0 : i32
        %dma_start3A_4096 = tpu.memref_slice %arg6[%dma_start3A_4095] : memref<8192xf32, #tpu.memory_space<vmem>> -> memref<8192xf32, #tpu.memory_space<vmem>>
        tpu.enqueue_dma source(%dma_start3A_4096 : memref<8192xf32, #tpu.memory_space<vmem>>) target(%dma_start3A_4094 : memref<8192xf32, #tpu.memory_space<hbm>>) target_semaphore(%arg11 : memref<!tpu.dma_semaphore, #tpu.memory_space<semaphore_mem>>)
      } else {
      }
      %mul3A_2097 = arith.constant 8192 : i32
      %mul3A_2098 = arith.muli %convert_element_type3A_2091, %mul3A_2097 : i32
      %add3A_2099 = arith.addi %mul3A_2, %mul3A_2098 : i32
      %mul3A_2100 = arith.constant 8 : i32
      %mul3A_2101 = arith.muli %convert_element_type3A_2091, %mul3A_2100 : i32
      %sub3A_2102 = arith.subi %select_n3A, %mul3A_2101 : i32
      %ge3A_2103 = arith.constant 8 : i32
      %ge3A_2104 = arith.cmpi sge, %sub3A_2102, %ge3A_2103 : i32
      %convert_element_type3A_2105 = arith.extui %ge3A_2104 : i1 to i32
      %eq3A_2106 = arith.constant 1 : i32
      %eq3A_2107 = arith.cmpi eq, %convert_element_type3A_2105, %eq3A_2106 : i32
      %convert_element_type3A_2108 = arith.extui %eq3A_2107 : i1 to i32
      %cond3A_2109 = arith.constant 0 : i32
      %cond3A_2110 = arith.cmpi ne, %convert_element_type3A_2108, %cond3A_2109 : i32
      scf.if %cond3A_2110 {
        %dma_start3A_4091 = arith.constant 0 : i32
        %dma_start3A_4092 = tpu.memref_slice %arg6[%dma_start3A_4091] : memref<8192xf32, #tpu.memory_space<vmem>> -> memref<8192xf32, #tpu.memory_space<vmem>>
        %dma_start3A_4093 = tpu.memref_slice %arg4[%add3A_2099] : memref<1048576xf32, #tpu.memory_space<hbm>> -> memref<8192xf32, #tpu.memory_space<hbm>>
        %dma_start3A_4094 = tpu.memref_slice %arg4[%add3A_2099] : memref<1048576xf32, #tpu.memory_space<hbm>> -> memref<8192xf32, #tpu.memory_space<hbm>>
        %dma_start3A_4095 = arith.constant 0 : i32
        %dma_start3A_4096 = tpu.memref_slice %arg6[%dma_start3A_4095] : memref<8192xf32, #tpu.memory_space<vmem>> -> memref<8192xf32, #tpu.memory_space<vmem>>
        tpu.enqueue_dma source(%dma_start3A_4096 : memref<8192xf32, #tpu.memory_space<vmem>>) target(%dma_start3A_4094 : memref<8192xf32, #tpu.memory_space<hbm>>) target_semaphore(%arg12 : memref<!tpu.dma_semaphore, #tpu.memory_space<semaphore_mem>>)
      } else {
      }
      %mul3A_2111 = arith.constant 8192 : i32
      %mul3A_2112 = arith.muli %convert_element_type3A_2105, %mul3A_2111 : i32
      %add3A_2113 = arith.addi %add3A_2099, %mul3A_2112 : i32
      %mul3A_2114 = arith.constant 8 : i32
      %mul3A_2115 = arith.muli %convert_element_type3A_2105, %mul3A_2114 : i32
      %sub3A_2116 = arith.subi %sub3A_2102, %mul3A_2115 : i32
      %ge3A_2117 = arith.constant 8 : i32
      %ge3A_2118 = arith.cmpi sge, %sub3A_2116, %ge3A_2117 : i32
      %convert_element_type3A_2119 = arith.extui %ge3A_2118 : i1 to i32
      %eq3A_2120 = arith.constant 1 : i32
      %eq3A_2121 = arith.cmpi eq, %convert_element_type3A_2119, %eq3A_2120 : i32
      %convert_element_type3A_2122 = arith.extui %eq3A_2121 : i1 to i32
      %cond3A_2123 = arith.constant 0 : i32
      %cond3A_2124 = arith.cmpi ne, %convert_element_type3A_2122, %cond3A_2123 : i32
      scf.if %cond3A_2124 {
        %dma_start3A_4091 = arith.constant 0 : i32
        %dma_start3A_4092 = tpu.memref_slice %arg6[%dma_start3A_4091] : memref<8192xf32, #tpu.memory_space<vmem>> -> memref<8192xf32, #tpu.memory_space<vmem>>
        %dma_start3A_4093 = tpu.memref_slice %arg4[%add3A_2113] : memref<1048576xf32, #tpu.memory_space<hbm>> -> memref<8192xf32, #tpu.memory_space<hbm>>
        %dma_start3A_4094 = tpu.memref_slice %arg4[%add3A_2113] : memref<1048576xf32, #tpu.memory_space<hbm>> -> memref<8192xf32, #tpu.memory_space<hbm>>
        %dma_start3A_4095 = arith.constant 0 : i32
        %dma_start3A_4096 = tpu.memref_slice %arg6[%dma_start3A_4095] : memref<8192xf32, #tpu.memory_space<vmem>> -> memref<8192xf32, #tpu.memory_space<vmem>>
        tpu.enqueue_dma source(%dma_start3A_4096 : memref<8192xf32, #tpu.memory_space<vmem>>) target(%dma_start3A_4094 : memref<8192xf32, #tpu.memory_space<hbm>>) target_semaphore(%arg13 : memref<!tpu.dma_semaphore, #tpu.memory_space<semaphore_mem>>)
      } else {
      }
      %mul3A_2125 = arith.constant 8192 : i32
      %mul3A_2126 = arith.muli %convert_element_type3A_2119, %mul3A_2125 : i32
      %add3A_2127 = arith.addi %add3A_2113, %mul3A_2126 : i32
      %mul3A_2128 = arith.constant 8 : i32
      %mul3A_2129 = arith.muli %convert_element_type3A_2119, %mul3A_2128 : i32
      %sub3A_2130 = arith.subi %sub3A_2116, %mul3A_2129 : i32
      %ge3A_2131 = arith.constant 4 : i32
      %ge3A_2132 = arith.cmpi sge, %sub3A_2130, %ge3A_2131 : i32
      %convert_element_type3A_2133 = arith.extui %ge3A_2132 : i1 to i32
      %eq3A_2134 = arith.constant 1 : i32
      %eq3A_2135 = arith.cmpi eq, %convert_element_type3A_2133, %eq3A_2134 : i32
      %convert_element_type3A_2136 = arith.extui %eq3A_2135 : i1 to i32
      %cond3A_2137 = arith.constant 0 : i32
      %cond3A_2138 = arith.cmpi ne, %convert_element_type3A_2136, %cond3A_2137 : i32
      scf.if %cond3A_2138 {
        %dma_start3A_4091 = arith.constant 0 : i32
        %dma_start3A_4092 = tpu.memref_slice %arg6[%dma_start3A_4091] : memref<8192xf32, #tpu.memory_space<vmem>> -> memref<4096xf32, #tpu.memory_space<vmem>>
        %dma_start3A_4093 = tpu.memref_slice %arg4[%add3A_2127] : memref<1048576xf32, #tpu.memory_space<hbm>> -> memref<4096xf32, #tpu.memory_space<hbm>>
        %dma_start3A_4094 = tpu.memref_slice %arg4[%add3A_2127] : memref<1048576xf32, #tpu.memory_space<hbm>> -> memref<4096xf32, #tpu.memory_space<hbm>>
        %dma_start3A_4095 = arith.constant 0 : i32
        %dma_start3A_4096 = tpu.memref_slice %arg6[%dma_start3A_4095] : memref<8192xf32, #tpu.memory_space<vmem>> -> memref<4096xf32, #tpu.memory_space<vmem>>
        tpu.enqueue_dma source(%dma_start3A_4096 : memref<4096xf32, #tpu.memory_space<vmem>>) target(%dma_start3A_4094 : memref<4096xf32, #tpu.memory_space<hbm>>) target_semaphore(%arg14 : memref<!tpu.dma_semaphore, #tpu.memory_space<semaphore_mem>>)
      } else {
      }
      %mul3A_2139 = arith.constant 4096 : i32
      %mul3A_2140 = arith.muli %convert_element_type3A_2133, %mul3A_2139 : i32
      %add3A_2141 = arith.addi %add3A_2127, %mul3A_2140 : i32
      %mul3A_2142 = arith.constant 4 : i32
      %mul3A_2143 = arith.muli %convert_element_type3A_2133, %mul3A_2142 : i32
      %sub3A_2144 = arith.subi %sub3A_2130, %mul3A_2143 : i32
      %ge3A_2145 = arith.constant 2 : i32
      %ge3A_2146 = arith.cmpi sge, %sub3A_2144, %ge3A_2145 : i32
      %convert_element_type3A_2147 = arith.extui %ge3A_2146 : i1 to i32
      %eq3A_2148 = arith.constant 1 : i32
      %eq3A_2149 = arith.cmpi eq, %convert_element_type3A_2147, %eq3A_2148 : i32
      %convert_element_type3A_2150 = arith.extui %eq3A_2149 : i1 to i32
      %cond3A_2151 = arith.constant 0 : i32
      %cond3A_2152 = arith.cmpi ne, %convert_element_type3A_2150, %cond3A_2151 : i32
      scf.if %cond3A_2152 {
        %dma_start3A_4091 = arith.constant 0 : i32
        %dma_start3A_4092 = tpu.memref_slice %arg6[%dma_start3A_4091] : memref<8192xf32, #tpu.memory_space<vmem>> -> memref<2048xf32, #tpu.memory_space<vmem>>
        %dma_start3A_4093 = tpu.memref_slice %arg4[%add3A_2141] : memref<1048576xf32, #tpu.memory_space<hbm>> -> memref<2048xf32, #tpu.memory_space<hbm>>
        %dma_start3A_4094 = tpu.memref_slice %arg4[%add3A_2141] : memref<1048576xf32, #tpu.memory_space<hbm>> -> memref<2048xf32, #tpu.memory_space<hbm>>
        %dma_start3A_4095 = arith.constant 0 : i32
        %dma_start3A_4096 = tpu.memref_slice %arg6[%dma_start3A_4095] : memref<8192xf32, #tpu.memory_space<vmem>> -> memref<2048xf32, #tpu.memory_space<vmem>>
        tpu.enqueue_dma source(%dma_start3A_4096 : memref<2048xf32, #tpu.memory_space<vmem>>) target(%dma_start3A_4094 : memref<2048xf32, #tpu.memory_space<hbm>>) target_semaphore(%arg15 : memref<!tpu.dma_semaphore, #tpu.memory_space<semaphore_mem>>)
      } else {
      }
      %mul3A_2153 = arith.constant 2048 : i32
      %mul3A_2154 = arith.muli %convert_element_type3A_2147, %mul3A_2153 : i32
      %add3A_2155 = arith.addi %add3A_2141, %mul3A_2154 : i32
      %mul3A_2156 = arith.constant 2 : i32
      %mul3A_2157 = arith.muli %convert_element_type3A_2147, %mul3A_2156 : i32
      %sub3A_2158 = arith.subi %sub3A_2144, %mul3A_2157 : i32
      %ge3A_2159 = arith.constant 1 : i32
      %ge3A_2160 = arith.cmpi sge, %sub3A_2158, %ge3A_2159 : i32
      %convert_element_type3A_2161 = arith.extui %ge3A_2160 : i1 to i32
      %eq3A_2162 = arith.constant 1 : i32
      %eq3A_2163 = arith.cmpi eq, %convert_element_type3A_2161, %eq3A_2162 : i32
      %convert_element_type3A_2164 = arith.extui %eq3A_2163 : i1 to i32
      %cond3A_2165 = arith.constant 0 : i32
      %cond3A_2166 = arith.cmpi ne, %convert_element_type3A_2164, %cond3A_2165 : i32
      scf.if %cond3A_2166 {
        %dma_start3A_4091 = arith.constant 0 : i32
        %dma_start3A_4092 = tpu.memref_slice %arg6[%dma_start3A_4091] : memref<8192xf32, #tpu.memory_space<vmem>> -> memref<1024xf32, #tpu.memory_space<vmem>>
        %dma_start3A_4093 = tpu.memref_slice %arg4[%add3A_2155] : memref<1048576xf32, #tpu.memory_space<hbm>> -> memref<1024xf32, #tpu.memory_space<hbm>>
        %dma_start3A_4094 = tpu.memref_slice %arg4[%add3A_2155] : memref<1048576xf32, #tpu.memory_space<hbm>> -> memref<1024xf32, #tpu.memory_space<hbm>>
        %dma_start3A_4095 = arith.constant 0 : i32
        %dma_start3A_4096 = tpu.memref_slice %arg6[%dma_start3A_4095] : memref<8192xf32, #tpu.memory_space<vmem>> -> memref<1024xf32, #tpu.memory_space<vmem>>
        tpu.enqueue_dma source(%dma_start3A_4096 : memref<1024xf32, #tpu.memory_space<vmem>>) target(%dma_start3A_4094 : memref<1024xf32, #tpu.memory_space<hbm>>) target_semaphore(%arg16 : memref<!tpu.dma_semaphore, #tpu.memory_space<semaphore_mem>>)
      } else {
      }
      %mul3A_2167 = arith.constant 1024 : i32
      %mul3A_2168 = arith.muli %convert_element_type3A_2161, %mul3A_2167 : i32
      %add3A_2169 = arith.addi %add3A_2155, %mul3A_2168 : i32
      %mul3A_2170 = arith.constant 1 : i32
      %mul3A_2171 = arith.muli %convert_element_type3A_2161, %mul3A_2170 : i32
      %sub3A_2172 = arith.subi %sub3A_2158, %mul3A_2171 : i32
      %dma_wait3A = tpu.memref_slice %arg2[%mul3A_2] : memref<1048576xf32, #tpu.memory_space<hbm>> -> memref<32768xf32, #tpu.memory_space<hbm>>
      %dma_wait3A_2173 = tpu.memref_slice %arg2[%mul3A_2] : memref<1048576xf32, #tpu.memory_space<hbm>> -> memref<32768xf32, #tpu.memory_space<hbm>>
      tpu.wait_dma2 semaphore(%arg9 : memref<!tpu.dma_semaphore, #tpu.memory_space<semaphore_mem>>) src(%dma_wait3A_2173 : memref<32768xf32, #tpu.memory_space<hbm>>) dst(%arg7 : memref<32768xf32, #tpu.memory_space<vmem>>)
      %mul3A_2174 = arith.constant 1024 : i32
      %mul3A_2175 = arith.muli %select_n3A, %mul3A_2174 : i32
      %add3A_2176 = arith.addi %mul3A_2, %mul3A_2175 : i32
      %iota3A = tpu.iota {dimensions = array<i32: 0>} : vector<16xi32>
      %add3A_2177 = arith.constant 0 : i32
      %add3A_2178 = arith.addi %add3A_2176, %add3A_2177 : i32
      %add3A_2179 = vector.broadcast %add3A_2178 : i32 to vector<16xi32>
      %add3A_2180 = arith.addi %iota3A, %add3A_2179 : vector<16xi32>
      %add3A_2181 = arith.constant 0 : i32
      %add3A_2182 = arith.addi %mul3A_2175, %add3A_2181 : i32
      %get3A_2183 = arith.index_cast %add3A_2182 : i32 to index
      %get3A_2184 = tpu.vector_load %arg7[%get3A_2183] {strides = array<i32>} : memref<32768xf32, #tpu.memory_space<vmem>>, vector<16xf32>,
      %get3A_2185 = vector.shape_cast %get3A_2184 : vector<16xf32> to vector<16xf32>
      %ge3A_2186 = arith.cmpi sge, %add3A_2180, %convert_element_type3A : vector<16xi32>
      %jit3A_2187 = arith.constant 0.000000e+00 : f32
      %broadcast_in_dim3A_2188 = vector.broadcast %jit3A_2187 : f32 to vector<16xf32>
      %select_n3A_2189 = arith.select %ge3A_2186, %get3A_2185, %broadcast_in_dim3A_2188 : vector<16xi1>, vector<16xf32>
      %add3A_2190 = arith.constant 0 : i32
      %add3A_2191 = arith.addi %mul3A_2175, %add3A_2190 : i32
      %swap3A_2192 = arith.index_cast %add3A_2191 : i32 to index
      %swap3A_2193 = tpu.vector_load %arg7[%swap3A_2192] {strides = array<i32>} : memref<32768xf32, #tpu.memory_space<vmem>>, vector<16xf32>,
      %swap3A_2194 = vector.shape_cast %swap3A_2193 : vector<16xf32> to vector<16xf32>
      %swap3A_2195 = vector.shape_cast %select_n3A_2189 : vector<16xf32> to vector<16xf32>
      tpu.vector_store %arg7[%swap3A_2192], %swap3A_2195 {strides = array<i32>} : memref<32768xf32, #tpu.memory_space<vmem>>, vector<16xf32>,
      %add3A_2196 = arith.constant 16 : i32
      %add3A_2197 = arith.addi %add3A_2176, %add3A_2196 : i32
      %add3A_2198 = vector.broadcast %add3A_2197 : i32 to vector<16xi32>
      %add3A_2199 = arith.addi %iota3A, %add3A_2198 : vector<16xi32>
      %add3A_2200 = arith.constant 16 : i32
      %add3A_2201 = arith.addi %mul3A_2175, %add3A_2200 : i32
      %get3A_2202 = arith.index_cast %add3A_2201 : i32 to index
      %get3A_2203 = tpu.vector_load %arg7[%get3A_2202] {strides = array<i32>} : memref<32768xf32, #tpu.memory_space<vmem>>, vector<16xf32>,
      %get3A_2204 = vector.shape_cast %get3A_2203 : vector<16xf32> to vector<16xf32>
      %ge3A_2205 = arith.cmpi sge, %add3A_2199, %convert_element_type3A : vector<16xi32>
      %jit3A_2206 = arith.constant 0.000000e+00 : f32
      %broadcast_in_dim3A_2207 = vector.broadcast %jit3A_2206 : f32 to vector<16xf32>
      %select_n3A_2208 = arith.select %ge3A_2205, %get3A_2204, %broadcast_in_dim3A_2207 : vector<16xi1>, vector<16xf32>
      %add3A_2209 = arith.constant 16 : i32
      %add3A_2210 = arith.addi %mul3A_2175, %add3A_2209 : i32
      %swap3A_2211 = arith.index_cast %add3A_2210 : i32 to index
      %swap3A_2212 = tpu.vector_load %arg7[%swap3A_2211] {strides = array<i32>} : memref<32768xf32, #tpu.memory_space<vmem>>, vector<16xf32>,
      %swap3A_2213 = vector.shape_cast %swap3A_2212 : vector<16xf32> to vector<16xf32>
      %swap3A_2214 = vector.shape_cast %select_n3A_2208 : vector<16xf32> to vector<16xf32>
      tpu.vector_store %arg7[%swap3A_2211], %swap3A_2214 {strides = array<i32>} : memref<32768xf32, #tpu.memory_space<vmem>>, vector<16xf32>,
      %add3A_2215 = arith.constant 32 : i32
      %add3A_2216 = arith.addi %add3A_2176, %add3A_2215 : i32
      %add3A_2217 = vector.broadcast %add3A_2216 : i32 to vector<16xi32>
      %add3A_2218 = arith.addi %iota3A, %add3A_2217 : vector<16xi32>
      %add3A_2219 = arith.constant 32 : i32
      %add3A_2220 = arith.addi %mul3A_2175, %add3A_2219 : i32
      %get3A_2221 = arith.index_cast %add3A_2220 : i32 to index
      %get3A_2222 = tpu.vector_load %arg7[%get3A_2221] {strides = array<i32>} : memref<32768xf32, #tpu.memory_space<vmem>>, vector<16xf32>,
      %get3A_2223 = vector.shape_cast %get3A_2222 : vector<16xf32> to vector<16xf32>
      %ge3A_2224 = arith.cmpi sge, %add3A_2218, %convert_element_type3A : vector<16xi32>
      %jit3A_2225 = arith.constant 0.000000e+00 : f32
      %broadcast_in_dim3A_2226 = vector.broadcast %jit3A_2225 : f32 to vector<16xf32>
      %select_n3A_2227 = arith.select %ge3A_2224, %get3A_2223, %broadcast_in_dim3A_2226 : vector<16xi1>, vector<16xf32>
      %add3A_2228 = arith.constant 32 : i32
      %add3A_2229 = arith.addi %mul3A_2175, %add3A_2228 : i32
      %swap3A_2230 = arith.index_cast %add3A_2229 : i32 to index
      %swap3A_2231 = tpu.vector_load %arg7[%swap3A_2230] {strides = array<i32>} : memref<32768xf32, #tpu.memory_space<vmem>>, vector<16xf32>,
      %swap3A_2232 = vector.shape_cast %swap3A_2231 : vector<16xf32> to vector<16xf32>
      %swap3A_2233 = vector.shape_cast %select_n3A_2227 : vector<16xf32> to vector<16xf32>
      tpu.vector_store %arg7[%swap3A_2230], %swap3A_2233 {strides = array<i32>} : memref<32768xf32, #tpu.memory_space<vmem>>, vector<16xf32>,
      %add3A_2234 = arith.constant 48 : i32
      %add3A_2235 = arith.addi %add3A_2176, %add3A_2234 : i32
      %add3A_2236 = vector.broadcast %add3A_2235 : i32 to vector<16xi32>
      %add3A_2237 = arith.addi %iota3A, %add3A_2236 : vector<16xi32>
      %add3A_2238 = arith.constant 48 : i32
      %add3A_2239 = arith.addi %mul3A_2175, %add3A_2238 : i32
      %get3A_2240 = arith.index_cast %add3A_2239 : i32 to index
      %get3A_2241 = tpu.vector_load %arg7[%get3A_2240] {strides = array<i32>} : memref<32768xf32, #tpu.memory_space<vmem>>, vector<16xf32>,
      %get3A_2242 = vector.shape_cast %get3A_2241 : vector<16xf32> to vector<16xf32>
      %ge3A_2243 = arith.cmpi sge, %add3A_2237, %convert_element_type3A : vector<16xi32>
      %jit3A_2244 = arith.constant 0.000000e+00 : f32
      %broadcast_in_dim3A_2245 = vector.broadcast %jit3A_2244 : f32 to vector<16xf32>
      %select_n3A_2246 = arith.select %ge3A_2243, %get3A_2242, %broadcast_in_dim3A_2245 : vector<16xi1>, vector<16xf32>
      %add3A_2247 = arith.constant 48 : i32
      %add3A_2248 = arith.addi %mul3A_2175, %add3A_2247 : i32
      %swap3A_2249 = arith.index_cast %add3A_2248 : i32 to index
      %swap3A_2250 = tpu.vector_load %arg7[%swap3A_2249] {strides = array<i32>} : memref<32768xf32, #tpu.memory_space<vmem>>, vector<16xf32>,
      %swap3A_2251 = vector.shape_cast %swap3A_2250 : vector<16xf32> to vector<16xf32>
      %swap3A_2252 = vector.shape_cast %select_n3A_2246 : vector<16xf32> to vector<16xf32>
      tpu.vector_store %arg7[%swap3A_2249], %swap3A_2252 {strides = array<i32>} : memref<32768xf32, #tpu.memory_space<vmem>>, vector<16xf32>,
      %add3A_2253 = arith.constant 64 : i32
      %add3A_2254 = arith.addi %add3A_2176, %add3A_2253 : i32
      %add3A_2255 = vector.broadcast %add3A_2254 : i32 to vector<16xi32>
      %add3A_2256 = arith.addi %iota3A, %add3A_2255 : vector<16xi32>
      %add3A_2257 = arith.constant 64 : i32
      %add3A_2258 = arith.addi %mul3A_2175, %add3A_2257 : i32
      %get3A_2259 = arith.index_cast %add3A_2258 : i32 to index
      %get3A_2260 = tpu.vector_load %arg7[%get3A_2259] {strides = array<i32>} : memref<32768xf32, #tpu.memory_space<vmem>>, vector<16xf32>,
      %get3A_2261 = vector.shape_cast %get3A_2260 : vector<16xf32> to vector<16xf32>
      %ge3A_2262 = arith.cmpi sge, %add3A_2256, %convert_element_type3A : vector<16xi32>
      %jit3A_2263 = arith.constant 0.000000e+00 : f32
      %broadcast_in_dim3A_2264 = vector.broadcast %jit3A_2263 : f32 to vector<16xf32>
      %select_n3A_2265 = arith.select %ge3A_2262, %get3A_2261, %broadcast_in_dim3A_2264 : vector<16xi1>, vector<16xf32>
      %add3A_2266 = arith.constant 64 : i32
      %add3A_2267 = arith.addi %mul3A_2175, %add3A_2266 : i32
      %swap3A_2268 = arith.index_cast %add3A_2267 : i32 to index
      %swap3A_2269 = tpu.vector_load %arg7[%swap3A_2268] {strides = array<i32>} : memref<32768xf32, #tpu.memory_space<vmem>>, vector<16xf32>,
      %swap3A_2270 = vector.shape_cast %swap3A_2269 : vector<16xf32> to vector<16xf32>
      %swap3A_2271 = vector.shape_cast %select_n3A_2265 : vector<16xf32> to vector<16xf32>
      tpu.vector_store %arg7[%swap3A_2268], %swap3A_2271 {strides = array<i32>} : memref<32768xf32, #tpu.memory_space<vmem>>, vector<16xf32>,
      %add3A_2272 = arith.constant 80 : i32
      %add3A_2273 = arith.addi %add3A_2176, %add3A_2272 : i32
      %add3A_2274 = vector.broadcast %add3A_2273 : i32 to vector<16xi32>
      %add3A_2275 = arith.addi %iota3A, %add3A_2274 : vector<16xi32>
      %add3A_2276 = arith.constant 80 : i32
      %add3A_2277 = arith.addi %mul3A_2175, %add3A_2276 : i32
      %get3A_2278 = arith.index_cast %add3A_2277 : i32 to index
      %get3A_2279 = tpu.vector_load %arg7[%get3A_2278] {strides = array<i32>} : memref<32768xf32, #tpu.memory_space<vmem>>, vector<16xf32>,
      %get3A_2280 = vector.shape_cast %get3A_2279 : vector<16xf32> to vector<16xf32>
      %ge3A_2281 = arith.cmpi sge, %add3A_2275, %convert_element_type3A : vector<16xi32>
      %jit3A_2282 = arith.constant 0.000000e+00 : f32
      %broadcast_in_dim3A_2283 = vector.broadcast %jit3A_2282 : f32 to vector<16xf32>
      %select_n3A_2284 = arith.select %ge3A_2281, %get3A_2280, %broadcast_in_dim3A_2283 : vector<16xi1>, vector<16xf32>
      %add3A_2285 = arith.constant 80 : i32
      %add3A_2286 = arith.addi %mul3A_2175, %add3A_2285 : i32
      %swap3A_2287 = arith.index_cast %add3A_2286 : i32 to index
      %swap3A_2288 = tpu.vector_load %arg7[%swap3A_2287] {strides = array<i32>} : memref<32768xf32, #tpu.memory_space<vmem>>, vector<16xf32>,
      %swap3A_2289 = vector.shape_cast %swap3A_2288 : vector<16xf32> to vector<16xf32>
      %swap3A_2290 = vector.shape_cast %select_n3A_2284 : vector<16xf32> to vector<16xf32>
      tpu.vector_store %arg7[%swap3A_2287], %swap3A_2290 {strides = array<i32>} : memref<32768xf32, #tpu.memory_space<vmem>>, vector<16xf32>,
      %add3A_2291 = arith.constant 96 : i32
      %add3A_2292 = arith.addi %add3A_2176, %add3A_2291 : i32
      %add3A_2293 = vector.broadcast %add3A_2292 : i32 to vector<16xi32>
      %add3A_2294 = arith.addi %iota3A, %add3A_2293 : vector<16xi32>
      %add3A_2295 = arith.constant 96 : i32
      %add3A_2296 = arith.addi %mul3A_2175, %add3A_2295 : i32
      %get3A_2297 = arith.index_cast %add3A_2296 : i32 to index
      %get3A_2298 = tpu.vector_load %arg7[%get3A_2297] {strides = array<i32>} : memref<32768xf32, #tpu.memory_space<vmem>>, vector<16xf32>,
      %get3A_2299 = vector.shape_cast %get3A_2298 : vector<16xf32> to vector<16xf32>
      %ge3A_2300 = arith.cmpi sge, %add3A_2294, %convert_element_type3A : vector<16xi32>
      %jit3A_2301 = arith.constant 0.000000e+00 : f32
      %broadcast_in_dim3A_2302 = vector.broadcast %jit3A_2301 : f32 to vector<16xf32>
      %select_n3A_2303 = arith.select %ge3A_2300, %get3A_2299, %broadcast_in_dim3A_2302 : vector<16xi1>, vector<16xf32>
      %add3A_2304 = arith.constant 96 : i32
      %add3A_2305 = arith.addi %mul3A_2175, %add3A_2304 : i32
      %swap3A_2306 = arith.index_cast %add3A_2305 : i32 to index
      %swap3A_2307 = tpu.vector_load %arg7[%swap3A_2306] {strides = array<i32>} : memref<32768xf32, #tpu.memory_space<vmem>>, vector<16xf32>,
      %swap3A_2308 = vector.shape_cast %swap3A_2307 : vector<16xf32> to vector<16xf32>
      %swap3A_2309 = vector.shape_cast %select_n3A_2303 : vector<16xf32> to vector<16xf32>
      tpu.vector_store %arg7[%swap3A_2306], %swap3A_2309 {strides = array<i32>} : memref<32768xf32, #tpu.memory_space<vmem>>, vector<16xf32>,
      %add3A_2310 = arith.constant 112 : i32
      %add3A_2311 = arith.addi %add3A_2176, %add3A_2310 : i32
      %add3A_2312 = vector.broadcast %add3A_2311 : i32 to vector<16xi32>
      %add3A_2313 = arith.addi %iota3A, %add3A_2312 : vector<16xi32>
      %add3A_2314 = arith.constant 112 : i32
      %add3A_2315 = arith.addi %mul3A_2175, %add3A_2314 : i32
      %get3A_2316 = arith.index_cast %add3A_2315 : i32 to index
      %get3A_2317 = tpu.vector_load %arg7[%get3A_2316] {strides = array<i32>} : memref<32768xf32, #tpu.memory_space<vmem>>, vector<16xf32>,
      %get3A_2318 = vector.shape_cast %get3A_2317 : vector<16xf32> to vector<16xf32>
      %ge3A_2319 = arith.cmpi sge, %add3A_2313, %convert_element_type3A : vector<16xi32>
      %jit3A_2320 = arith.constant 0.000000e+00 : f32
      %broadcast_in_dim3A_2321 = vector.broadcast %jit3A_2320 : f32 to vector<16xf32>
      %select_n3A_2322 = arith.select %ge3A_2319, %get3A_2318, %broadcast_in_dim3A_2321 : vector<16xi1>, vector<16xf32>
      %add3A_2323 = arith.constant 112 : i32
      %add3A_2324 = arith.addi %mul3A_2175, %add3A_2323 : i32
      %swap3A_2325 = arith.index_cast %add3A_2324 : i32 to index
      %swap3A_2326 = tpu.vector_load %arg7[%swap3A_2325] {strides = array<i32>} : memref<32768xf32, #tpu.memory_space<vmem>>, vector<16xf32>,
      %swap3A_2327 = vector.shape_cast %swap3A_2326 : vector<16xf32> to vector<16xf32>
      %swap3A_2328 = vector.shape_cast %select_n3A_2322 : vector<16xf32> to vector<16xf32>
      tpu.vector_store %arg7[%swap3A_2325], %swap3A_2328 {strides = array<i32>} : memref<32768xf32, #tpu.memory_space<vmem>>, vector<16xf32>,
      %add3A_2329 = arith.constant 128 : i32
      %add3A_2330 = arith.addi %add3A_2176, %add3A_2329 : i32
      %add3A_2331 = vector.broadcast %add3A_2330 : i32 to vector<16xi32>
      %add3A_2332 = arith.addi %iota3A, %add3A_2331 : vector<16xi32>
      %add3A_2333 = arith.constant 128 : i32
      %add3A_2334 = arith.addi %mul3A_2175, %add3A_2333 : i32
      %get3A_2335 = arith.index_cast %add3A_2334 : i32 to index
      %get3A_2336 = tpu.vector_load %arg7[%get3A_2335] {strides = array<i32>} : memref<32768xf32, #tpu.memory_space<vmem>>, vector<16xf32>,
      %get3A_2337 = vector.shape_cast %get3A_2336 : vector<16xf32> to vector<16xf32>
      %ge3A_2338 = arith.cmpi sge, %add3A_2332, %convert_element_type3A : vector<16xi32>
      %jit3A_2339 = arith.constant 0.000000e+00 : f32
      %broadcast_in_dim3A_2340 = vector.broadcast %jit3A_2339 : f32 to vector<16xf32>
      %select_n3A_2341 = arith.select %ge3A_2338, %get3A_2337, %broadcast_in_dim3A_2340 : vector<16xi1>, vector<16xf32>
      %add3A_2342 = arith.constant 128 : i32
      %add3A_2343 = arith.addi %mul3A_2175, %add3A_2342 : i32
      %swap3A_2344 = arith.index_cast %add3A_2343 : i32 to index
      %swap3A_2345 = tpu.vector_load %arg7[%swap3A_2344] {strides = array<i32>} : memref<32768xf32, #tpu.memory_space<vmem>>, vector<16xf32>,
      %swap3A_2346 = vector.shape_cast %swap3A_2345 : vector<16xf32> to vector<16xf32>
      %swap3A_2347 = vector.shape_cast %select_n3A_2341 : vector<16xf32> to vector<16xf32>
      tpu.vector_store %arg7[%swap3A_2344], %swap3A_2347 {strides = array<i32>} : memref<32768xf32, #tpu.memory_space<vmem>>, vector<16xf32>,
      %add3A_2348 = arith.constant 144 : i32
      %add3A_2349 = arith.addi %add3A_2176, %add3A_2348 : i32
      %add3A_2350 = vector.broadcast %add3A_2349 : i32 to vector<16xi32>
      %add3A_2351 = arith.addi %iota3A, %add3A_2350 : vector<16xi32>
      %add3A_2352 = arith.constant 144 : i32
      %add3A_2353 = arith.addi %mul3A_2175, %add3A_2352 : i32
      %get3A_2354 = arith.index_cast %add3A_2353 : i32 to index
      %get3A_2355 = tpu.vector_load %arg7[%get3A_2354] {strides = array<i32>} : memref<32768xf32, #tpu.memory_space<vmem>>, vector<16xf32>,
      %get3A_2356 = vector.shape_cast %get3A_2355 : vector<16xf32> to vector<16xf32>
      %ge3A_2357 = arith.cmpi sge, %add3A_2351, %convert_element_type3A : vector<16xi32>
      %jit3A_2358 = arith.constant 0.000000e+00 : f32
      %broadcast_in_dim3A_2359 = vector.broadcast %jit3A_2358 : f32 to vector<16xf32>
      %select_n3A_2360 = arith.select %ge3A_2357, %get3A_2356, %broadcast_in_dim3A_2359 : vector<16xi1>, vector<16xf32>
      %add3A_2361 = arith.constant 144 : i32
      %add3A_2362 = arith.addi %mul3A_2175, %add3A_2361 : i32
      %swap3A_2363 = arith.index_cast %add3A_2362 : i32 to index
      %swap3A_2364 = tpu.vector_load %arg7[%swap3A_2363] {strides = array<i32>} : memref<32768xf32, #tpu.memory_space<vmem>>, vector<16xf32>,
      %swap3A_2365 = vector.shape_cast %swap3A_2364 : vector<16xf32> to vector<16xf32>
      %swap3A_2366 = vector.shape_cast %select_n3A_2360 : vector<16xf32> to vector<16xf32>
      tpu.vector_store %arg7[%swap3A_2363], %swap3A_2366 {strides = array<i32>} : memref<32768xf32, #tpu.memory_space<vmem>>, vector<16xf32>,
      %add3A_2367 = arith.constant 160 : i32
      %add3A_2368 = arith.addi %add3A_2176, %add3A_2367 : i32
      %add3A_2369 = vector.broadcast %add3A_2368 : i32 to vector<16xi32>
      %add3A_2370 = arith.addi %iota3A, %add3A_2369 : vector<16xi32>
      %add3A_2371 = arith.constant 160 : i32
      %add3A_2372 = arith.addi %mul3A_2175, %add3A_2371 : i32
      %get3A_2373 = arith.index_cast %add3A_2372 : i32 to index
      %get3A_2374 = tpu.vector_load %arg7[%get3A_2373] {strides = array<i32>} : memref<32768xf32, #tpu.memory_space<vmem>>, vector<16xf32>,
      %get3A_2375 = vector.shape_cast %get3A_2374 : vector<16xf32> to vector<16xf32>
      %ge3A_2376 = arith.cmpi sge, %add3A_2370, %convert_element_type3A : vector<16xi32>
      %jit3A_2377 = arith.constant 0.000000e+00 : f32
      %broadcast_in_dim3A_2378 = vector.broadcast %jit3A_2377 : f32 to vector<16xf32>
      %select_n3A_2379 = arith.select %ge3A_2376, %get3A_2375, %broadcast_in_dim3A_2378 : vector<16xi1>, vector<16xf32>
      %add3A_2380 = arith.constant 160 : i32
      %add3A_2381 = arith.addi %mul3A_2175, %add3A_2380 : i32
      %swap3A_2382 = arith.index_cast %add3A_2381 : i32 to index
      %swap3A_2383 = tpu.vector_load %arg7[%swap3A_2382] {strides = array<i32>} : memref<32768xf32, #tpu.memory_space<vmem>>, vector<16xf32>,
      %swap3A_2384 = vector.shape_cast %swap3A_2383 : vector<16xf32> to vector<16xf32>
      %swap3A_2385 = vector.shape_cast %select_n3A_2379 : vector<16xf32> to vector<16xf32>
      tpu.vector_store %arg7[%swap3A_2382], %swap3A_2385 {strides = array<i32>} : memref<32768xf32, #tpu.memory_space<vmem>>, vector<16xf32>,
      %add3A_2386 = arith.constant 176 : i32
      %add3A_2387 = arith.addi %add3A_2176, %add3A_2386 : i32
      %add3A_2388 = vector.broadcast %add3A_2387 : i32 to vector<16xi32>
      %add3A_2389 = arith.addi %iota3A, %add3A_2388 : vector<16xi32>
      %add3A_2390 = arith.constant 176 : i32
      %add3A_2391 = arith.addi %mul3A_2175, %add3A_2390 : i32
      %get3A_2392 = arith.index_cast %add3A_2391 : i32 to index
      %get3A_2393 = tpu.vector_load %arg7[%get3A_2392] {strides = array<i32>} : memref<32768xf32, #tpu.memory_space<vmem>>, vector<16xf32>,
      %get3A_2394 = vector.shape_cast %get3A_2393 : vector<16xf32> to vector<16xf32>
      %ge3A_2395 = arith.cmpi sge, %add3A_2389, %convert_element_type3A : vector<16xi32>
      %jit3A_2396 = arith.constant 0.000000e+00 : f32
      %broadcast_in_dim3A_2397 = vector.broadcast %jit3A_2396 : f32 to vector<16xf32>
      %select_n3A_2398 = arith.select %ge3A_2395, %get3A_2394, %broadcast_in_dim3A_2397 : vector<16xi1>, vector<16xf32>
      %add3A_2399 = arith.constant 176 : i32
      %add3A_2400 = arith.addi %mul3A_2175, %add3A_2399 : i32
      %swap3A_2401 = arith.index_cast %add3A_2400 : i32 to index
      %swap3A_2402 = tpu.vector_load %arg7[%swap3A_2401] {strides = array<i32>} : memref<32768xf32, #tpu.memory_space<vmem>>, vector<16xf32>,
      %swap3A_2403 = vector.shape_cast %swap3A_2402 : vector<16xf32> to vector<16xf32>
      %swap3A_2404 = vector.shape_cast %select_n3A_2398 : vector<16xf32> to vector<16xf32>
      tpu.vector_store %arg7[%swap3A_2401], %swap3A_2404 {strides = array<i32>} : memref<32768xf32, #tpu.memory_space<vmem>>, vector<16xf32>,
      %add3A_2405 = arith.constant 192 : i32
      %add3A_2406 = arith.addi %add3A_2176, %add3A_2405 : i32
      %add3A_2407 = vector.broadcast %add3A_2406 : i32 to vector<16xi32>
      %add3A_2408 = arith.addi %iota3A, %add3A_2407 : vector<16xi32>
      %add3A_2409 = arith.constant 192 : i32
      %add3A_2410 = arith.addi %mul3A_2175, %add3A_2409 : i32
      %get3A_2411 = arith.index_cast %add3A_2410 : i32 to index
      %get3A_2412 = tpu.vector_load %arg7[%get3A_2411] {strides = array<i32>} : memref<32768xf32, #tpu.memory_space<vmem>>, vector<16xf32>,
      %get3A_2413 = vector.shape_cast %get3A_2412 : vector<16xf32> to vector<16xf32>
      %ge3A_2414 = arith.cmpi sge, %add3A_2408, %convert_element_type3A : vector<16xi32>
      %jit3A_2415 = arith.constant 0.000000e+00 : f32
      %broadcast_in_dim3A_2416 = vector.broadcast %jit3A_2415 : f32 to vector<16xf32>
      %select_n3A_2417 = arith.select %ge3A_2414, %get3A_2413, %broadcast_in_dim3A_2416 : vector<16xi1>, vector<16xf32>
      %add3A_2418 = arith.constant 192 : i32
      %add3A_2419 = arith.addi %mul3A_2175, %add3A_2418 : i32
      %swap3A_2420 = arith.index_cast %add3A_2419 : i32 to index
      %swap3A_2421 = tpu.vector_load %arg7[%swap3A_2420] {strides = array<i32>} : memref<32768xf32, #tpu.memory_space<vmem>>, vector<16xf32>,
      %swap3A_2422 = vector.shape_cast %swap3A_2421 : vector<16xf32> to vector<16xf32>
      %swap3A_2423 = vector.shape_cast %select_n3A_2417 : vector<16xf32> to vector<16xf32>
      tpu.vector_store %arg7[%swap3A_2420], %swap3A_2423 {strides = array<i32>} : memref<32768xf32, #tpu.memory_space<vmem>>, vector<16xf32>,
      %add3A_2424 = arith.constant 208 : i32
      %add3A_2425 = arith.addi %add3A_2176, %add3A_2424 : i32
      %add3A_2426 = vector.broadcast %add3A_2425 : i32 to vector<16xi32>
      %add3A_2427 = arith.addi %iota3A, %add3A_2426 : vector<16xi32>
      %add3A_2428 = arith.constant 208 : i32
      %add3A_2429 = arith.addi %mul3A_2175, %add3A_2428 : i32
      %get3A_2430 = arith.index_cast %add3A_2429 : i32 to index
      %get3A_2431 = tpu.vector_load %arg7[%get3A_2430] {strides = array<i32>} : memref<32768xf32, #tpu.memory_space<vmem>>, vector<16xf32>,
      %get3A_2432 = vector.shape_cast %get3A_2431 : vector<16xf32> to vector<16xf32>
      %ge3A_2433 = arith.cmpi sge, %add3A_2427, %convert_element_type3A : vector<16xi32>
      %jit3A_2434 = arith.constant 0.000000e+00 : f32
      %broadcast_in_dim3A_2435 = vector.broadcast %jit3A_2434 : f32 to vector<16xf32>
      %select_n3A_2436 = arith.select %ge3A_2433, %get3A_2432, %broadcast_in_dim3A_2435 : vector<16xi1>, vector<16xf32>
      %add3A_2437 = arith.constant 208 : i32
      %add3A_2438 = arith.addi %mul3A_2175, %add3A_2437 : i32
      %swap3A_2439 = arith.index_cast %add3A_2438 : i32 to index
      %swap3A_2440 = tpu.vector_load %arg7[%swap3A_2439] {strides = array<i32>} : memref<32768xf32, #tpu.memory_space<vmem>>, vector<16xf32>,
      %swap3A_2441 = vector.shape_cast %swap3A_2440 : vector<16xf32> to vector<16xf32>
      %swap3A_2442 = vector.shape_cast %select_n3A_2436 : vector<16xf32> to vector<16xf32>
      tpu.vector_store %arg7[%swap3A_2439], %swap3A_2442 {strides = array<i32>} : memref<32768xf32, #tpu.memory_space<vmem>>, vector<16xf32>,
      %add3A_2443 = arith.constant 224 : i32
      %add3A_2444 = arith.addi %add3A_2176, %add3A_2443 : i32
      %add3A_2445 = vector.broadcast %add3A_2444 : i32 to vector<16xi32>
      %add3A_2446 = arith.addi %iota3A, %add3A_2445 : vector<16xi32>
      %add3A_2447 = arith.constant 224 : i32
      %add3A_2448 = arith.addi %mul3A_2175, %add3A_2447 : i32
      %get3A_2449 = arith.index_cast %add3A_2448 : i32 to index
      %get3A_2450 = tpu.vector_load %arg7[%get3A_2449] {strides = array<i32>} : memref<32768xf32, #tpu.memory_space<vmem>>, vector<16xf32>,
      %get3A_2451 = vector.shape_cast %get3A_2450 : vector<16xf32> to vector<16xf32>
      %ge3A_2452 = arith.cmpi sge, %add3A_2446, %convert_element_type3A : vector<16xi32>
      %jit3A_2453 = arith.constant 0.000000e+00 : f32
      %broadcast_in_dim3A_2454 = vector.broadcast %jit3A_2453 : f32 to vector<16xf32>
      %select_n3A_2455 = arith.select %ge3A_2452, %get3A_2451, %broadcast_in_dim3A_2454 : vector<16xi1>, vector<16xf32>
      %add3A_2456 = arith.constant 224 : i32
      %add3A_2457 = arith.addi %mul3A_2175, %add3A_2456 : i32
      %swap3A_2458 = arith.index_cast %add3A_2457 : i32 to index
      %swap3A_2459 = tpu.vector_load %arg7[%swap3A_2458] {strides = array<i32>} : memref<32768xf32, #tpu.memory_space<vmem>>, vector<16xf32>,
      %swap3A_2460 = vector.shape_cast %swap3A_2459 : vector<16xf32> to vector<16xf32>
      %swap3A_2461 = vector.shape_cast %select_n3A_2455 : vector<16xf32> to vector<16xf32>
      tpu.vector_store %arg7[%swap3A_2458], %swap3A_2461 {strides = array<i32>} : memref<32768xf32, #tpu.memory_space<vmem>>, vector<16xf32>,
      %add3A_2462 = arith.constant 240 : i32
      %add3A_2463 = arith.addi %add3A_2176, %add3A_2462 : i32
      %add3A_2464 = vector.broadcast %add3A_2463 : i32 to vector<16xi32>
      %add3A_2465 = arith.addi %iota3A, %add3A_2464 : vector<16xi32>
      %add3A_2466 = arith.constant 240 : i32
      %add3A_2467 = arith.addi %mul3A_2175, %add3A_2466 : i32
      %get3A_2468 = arith.index_cast %add3A_2467 : i32 to index
      %get3A_2469 = tpu.vector_load %arg7[%get3A_2468] {strides = array<i32>} : memref<32768xf32, #tpu.memory_space<vmem>>, vector<16xf32>,
      %get3A_2470 = vector.shape_cast %get3A_2469 : vector<16xf32> to vector<16xf32>
      %ge3A_2471 = arith.cmpi sge, %add3A_2465, %convert_element_type3A : vector<16xi32>
      %jit3A_2472 = arith.constant 0.000000e+00 : f32
      %broadcast_in_dim3A_2473 = vector.broadcast %jit3A_2472 : f32 to vector<16xf32>
      %select_n3A_2474 = arith.select %ge3A_2471, %get3A_2470, %broadcast_in_dim3A_2473 : vector<16xi1>, vector<16xf32>
      %add3A_2475 = arith.constant 240 : i32
      %add3A_2476 = arith.addi %mul3A_2175, %add3A_2475 : i32
      %swap3A_2477 = arith.index_cast %add3A_2476 : i32 to index
      %swap3A_2478 = tpu.vector_load %arg7[%swap3A_2477] {strides = array<i32>} : memref<32768xf32, #tpu.memory_space<vmem>>, vector<16xf32>,
      %swap3A_2479 = vector.shape_cast %swap3A_2478 : vector<16xf32> to vector<16xf32>
      %swap3A_2480 = vector.shape_cast %select_n3A_2474 : vector<16xf32> to vector<16xf32>
      tpu.vector_store %arg7[%swap3A_2477], %swap3A_2480 {strides = array<i32>} : memref<32768xf32, #tpu.memory_space<vmem>>, vector<16xf32>,
      %add3A_2481 = arith.constant 256 : i32
      %add3A_2482 = arith.addi %add3A_2176, %add3A_2481 : i32
      %add3A_2483 = vector.broadcast %add3A_2482 : i32 to vector<16xi32>
      %add3A_2484 = arith.addi %iota3A, %add3A_2483 : vector<16xi32>
      %add3A_2485 = arith.constant 256 : i32
      %add3A_2486 = arith.addi %mul3A_2175, %add3A_2485 : i32
      %get3A_2487 = arith.index_cast %add3A_2486 : i32 to index
      %get3A_2488 = tpu.vector_load %arg7[%get3A_2487] {strides = array<i32>} : memref<32768xf32, #tpu.memory_space<vmem>>, vector<16xf32>,
      %get3A_2489 = vector.shape_cast %get3A_2488 : vector<16xf32> to vector<16xf32>
      %ge3A_2490 = arith.cmpi sge, %add3A_2484, %convert_element_type3A : vector<16xi32>
      %jit3A_2491 = arith.constant 0.000000e+00 : f32
      %broadcast_in_dim3A_2492 = vector.broadcast %jit3A_2491 : f32 to vector<16xf32>
      %select_n3A_2493 = arith.select %ge3A_2490, %get3A_2489, %broadcast_in_dim3A_2492 : vector<16xi1>, vector<16xf32>
      %add3A_2494 = arith.constant 256 : i32
      %add3A_2495 = arith.addi %mul3A_2175, %add3A_2494 : i32
      %swap3A_2496 = arith.index_cast %add3A_2495 : i32 to index
      %swap3A_2497 = tpu.vector_load %arg7[%swap3A_2496] {strides = array<i32>} : memref<32768xf32, #tpu.memory_space<vmem>>, vector<16xf32>,
      %swap3A_2498 = vector.shape_cast %swap3A_2497 : vector<16xf32> to vector<16xf32>
      %swap3A_2499 = vector.shape_cast %select_n3A_2493 : vector<16xf32> to vector<16xf32>
      tpu.vector_store %arg7[%swap3A_2496], %swap3A_2499 {strides = array<i32>} : memref<32768xf32, #tpu.memory_space<vmem>>, vector<16xf32>,
      %add3A_2500 = arith.constant 272 : i32
      %add3A_2501 = arith.addi %add3A_2176, %add3A_2500 : i32
      %add3A_2502 = vector.broadcast %add3A_2501 : i32 to vector<16xi32>
      %add3A_2503 = arith.addi %iota3A, %add3A_2502 : vector<16xi32>
      %add3A_2504 = arith.constant 272 : i32
      %add3A_2505 = arith.addi %mul3A_2175, %add3A_2504 : i32
      %get3A_2506 = arith.index_cast %add3A_2505 : i32 to index
      %get3A_2507 = tpu.vector_load %arg7[%get3A_2506] {strides = array<i32>} : memref<32768xf32, #tpu.memory_space<vmem>>, vector<16xf32>,
      %get3A_2508 = vector.shape_cast %get3A_2507 : vector<16xf32> to vector<16xf32>
      %ge3A_2509 = arith.cmpi sge, %add3A_2503, %convert_element_type3A : vector<16xi32>
      %jit3A_2510 = arith.constant 0.000000e+00 : f32
      %broadcast_in_dim3A_2511 = vector.broadcast %jit3A_2510 : f32 to vector<16xf32>
      %select_n3A_2512 = arith.select %ge3A_2509, %get3A_2508, %broadcast_in_dim3A_2511 : vector<16xi1>, vector<16xf32>
      %add3A_2513 = arith.constant 272 : i32
      %add3A_2514 = arith.addi %mul3A_2175, %add3A_2513 : i32
      %swap3A_2515 = arith.index_cast %add3A_2514 : i32 to index
      %swap3A_2516 = tpu.vector_load %arg7[%swap3A_2515] {strides = array<i32>} : memref<32768xf32, #tpu.memory_space<vmem>>, vector<16xf32>,
      %swap3A_2517 = vector.shape_cast %swap3A_2516 : vector<16xf32> to vector<16xf32>
      %swap3A_2518 = vector.shape_cast %select_n3A_2512 : vector<16xf32> to vector<16xf32>
      tpu.vector_store %arg7[%swap3A_2515], %swap3A_2518 {strides = array<i32>} : memref<32768xf32, #tpu.memory_space<vmem>>, vector<16xf32>,
      %add3A_2519 = arith.constant 288 : i32
      %add3A_2520 = arith.addi %add3A_2176, %add3A_2519 : i32
      %add3A_2521 = vector.broadcast %add3A_2520 : i32 to vector<16xi32>
      %add3A_2522 = arith.addi %iota3A, %add3A_2521 : vector<16xi32>
      %add3A_2523 = arith.constant 288 : i32
      %add3A_2524 = arith.addi %mul3A_2175, %add3A_2523 : i32
      %get3A_2525 = arith.index_cast %add3A_2524 : i32 to index
      %get3A_2526 = tpu.vector_load %arg7[%get3A_2525] {strides = array<i32>} : memref<32768xf32, #tpu.memory_space<vmem>>, vector<16xf32>,
      %get3A_2527 = vector.shape_cast %get3A_2526 : vector<16xf32> to vector<16xf32>
      %ge3A_2528 = arith.cmpi sge, %add3A_2522, %convert_element_type3A : vector<16xi32>
      %jit3A_2529 = arith.constant 0.000000e+00 : f32
      %broadcast_in_dim3A_2530 = vector.broadcast %jit3A_2529 : f32 to vector<16xf32>
      %select_n3A_2531 = arith.select %ge3A_2528, %get3A_2527, %broadcast_in_dim3A_2530 : vector<16xi1>, vector<16xf32>
      %add3A_2532 = arith.constant 288 : i32
      %add3A_2533 = arith.addi %mul3A_2175, %add3A_2532 : i32
      %swap3A_2534 = arith.index_cast %add3A_2533 : i32 to index
      %swap3A_2535 = tpu.vector_load %arg7[%swap3A_2534] {strides = array<i32>} : memref<32768xf32, #tpu.memory_space<vmem>>, vector<16xf32>,
      %swap3A_2536 = vector.shape_cast %swap3A_2535 : vector<16xf32> to vector<16xf32>
      %swap3A_2537 = vector.shape_cast %select_n3A_2531 : vector<16xf32> to vector<16xf32>
      tpu.vector_store %arg7[%swap3A_2534], %swap3A_2537 {strides = array<i32>} : memref<32768xf32, #tpu.memory_space<vmem>>, vector<16xf32>,
      %add3A_2538 = arith.constant 304 : i32
      %add3A_2539 = arith.addi %add3A_2176, %add3A_2538 : i32
      %add3A_2540 = vector.broadcast %add3A_2539 : i32 to vector<16xi32>
      %add3A_2541 = arith.addi %iota3A, %add3A_2540 : vector<16xi32>
      %add3A_2542 = arith.constant 304 : i32
      %add3A_2543 = arith.addi %mul3A_2175, %add3A_2542 : i32
      %get3A_2544 = arith.index_cast %add3A_2543 : i32 to index
      %get3A_2545 = tpu.vector_load %arg7[%get3A_2544] {strides = array<i32>} : memref<32768xf32, #tpu.memory_space<vmem>>, vector<16xf32>,
      %get3A_2546 = vector.shape_cast %get3A_2545 : vector<16xf32> to vector<16xf32>
      %ge3A_2547 = arith.cmpi sge, %add3A_2541, %convert_element_type3A : vector<16xi32>
      %jit3A_2548 = arith.constant 0.000000e+00 : f32
      %broadcast_in_dim3A_2549 = vector.broadcast %jit3A_2548 : f32 to vector<16xf32>
      %select_n3A_2550 = arith.select %ge3A_2547, %get3A_2546, %broadcast_in_dim3A_2549 : vector<16xi1>, vector<16xf32>
      %add3A_2551 = arith.constant 304 : i32
      %add3A_2552 = arith.addi %mul3A_2175, %add3A_2551 : i32
      %swap3A_2553 = arith.index_cast %add3A_2552 : i32 to index
      %swap3A_2554 = tpu.vector_load %arg7[%swap3A_2553] {strides = array<i32>} : memref<32768xf32, #tpu.memory_space<vmem>>, vector<16xf32>,
      %swap3A_2555 = vector.shape_cast %swap3A_2554 : vector<16xf32> to vector<16xf32>
      %swap3A_2556 = vector.shape_cast %select_n3A_2550 : vector<16xf32> to vector<16xf32>
      tpu.vector_store %arg7[%swap3A_2553], %swap3A_2556 {strides = array<i32>} : memref<32768xf32, #tpu.memory_space<vmem>>, vector<16xf32>,
      %add3A_2557 = arith.constant 320 : i32
      %add3A_2558 = arith.addi %add3A_2176, %add3A_2557 : i32
      %add3A_2559 = vector.broadcast %add3A_2558 : i32 to vector<16xi32>
      %add3A_2560 = arith.addi %iota3A, %add3A_2559 : vector<16xi32>
      %add3A_2561 = arith.constant 320 : i32
      %add3A_2562 = arith.addi %mul3A_2175, %add3A_2561 : i32
      %get3A_2563 = arith.index_cast %add3A_2562 : i32 to index
      %get3A_2564 = tpu.vector_load %arg7[%get3A_2563] {strides = array<i32>} : memref<32768xf32, #tpu.memory_space<vmem>>, vector<16xf32>,
      %get3A_2565 = vector.shape_cast %get3A_2564 : vector<16xf32> to vector<16xf32>
      %ge3A_2566 = arith.cmpi sge, %add3A_2560, %convert_element_type3A : vector<16xi32>
      %jit3A_2567 = arith.constant 0.000000e+00 : f32
      %broadcast_in_dim3A_2568 = vector.broadcast %jit3A_2567 : f32 to vector<16xf32>
      %select_n3A_2569 = arith.select %ge3A_2566, %get3A_2565, %broadcast_in_dim3A_2568 : vector<16xi1>, vector<16xf32>
      %add3A_2570 = arith.constant 320 : i32
      %add3A_2571 = arith.addi %mul3A_2175, %add3A_2570 : i32
      %swap3A_2572 = arith.index_cast %add3A_2571 : i32 to index
      %swap3A_2573 = tpu.vector_load %arg7[%swap3A_2572] {strides = array<i32>} : memref<32768xf32, #tpu.memory_space<vmem>>, vector<16xf32>,
      %swap3A_2574 = vector.shape_cast %swap3A_2573 : vector<16xf32> to vector<16xf32>
      %swap3A_2575 = vector.shape_cast %select_n3A_2569 : vector<16xf32> to vector<16xf32>
      tpu.vector_store %arg7[%swap3A_2572], %swap3A_2575 {strides = array<i32>} : memref<32768xf32, #tpu.memory_space<vmem>>, vector<16xf32>,
      %add3A_2576 = arith.constant 336 : i32
      %add3A_2577 = arith.addi %add3A_2176, %add3A_2576 : i32
      %add3A_2578 = vector.broadcast %add3A_2577 : i32 to vector<16xi32>
      %add3A_2579 = arith.addi %iota3A, %add3A_2578 : vector<16xi32>
      %add3A_2580 = arith.constant 336 : i32
      %add3A_2581 = arith.addi %mul3A_2175, %add3A_2580 : i32
      %get3A_2582 = arith.index_cast %add3A_2581 : i32 to index
      %get3A_2583 = tpu.vector_load %arg7[%get3A_2582] {strides = array<i32>} : memref<32768xf32, #tpu.memory_space<vmem>>, vector<16xf32>,
      %get3A_2584 = vector.shape_cast %get3A_2583 : vector<16xf32> to vector<16xf32>
      %ge3A_2585 = arith.cmpi sge, %add3A_2579, %convert_element_type3A : vector<16xi32>
      %jit3A_2586 = arith.constant 0.000000e+00 : f32
      %broadcast_in_dim3A_2587 = vector.broadcast %jit3A_2586 : f32 to vector<16xf32>
      %select_n3A_2588 = arith.select %ge3A_2585, %get3A_2584, %broadcast_in_dim3A_2587 : vector<16xi1>, vector<16xf32>
      %add3A_2589 = arith.constant 336 : i32
      %add3A_2590 = arith.addi %mul3A_2175, %add3A_2589 : i32
      %swap3A_2591 = arith.index_cast %add3A_2590 : i32 to index
      %swap3A_2592 = tpu.vector_load %arg7[%swap3A_2591] {strides = array<i32>} : memref<32768xf32, #tpu.memory_space<vmem>>, vector<16xf32>,
      %swap3A_2593 = vector.shape_cast %swap3A_2592 : vector<16xf32> to vector<16xf32>
      %swap3A_2594 = vector.shape_cast %select_n3A_2588 : vector<16xf32> to vector<16xf32>
      tpu.vector_store %arg7[%swap3A_2591], %swap3A_2594 {strides = array<i32>} : memref<32768xf32, #tpu.memory_space<vmem>>, vector<16xf32>,
      %add3A_2595 = arith.constant 352 : i32
      %add3A_2596 = arith.addi %add3A_2176, %add3A_2595 : i32
      %add3A_2597 = vector.broadcast %add3A_2596 : i32 to vector<16xi32>
      %add3A_2598 = arith.addi %iota3A, %add3A_2597 : vector<16xi32>
      %add3A_2599 = arith.constant 352 : i32
      %add3A_2600 = arith.addi %mul3A_2175, %add3A_2599 : i32
      %get3A_2601 = arith.index_cast %add3A_2600 : i32 to index
      %get3A_2602 = tpu.vector_load %arg7[%get3A_2601] {strides = array<i32>} : memref<32768xf32, #tpu.memory_space<vmem>>, vector<16xf32>,
      %get3A_2603 = vector.shape_cast %get3A_2602 : vector<16xf32> to vector<16xf32>
      %ge3A_2604 = arith.cmpi sge, %add3A_2598, %convert_element_type3A : vector<16xi32>
      %jit3A_2605 = arith.constant 0.000000e+00 : f32
      %broadcast_in_dim3A_2606 = vector.broadcast %jit3A_2605 : f32 to vector<16xf32>
      %select_n3A_2607 = arith.select %ge3A_2604, %get3A_2603, %broadcast_in_dim3A_2606 : vector<16xi1>, vector<16xf32>
      %add3A_2608 = arith.constant 352 : i32
      %add3A_2609 = arith.addi %mul3A_2175, %add3A_2608 : i32
      %swap3A_2610 = arith.index_cast %add3A_2609 : i32 to index
      %swap3A_2611 = tpu.vector_load %arg7[%swap3A_2610] {strides = array<i32>} : memref<32768xf32, #tpu.memory_space<vmem>>, vector<16xf32>,
      %swap3A_2612 = vector.shape_cast %swap3A_2611 : vector<16xf32> to vector<16xf32>
      %swap3A_2613 = vector.shape_cast %select_n3A_2607 : vector<16xf32> to vector<16xf32>
      tpu.vector_store %arg7[%swap3A_2610], %swap3A_2613 {strides = array<i32>} : memref<32768xf32, #tpu.memory_space<vmem>>, vector<16xf32>,
      %add3A_2614 = arith.constant 368 : i32
      %add3A_2615 = arith.addi %add3A_2176, %add3A_2614 : i32
      %add3A_2616 = vector.broadcast %add3A_2615 : i32 to vector<16xi32>
      %add3A_2617 = arith.addi %iota3A, %add3A_2616 : vector<16xi32>
      %add3A_2618 = arith.constant 368 : i32
      %add3A_2619 = arith.addi %mul3A_2175, %add3A_2618 : i32
      %get3A_2620 = arith.index_cast %add3A_2619 : i32 to index
      %get3A_2621 = tpu.vector_load %arg7[%get3A_2620] {strides = array<i32>} : memref<32768xf32, #tpu.memory_space<vmem>>, vector<16xf32>,
      %get3A_2622 = vector.shape_cast %get3A_2621 : vector<16xf32> to vector<16xf32>
      %ge3A_2623 = arith.cmpi sge, %add3A_2617, %convert_element_type3A : vector<16xi32>
      %jit3A_2624 = arith.constant 0.000000e+00 : f32
      %broadcast_in_dim3A_2625 = vector.broadcast %jit3A_2624 : f32 to vector<16xf32>
      %select_n3A_2626 = arith.select %ge3A_2623, %get3A_2622, %broadcast_in_dim3A_2625 : vector<16xi1>, vector<16xf32>
      %add3A_2627 = arith.constant 368 : i32
      %add3A_2628 = arith.addi %mul3A_2175, %add3A_2627 : i32
      %swap3A_2629 = arith.index_cast %add3A_2628 : i32 to index
      %swap3A_2630 = tpu.vector_load %arg7[%swap3A_2629] {strides = array<i32>} : memref<32768xf32, #tpu.memory_space<vmem>>, vector<16xf32>,
      %swap3A_2631 = vector.shape_cast %swap3A_2630 : vector<16xf32> to vector<16xf32>
      %swap3A_2632 = vector.shape_cast %select_n3A_2626 : vector<16xf32> to vector<16xf32>
      tpu.vector_store %arg7[%swap3A_2629], %swap3A_2632 {strides = array<i32>} : memref<32768xf32, #tpu.memory_space<vmem>>, vector<16xf32>,
      %add3A_2633 = arith.constant 384 : i32
      %add3A_2634 = arith.addi %add3A_2176, %add3A_2633 : i32
      %add3A_2635 = vector.broadcast %add3A_2634 : i32 to vector<16xi32>
      %add3A_2636 = arith.addi %iota3A, %add3A_2635 : vector<16xi32>
      %add3A_2637 = arith.constant 384 : i32
      %add3A_2638 = arith.addi %mul3A_2175, %add3A_2637 : i32
      %get3A_2639 = arith.index_cast %add3A_2638 : i32 to index
      %get3A_2640 = tpu.vector_load %arg7[%get3A_2639] {strides = array<i32>} : memref<32768xf32, #tpu.memory_space<vmem>>, vector<16xf32>,
      %get3A_2641 = vector.shape_cast %get3A_2640 : vector<16xf32> to vector<16xf32>
      %ge3A_2642 = arith.cmpi sge, %add3A_2636, %convert_element_type3A : vector<16xi32>
      %jit3A_2643 = arith.constant 0.000000e+00 : f32
      %broadcast_in_dim3A_2644 = vector.broadcast %jit3A_2643 : f32 to vector<16xf32>
      %select_n3A_2645 = arith.select %ge3A_2642, %get3A_2641, %broadcast_in_dim3A_2644 : vector<16xi1>, vector<16xf32>
      %add3A_2646 = arith.constant 384 : i32
      %add3A_2647 = arith.addi %mul3A_2175, %add3A_2646 : i32
      %swap3A_2648 = arith.index_cast %add3A_2647 : i32 to index
      %swap3A_2649 = tpu.vector_load %arg7[%swap3A_2648] {strides = array<i32>} : memref<32768xf32, #tpu.memory_space<vmem>>, vector<16xf32>,
      %swap3A_2650 = vector.shape_cast %swap3A_2649 : vector<16xf32> to vector<16xf32>
      %swap3A_2651 = vector.shape_cast %select_n3A_2645 : vector<16xf32> to vector<16xf32>
      tpu.vector_store %arg7[%swap3A_2648], %swap3A_2651 {strides = array<i32>} : memref<32768xf32, #tpu.memory_space<vmem>>, vector<16xf32>,
      %add3A_2652 = arith.constant 400 : i32
      %add3A_2653 = arith.addi %add3A_2176, %add3A_2652 : i32
      %add3A_2654 = vector.broadcast %add3A_2653 : i32 to vector<16xi32>
      %add3A_2655 = arith.addi %iota3A, %add3A_2654 : vector<16xi32>
      %add3A_2656 = arith.constant 400 : i32
      %add3A_2657 = arith.addi %mul3A_2175, %add3A_2656 : i32
      %get3A_2658 = arith.index_cast %add3A_2657 : i32 to index
      %get3A_2659 = tpu.vector_load %arg7[%get3A_2658] {strides = array<i32>} : memref<32768xf32, #tpu.memory_space<vmem>>, vector<16xf32>,
      %get3A_2660 = vector.shape_cast %get3A_2659 : vector<16xf32> to vector<16xf32>
      %ge3A_2661 = arith.cmpi sge, %add3A_2655, %convert_element_type3A : vector<16xi32>
      %jit3A_2662 = arith.constant 0.000000e+00 : f32
      %broadcast_in_dim3A_2663 = vector.broadcast %jit3A_2662 : f32 to vector<16xf32>
      %select_n3A_2664 = arith.select %ge3A_2661, %get3A_2660, %broadcast_in_dim3A_2663 : vector<16xi1>, vector<16xf32>
      %add3A_2665 = arith.constant 400 : i32
      %add3A_2666 = arith.addi %mul3A_2175, %add3A_2665 : i32
      %swap3A_2667 = arith.index_cast %add3A_2666 : i32 to index
      %swap3A_2668 = tpu.vector_load %arg7[%swap3A_2667] {strides = array<i32>} : memref<32768xf32, #tpu.memory_space<vmem>>, vector<16xf32>,
      %swap3A_2669 = vector.shape_cast %swap3A_2668 : vector<16xf32> to vector<16xf32>
      %swap3A_2670 = vector.shape_cast %select_n3A_2664 : vector<16xf32> to vector<16xf32>
      tpu.vector_store %arg7[%swap3A_2667], %swap3A_2670 {strides = array<i32>} : memref<32768xf32, #tpu.memory_space<vmem>>, vector<16xf32>,
      %add3A_2671 = arith.constant 416 : i32
      %add3A_2672 = arith.addi %add3A_2176, %add3A_2671 : i32
      %add3A_2673 = vector.broadcast %add3A_2672 : i32 to vector<16xi32>
      %add3A_2674 = arith.addi %iota3A, %add3A_2673 : vector<16xi32>
      %add3A_2675 = arith.constant 416 : i32
      %add3A_2676 = arith.addi %mul3A_2175, %add3A_2675 : i32
      %get3A_2677 = arith.index_cast %add3A_2676 : i32 to index
      %get3A_2678 = tpu.vector_load %arg7[%get3A_2677] {strides = array<i32>} : memref<32768xf32, #tpu.memory_space<vmem>>, vector<16xf32>,
      %get3A_2679 = vector.shape_cast %get3A_2678 : vector<16xf32> to vector<16xf32>
      %ge3A_2680 = arith.cmpi sge, %add3A_2674, %convert_element_type3A : vector<16xi32>
      %jit3A_2681 = arith.constant 0.000000e+00 : f32
      %broadcast_in_dim3A_2682 = vector.broadcast %jit3A_2681 : f32 to vector<16xf32>
      %select_n3A_2683 = arith.select %ge3A_2680, %get3A_2679, %broadcast_in_dim3A_2682 : vector<16xi1>, vector<16xf32>
      %add3A_2684 = arith.constant 416 : i32
      %add3A_2685 = arith.addi %mul3A_2175, %add3A_2684 : i32
      %swap3A_2686 = arith.index_cast %add3A_2685 : i32 to index
      %swap3A_2687 = tpu.vector_load %arg7[%swap3A_2686] {strides = array<i32>} : memref<32768xf32, #tpu.memory_space<vmem>>, vector<16xf32>,
      %swap3A_2688 = vector.shape_cast %swap3A_2687 : vector<16xf32> to vector<16xf32>
      %swap3A_2689 = vector.shape_cast %select_n3A_2683 : vector<16xf32> to vector<16xf32>
      tpu.vector_store %arg7[%swap3A_2686], %swap3A_2689 {strides = array<i32>} : memref<32768xf32, #tpu.memory_space<vmem>>, vector<16xf32>,
      %add3A_2690 = arith.constant 432 : i32
      %add3A_2691 = arith.addi %add3A_2176, %add3A_2690 : i32
      %add3A_2692 = vector.broadcast %add3A_2691 : i32 to vector<16xi32>
      %add3A_2693 = arith.addi %iota3A, %add3A_2692 : vector<16xi32>
      %add3A_2694 = arith.constant 432 : i32
      %add3A_2695 = arith.addi %mul3A_2175, %add3A_2694 : i32
      %get3A_2696 = arith.index_cast %add3A_2695 : i32 to index
      %get3A_2697 = tpu.vector_load %arg7[%get3A_2696] {strides = array<i32>} : memref<32768xf32, #tpu.memory_space<vmem>>, vector<16xf32>,
      %get3A_2698 = vector.shape_cast %get3A_2697 : vector<16xf32> to vector<16xf32>
      %ge3A_2699 = arith.cmpi sge, %add3A_2693, %convert_element_type3A : vector<16xi32>
      %jit3A_2700 = arith.constant 0.000000e+00 : f32
      %broadcast_in_dim3A_2701 = vector.broadcast %jit3A_2700 : f32 to vector<16xf32>
      %select_n3A_2702 = arith.select %ge3A_2699, %get3A_2698, %broadcast_in_dim3A_2701 : vector<16xi1>, vector<16xf32>
      %add3A_2703 = arith.constant 432 : i32
      %add3A_2704 = arith.addi %mul3A_2175, %add3A_2703 : i32
      %swap3A_2705 = arith.index_cast %add3A_2704 : i32 to index
      %swap3A_2706 = tpu.vector_load %arg7[%swap3A_2705] {strides = array<i32>} : memref<32768xf32, #tpu.memory_space<vmem>>, vector<16xf32>,
      %swap3A_2707 = vector.shape_cast %swap3A_2706 : vector<16xf32> to vector<16xf32>
      %swap3A_2708 = vector.shape_cast %select_n3A_2702 : vector<16xf32> to vector<16xf32>
      tpu.vector_store %arg7[%swap3A_2705], %swap3A_2708 {strides = array<i32>} : memref<32768xf32, #tpu.memory_space<vmem>>, vector<16xf32>,
      %add3A_2709 = arith.constant 448 : i32
      %add3A_2710 = arith.addi %add3A_2176, %add3A_2709 : i32
      %add3A_2711 = vector.broadcast %add3A_2710 : i32 to vector<16xi32>
      %add3A_2712 = arith.addi %iota3A, %add3A_2711 : vector<16xi32>
      %add3A_2713 = arith.constant 448 : i32
      %add3A_2714 = arith.addi %mul3A_2175, %add3A_2713 : i32
      %get3A_2715 = arith.index_cast %add3A_2714 : i32 to index
      %get3A_2716 = tpu.vector_load %arg7[%get3A_2715] {strides = array<i32>} : memref<32768xf32, #tpu.memory_space<vmem>>, vector<16xf32>,
      %get3A_2717 = vector.shape_cast %get3A_2716 : vector<16xf32> to vector<16xf32>
      %ge3A_2718 = arith.cmpi sge, %add3A_2712, %convert_element_type3A : vector<16xi32>
      %jit3A_2719 = arith.constant 0.000000e+00 : f32
      %broadcast_in_dim3A_2720 = vector.broadcast %jit3A_2719 : f32 to vector<16xf32>
      %select_n3A_2721 = arith.select %ge3A_2718, %get3A_2717, %broadcast_in_dim3A_2720 : vector<16xi1>, vector<16xf32>
      %add3A_2722 = arith.constant 448 : i32
      %add3A_2723 = arith.addi %mul3A_2175, %add3A_2722 : i32
      %swap3A_2724 = arith.index_cast %add3A_2723 : i32 to index
      %swap3A_2725 = tpu.vector_load %arg7[%swap3A_2724] {strides = array<i32>} : memref<32768xf32, #tpu.memory_space<vmem>>, vector<16xf32>,
      %swap3A_2726 = vector.shape_cast %swap3A_2725 : vector<16xf32> to vector<16xf32>
      %swap3A_2727 = vector.shape_cast %select_n3A_2721 : vector<16xf32> to vector<16xf32>
      tpu.vector_store %arg7[%swap3A_2724], %swap3A_2727 {strides = array<i32>} : memref<32768xf32, #tpu.memory_space<vmem>>, vector<16xf32>,
      %add3A_2728 = arith.constant 464 : i32
      %add3A_2729 = arith.addi %add3A_2176, %add3A_2728 : i32
      %add3A_2730 = vector.broadcast %add3A_2729 : i32 to vector<16xi32>
      %add3A_2731 = arith.addi %iota3A, %add3A_2730 : vector<16xi32>
      %add3A_2732 = arith.constant 464 : i32
      %add3A_2733 = arith.addi %mul3A_2175, %add3A_2732 : i32
      %get3A_2734 = arith.index_cast %add3A_2733 : i32 to index
      %get3A_2735 = tpu.vector_load %arg7[%get3A_2734] {strides = array<i32>} : memref<32768xf32, #tpu.memory_space<vmem>>, vector<16xf32>,
      %get3A_2736 = vector.shape_cast %get3A_2735 : vector<16xf32> to vector<16xf32>
      %ge3A_2737 = arith.cmpi sge, %add3A_2731, %convert_element_type3A : vector<16xi32>
      %jit3A_2738 = arith.constant 0.000000e+00 : f32
      %broadcast_in_dim3A_2739 = vector.broadcast %jit3A_2738 : f32 to vector<16xf32>
      %select_n3A_2740 = arith.select %ge3A_2737, %get3A_2736, %broadcast_in_dim3A_2739 : vector<16xi1>, vector<16xf32>
      %add3A_2741 = arith.constant 464 : i32
      %add3A_2742 = arith.addi %mul3A_2175, %add3A_2741 : i32
      %swap3A_2743 = arith.index_cast %add3A_2742 : i32 to index
      %swap3A_2744 = tpu.vector_load %arg7[%swap3A_2743] {strides = array<i32>} : memref<32768xf32, #tpu.memory_space<vmem>>, vector<16xf32>,
      %swap3A_2745 = vector.shape_cast %swap3A_2744 : vector<16xf32> to vector<16xf32>
      %swap3A_2746 = vector.shape_cast %select_n3A_2740 : vector<16xf32> to vector<16xf32>
      tpu.vector_store %arg7[%swap3A_2743], %swap3A_2746 {strides = array<i32>} : memref<32768xf32, #tpu.memory_space<vmem>>, vector<16xf32>,
      %add3A_2747 = arith.constant 480 : i32
      %add3A_2748 = arith.addi %add3A_2176, %add3A_2747 : i32
      %add3A_2749 = vector.broadcast %add3A_2748 : i32 to vector<16xi32>
      %add3A_2750 = arith.addi %iota3A, %add3A_2749 : vector<16xi32>
      %add3A_2751 = arith.constant 480 : i32
      %add3A_2752 = arith.addi %mul3A_2175, %add3A_2751 : i32
      %get3A_2753 = arith.index_cast %add3A_2752 : i32 to index
      %get3A_2754 = tpu.vector_load %arg7[%get3A_2753] {strides = array<i32>} : memref<32768xf32, #tpu.memory_space<vmem>>, vector<16xf32>,
      %get3A_2755 = vector.shape_cast %get3A_2754 : vector<16xf32> to vector<16xf32>
      %ge3A_2756 = arith.cmpi sge, %add3A_2750, %convert_element_type3A : vector<16xi32>
      %jit3A_2757 = arith.constant 0.000000e+00 : f32
      %broadcast_in_dim3A_2758 = vector.broadcast %jit3A_2757 : f32 to vector<16xf32>
      %select_n3A_2759 = arith.select %ge3A_2756, %get3A_2755, %broadcast_in_dim3A_2758 : vector<16xi1>, vector<16xf32>
      %add3A_2760 = arith.constant 480 : i32
      %add3A_2761 = arith.addi %mul3A_2175, %add3A_2760 : i32
      %swap3A_2762 = arith.index_cast %add3A_2761 : i32 to index
      %swap3A_2763 = tpu.vector_load %arg7[%swap3A_2762] {strides = array<i32>} : memref<32768xf32, #tpu.memory_space<vmem>>, vector<16xf32>,
      %swap3A_2764 = vector.shape_cast %swap3A_2763 : vector<16xf32> to vector<16xf32>
      %swap3A_2765 = vector.shape_cast %select_n3A_2759 : vector<16xf32> to vector<16xf32>
      tpu.vector_store %arg7[%swap3A_2762], %swap3A_2765 {strides = array<i32>} : memref<32768xf32, #tpu.memory_space<vmem>>, vector<16xf32>,
      %add3A_2766 = arith.constant 496 : i32
      %add3A_2767 = arith.addi %add3A_2176, %add3A_2766 : i32
      %add3A_2768 = vector.broadcast %add3A_2767 : i32 to vector<16xi32>
      %add3A_2769 = arith.addi %iota3A, %add3A_2768 : vector<16xi32>
      %add3A_2770 = arith.constant 496 : i32
      %add3A_2771 = arith.addi %mul3A_2175, %add3A_2770 : i32
      %get3A_2772 = arith.index_cast %add3A_2771 : i32 to index
      %get3A_2773 = tpu.vector_load %arg7[%get3A_2772] {strides = array<i32>} : memref<32768xf32, #tpu.memory_space<vmem>>, vector<16xf32>,
      %get3A_2774 = vector.shape_cast %get3A_2773 : vector<16xf32> to vector<16xf32>
      %ge3A_2775 = arith.cmpi sge, %add3A_2769, %convert_element_type3A : vector<16xi32>
      %jit3A_2776 = arith.constant 0.000000e+00 : f32
      %broadcast_in_dim3A_2777 = vector.broadcast %jit3A_2776 : f32 to vector<16xf32>
      %select_n3A_2778 = arith.select %ge3A_2775, %get3A_2774, %broadcast_in_dim3A_2777 : vector<16xi1>, vector<16xf32>
      %add3A_2779 = arith.constant 496 : i32
      %add3A_2780 = arith.addi %mul3A_2175, %add3A_2779 : i32
      %swap3A_2781 = arith.index_cast %add3A_2780 : i32 to index
      %swap3A_2782 = tpu.vector_load %arg7[%swap3A_2781] {strides = array<i32>} : memref<32768xf32, #tpu.memory_space<vmem>>, vector<16xf32>,
      %swap3A_2783 = vector.shape_cast %swap3A_2782 : vector<16xf32> to vector<16xf32>
      %swap3A_2784 = vector.shape_cast %select_n3A_2778 : vector<16xf32> to vector<16xf32>
      tpu.vector_store %arg7[%swap3A_2781], %swap3A_2784 {strides = array<i32>} : memref<32768xf32, #tpu.memory_space<vmem>>, vector<16xf32>,
      %add3A_2785 = arith.constant 512 : i32
      %add3A_2786 = arith.addi %add3A_2176, %add3A_2785 : i32
      %add3A_2787 = vector.broadcast %add3A_2786 : i32 to vector<16xi32>
      %add3A_2788 = arith.addi %iota3A, %add3A_2787 : vector<16xi32>
      %add3A_2789 = arith.constant 512 : i32
      %add3A_2790 = arith.addi %mul3A_2175, %add3A_2789 : i32
      %get3A_2791 = arith.index_cast %add3A_2790 : i32 to index
      %get3A_2792 = tpu.vector_load %arg7[%get3A_2791] {strides = array<i32>} : memref<32768xf32, #tpu.memory_space<vmem>>, vector<16xf32>,
      %get3A_2793 = vector.shape_cast %get3A_2792 : vector<16xf32> to vector<16xf32>
      %ge3A_2794 = arith.cmpi sge, %add3A_2788, %convert_element_type3A : vector<16xi32>
      %jit3A_2795 = arith.constant 0.000000e+00 : f32
      %broadcast_in_dim3A_2796 = vector.broadcast %jit3A_2795 : f32 to vector<16xf32>
      %select_n3A_2797 = arith.select %ge3A_2794, %get3A_2793, %broadcast_in_dim3A_2796 : vector<16xi1>, vector<16xf32>
      %add3A_2798 = arith.constant 512 : i32
      %add3A_2799 = arith.addi %mul3A_2175, %add3A_2798 : i32
      %swap3A_2800 = arith.index_cast %add3A_2799 : i32 to index
      %swap3A_2801 = tpu.vector_load %arg7[%swap3A_2800] {strides = array<i32>} : memref<32768xf32, #tpu.memory_space<vmem>>, vector<16xf32>,
      %swap3A_2802 = vector.shape_cast %swap3A_2801 : vector<16xf32> to vector<16xf32>
      %swap3A_2803 = vector.shape_cast %select_n3A_2797 : vector<16xf32> to vector<16xf32>
      tpu.vector_store %arg7[%swap3A_2800], %swap3A_2803 {strides = array<i32>} : memref<32768xf32, #tpu.memory_space<vmem>>, vector<16xf32>,
      %add3A_2804 = arith.constant 528 : i32
      %add3A_2805 = arith.addi %add3A_2176, %add3A_2804 : i32
      %add3A_2806 = vector.broadcast %add3A_2805 : i32 to vector<16xi32>
      %add3A_2807 = arith.addi %iota3A, %add3A_2806 : vector<16xi32>
      %add3A_2808 = arith.constant 528 : i32
      %add3A_2809 = arith.addi %mul3A_2175, %add3A_2808 : i32
      %get3A_2810 = arith.index_cast %add3A_2809 : i32 to index
      %get3A_2811 = tpu.vector_load %arg7[%get3A_2810] {strides = array<i32>} : memref<32768xf32, #tpu.memory_space<vmem>>, vector<16xf32>,
      %get3A_2812 = vector.shape_cast %get3A_2811 : vector<16xf32> to vector<16xf32>
      %ge3A_2813 = arith.cmpi sge, %add3A_2807, %convert_element_type3A : vector<16xi32>
      %jit3A_2814 = arith.constant 0.000000e+00 : f32
      %broadcast_in_dim3A_2815 = vector.broadcast %jit3A_2814 : f32 to vector<16xf32>
      %select_n3A_2816 = arith.select %ge3A_2813, %get3A_2812, %broadcast_in_dim3A_2815 : vector<16xi1>, vector<16xf32>
      %add3A_2817 = arith.constant 528 : i32
      %add3A_2818 = arith.addi %mul3A_2175, %add3A_2817 : i32
      %swap3A_2819 = arith.index_cast %add3A_2818 : i32 to index
      %swap3A_2820 = tpu.vector_load %arg7[%swap3A_2819] {strides = array<i32>} : memref<32768xf32, #tpu.memory_space<vmem>>, vector<16xf32>,
      %swap3A_2821 = vector.shape_cast %swap3A_2820 : vector<16xf32> to vector<16xf32>
      %swap3A_2822 = vector.shape_cast %select_n3A_2816 : vector<16xf32> to vector<16xf32>
      tpu.vector_store %arg7[%swap3A_2819], %swap3A_2822 {strides = array<i32>} : memref<32768xf32, #tpu.memory_space<vmem>>, vector<16xf32>,
      %add3A_2823 = arith.constant 544 : i32
      %add3A_2824 = arith.addi %add3A_2176, %add3A_2823 : i32
      %add3A_2825 = vector.broadcast %add3A_2824 : i32 to vector<16xi32>
      %add3A_2826 = arith.addi %iota3A, %add3A_2825 : vector<16xi32>
      %add3A_2827 = arith.constant 544 : i32
      %add3A_2828 = arith.addi %mul3A_2175, %add3A_2827 : i32
      %get3A_2829 = arith.index_cast %add3A_2828 : i32 to index
      %get3A_2830 = tpu.vector_load %arg7[%get3A_2829] {strides = array<i32>} : memref<32768xf32, #tpu.memory_space<vmem>>, vector<16xf32>,
      %get3A_2831 = vector.shape_cast %get3A_2830 : vector<16xf32> to vector<16xf32>
      %ge3A_2832 = arith.cmpi sge, %add3A_2826, %convert_element_type3A : vector<16xi32>
      %jit3A_2833 = arith.constant 0.000000e+00 : f32
      %broadcast_in_dim3A_2834 = vector.broadcast %jit3A_2833 : f32 to vector<16xf32>
      %select_n3A_2835 = arith.select %ge3A_2832, %get3A_2831, %broadcast_in_dim3A_2834 : vector<16xi1>, vector<16xf32>
      %add3A_2836 = arith.constant 544 : i32
      %add3A_2837 = arith.addi %mul3A_2175, %add3A_2836 : i32
      %swap3A_2838 = arith.index_cast %add3A_2837 : i32 to index
      %swap3A_2839 = tpu.vector_load %arg7[%swap3A_2838] {strides = array<i32>} : memref<32768xf32, #tpu.memory_space<vmem>>, vector<16xf32>,
      %swap3A_2840 = vector.shape_cast %swap3A_2839 : vector<16xf32> to vector<16xf32>
      %swap3A_2841 = vector.shape_cast %select_n3A_2835 : vector<16xf32> to vector<16xf32>
      tpu.vector_store %arg7[%swap3A_2838], %swap3A_2841 {strides = array<i32>} : memref<32768xf32, #tpu.memory_space<vmem>>, vector<16xf32>,
      %add3A_2842 = arith.constant 560 : i32
      %add3A_2843 = arith.addi %add3A_2176, %add3A_2842 : i32
      %add3A_2844 = vector.broadcast %add3A_2843 : i32 to vector<16xi32>
      %add3A_2845 = arith.addi %iota3A, %add3A_2844 : vector<16xi32>
      %add3A_2846 = arith.constant 560 : i32
      %add3A_2847 = arith.addi %mul3A_2175, %add3A_2846 : i32
      %get3A_2848 = arith.index_cast %add3A_2847 : i32 to index
      %get3A_2849 = tpu.vector_load %arg7[%get3A_2848] {strides = array<i32>} : memref<32768xf32, #tpu.memory_space<vmem>>, vector<16xf32>,
      %get3A_2850 = vector.shape_cast %get3A_2849 : vector<16xf32> to vector<16xf32>
      %ge3A_2851 = arith.cmpi sge, %add3A_2845, %convert_element_type3A : vector<16xi32>
      %jit3A_2852 = arith.constant 0.000000e+00 : f32
      %broadcast_in_dim3A_2853 = vector.broadcast %jit3A_2852 : f32 to vector<16xf32>
      %select_n3A_2854 = arith.select %ge3A_2851, %get3A_2850, %broadcast_in_dim3A_2853 : vector<16xi1>, vector<16xf32>
      %add3A_2855 = arith.constant 560 : i32
      %add3A_2856 = arith.addi %mul3A_2175, %add3A_2855 : i32
      %swap3A_2857 = arith.index_cast %add3A_2856 : i32 to index
      %swap3A_2858 = tpu.vector_load %arg7[%swap3A_2857] {strides = array<i32>} : memref<32768xf32, #tpu.memory_space<vmem>>, vector<16xf32>,
      %swap3A_2859 = vector.shape_cast %swap3A_2858 : vector<16xf32> to vector<16xf32>
      %swap3A_2860 = vector.shape_cast %select_n3A_2854 : vector<16xf32> to vector<16xf32>
      tpu.vector_store %arg7[%swap3A_2857], %swap3A_2860 {strides = array<i32>} : memref<32768xf32, #tpu.memory_space<vmem>>, vector<16xf32>,
      %add3A_2861 = arith.constant 576 : i32
      %add3A_2862 = arith.addi %add3A_2176, %add3A_2861 : i32
      %add3A_2863 = vector.broadcast %add3A_2862 : i32 to vector<16xi32>
      %add3A_2864 = arith.addi %iota3A, %add3A_2863 : vector<16xi32>
      %add3A_2865 = arith.constant 576 : i32
      %add3A_2866 = arith.addi %mul3A_2175, %add3A_2865 : i32
      %get3A_2867 = arith.index_cast %add3A_2866 : i32 to index
      %get3A_2868 = tpu.vector_load %arg7[%get3A_2867] {strides = array<i32>} : memref<32768xf32, #tpu.memory_space<vmem>>, vector<16xf32>,
      %get3A_2869 = vector.shape_cast %get3A_2868 : vector<16xf32> to vector<16xf32>
      %ge3A_2870 = arith.cmpi sge, %add3A_2864, %convert_element_type3A : vector<16xi32>
      %jit3A_2871 = arith.constant 0.000000e+00 : f32
      %broadcast_in_dim3A_2872 = vector.broadcast %jit3A_2871 : f32 to vector<16xf32>
      %select_n3A_2873 = arith.select %ge3A_2870, %get3A_2869, %broadcast_in_dim3A_2872 : vector<16xi1>, vector<16xf32>
      %add3A_2874 = arith.constant 576 : i32
      %add3A_2875 = arith.addi %mul3A_2175, %add3A_2874 : i32
      %swap3A_2876 = arith.index_cast %add3A_2875 : i32 to index
      %swap3A_2877 = tpu.vector_load %arg7[%swap3A_2876] {strides = array<i32>} : memref<32768xf32, #tpu.memory_space<vmem>>, vector<16xf32>,
      %swap3A_2878 = vector.shape_cast %swap3A_2877 : vector<16xf32> to vector<16xf32>
      %swap3A_2879 = vector.shape_cast %select_n3A_2873 : vector<16xf32> to vector<16xf32>
      tpu.vector_store %arg7[%swap3A_2876], %swap3A_2879 {strides = array<i32>} : memref<32768xf32, #tpu.memory_space<vmem>>, vector<16xf32>,
      %add3A_2880 = arith.constant 592 : i32
      %add3A_2881 = arith.addi %add3A_2176, %add3A_2880 : i32
      %add3A_2882 = vector.broadcast %add3A_2881 : i32 to vector<16xi32>
      %add3A_2883 = arith.addi %iota3A, %add3A_2882 : vector<16xi32>
      %add3A_2884 = arith.constant 592 : i32
      %add3A_2885 = arith.addi %mul3A_2175, %add3A_2884 : i32
      %get3A_2886 = arith.index_cast %add3A_2885 : i32 to index
      %get3A_2887 = tpu.vector_load %arg7[%get3A_2886] {strides = array<i32>} : memref<32768xf32, #tpu.memory_space<vmem>>, vector<16xf32>,
      %get3A_2888 = vector.shape_cast %get3A_2887 : vector<16xf32> to vector<16xf32>
      %ge3A_2889 = arith.cmpi sge, %add3A_2883, %convert_element_type3A : vector<16xi32>
      %jit3A_2890 = arith.constant 0.000000e+00 : f32
      %broadcast_in_dim3A_2891 = vector.broadcast %jit3A_2890 : f32 to vector<16xf32>
      %select_n3A_2892 = arith.select %ge3A_2889, %get3A_2888, %broadcast_in_dim3A_2891 : vector<16xi1>, vector<16xf32>
      %add3A_2893 = arith.constant 592 : i32
      %add3A_2894 = arith.addi %mul3A_2175, %add3A_2893 : i32
      %swap3A_2895 = arith.index_cast %add3A_2894 : i32 to index
      %swap3A_2896 = tpu.vector_load %arg7[%swap3A_2895] {strides = array<i32>} : memref<32768xf32, #tpu.memory_space<vmem>>, vector<16xf32>,
      %swap3A_2897 = vector.shape_cast %swap3A_2896 : vector<16xf32> to vector<16xf32>
      %swap3A_2898 = vector.shape_cast %select_n3A_2892 : vector<16xf32> to vector<16xf32>
      tpu.vector_store %arg7[%swap3A_2895], %swap3A_2898 {strides = array<i32>} : memref<32768xf32, #tpu.memory_space<vmem>>, vector<16xf32>,
      %add3A_2899 = arith.constant 608 : i32
      %add3A_2900 = arith.addi %add3A_2176, %add3A_2899 : i32
      %add3A_2901 = vector.broadcast %add3A_2900 : i32 to vector<16xi32>
      %add3A_2902 = arith.addi %iota3A, %add3A_2901 : vector<16xi32>
      %add3A_2903 = arith.constant 608 : i32
      %add3A_2904 = arith.addi %mul3A_2175, %add3A_2903 : i32
      %get3A_2905 = arith.index_cast %add3A_2904 : i32 to index
      %get3A_2906 = tpu.vector_load %arg7[%get3A_2905] {strides = array<i32>} : memref<32768xf32, #tpu.memory_space<vmem>>, vector<16xf32>,
      %get3A_2907 = vector.shape_cast %get3A_2906 : vector<16xf32> to vector<16xf32>
      %ge3A_2908 = arith.cmpi sge, %add3A_2902, %convert_element_type3A : vector<16xi32>
      %jit3A_2909 = arith.constant 0.000000e+00 : f32
      %broadcast_in_dim3A_2910 = vector.broadcast %jit3A_2909 : f32 to vector<16xf32>
      %select_n3A_2911 = arith.select %ge3A_2908, %get3A_2907, %broadcast_in_dim3A_2910 : vector<16xi1>, vector<16xf32>
      %add3A_2912 = arith.constant 608 : i32
      %add3A_2913 = arith.addi %mul3A_2175, %add3A_2912 : i32
      %swap3A_2914 = arith.index_cast %add3A_2913 : i32 to index
      %swap3A_2915 = tpu.vector_load %arg7[%swap3A_2914] {strides = array<i32>} : memref<32768xf32, #tpu.memory_space<vmem>>, vector<16xf32>,
      %swap3A_2916 = vector.shape_cast %swap3A_2915 : vector<16xf32> to vector<16xf32>
      %swap3A_2917 = vector.shape_cast %select_n3A_2911 : vector<16xf32> to vector<16xf32>
      tpu.vector_store %arg7[%swap3A_2914], %swap3A_2917 {strides = array<i32>} : memref<32768xf32, #tpu.memory_space<vmem>>, vector<16xf32>,
      %add3A_2918 = arith.constant 624 : i32
      %add3A_2919 = arith.addi %add3A_2176, %add3A_2918 : i32
      %add3A_2920 = vector.broadcast %add3A_2919 : i32 to vector<16xi32>
      %add3A_2921 = arith.addi %iota3A, %add3A_2920 : vector<16xi32>
      %add3A_2922 = arith.constant 624 : i32
      %add3A_2923 = arith.addi %mul3A_2175, %add3A_2922 : i32
      %get3A_2924 = arith.index_cast %add3A_2923 : i32 to index
      %get3A_2925 = tpu.vector_load %arg7[%get3A_2924] {strides = array<i32>} : memref<32768xf32, #tpu.memory_space<vmem>>, vector<16xf32>,
      %get3A_2926 = vector.shape_cast %get3A_2925 : vector<16xf32> to vector<16xf32>
      %ge3A_2927 = arith.cmpi sge, %add3A_2921, %convert_element_type3A : vector<16xi32>
      %jit3A_2928 = arith.constant 0.000000e+00 : f32
      %broadcast_in_dim3A_2929 = vector.broadcast %jit3A_2928 : f32 to vector<16xf32>
      %select_n3A_2930 = arith.select %ge3A_2927, %get3A_2926, %broadcast_in_dim3A_2929 : vector<16xi1>, vector<16xf32>
      %add3A_2931 = arith.constant 624 : i32
      %add3A_2932 = arith.addi %mul3A_2175, %add3A_2931 : i32
      %swap3A_2933 = arith.index_cast %add3A_2932 : i32 to index
      %swap3A_2934 = tpu.vector_load %arg7[%swap3A_2933] {strides = array<i32>} : memref<32768xf32, #tpu.memory_space<vmem>>, vector<16xf32>,
      %swap3A_2935 = vector.shape_cast %swap3A_2934 : vector<16xf32> to vector<16xf32>
      %swap3A_2936 = vector.shape_cast %select_n3A_2930 : vector<16xf32> to vector<16xf32>
      tpu.vector_store %arg7[%swap3A_2933], %swap3A_2936 {strides = array<i32>} : memref<32768xf32, #tpu.memory_space<vmem>>, vector<16xf32>,
      %add3A_2937 = arith.constant 640 : i32
      %add3A_2938 = arith.addi %add3A_2176, %add3A_2937 : i32
      %add3A_2939 = vector.broadcast %add3A_2938 : i32 to vector<16xi32>
      %add3A_2940 = arith.addi %iota3A, %add3A_2939 : vector<16xi32>
      %add3A_2941 = arith.constant 640 : i32
      %add3A_2942 = arith.addi %mul3A_2175, %add3A_2941 : i32
      %get3A_2943 = arith.index_cast %add3A_2942 : i32 to index
      %get3A_2944 = tpu.vector_load %arg7[%get3A_2943] {strides = array<i32>} : memref<32768xf32, #tpu.memory_space<vmem>>, vector<16xf32>,
      %get3A_2945 = vector.shape_cast %get3A_2944 : vector<16xf32> to vector<16xf32>
      %ge3A_2946 = arith.cmpi sge, %add3A_2940, %convert_element_type3A : vector<16xi32>
      %jit3A_2947 = arith.constant 0.000000e+00 : f32
      %broadcast_in_dim3A_2948 = vector.broadcast %jit3A_2947 : f32 to vector<16xf32>
      %select_n3A_2949 = arith.select %ge3A_2946, %get3A_2945, %broadcast_in_dim3A_2948 : vector<16xi1>, vector<16xf32>
      %add3A_2950 = arith.constant 640 : i32
      %add3A_2951 = arith.addi %mul3A_2175, %add3A_2950 : i32
      %swap3A_2952 = arith.index_cast %add3A_2951 : i32 to index
      %swap3A_2953 = tpu.vector_load %arg7[%swap3A_2952] {strides = array<i32>} : memref<32768xf32, #tpu.memory_space<vmem>>, vector<16xf32>,
      %swap3A_2954 = vector.shape_cast %swap3A_2953 : vector<16xf32> to vector<16xf32>
      %swap3A_2955 = vector.shape_cast %select_n3A_2949 : vector<16xf32> to vector<16xf32>
      tpu.vector_store %arg7[%swap3A_2952], %swap3A_2955 {strides = array<i32>} : memref<32768xf32, #tpu.memory_space<vmem>>, vector<16xf32>,
      %add3A_2956 = arith.constant 656 : i32
      %add3A_2957 = arith.addi %add3A_2176, %add3A_2956 : i32
      %add3A_2958 = vector.broadcast %add3A_2957 : i32 to vector<16xi32>
      %add3A_2959 = arith.addi %iota3A, %add3A_2958 : vector<16xi32>
      %add3A_2960 = arith.constant 656 : i32
      %add3A_2961 = arith.addi %mul3A_2175, %add3A_2960 : i32
      %get3A_2962 = arith.index_cast %add3A_2961 : i32 to index
      %get3A_2963 = tpu.vector_load %arg7[%get3A_2962] {strides = array<i32>} : memref<32768xf32, #tpu.memory_space<vmem>>, vector<16xf32>,
      %get3A_2964 = vector.shape_cast %get3A_2963 : vector<16xf32> to vector<16xf32>
      %ge3A_2965 = arith.cmpi sge, %add3A_2959, %convert_element_type3A : vector<16xi32>
      %jit3A_2966 = arith.constant 0.000000e+00 : f32
      %broadcast_in_dim3A_2967 = vector.broadcast %jit3A_2966 : f32 to vector<16xf32>
      %select_n3A_2968 = arith.select %ge3A_2965, %get3A_2964, %broadcast_in_dim3A_2967 : vector<16xi1>, vector<16xf32>
      %add3A_2969 = arith.constant 656 : i32
      %add3A_2970 = arith.addi %mul3A_2175, %add3A_2969 : i32
      %swap3A_2971 = arith.index_cast %add3A_2970 : i32 to index
      %swap3A_2972 = tpu.vector_load %arg7[%swap3A_2971] {strides = array<i32>} : memref<32768xf32, #tpu.memory_space<vmem>>, vector<16xf32>,
      %swap3A_2973 = vector.shape_cast %swap3A_2972 : vector<16xf32> to vector<16xf32>
      %swap3A_2974 = vector.shape_cast %select_n3A_2968 : vector<16xf32> to vector<16xf32>
      tpu.vector_store %arg7[%swap3A_2971], %swap3A_2974 {strides = array<i32>} : memref<32768xf32, #tpu.memory_space<vmem>>, vector<16xf32>,
      %add3A_2975 = arith.constant 672 : i32
      %add3A_2976 = arith.addi %add3A_2176, %add3A_2975 : i32
      %add3A_2977 = vector.broadcast %add3A_2976 : i32 to vector<16xi32>
      %add3A_2978 = arith.addi %iota3A, %add3A_2977 : vector<16xi32>
      %add3A_2979 = arith.constant 672 : i32
      %add3A_2980 = arith.addi %mul3A_2175, %add3A_2979 : i32
      %get3A_2981 = arith.index_cast %add3A_2980 : i32 to index
      %get3A_2982 = tpu.vector_load %arg7[%get3A_2981] {strides = array<i32>} : memref<32768xf32, #tpu.memory_space<vmem>>, vector<16xf32>,
      %get3A_2983 = vector.shape_cast %get3A_2982 : vector<16xf32> to vector<16xf32>
      %ge3A_2984 = arith.cmpi sge, %add3A_2978, %convert_element_type3A : vector<16xi32>
      %jit3A_2985 = arith.constant 0.000000e+00 : f32
      %broadcast_in_dim3A_2986 = vector.broadcast %jit3A_2985 : f32 to vector<16xf32>
      %select_n3A_2987 = arith.select %ge3A_2984, %get3A_2983, %broadcast_in_dim3A_2986 : vector<16xi1>, vector<16xf32>
      %add3A_2988 = arith.constant 672 : i32
      %add3A_2989 = arith.addi %mul3A_2175, %add3A_2988 : i32
      %swap3A_2990 = arith.index_cast %add3A_2989 : i32 to index
      %swap3A_2991 = tpu.vector_load %arg7[%swap3A_2990] {strides = array<i32>} : memref<32768xf32, #tpu.memory_space<vmem>>, vector<16xf32>,
      %swap3A_2992 = vector.shape_cast %swap3A_2991 : vector<16xf32> to vector<16xf32>
      %swap3A_2993 = vector.shape_cast %select_n3A_2987 : vector<16xf32> to vector<16xf32>
      tpu.vector_store %arg7[%swap3A_2990], %swap3A_2993 {strides = array<i32>} : memref<32768xf32, #tpu.memory_space<vmem>>, vector<16xf32>,
      %add3A_2994 = arith.constant 688 : i32
      %add3A_2995 = arith.addi %add3A_2176, %add3A_2994 : i32
      %add3A_2996 = vector.broadcast %add3A_2995 : i32 to vector<16xi32>
      %add3A_2997 = arith.addi %iota3A, %add3A_2996 : vector<16xi32>
      %add3A_2998 = arith.constant 688 : i32
      %add3A_2999 = arith.addi %mul3A_2175, %add3A_2998 : i32
      %get3A_3000 = arith.index_cast %add3A_2999 : i32 to index
      %get3A_3001 = tpu.vector_load %arg7[%get3A_3000] {strides = array<i32>} : memref<32768xf32, #tpu.memory_space<vmem>>, vector<16xf32>,
      %get3A_3002 = vector.shape_cast %get3A_3001 : vector<16xf32> to vector<16xf32>
      %ge3A_3003 = arith.cmpi sge, %add3A_2997, %convert_element_type3A : vector<16xi32>
      %jit3A_3004 = arith.constant 0.000000e+00 : f32
      %broadcast_in_dim3A_3005 = vector.broadcast %jit3A_3004 : f32 to vector<16xf32>
      %select_n3A_3006 = arith.select %ge3A_3003, %get3A_3002, %broadcast_in_dim3A_3005 : vector<16xi1>, vector<16xf32>
      %add3A_3007 = arith.constant 688 : i32
      %add3A_3008 = arith.addi %mul3A_2175, %add3A_3007 : i32
      %swap3A_3009 = arith.index_cast %add3A_3008 : i32 to index
      %swap3A_3010 = tpu.vector_load %arg7[%swap3A_3009] {strides = array<i32>} : memref<32768xf32, #tpu.memory_space<vmem>>, vector<16xf32>,
      %swap3A_3011 = vector.shape_cast %swap3A_3010 : vector<16xf32> to vector<16xf32>
      %swap3A_3012 = vector.shape_cast %select_n3A_3006 : vector<16xf32> to vector<16xf32>
      tpu.vector_store %arg7[%swap3A_3009], %swap3A_3012 {strides = array<i32>} : memref<32768xf32, #tpu.memory_space<vmem>>, vector<16xf32>,
      %add3A_3013 = arith.constant 704 : i32
      %add3A_3014 = arith.addi %add3A_2176, %add3A_3013 : i32
      %add3A_3015 = vector.broadcast %add3A_3014 : i32 to vector<16xi32>
      %add3A_3016 = arith.addi %iota3A, %add3A_3015 : vector<16xi32>
      %add3A_3017 = arith.constant 704 : i32
      %add3A_3018 = arith.addi %mul3A_2175, %add3A_3017 : i32
      %get3A_3019 = arith.index_cast %add3A_3018 : i32 to index
      %get3A_3020 = tpu.vector_load %arg7[%get3A_3019] {strides = array<i32>} : memref<32768xf32, #tpu.memory_space<vmem>>, vector<16xf32>,
      %get3A_3021 = vector.shape_cast %get3A_3020 : vector<16xf32> to vector<16xf32>
      %ge3A_3022 = arith.cmpi sge, %add3A_3016, %convert_element_type3A : vector<16xi32>
      %jit3A_3023 = arith.constant 0.000000e+00 : f32
      %broadcast_in_dim3A_3024 = vector.broadcast %jit3A_3023 : f32 to vector<16xf32>
      %select_n3A_3025 = arith.select %ge3A_3022, %get3A_3021, %broadcast_in_dim3A_3024 : vector<16xi1>, vector<16xf32>
      %add3A_3026 = arith.constant 704 : i32
      %add3A_3027 = arith.addi %mul3A_2175, %add3A_3026 : i32
      %swap3A_3028 = arith.index_cast %add3A_3027 : i32 to index
      %swap3A_3029 = tpu.vector_load %arg7[%swap3A_3028] {strides = array<i32>} : memref<32768xf32, #tpu.memory_space<vmem>>, vector<16xf32>,
      %swap3A_3030 = vector.shape_cast %swap3A_3029 : vector<16xf32> to vector<16xf32>
      %swap3A_3031 = vector.shape_cast %select_n3A_3025 : vector<16xf32> to vector<16xf32>
      tpu.vector_store %arg7[%swap3A_3028], %swap3A_3031 {strides = array<i32>} : memref<32768xf32, #tpu.memory_space<vmem>>, vector<16xf32>,
      %add3A_3032 = arith.constant 720 : i32
      %add3A_3033 = arith.addi %add3A_2176, %add3A_3032 : i32
      %add3A_3034 = vector.broadcast %add3A_3033 : i32 to vector<16xi32>
      %add3A_3035 = arith.addi %iota3A, %add3A_3034 : vector<16xi32>
      %add3A_3036 = arith.constant 720 : i32
      %add3A_3037 = arith.addi %mul3A_2175, %add3A_3036 : i32
      %get3A_3038 = arith.index_cast %add3A_3037 : i32 to index
      %get3A_3039 = tpu.vector_load %arg7[%get3A_3038] {strides = array<i32>} : memref<32768xf32, #tpu.memory_space<vmem>>, vector<16xf32>,
      %get3A_3040 = vector.shape_cast %get3A_3039 : vector<16xf32> to vector<16xf32>
      %ge3A_3041 = arith.cmpi sge, %add3A_3035, %convert_element_type3A : vector<16xi32>
      %jit3A_3042 = arith.constant 0.000000e+00 : f32
      %broadcast_in_dim3A_3043 = vector.broadcast %jit3A_3042 : f32 to vector<16xf32>
      %select_n3A_3044 = arith.select %ge3A_3041, %get3A_3040, %broadcast_in_dim3A_3043 : vector<16xi1>, vector<16xf32>
      %add3A_3045 = arith.constant 720 : i32
      %add3A_3046 = arith.addi %mul3A_2175, %add3A_3045 : i32
      %swap3A_3047 = arith.index_cast %add3A_3046 : i32 to index
      %swap3A_3048 = tpu.vector_load %arg7[%swap3A_3047] {strides = array<i32>} : memref<32768xf32, #tpu.memory_space<vmem>>, vector<16xf32>,
      %swap3A_3049 = vector.shape_cast %swap3A_3048 : vector<16xf32> to vector<16xf32>
      %swap3A_3050 = vector.shape_cast %select_n3A_3044 : vector<16xf32> to vector<16xf32>
      tpu.vector_store %arg7[%swap3A_3047], %swap3A_3050 {strides = array<i32>} : memref<32768xf32, #tpu.memory_space<vmem>>, vector<16xf32>,
      %add3A_3051 = arith.constant 736 : i32
      %add3A_3052 = arith.addi %add3A_2176, %add3A_3051 : i32
      %add3A_3053 = vector.broadcast %add3A_3052 : i32 to vector<16xi32>
      %add3A_3054 = arith.addi %iota3A, %add3A_3053 : vector<16xi32>
      %add3A_3055 = arith.constant 736 : i32
      %add3A_3056 = arith.addi %mul3A_2175, %add3A_3055 : i32
      %get3A_3057 = arith.index_cast %add3A_3056 : i32 to index
      %get3A_3058 = tpu.vector_load %arg7[%get3A_3057] {strides = array<i32>} : memref<32768xf32, #tpu.memory_space<vmem>>, vector<16xf32>,
      %get3A_3059 = vector.shape_cast %get3A_3058 : vector<16xf32> to vector<16xf32>
      %ge3A_3060 = arith.cmpi sge, %add3A_3054, %convert_element_type3A : vector<16xi32>
      %jit3A_3061 = arith.constant 0.000000e+00 : f32
      %broadcast_in_dim3A_3062 = vector.broadcast %jit3A_3061 : f32 to vector<16xf32>
      %select_n3A_3063 = arith.select %ge3A_3060, %get3A_3059, %broadcast_in_dim3A_3062 : vector<16xi1>, vector<16xf32>
      %add3A_3064 = arith.constant 736 : i32
      %add3A_3065 = arith.addi %mul3A_2175, %add3A_3064 : i32
      %swap3A_3066 = arith.index_cast %add3A_3065 : i32 to index
      %swap3A_3067 = tpu.vector_load %arg7[%swap3A_3066] {strides = array<i32>} : memref<32768xf32, #tpu.memory_space<vmem>>, vector<16xf32>,
      %swap3A_3068 = vector.shape_cast %swap3A_3067 : vector<16xf32> to vector<16xf32>
      %swap3A_3069 = vector.shape_cast %select_n3A_3063 : vector<16xf32> to vector<16xf32>
      tpu.vector_store %arg7[%swap3A_3066], %swap3A_3069 {strides = array<i32>} : memref<32768xf32, #tpu.memory_space<vmem>>, vector<16xf32>,
      %add3A_3070 = arith.constant 752 : i32
      %add3A_3071 = arith.addi %add3A_2176, %add3A_3070 : i32
      %add3A_3072 = vector.broadcast %add3A_3071 : i32 to vector<16xi32>
      %add3A_3073 = arith.addi %iota3A, %add3A_3072 : vector<16xi32>
      %add3A_3074 = arith.constant 752 : i32
      %add3A_3075 = arith.addi %mul3A_2175, %add3A_3074 : i32
      %get3A_3076 = arith.index_cast %add3A_3075 : i32 to index
      %get3A_3077 = tpu.vector_load %arg7[%get3A_3076] {strides = array<i32>} : memref<32768xf32, #tpu.memory_space<vmem>>, vector<16xf32>,
      %get3A_3078 = vector.shape_cast %get3A_3077 : vector<16xf32> to vector<16xf32>
      %ge3A_3079 = arith.cmpi sge, %add3A_3073, %convert_element_type3A : vector<16xi32>
      %jit3A_3080 = arith.constant 0.000000e+00 : f32
      %broadcast_in_dim3A_3081 = vector.broadcast %jit3A_3080 : f32 to vector<16xf32>
      %select_n3A_3082 = arith.select %ge3A_3079, %get3A_3078, %broadcast_in_dim3A_3081 : vector<16xi1>, vector<16xf32>
      %add3A_3083 = arith.constant 752 : i32
      %add3A_3084 = arith.addi %mul3A_2175, %add3A_3083 : i32
      %swap3A_3085 = arith.index_cast %add3A_3084 : i32 to index
      %swap3A_3086 = tpu.vector_load %arg7[%swap3A_3085] {strides = array<i32>} : memref<32768xf32, #tpu.memory_space<vmem>>, vector<16xf32>,
      %swap3A_3087 = vector.shape_cast %swap3A_3086 : vector<16xf32> to vector<16xf32>
      %swap3A_3088 = vector.shape_cast %select_n3A_3082 : vector<16xf32> to vector<16xf32>
      tpu.vector_store %arg7[%swap3A_3085], %swap3A_3088 {strides = array<i32>} : memref<32768xf32, #tpu.memory_space<vmem>>, vector<16xf32>,
      %add3A_3089 = arith.constant 768 : i32
      %add3A_3090 = arith.addi %add3A_2176, %add3A_3089 : i32
      %add3A_3091 = vector.broadcast %add3A_3090 : i32 to vector<16xi32>
      %add3A_3092 = arith.addi %iota3A, %add3A_3091 : vector<16xi32>
      %add3A_3093 = arith.constant 768 : i32
      %add3A_3094 = arith.addi %mul3A_2175, %add3A_3093 : i32
      %get3A_3095 = arith.index_cast %add3A_3094 : i32 to index
      %get3A_3096 = tpu.vector_load %arg7[%get3A_3095] {strides = array<i32>} : memref<32768xf32, #tpu.memory_space<vmem>>, vector<16xf32>,
      %get3A_3097 = vector.shape_cast %get3A_3096 : vector<16xf32> to vector<16xf32>
      %ge3A_3098 = arith.cmpi sge, %add3A_3092, %convert_element_type3A : vector<16xi32>
      %jit3A_3099 = arith.constant 0.000000e+00 : f32
      %broadcast_in_dim3A_3100 = vector.broadcast %jit3A_3099 : f32 to vector<16xf32>
      %select_n3A_3101 = arith.select %ge3A_3098, %get3A_3097, %broadcast_in_dim3A_3100 : vector<16xi1>, vector<16xf32>
      %add3A_3102 = arith.constant 768 : i32
      %add3A_3103 = arith.addi %mul3A_2175, %add3A_3102 : i32
      %swap3A_3104 = arith.index_cast %add3A_3103 : i32 to index
      %swap3A_3105 = tpu.vector_load %arg7[%swap3A_3104] {strides = array<i32>} : memref<32768xf32, #tpu.memory_space<vmem>>, vector<16xf32>,
      %swap3A_3106 = vector.shape_cast %swap3A_3105 : vector<16xf32> to vector<16xf32>
      %swap3A_3107 = vector.shape_cast %select_n3A_3101 : vector<16xf32> to vector<16xf32>
      tpu.vector_store %arg7[%swap3A_3104], %swap3A_3107 {strides = array<i32>} : memref<32768xf32, #tpu.memory_space<vmem>>, vector<16xf32>,
      %add3A_3108 = arith.constant 784 : i32
      %add3A_3109 = arith.addi %add3A_2176, %add3A_3108 : i32
      %add3A_3110 = vector.broadcast %add3A_3109 : i32 to vector<16xi32>
      %add3A_3111 = arith.addi %iota3A, %add3A_3110 : vector<16xi32>
      %add3A_3112 = arith.constant 784 : i32
      %add3A_3113 = arith.addi %mul3A_2175, %add3A_3112 : i32
      %get3A_3114 = arith.index_cast %add3A_3113 : i32 to index
      %get3A_3115 = tpu.vector_load %arg7[%get3A_3114] {strides = array<i32>} : memref<32768xf32, #tpu.memory_space<vmem>>, vector<16xf32>,
      %get3A_3116 = vector.shape_cast %get3A_3115 : vector<16xf32> to vector<16xf32>
      %ge3A_3117 = arith.cmpi sge, %add3A_3111, %convert_element_type3A : vector<16xi32>
      %jit3A_3118 = arith.constant 0.000000e+00 : f32
      %broadcast_in_dim3A_3119 = vector.broadcast %jit3A_3118 : f32 to vector<16xf32>
      %select_n3A_3120 = arith.select %ge3A_3117, %get3A_3116, %broadcast_in_dim3A_3119 : vector<16xi1>, vector<16xf32>
      %add3A_3121 = arith.constant 784 : i32
      %add3A_3122 = arith.addi %mul3A_2175, %add3A_3121 : i32
      %swap3A_3123 = arith.index_cast %add3A_3122 : i32 to index
      %swap3A_3124 = tpu.vector_load %arg7[%swap3A_3123] {strides = array<i32>} : memref<32768xf32, #tpu.memory_space<vmem>>, vector<16xf32>,
      %swap3A_3125 = vector.shape_cast %swap3A_3124 : vector<16xf32> to vector<16xf32>
      %swap3A_3126 = vector.shape_cast %select_n3A_3120 : vector<16xf32> to vector<16xf32>
      tpu.vector_store %arg7[%swap3A_3123], %swap3A_3126 {strides = array<i32>} : memref<32768xf32, #tpu.memory_space<vmem>>, vector<16xf32>,
      %add3A_3127 = arith.constant 800 : i32
      %add3A_3128 = arith.addi %add3A_2176, %add3A_3127 : i32
      %add3A_3129 = vector.broadcast %add3A_3128 : i32 to vector<16xi32>
      %add3A_3130 = arith.addi %iota3A, %add3A_3129 : vector<16xi32>
      %add3A_3131 = arith.constant 800 : i32
      %add3A_3132 = arith.addi %mul3A_2175, %add3A_3131 : i32
      %get3A_3133 = arith.index_cast %add3A_3132 : i32 to index
      %get3A_3134 = tpu.vector_load %arg7[%get3A_3133] {strides = array<i32>} : memref<32768xf32, #tpu.memory_space<vmem>>, vector<16xf32>,
      %get3A_3135 = vector.shape_cast %get3A_3134 : vector<16xf32> to vector<16xf32>
      %ge3A_3136 = arith.cmpi sge, %add3A_3130, %convert_element_type3A : vector<16xi32>
      %jit3A_3137 = arith.constant 0.000000e+00 : f32
      %broadcast_in_dim3A_3138 = vector.broadcast %jit3A_3137 : f32 to vector<16xf32>
      %select_n3A_3139 = arith.select %ge3A_3136, %get3A_3135, %broadcast_in_dim3A_3138 : vector<16xi1>, vector<16xf32>
      %add3A_3140 = arith.constant 800 : i32
      %add3A_3141 = arith.addi %mul3A_2175, %add3A_3140 : i32
      %swap3A_3142 = arith.index_cast %add3A_3141 : i32 to index
      %swap3A_3143 = tpu.vector_load %arg7[%swap3A_3142] {strides = array<i32>} : memref<32768xf32, #tpu.memory_space<vmem>>, vector<16xf32>,
      %swap3A_3144 = vector.shape_cast %swap3A_3143 : vector<16xf32> to vector<16xf32>
      %swap3A_3145 = vector.shape_cast %select_n3A_3139 : vector<16xf32> to vector<16xf32>
      tpu.vector_store %arg7[%swap3A_3142], %swap3A_3145 {strides = array<i32>} : memref<32768xf32, #tpu.memory_space<vmem>>, vector<16xf32>,
      %add3A_3146 = arith.constant 816 : i32
      %add3A_3147 = arith.addi %add3A_2176, %add3A_3146 : i32
      %add3A_3148 = vector.broadcast %add3A_3147 : i32 to vector<16xi32>
      %add3A_3149 = arith.addi %iota3A, %add3A_3148 : vector<16xi32>
      %add3A_3150 = arith.constant 816 : i32
      %add3A_3151 = arith.addi %mul3A_2175, %add3A_3150 : i32
      %get3A_3152 = arith.index_cast %add3A_3151 : i32 to index
      %get3A_3153 = tpu.vector_load %arg7[%get3A_3152] {strides = array<i32>} : memref<32768xf32, #tpu.memory_space<vmem>>, vector<16xf32>,
      %get3A_3154 = vector.shape_cast %get3A_3153 : vector<16xf32> to vector<16xf32>
      %ge3A_3155 = arith.cmpi sge, %add3A_3149, %convert_element_type3A : vector<16xi32>
      %jit3A_3156 = arith.constant 0.000000e+00 : f32
      %broadcast_in_dim3A_3157 = vector.broadcast %jit3A_3156 : f32 to vector<16xf32>
      %select_n3A_3158 = arith.select %ge3A_3155, %get3A_3154, %broadcast_in_dim3A_3157 : vector<16xi1>, vector<16xf32>
      %add3A_3159 = arith.constant 816 : i32
      %add3A_3160 = arith.addi %mul3A_2175, %add3A_3159 : i32
      %swap3A_3161 = arith.index_cast %add3A_3160 : i32 to index
      %swap3A_3162 = tpu.vector_load %arg7[%swap3A_3161] {strides = array<i32>} : memref<32768xf32, #tpu.memory_space<vmem>>, vector<16xf32>,
      %swap3A_3163 = vector.shape_cast %swap3A_3162 : vector<16xf32> to vector<16xf32>
      %swap3A_3164 = vector.shape_cast %select_n3A_3158 : vector<16xf32> to vector<16xf32>
      tpu.vector_store %arg7[%swap3A_3161], %swap3A_3164 {strides = array<i32>} : memref<32768xf32, #tpu.memory_space<vmem>>, vector<16xf32>,
      %add3A_3165 = arith.constant 832 : i32
      %add3A_3166 = arith.addi %add3A_2176, %add3A_3165 : i32
      %add3A_3167 = vector.broadcast %add3A_3166 : i32 to vector<16xi32>
      %add3A_3168 = arith.addi %iota3A, %add3A_3167 : vector<16xi32>
      %add3A_3169 = arith.constant 832 : i32
      %add3A_3170 = arith.addi %mul3A_2175, %add3A_3169 : i32
      %get3A_3171 = arith.index_cast %add3A_3170 : i32 to index
      %get3A_3172 = tpu.vector_load %arg7[%get3A_3171] {strides = array<i32>} : memref<32768xf32, #tpu.memory_space<vmem>>, vector<16xf32>,
      %get3A_3173 = vector.shape_cast %get3A_3172 : vector<16xf32> to vector<16xf32>
      %ge3A_3174 = arith.cmpi sge, %add3A_3168, %convert_element_type3A : vector<16xi32>
      %jit3A_3175 = arith.constant 0.000000e+00 : f32
      %broadcast_in_dim3A_3176 = vector.broadcast %jit3A_3175 : f32 to vector<16xf32>
      %select_n3A_3177 = arith.select %ge3A_3174, %get3A_3173, %broadcast_in_dim3A_3176 : vector<16xi1>, vector<16xf32>
      %add3A_3178 = arith.constant 832 : i32
      %add3A_3179 = arith.addi %mul3A_2175, %add3A_3178 : i32
      %swap3A_3180 = arith.index_cast %add3A_3179 : i32 to index
      %swap3A_3181 = tpu.vector_load %arg7[%swap3A_3180] {strides = array<i32>} : memref<32768xf32, #tpu.memory_space<vmem>>, vector<16xf32>,
      %swap3A_3182 = vector.shape_cast %swap3A_3181 : vector<16xf32> to vector<16xf32>
      %swap3A_3183 = vector.shape_cast %select_n3A_3177 : vector<16xf32> to vector<16xf32>
      tpu.vector_store %arg7[%swap3A_3180], %swap3A_3183 {strides = array<i32>} : memref<32768xf32, #tpu.memory_space<vmem>>, vector<16xf32>,
      %add3A_3184 = arith.constant 848 : i32
      %add3A_3185 = arith.addi %add3A_2176, %add3A_3184 : i32
      %add3A_3186 = vector.broadcast %add3A_3185 : i32 to vector<16xi32>
      %add3A_3187 = arith.addi %iota3A, %add3A_3186 : vector<16xi32>
      %add3A_3188 = arith.constant 848 : i32
      %add3A_3189 = arith.addi %mul3A_2175, %add3A_3188 : i32
      %get3A_3190 = arith.index_cast %add3A_3189 : i32 to index
      %get3A_3191 = tpu.vector_load %arg7[%get3A_3190] {strides = array<i32>} : memref<32768xf32, #tpu.memory_space<vmem>>, vector<16xf32>,
      %get3A_3192 = vector.shape_cast %get3A_3191 : vector<16xf32> to vector<16xf32>
      %ge3A_3193 = arith.cmpi sge, %add3A_3187, %convert_element_type3A : vector<16xi32>
      %jit3A_3194 = arith.constant 0.000000e+00 : f32
      %broadcast_in_dim3A_3195 = vector.broadcast %jit3A_3194 : f32 to vector<16xf32>
      %select_n3A_3196 = arith.select %ge3A_3193, %get3A_3192, %broadcast_in_dim3A_3195 : vector<16xi1>, vector<16xf32>
      %add3A_3197 = arith.constant 848 : i32
      %add3A_3198 = arith.addi %mul3A_2175, %add3A_3197 : i32
      %swap3A_3199 = arith.index_cast %add3A_3198 : i32 to index
      %swap3A_3200 = tpu.vector_load %arg7[%swap3A_3199] {strides = array<i32>} : memref<32768xf32, #tpu.memory_space<vmem>>, vector<16xf32>,
      %swap3A_3201 = vector.shape_cast %swap3A_3200 : vector<16xf32> to vector<16xf32>
      %swap3A_3202 = vector.shape_cast %select_n3A_3196 : vector<16xf32> to vector<16xf32>
      tpu.vector_store %arg7[%swap3A_3199], %swap3A_3202 {strides = array<i32>} : memref<32768xf32, #tpu.memory_space<vmem>>, vector<16xf32>,
      %add3A_3203 = arith.constant 864 : i32
      %add3A_3204 = arith.addi %add3A_2176, %add3A_3203 : i32
      %add3A_3205 = vector.broadcast %add3A_3204 : i32 to vector<16xi32>
      %add3A_3206 = arith.addi %iota3A, %add3A_3205 : vector<16xi32>
      %add3A_3207 = arith.constant 864 : i32
      %add3A_3208 = arith.addi %mul3A_2175, %add3A_3207 : i32
      %get3A_3209 = arith.index_cast %add3A_3208 : i32 to index
      %get3A_3210 = tpu.vector_load %arg7[%get3A_3209] {strides = array<i32>} : memref<32768xf32, #tpu.memory_space<vmem>>, vector<16xf32>,
      %get3A_3211 = vector.shape_cast %get3A_3210 : vector<16xf32> to vector<16xf32>
      %ge3A_3212 = arith.cmpi sge, %add3A_3206, %convert_element_type3A : vector<16xi32>
      %jit3A_3213 = arith.constant 0.000000e+00 : f32
      %broadcast_in_dim3A_3214 = vector.broadcast %jit3A_3213 : f32 to vector<16xf32>
      %select_n3A_3215 = arith.select %ge3A_3212, %get3A_3211, %broadcast_in_dim3A_3214 : vector<16xi1>, vector<16xf32>
      %add3A_3216 = arith.constant 864 : i32
      %add3A_3217 = arith.addi %mul3A_2175, %add3A_3216 : i32
      %swap3A_3218 = arith.index_cast %add3A_3217 : i32 to index
      %swap3A_3219 = tpu.vector_load %arg7[%swap3A_3218] {strides = array<i32>} : memref<32768xf32, #tpu.memory_space<vmem>>, vector<16xf32>,
      %swap3A_3220 = vector.shape_cast %swap3A_3219 : vector<16xf32> to vector<16xf32>
      %swap3A_3221 = vector.shape_cast %select_n3A_3215 : vector<16xf32> to vector<16xf32>
      tpu.vector_store %arg7[%swap3A_3218], %swap3A_3221 {strides = array<i32>} : memref<32768xf32, #tpu.memory_space<vmem>>, vector<16xf32>,
      %add3A_3222 = arith.constant 880 : i32
      %add3A_3223 = arith.addi %add3A_2176, %add3A_3222 : i32
      %add3A_3224 = vector.broadcast %add3A_3223 : i32 to vector<16xi32>
      %add3A_3225 = arith.addi %iota3A, %add3A_3224 : vector<16xi32>
      %add3A_3226 = arith.constant 880 : i32
      %add3A_3227 = arith.addi %mul3A_2175, %add3A_3226 : i32
      %get3A_3228 = arith.index_cast %add3A_3227 : i32 to index
      %get3A_3229 = tpu.vector_load %arg7[%get3A_3228] {strides = array<i32>} : memref<32768xf32, #tpu.memory_space<vmem>>, vector<16xf32>,
      %get3A_3230 = vector.shape_cast %get3A_3229 : vector<16xf32> to vector<16xf32>
      %ge3A_3231 = arith.cmpi sge, %add3A_3225, %convert_element_type3A : vector<16xi32>
      %jit3A_3232 = arith.constant 0.000000e+00 : f32
      %broadcast_in_dim3A_3233 = vector.broadcast %jit3A_3232 : f32 to vector<16xf32>
      %select_n3A_3234 = arith.select %ge3A_3231, %get3A_3230, %broadcast_in_dim3A_3233 : vector<16xi1>, vector<16xf32>
      %add3A_3235 = arith.constant 880 : i32
      %add3A_3236 = arith.addi %mul3A_2175, %add3A_3235 : i32
      %swap3A_3237 = arith.index_cast %add3A_3236 : i32 to index
      %swap3A_3238 = tpu.vector_load %arg7[%swap3A_3237] {strides = array<i32>} : memref<32768xf32, #tpu.memory_space<vmem>>, vector<16xf32>,
      %swap3A_3239 = vector.shape_cast %swap3A_3238 : vector<16xf32> to vector<16xf32>
      %swap3A_3240 = vector.shape_cast %select_n3A_3234 : vector<16xf32> to vector<16xf32>
      tpu.vector_store %arg7[%swap3A_3237], %swap3A_3240 {strides = array<i32>} : memref<32768xf32, #tpu.memory_space<vmem>>, vector<16xf32>,
      %add3A_3241 = arith.constant 896 : i32
      %add3A_3242 = arith.addi %add3A_2176, %add3A_3241 : i32
      %add3A_3243 = vector.broadcast %add3A_3242 : i32 to vector<16xi32>
      %add3A_3244 = arith.addi %iota3A, %add3A_3243 : vector<16xi32>
      %add3A_3245 = arith.constant 896 : i32
      %add3A_3246 = arith.addi %mul3A_2175, %add3A_3245 : i32
      %get3A_3247 = arith.index_cast %add3A_3246 : i32 to index
      %get3A_3248 = tpu.vector_load %arg7[%get3A_3247] {strides = array<i32>} : memref<32768xf32, #tpu.memory_space<vmem>>, vector<16xf32>,
      %get3A_3249 = vector.shape_cast %get3A_3248 : vector<16xf32> to vector<16xf32>
      %ge3A_3250 = arith.cmpi sge, %add3A_3244, %convert_element_type3A : vector<16xi32>
      %jit3A_3251 = arith.constant 0.000000e+00 : f32
      %broadcast_in_dim3A_3252 = vector.broadcast %jit3A_3251 : f32 to vector<16xf32>
      %select_n3A_3253 = arith.select %ge3A_3250, %get3A_3249, %broadcast_in_dim3A_3252 : vector<16xi1>, vector<16xf32>
      %add3A_3254 = arith.constant 896 : i32
      %add3A_3255 = arith.addi %mul3A_2175, %add3A_3254 : i32
      %swap3A_3256 = arith.index_cast %add3A_3255 : i32 to index
      %swap3A_3257 = tpu.vector_load %arg7[%swap3A_3256] {strides = array<i32>} : memref<32768xf32, #tpu.memory_space<vmem>>, vector<16xf32>,
      %swap3A_3258 = vector.shape_cast %swap3A_3257 : vector<16xf32> to vector<16xf32>
      %swap3A_3259 = vector.shape_cast %select_n3A_3253 : vector<16xf32> to vector<16xf32>
      tpu.vector_store %arg7[%swap3A_3256], %swap3A_3259 {strides = array<i32>} : memref<32768xf32, #tpu.memory_space<vmem>>, vector<16xf32>,
      %add3A_3260 = arith.constant 912 : i32
      %add3A_3261 = arith.addi %add3A_2176, %add3A_3260 : i32
      %add3A_3262 = vector.broadcast %add3A_3261 : i32 to vector<16xi32>
      %add3A_3263 = arith.addi %iota3A, %add3A_3262 : vector<16xi32>
      %add3A_3264 = arith.constant 912 : i32
      %add3A_3265 = arith.addi %mul3A_2175, %add3A_3264 : i32
      %get3A_3266 = arith.index_cast %add3A_3265 : i32 to index
      %get3A_3267 = tpu.vector_load %arg7[%get3A_3266] {strides = array<i32>} : memref<32768xf32, #tpu.memory_space<vmem>>, vector<16xf32>,
      %get3A_3268 = vector.shape_cast %get3A_3267 : vector<16xf32> to vector<16xf32>
      %ge3A_3269 = arith.cmpi sge, %add3A_3263, %convert_element_type3A : vector<16xi32>
      %jit3A_3270 = arith.constant 0.000000e+00 : f32
      %broadcast_in_dim3A_3271 = vector.broadcast %jit3A_3270 : f32 to vector<16xf32>
      %select_n3A_3272 = arith.select %ge3A_3269, %get3A_3268, %broadcast_in_dim3A_3271 : vector<16xi1>, vector<16xf32>
      %add3A_3273 = arith.constant 912 : i32
      %add3A_3274 = arith.addi %mul3A_2175, %add3A_3273 : i32
      %swap3A_3275 = arith.index_cast %add3A_3274 : i32 to index
      %swap3A_3276 = tpu.vector_load %arg7[%swap3A_3275] {strides = array<i32>} : memref<32768xf32, #tpu.memory_space<vmem>>, vector<16xf32>,
      %swap3A_3277 = vector.shape_cast %swap3A_3276 : vector<16xf32> to vector<16xf32>
      %swap3A_3278 = vector.shape_cast %select_n3A_3272 : vector<16xf32> to vector<16xf32>
      tpu.vector_store %arg7[%swap3A_3275], %swap3A_3278 {strides = array<i32>} : memref<32768xf32, #tpu.memory_space<vmem>>, vector<16xf32>,
      %add3A_3279 = arith.constant 928 : i32
      %add3A_3280 = arith.addi %add3A_2176, %add3A_3279 : i32
      %add3A_3281 = vector.broadcast %add3A_3280 : i32 to vector<16xi32>
      %add3A_3282 = arith.addi %iota3A, %add3A_3281 : vector<16xi32>
      %add3A_3283 = arith.constant 928 : i32
      %add3A_3284 = arith.addi %mul3A_2175, %add3A_3283 : i32
      %get3A_3285 = arith.index_cast %add3A_3284 : i32 to index
      %get3A_3286 = tpu.vector_load %arg7[%get3A_3285] {strides = array<i32>} : memref<32768xf32, #tpu.memory_space<vmem>>, vector<16xf32>,
      %get3A_3287 = vector.shape_cast %get3A_3286 : vector<16xf32> to vector<16xf32>
      %ge3A_3288 = arith.cmpi sge, %add3A_3282, %convert_element_type3A : vector<16xi32>
      %jit3A_3289 = arith.constant 0.000000e+00 : f32
      %broadcast_in_dim3A_3290 = vector.broadcast %jit3A_3289 : f32 to vector<16xf32>
      %select_n3A_3291 = arith.select %ge3A_3288, %get3A_3287, %broadcast_in_dim3A_3290 : vector<16xi1>, vector<16xf32>
      %add3A_3292 = arith.constant 928 : i32
      %add3A_3293 = arith.addi %mul3A_2175, %add3A_3292 : i32
      %swap3A_3294 = arith.index_cast %add3A_3293 : i32 to index
      %swap3A_3295 = tpu.vector_load %arg7[%swap3A_3294] {strides = array<i32>} : memref<32768xf32, #tpu.memory_space<vmem>>, vector<16xf32>,
      %swap3A_3296 = vector.shape_cast %swap3A_3295 : vector<16xf32> to vector<16xf32>
      %swap3A_3297 = vector.shape_cast %select_n3A_3291 : vector<16xf32> to vector<16xf32>
      tpu.vector_store %arg7[%swap3A_3294], %swap3A_3297 {strides = array<i32>} : memref<32768xf32, #tpu.memory_space<vmem>>, vector<16xf32>,
      %add3A_3298 = arith.constant 944 : i32
      %add3A_3299 = arith.addi %add3A_2176, %add3A_3298 : i32
      %add3A_3300 = vector.broadcast %add3A_3299 : i32 to vector<16xi32>
      %add3A_3301 = arith.addi %iota3A, %add3A_3300 : vector<16xi32>
      %add3A_3302 = arith.constant 944 : i32
      %add3A_3303 = arith.addi %mul3A_2175, %add3A_3302 : i32
      %get3A_3304 = arith.index_cast %add3A_3303 : i32 to index
      %get3A_3305 = tpu.vector_load %arg7[%get3A_3304] {strides = array<i32>} : memref<32768xf32, #tpu.memory_space<vmem>>, vector<16xf32>,
      %get3A_3306 = vector.shape_cast %get3A_3305 : vector<16xf32> to vector<16xf32>
      %ge3A_3307 = arith.cmpi sge, %add3A_3301, %convert_element_type3A : vector<16xi32>
      %jit3A_3308 = arith.constant 0.000000e+00 : f32
      %broadcast_in_dim3A_3309 = vector.broadcast %jit3A_3308 : f32 to vector<16xf32>
      %select_n3A_3310 = arith.select %ge3A_3307, %get3A_3306, %broadcast_in_dim3A_3309 : vector<16xi1>, vector<16xf32>
      %add3A_3311 = arith.constant 944 : i32
      %add3A_3312 = arith.addi %mul3A_2175, %add3A_3311 : i32
      %swap3A_3313 = arith.index_cast %add3A_3312 : i32 to index
      %swap3A_3314 = tpu.vector_load %arg7[%swap3A_3313] {strides = array<i32>} : memref<32768xf32, #tpu.memory_space<vmem>>, vector<16xf32>,
      %swap3A_3315 = vector.shape_cast %swap3A_3314 : vector<16xf32> to vector<16xf32>
      %swap3A_3316 = vector.shape_cast %select_n3A_3310 : vector<16xf32> to vector<16xf32>
      tpu.vector_store %arg7[%swap3A_3313], %swap3A_3316 {strides = array<i32>} : memref<32768xf32, #tpu.memory_space<vmem>>, vector<16xf32>,
      %add3A_3317 = arith.constant 960 : i32
      %add3A_3318 = arith.addi %add3A_2176, %add3A_3317 : i32
      %add3A_3319 = vector.broadcast %add3A_3318 : i32 to vector<16xi32>
      %add3A_3320 = arith.addi %iota3A, %add3A_3319 : vector<16xi32>
      %add3A_3321 = arith.constant 960 : i32
      %add3A_3322 = arith.addi %mul3A_2175, %add3A_3321 : i32
      %get3A_3323 = arith.index_cast %add3A_3322 : i32 to index
      %get3A_3324 = tpu.vector_load %arg7[%get3A_3323] {strides = array<i32>} : memref<32768xf32, #tpu.memory_space<vmem>>, vector<16xf32>,
      %get3A_3325 = vector.shape_cast %get3A_3324 : vector<16xf32> to vector<16xf32>
      %ge3A_3326 = arith.cmpi sge, %add3A_3320, %convert_element_type3A : vector<16xi32>
      %jit3A_3327 = arith.constant 0.000000e+00 : f32
      %broadcast_in_dim3A_3328 = vector.broadcast %jit3A_3327 : f32 to vector<16xf32>
      %select_n3A_3329 = arith.select %ge3A_3326, %get3A_3325, %broadcast_in_dim3A_3328 : vector<16xi1>, vector<16xf32>
      %add3A_3330 = arith.constant 960 : i32
      %add3A_3331 = arith.addi %mul3A_2175, %add3A_3330 : i32
      %swap3A_3332 = arith.index_cast %add3A_3331 : i32 to index
      %swap3A_3333 = tpu.vector_load %arg7[%swap3A_3332] {strides = array<i32>} : memref<32768xf32, #tpu.memory_space<vmem>>, vector<16xf32>,
      %swap3A_3334 = vector.shape_cast %swap3A_3333 : vector<16xf32> to vector<16xf32>
      %swap3A_3335 = vector.shape_cast %select_n3A_3329 : vector<16xf32> to vector<16xf32>
      tpu.vector_store %arg7[%swap3A_3332], %swap3A_3335 {strides = array<i32>} : memref<32768xf32, #tpu.memory_space<vmem>>, vector<16xf32>,
      %add3A_3336 = arith.constant 976 : i32
      %add3A_3337 = arith.addi %add3A_2176, %add3A_3336 : i32
      %add3A_3338 = vector.broadcast %add3A_3337 : i32 to vector<16xi32>
      %add3A_3339 = arith.addi %iota3A, %add3A_3338 : vector<16xi32>
      %add3A_3340 = arith.constant 976 : i32
      %add3A_3341 = arith.addi %mul3A_2175, %add3A_3340 : i32
      %get3A_3342 = arith.index_cast %add3A_3341 : i32 to index
      %get3A_3343 = tpu.vector_load %arg7[%get3A_3342] {strides = array<i32>} : memref<32768xf32, #tpu.memory_space<vmem>>, vector<16xf32>,
      %get3A_3344 = vector.shape_cast %get3A_3343 : vector<16xf32> to vector<16xf32>
      %ge3A_3345 = arith.cmpi sge, %add3A_3339, %convert_element_type3A : vector<16xi32>
      %jit3A_3346 = arith.constant 0.000000e+00 : f32
      %broadcast_in_dim3A_3347 = vector.broadcast %jit3A_3346 : f32 to vector<16xf32>
      %select_n3A_3348 = arith.select %ge3A_3345, %get3A_3344, %broadcast_in_dim3A_3347 : vector<16xi1>, vector<16xf32>
      %add3A_3349 = arith.constant 976 : i32
      %add3A_3350 = arith.addi %mul3A_2175, %add3A_3349 : i32
      %swap3A_3351 = arith.index_cast %add3A_3350 : i32 to index
      %swap3A_3352 = tpu.vector_load %arg7[%swap3A_3351] {strides = array<i32>} : memref<32768xf32, #tpu.memory_space<vmem>>, vector<16xf32>,
      %swap3A_3353 = vector.shape_cast %swap3A_3352 : vector<16xf32> to vector<16xf32>
      %swap3A_3354 = vector.shape_cast %select_n3A_3348 : vector<16xf32> to vector<16xf32>
      tpu.vector_store %arg7[%swap3A_3351], %swap3A_3354 {strides = array<i32>} : memref<32768xf32, #tpu.memory_space<vmem>>, vector<16xf32>,
      %add3A_3355 = arith.constant 992 : i32
      %add3A_3356 = arith.addi %add3A_2176, %add3A_3355 : i32
      %add3A_3357 = vector.broadcast %add3A_3356 : i32 to vector<16xi32>
      %add3A_3358 = arith.addi %iota3A, %add3A_3357 : vector<16xi32>
      %add3A_3359 = arith.constant 992 : i32
      %add3A_3360 = arith.addi %mul3A_2175, %add3A_3359 : i32
      %get3A_3361 = arith.index_cast %add3A_3360 : i32 to index
      %get3A_3362 = tpu.vector_load %arg7[%get3A_3361] {strides = array<i32>} : memref<32768xf32, #tpu.memory_space<vmem>>, vector<16xf32>,
      %get3A_3363 = vector.shape_cast %get3A_3362 : vector<16xf32> to vector<16xf32>
      %ge3A_3364 = arith.cmpi sge, %add3A_3358, %convert_element_type3A : vector<16xi32>
      %jit3A_3365 = arith.constant 0.000000e+00 : f32
      %broadcast_in_dim3A_3366 = vector.broadcast %jit3A_3365 : f32 to vector<16xf32>
      %select_n3A_3367 = arith.select %ge3A_3364, %get3A_3363, %broadcast_in_dim3A_3366 : vector<16xi1>, vector<16xf32>
      %add3A_3368 = arith.constant 992 : i32
      %add3A_3369 = arith.addi %mul3A_2175, %add3A_3368 : i32
      %swap3A_3370 = arith.index_cast %add3A_3369 : i32 to index
      %swap3A_3371 = tpu.vector_load %arg7[%swap3A_3370] {strides = array<i32>} : memref<32768xf32, #tpu.memory_space<vmem>>, vector<16xf32>,
      %swap3A_3372 = vector.shape_cast %swap3A_3371 : vector<16xf32> to vector<16xf32>
      %swap3A_3373 = vector.shape_cast %select_n3A_3367 : vector<16xf32> to vector<16xf32>
      tpu.vector_store %arg7[%swap3A_3370], %swap3A_3373 {strides = array<i32>} : memref<32768xf32, #tpu.memory_space<vmem>>, vector<16xf32>,
      %add3A_3374 = arith.constant 1008 : i32
      %add3A_3375 = arith.addi %add3A_2176, %add3A_3374 : i32
      %add3A_3376 = vector.broadcast %add3A_3375 : i32 to vector<16xi32>
      %add3A_3377 = arith.addi %iota3A, %add3A_3376 : vector<16xi32>
      %add3A_3378 = arith.constant 1008 : i32
      %add3A_3379 = arith.addi %mul3A_2175, %add3A_3378 : i32
      %get3A_3380 = arith.index_cast %add3A_3379 : i32 to index
      %get3A_3381 = tpu.vector_load %arg7[%get3A_3380] {strides = array<i32>} : memref<32768xf32, #tpu.memory_space<vmem>>, vector<16xf32>,
      %get3A_3382 = vector.shape_cast %get3A_3381 : vector<16xf32> to vector<16xf32>
      %ge3A_3383 = arith.cmpi sge, %add3A_3377, %convert_element_type3A : vector<16xi32>
      %jit3A_3384 = arith.constant 0.000000e+00 : f32
      %broadcast_in_dim3A_3385 = vector.broadcast %jit3A_3384 : f32 to vector<16xf32>
      %select_n3A_3386 = arith.select %ge3A_3383, %get3A_3382, %broadcast_in_dim3A_3385 : vector<16xi1>, vector<16xf32>
      %add3A_3387 = arith.constant 1008 : i32
      %add3A_3388 = arith.addi %mul3A_2175, %add3A_3387 : i32
      %swap3A_3389 = arith.index_cast %add3A_3388 : i32 to index
      %swap3A_3390 = tpu.vector_load %arg7[%swap3A_3389] {strides = array<i32>} : memref<32768xf32, #tpu.memory_space<vmem>>, vector<16xf32>,
      %swap3A_3391 = vector.shape_cast %swap3A_3390 : vector<16xf32> to vector<16xf32>
      %swap3A_3392 = vector.shape_cast %select_n3A_3386 : vector<16xf32> to vector<16xf32>
      tpu.vector_store %arg7[%swap3A_3389], %swap3A_3392 {strides = array<i32>} : memref<32768xf32, #tpu.memory_space<vmem>>, vector<16xf32>,
      %sub3A_3393 = arith.constant 32 : i32
      %sub3A_3394 = arith.subi %sub3A_3393, %select_n3A : i32
      %jit3A_3395 = arith.constant 32 : i32
      %div3A_3396 = arith.divsi %sub3A_3394, %jit3A_3395 : i32
      %sign3A_3397 = arith.constant 0 : i32
      %sign3A_3398 = arith.cmpi sgt, %sub3A_3394, %sign3A_3397 : i32
      %sign3A_3399 = arith.extui %sign3A_3398 : i1 to i32
      %sign3A_3400 = arith.constant 0 : i32
      %sign3A_3401 = arith.cmpi slt, %sub3A_3394, %sign3A_3400 : i32
      %sign3A_3402 = arith.extui %sign3A_3401 : i1 to i32
      %sign3A_3403 = arith.subi %sign3A_3399, %sign3A_3402 : i32
      %sign3A_3404 = arith.constant 0 : i32
      %sign3A_3405 = arith.cmpi sgt, %jit3A_3395, %sign3A_3404 : i32
      %sign3A_3406 = arith.extui %sign3A_3405 : i1 to i32
      %sign3A_3407 = arith.constant 0 : i32
      %sign3A_3408 = arith.cmpi slt, %jit3A_3395, %sign3A_3407 : i32
      %sign3A_3409 = arith.extui %sign3A_3408 : i1 to i32
      %sign3A_3410 = arith.subi %sign3A_3406, %sign3A_3409 : i32
      %ne3A_3411 = arith.cmpi ne, %sign3A_3403, %sign3A_3410 : i32
      %rem3A_3412 = arith.remsi %sub3A_3394, %jit3A_3395 : i32
      %ne3A_3413 = arith.constant 0 : i32
      %ne3A_3414 = arith.cmpi ne, %rem3A_3412, %ne3A_3413 : i32
      %and3A_3415 = arith.andi %ne3A_3411, %ne3A_3414 : i1
      %sub3A_3416 = arith.constant 1 : i32
      %sub3A_3417 = arith.subi %div3A_3396, %sub3A_3416 : i32
      %select_n3A_3418 = arith.select %and3A_3415, %sub3A_3417, %div3A_3396 : i32
      %jit3A_3419 = arith.constant 2 : i32
      %eq3A_3420 = arith.constant 0 : i32
      %eq3A_3421 = arith.cmpi eq, %jit3A_3419, %eq3A_3420 : i32
      %jit3A_3422 = arith.constant 1 : i32
      %select_n3A_3423 = arith.select %eq3A_3421, %jit3A_3422, %jit3A_3419 : i32
      %rem3A_3424 = arith.remsi %select_n3A_3418, %select_n3A_3423 : i32
      %ne3A_3425 = arith.constant 0 : i32
      %ne3A_3426 = arith.cmpi ne, %rem3A_3424, %ne3A_3425 : i32
      %lt3A_3427 = arith.constant 0 : i32
      %lt3A_3428 = arith.cmpi slt, %rem3A_3424, %lt3A_3427 : i32
      %lt3A_3429 = arith.constant 0 : i32
      %lt3A_3430 = arith.cmpi slt, %select_n3A_3423, %lt3A_3429 : i32
      %ne3A_3431 = arith.xori %lt3A_3428, %lt3A_3430 : i1
      %and3A_3432 = arith.andi %ne3A_3431, %ne3A_3426 : i1
      %add3A_3433 = arith.addi %rem3A_3424, %select_n3A_3423 : i32
      %select_n3A_3434 = arith.select %and3A_3432, %add3A_3433, %rem3A_3424 : i32
      %eq3A_3435 = arith.constant 1 : i32
      %eq3A_3436 = arith.cmpi eq, %select_n3A_3434, %eq3A_3435 : i32
      %convert_element_type3A_3437 = arith.extui %eq3A_3436 : i1 to i32
      %cond3A_3438 = arith.constant 0 : i32
      %cond3A_3439 = arith.cmpi ne, %convert_element_type3A_3437, %cond3A_3438 : i32
      scf.if %cond3A_3439 {
        %dma_start3A_4091 = tpu.memref_slice %arg7[%mul3A_2175] : memref<32768xf32, #tpu.memory_space<vmem>> -> memref<32768xf32, #tpu.memory_space<vmem>>
        %dma_start3A_4092 = tpu.memref_slice %arg4[%add3A_2176] : memref<1048576xf32, #tpu.memory_space<hbm>> -> memref<32768xf32, #tpu.memory_space<hbm>>
        %dma_start3A_4093 = tpu.memref_slice %arg4[%add3A_2176] : memref<1048576xf32, #tpu.memory_space<hbm>> -> memref<32768xf32, #tpu.memory_space<hbm>>
        %dma_start3A_4094 = tpu.memref_slice %arg7[%mul3A_2175] : memref<32768xf32, #tpu.memory_space<vmem>> -> memref<32768xf32, #tpu.memory_space<vmem>>
        tpu.enqueue_dma source(%dma_start3A_4094 : memref<32768xf32, #tpu.memory_space<vmem>>) target(%dma_start3A_4093 : memref<32768xf32, #tpu.memory_space<hbm>>) target_semaphore(%arg17 : memref<!tpu.dma_semaphore, #tpu.memory_space<semaphore_mem>>)
      } else {
      }
      %mul3A_3440 = arith.constant 32768 : i32
      %mul3A_3441 = arith.muli %select_n3A_3434, %mul3A_3440 : i32
      %add3A_3442 = arith.addi %add3A_2176, %mul3A_3441 : i32
      %mul3A_3443 = arith.constant 32768 : i32
      %mul3A_3444 = arith.muli %select_n3A_3434, %mul3A_3443 : i32
      %add3A_3445 = arith.addi %mul3A_2175, %mul3A_3444 : i32
      %jit3A_3446 = arith.constant 16 : i32
      %div3A_3447 = arith.divsi %sub3A_3394, %jit3A_3446 : i32
      %sign3A_3448 = arith.constant 0 : i32
      %sign3A_3449 = arith.cmpi sgt, %sub3A_3394, %sign3A_3448 : i32
      %sign3A_3450 = arith.extui %sign3A_3449 : i1 to i32
      %sign3A_3451 = arith.constant 0 : i32
      %sign3A_3452 = arith.cmpi slt, %sub3A_3394, %sign3A_3451 : i32
      %sign3A_3453 = arith.extui %sign3A_3452 : i1 to i32
      %sign3A_3454 = arith.subi %sign3A_3450, %sign3A_3453 : i32
      %sign3A_3455 = arith.constant 0 : i32
      %sign3A_3456 = arith.cmpi sgt, %jit3A_3446, %sign3A_3455 : i32
      %sign3A_3457 = arith.extui %sign3A_3456 : i1 to i32
      %sign3A_3458 = arith.constant 0 : i32
      %sign3A_3459 = arith.cmpi slt, %jit3A_3446, %sign3A_3458 : i32
      %sign3A_3460 = arith.extui %sign3A_3459 : i1 to i32
      %sign3A_3461 = arith.subi %sign3A_3457, %sign3A_3460 : i32
      %ne3A_3462 = arith.cmpi ne, %sign3A_3454, %sign3A_3461 : i32
      %rem3A_3463 = arith.remsi %sub3A_3394, %jit3A_3446 : i32
      %ne3A_3464 = arith.constant 0 : i32
      %ne3A_3465 = arith.cmpi ne, %rem3A_3463, %ne3A_3464 : i32
      %and3A_3466 = arith.andi %ne3A_3462, %ne3A_3465 : i1
      %sub3A_3467 = arith.constant 1 : i32
      %sub3A_3468 = arith.subi %div3A_3447, %sub3A_3467 : i32
      %select_n3A_3469 = arith.select %and3A_3466, %sub3A_3468, %div3A_3447 : i32
      %jit3A_3470 = arith.constant 2 : i32
      %eq3A_3471 = arith.constant 0 : i32
      %eq3A_3472 = arith.cmpi eq, %jit3A_3470, %eq3A_3471 : i32
      %jit3A_3473 = arith.constant 1 : i32
      %select_n3A_3474 = arith.select %eq3A_3472, %jit3A_3473, %jit3A_3470 : i32
      %rem3A_3475 = arith.remsi %select_n3A_3469, %select_n3A_3474 : i32
      %ne3A_3476 = arith.constant 0 : i32
      %ne3A_3477 = arith.cmpi ne, %rem3A_3475, %ne3A_3476 : i32
      %lt3A_3478 = arith.constant 0 : i32
      %lt3A_3479 = arith.cmpi slt, %rem3A_3475, %lt3A_3478 : i32
      %lt3A_3480 = arith.constant 0 : i32
      %lt3A_3481 = arith.cmpi slt, %select_n3A_3474, %lt3A_3480 : i32
      %ne3A_3482 = arith.xori %lt3A_3479, %lt3A_3481 : i1
      %and3A_3483 = arith.andi %ne3A_3482, %ne3A_3477 : i1
      %add3A_3484 = arith.addi %rem3A_3475, %select_n3A_3474 : i32
      %select_n3A_3485 = arith.select %and3A_3483, %add3A_3484, %rem3A_3475 : i32
      %eq3A_3486 = arith.constant 1 : i32
      %eq3A_3487 = arith.cmpi eq, %select_n3A_3485, %eq3A_3486 : i32
      %convert_element_type3A_3488 = arith.extui %eq3A_3487 : i1 to i32
      %cond3A_3489 = arith.constant 0 : i32
      %cond3A_3490 = arith.cmpi ne, %convert_element_type3A_3488, %cond3A_3489 : i32
      scf.if %cond3A_3490 {
        %dma_start3A_4091 = tpu.memref_slice %arg7[%add3A_3445] : memref<32768xf32, #tpu.memory_space<vmem>> -> memref<16384xf32, #tpu.memory_space<vmem>>
        %dma_start3A_4092 = tpu.memref_slice %arg4[%add3A_3442] : memref<1048576xf32, #tpu.memory_space<hbm>> -> memref<16384xf32, #tpu.memory_space<hbm>>
        %dma_start3A_4093 = tpu.memref_slice %arg4[%add3A_3442] : memref<1048576xf32, #tpu.memory_space<hbm>> -> memref<16384xf32, #tpu.memory_space<hbm>>
        %dma_start3A_4094 = tpu.memref_slice %arg7[%add3A_3445] : memref<32768xf32, #tpu.memory_space<vmem>> -> memref<16384xf32, #tpu.memory_space<vmem>>
        tpu.enqueue_dma source(%dma_start3A_4094 : memref<16384xf32, #tpu.memory_space<vmem>>) target(%dma_start3A_4093 : memref<16384xf32, #tpu.memory_space<hbm>>) target_semaphore(%arg18 : memref<!tpu.dma_semaphore, #tpu.memory_space<semaphore_mem>>)
      } else {
      }
      %mul3A_3491 = arith.constant 16384 : i32
      %mul3A_3492 = arith.muli %select_n3A_3485, %mul3A_3491 : i32
      %add3A_3493 = arith.addi %add3A_3442, %mul3A_3492 : i32
      %mul3A_3494 = arith.constant 16384 : i32
      %mul3A_3495 = arith.muli %select_n3A_3485, %mul3A_3494 : i32
      %add3A_3496 = arith.addi %add3A_3445, %mul3A_3495 : i32
      %jit3A_3497 = arith.constant 8 : i32
      %div3A_3498 = arith.divsi %sub3A_3394, %jit3A_3497 : i32
      %sign3A_3499 = arith.constant 0 : i32
      %sign3A_3500 = arith.cmpi sgt, %sub3A_3394, %sign3A_3499 : i32
      %sign3A_3501 = arith.extui %sign3A_3500 : i1 to i32
      %sign3A_3502 = arith.constant 0 : i32
      %sign3A_3503 = arith.cmpi slt, %sub3A_3394, %sign3A_3502 : i32
      %sign3A_3504 = arith.extui %sign3A_3503 : i1 to i32
      %sign3A_3505 = arith.subi %sign3A_3501, %sign3A_3504 : i32
      %sign3A_3506 = arith.constant 0 : i32
      %sign3A_3507 = arith.cmpi sgt, %jit3A_3497, %sign3A_3506 : i32
      %sign3A_3508 = arith.extui %sign3A_3507 : i1 to i32
      %sign3A_3509 = arith.constant 0 : i32
      %sign3A_3510 = arith.cmpi slt, %jit3A_3497, %sign3A_3509 : i32
      %sign3A_3511 = arith.extui %sign3A_3510 : i1 to i32
      %sign3A_3512 = arith.subi %sign3A_3508, %sign3A_3511 : i32
      %ne3A_3513 = arith.cmpi ne, %sign3A_3505, %sign3A_3512 : i32
      %rem3A_3514 = arith.remsi %sub3A_3394, %jit3A_3497 : i32
      %ne3A_3515 = arith.constant 0 : i32
      %ne3A_3516 = arith.cmpi ne, %rem3A_3514, %ne3A_3515 : i32
      %and3A_3517 = arith.andi %ne3A_3513, %ne3A_3516 : i1
      %sub3A_3518 = arith.constant 1 : i32
      %sub3A_3519 = arith.subi %div3A_3498, %sub3A_3518 : i32
      %select_n3A_3520 = arith.select %and3A_3517, %sub3A_3519, %div3A_3498 : i32
      %jit3A_3521 = arith.constant 2 : i32
      %eq3A_3522 = arith.constant 0 : i32
      %eq3A_3523 = arith.cmpi eq, %jit3A_3521, %eq3A_3522 : i32
      %jit3A_3524 = arith.constant 1 : i32
      %select_n3A_3525 = arith.select %eq3A_3523, %jit3A_3524, %jit3A_3521 : i32
      %rem3A_3526 = arith.remsi %select_n3A_3520, %select_n3A_3525 : i32
      %ne3A_3527 = arith.constant 0 : i32
      %ne3A_3528 = arith.cmpi ne, %rem3A_3526, %ne3A_3527 : i32
      %lt3A_3529 = arith.constant 0 : i32
      %lt3A_3530 = arith.cmpi slt, %rem3A_3526, %lt3A_3529 : i32
      %lt3A_3531 = arith.constant 0 : i32
      %lt3A_3532 = arith.cmpi slt, %select_n3A_3525, %lt3A_3531 : i32
      %ne3A_3533 = arith.xori %lt3A_3530, %lt3A_3532 : i1
      %and3A_3534 = arith.andi %ne3A_3533, %ne3A_3528 : i1
      %add3A_3535 = arith.addi %rem3A_3526, %select_n3A_3525 : i32
      %select_n3A_3536 = arith.select %and3A_3534, %add3A_3535, %rem3A_3526 : i32
      %eq3A_3537 = arith.constant 1 : i32
      %eq3A_3538 = arith.cmpi eq, %select_n3A_3536, %eq3A_3537 : i32
      %convert_element_type3A_3539 = arith.extui %eq3A_3538 : i1 to i32
      %cond3A_3540 = arith.constant 0 : i32
      %cond3A_3541 = arith.cmpi ne, %convert_element_type3A_3539, %cond3A_3540 : i32
      scf.if %cond3A_3541 {
        %dma_start3A_4091 = tpu.memref_slice %arg7[%add3A_3496] : memref<32768xf32, #tpu.memory_space<vmem>> -> memref<8192xf32, #tpu.memory_space<vmem>>
        %dma_start3A_4092 = tpu.memref_slice %arg4[%add3A_3493] : memref<1048576xf32, #tpu.memory_space<hbm>> -> memref<8192xf32, #tpu.memory_space<hbm>>
        %dma_start3A_4093 = tpu.memref_slice %arg4[%add3A_3493] : memref<1048576xf32, #tpu.memory_space<hbm>> -> memref<8192xf32, #tpu.memory_space<hbm>>
        %dma_start3A_4094 = tpu.memref_slice %arg7[%add3A_3496] : memref<32768xf32, #tpu.memory_space<vmem>> -> memref<8192xf32, #tpu.memory_space<vmem>>
        tpu.enqueue_dma source(%dma_start3A_4094 : memref<8192xf32, #tpu.memory_space<vmem>>) target(%dma_start3A_4093 : memref<8192xf32, #tpu.memory_space<hbm>>) target_semaphore(%arg19 : memref<!tpu.dma_semaphore, #tpu.memory_space<semaphore_mem>>)
      } else {
      }
      %mul3A_3542 = arith.constant 8192 : i32
      %mul3A_3543 = arith.muli %select_n3A_3536, %mul3A_3542 : i32
      %add3A_3544 = arith.addi %add3A_3493, %mul3A_3543 : i32
      %mul3A_3545 = arith.constant 8192 : i32
      %mul3A_3546 = arith.muli %select_n3A_3536, %mul3A_3545 : i32
      %add3A_3547 = arith.addi %add3A_3496, %mul3A_3546 : i32
      %jit3A_3548 = arith.constant 4 : i32
      %div3A_3549 = arith.divsi %sub3A_3394, %jit3A_3548 : i32
      %sign3A_3550 = arith.constant 0 : i32
      %sign3A_3551 = arith.cmpi sgt, %sub3A_3394, %sign3A_3550 : i32
      %sign3A_3552 = arith.extui %sign3A_3551 : i1 to i32
      %sign3A_3553 = arith.constant 0 : i32
      %sign3A_3554 = arith.cmpi slt, %sub3A_3394, %sign3A_3553 : i32
      %sign3A_3555 = arith.extui %sign3A_3554 : i1 to i32
      %sign3A_3556 = arith.subi %sign3A_3552, %sign3A_3555 : i32
      %sign3A_3557 = arith.constant 0 : i32
      %sign3A_3558 = arith.cmpi sgt, %jit3A_3548, %sign3A_3557 : i32
      %sign3A_3559 = arith.extui %sign3A_3558 : i1 to i32
      %sign3A_3560 = arith.constant 0 : i32
      %sign3A_3561 = arith.cmpi slt, %jit3A_3548, %sign3A_3560 : i32
      %sign3A_3562 = arith.extui %sign3A_3561 : i1 to i32
      %sign3A_3563 = arith.subi %sign3A_3559, %sign3A_3562 : i32
      %ne3A_3564 = arith.cmpi ne, %sign3A_3556, %sign3A_3563 : i32
      %rem3A_3565 = arith.remsi %sub3A_3394, %jit3A_3548 : i32
      %ne3A_3566 = arith.constant 0 : i32
      %ne3A_3567 = arith.cmpi ne, %rem3A_3565, %ne3A_3566 : i32
      %and3A_3568 = arith.andi %ne3A_3564, %ne3A_3567 : i1
      %sub3A_3569 = arith.constant 1 : i32
      %sub3A_3570 = arith.subi %div3A_3549, %sub3A_3569 : i32
      %select_n3A_3571 = arith.select %and3A_3568, %sub3A_3570, %div3A_3549 : i32
      %jit3A_3572 = arith.constant 2 : i32
      %eq3A_3573 = arith.constant 0 : i32
      %eq3A_3574 = arith.cmpi eq, %jit3A_3572, %eq3A_3573 : i32
      %jit3A_3575 = arith.constant 1 : i32
      %select_n3A_3576 = arith.select %eq3A_3574, %jit3A_3575, %jit3A_3572 : i32
      %rem3A_3577 = arith.remsi %select_n3A_3571, %select_n3A_3576 : i32
      %ne3A_3578 = arith.constant 0 : i32
      %ne3A_3579 = arith.cmpi ne, %rem3A_3577, %ne3A_3578 : i32
      %lt3A_3580 = arith.constant 0 : i32
      %lt3A_3581 = arith.cmpi slt, %rem3A_3577, %lt3A_3580 : i32
      %lt3A_3582 = arith.constant 0 : i32
      %lt3A_3583 = arith.cmpi slt, %select_n3A_3576, %lt3A_3582 : i32
      %ne3A_3584 = arith.xori %lt3A_3581, %lt3A_3583 : i1
      %and3A_3585 = arith.andi %ne3A_3584, %ne3A_3579 : i1
      %add3A_3586 = arith.addi %rem3A_3577, %select_n3A_3576 : i32
      %select_n3A_3587 = arith.select %and3A_3585, %add3A_3586, %rem3A_3577 : i32
      %eq3A_3588 = arith.constant 1 : i32
      %eq3A_3589 = arith.cmpi eq, %select_n3A_3587, %eq3A_3588 : i32
      %convert_element_type3A_3590 = arith.extui %eq3A_3589 : i1 to i32
      %cond3A_3591 = arith.constant 0 : i32
      %cond3A_3592 = arith.cmpi ne, %convert_element_type3A_3590, %cond3A_3591 : i32
      scf.if %cond3A_3592 {
        %dma_start3A_4091 = tpu.memref_slice %arg7[%add3A_3547] : memref<32768xf32, #tpu.memory_space<vmem>> -> memref<4096xf32, #tpu.memory_space<vmem>>
        %dma_start3A_4092 = tpu.memref_slice %arg4[%add3A_3544] : memref<1048576xf32, #tpu.memory_space<hbm>> -> memref<4096xf32, #tpu.memory_space<hbm>>
        %dma_start3A_4093 = tpu.memref_slice %arg4[%add3A_3544] : memref<1048576xf32, #tpu.memory_space<hbm>> -> memref<4096xf32, #tpu.memory_space<hbm>>
        %dma_start3A_4094 = tpu.memref_slice %arg7[%add3A_3547] : memref<32768xf32, #tpu.memory_space<vmem>> -> memref<4096xf32, #tpu.memory_space<vmem>>
        tpu.enqueue_dma source(%dma_start3A_4094 : memref<4096xf32, #tpu.memory_space<vmem>>) target(%dma_start3A_4093 : memref<4096xf32, #tpu.memory_space<hbm>>) target_semaphore(%arg20 : memref<!tpu.dma_semaphore, #tpu.memory_space<semaphore_mem>>)
      } else {
      }
      %mul3A_3593 = arith.constant 4096 : i32
      %mul3A_3594 = arith.muli %select_n3A_3587, %mul3A_3593 : i32
      %add3A_3595 = arith.addi %add3A_3544, %mul3A_3594 : i32
      %mul3A_3596 = arith.constant 4096 : i32
      %mul3A_3597 = arith.muli %select_n3A_3587, %mul3A_3596 : i32
      %add3A_3598 = arith.addi %add3A_3547, %mul3A_3597 : i32
      %jit3A_3599 = arith.constant 2 : i32
      %div3A_3600 = arith.divsi %sub3A_3394, %jit3A_3599 : i32
      %sign3A_3601 = arith.constant 0 : i32
      %sign3A_3602 = arith.cmpi sgt, %sub3A_3394, %sign3A_3601 : i32
      %sign3A_3603 = arith.extui %sign3A_3602 : i1 to i32
      %sign3A_3604 = arith.constant 0 : i32
      %sign3A_3605 = arith.cmpi slt, %sub3A_3394, %sign3A_3604 : i32
      %sign3A_3606 = arith.extui %sign3A_3605 : i1 to i32
      %sign3A_3607 = arith.subi %sign3A_3603, %sign3A_3606 : i32
      %sign3A_3608 = arith.constant 0 : i32
      %sign3A_3609 = arith.cmpi sgt, %jit3A_3599, %sign3A_3608 : i32
      %sign3A_3610 = arith.extui %sign3A_3609 : i1 to i32
      %sign3A_3611 = arith.constant 0 : i32
      %sign3A_3612 = arith.cmpi slt, %jit3A_3599, %sign3A_3611 : i32
      %sign3A_3613 = arith.extui %sign3A_3612 : i1 to i32
      %sign3A_3614 = arith.subi %sign3A_3610, %sign3A_3613 : i32
      %ne3A_3615 = arith.cmpi ne, %sign3A_3607, %sign3A_3614 : i32
      %rem3A_3616 = arith.remsi %sub3A_3394, %jit3A_3599 : i32
      %ne3A_3617 = arith.constant 0 : i32
      %ne3A_3618 = arith.cmpi ne, %rem3A_3616, %ne3A_3617 : i32
      %and3A_3619 = arith.andi %ne3A_3615, %ne3A_3618 : i1
      %sub3A_3620 = arith.constant 1 : i32
      %sub3A_3621 = arith.subi %div3A_3600, %sub3A_3620 : i32
      %select_n3A_3622 = arith.select %and3A_3619, %sub3A_3621, %div3A_3600 : i32
      %jit3A_3623 = arith.constant 2 : i32
      %eq3A_3624 = arith.constant 0 : i32
      %eq3A_3625 = arith.cmpi eq, %jit3A_3623, %eq3A_3624 : i32
      %jit3A_3626 = arith.constant 1 : i32
      %select_n3A_3627 = arith.select %eq3A_3625, %jit3A_3626, %jit3A_3623 : i32
      %rem3A_3628 = arith.remsi %select_n3A_3622, %select_n3A_3627 : i32
      %ne3A_3629 = arith.constant 0 : i32
      %ne3A_3630 = arith.cmpi ne, %rem3A_3628, %ne3A_3629 : i32
      %lt3A_3631 = arith.constant 0 : i32
      %lt3A_3632 = arith.cmpi slt, %rem3A_3628, %lt3A_3631 : i32
      %lt3A_3633 = arith.constant 0 : i32
      %lt3A_3634 = arith.cmpi slt, %select_n3A_3627, %lt3A_3633 : i32
      %ne3A_3635 = arith.xori %lt3A_3632, %lt3A_3634 : i1
      %and3A_3636 = arith.andi %ne3A_3635, %ne3A_3630 : i1
      %add3A_3637 = arith.addi %rem3A_3628, %select_n3A_3627 : i32
      %select_n3A_3638 = arith.select %and3A_3636, %add3A_3637, %rem3A_3628 : i32
      %eq3A_3639 = arith.constant 1 : i32
      %eq3A_3640 = arith.cmpi eq, %select_n3A_3638, %eq3A_3639 : i32
      %convert_element_type3A_3641 = arith.extui %eq3A_3640 : i1 to i32
      %cond3A_3642 = arith.constant 0 : i32
      %cond3A_3643 = arith.cmpi ne, %convert_element_type3A_3641, %cond3A_3642 : i32
      scf.if %cond3A_3643 {
        %dma_start3A_4091 = tpu.memref_slice %arg7[%add3A_3598] : memref<32768xf32, #tpu.memory_space<vmem>> -> memref<2048xf32, #tpu.memory_space<vmem>>
        %dma_start3A_4092 = tpu.memref_slice %arg4[%add3A_3595] : memref<1048576xf32, #tpu.memory_space<hbm>> -> memref<2048xf32, #tpu.memory_space<hbm>>
        %dma_start3A_4093 = tpu.memref_slice %arg4[%add3A_3595] : memref<1048576xf32, #tpu.memory_space<hbm>> -> memref<2048xf32, #tpu.memory_space<hbm>>
        %dma_start3A_4094 = tpu.memref_slice %arg7[%add3A_3598] : memref<32768xf32, #tpu.memory_space<vmem>> -> memref<2048xf32, #tpu.memory_space<vmem>>
        tpu.enqueue_dma source(%dma_start3A_4094 : memref<2048xf32, #tpu.memory_space<vmem>>) target(%dma_start3A_4093 : memref<2048xf32, #tpu.memory_space<hbm>>) target_semaphore(%arg21 : memref<!tpu.dma_semaphore, #tpu.memory_space<semaphore_mem>>)
      } else {
      }
      %mul3A_3644 = arith.constant 2048 : i32
      %mul3A_3645 = arith.muli %select_n3A_3638, %mul3A_3644 : i32
      %add3A_3646 = arith.addi %add3A_3595, %mul3A_3645 : i32
      %mul3A_3647 = arith.constant 2048 : i32
      %mul3A_3648 = arith.muli %select_n3A_3638, %mul3A_3647 : i32
      %add3A_3649 = arith.addi %add3A_3598, %mul3A_3648 : i32
      %jit3A_3650 = arith.constant 1 : i32
      %div3A_3651 = arith.divsi %sub3A_3394, %jit3A_3650 : i32
      %sign3A_3652 = arith.constant 0 : i32
      %sign3A_3653 = arith.cmpi sgt, %sub3A_3394, %sign3A_3652 : i32
      %sign3A_3654 = arith.extui %sign3A_3653 : i1 to i32
      %sign3A_3655 = arith.constant 0 : i32
      %sign3A_3656 = arith.cmpi slt, %sub3A_3394, %sign3A_3655 : i32
      %sign3A_3657 = arith.extui %sign3A_3656 : i1 to i32
      %sign3A_3658 = arith.subi %sign3A_3654, %sign3A_3657 : i32
      %sign3A_3659 = arith.constant 0 : i32
      %sign3A_3660 = arith.cmpi sgt, %jit3A_3650, %sign3A_3659 : i32
      %sign3A_3661 = arith.extui %sign3A_3660 : i1 to i32
      %sign3A_3662 = arith.constant 0 : i32
      %sign3A_3663 = arith.cmpi slt, %jit3A_3650, %sign3A_3662 : i32
      %sign3A_3664 = arith.extui %sign3A_3663 : i1 to i32
      %sign3A_3665 = arith.subi %sign3A_3661, %sign3A_3664 : i32
      %ne3A_3666 = arith.cmpi ne, %sign3A_3658, %sign3A_3665 : i32
      %rem3A_3667 = arith.remsi %sub3A_3394, %jit3A_3650 : i32
      %ne3A_3668 = arith.constant 0 : i32
      %ne3A_3669 = arith.cmpi ne, %rem3A_3667, %ne3A_3668 : i32
      %and3A_3670 = arith.andi %ne3A_3666, %ne3A_3669 : i1
      %sub3A_3671 = arith.constant 1 : i32
      %sub3A_3672 = arith.subi %div3A_3651, %sub3A_3671 : i32
      %select_n3A_3673 = arith.select %and3A_3670, %sub3A_3672, %div3A_3651 : i32
      %jit3A_3674 = arith.constant 2 : i32
      %eq3A_3675 = arith.constant 0 : i32
      %eq3A_3676 = arith.cmpi eq, %jit3A_3674, %eq3A_3675 : i32
      %jit3A_3677 = arith.constant 1 : i32
      %select_n3A_3678 = arith.select %eq3A_3676, %jit3A_3677, %jit3A_3674 : i32
      %rem3A_3679 = arith.remsi %select_n3A_3673, %select_n3A_3678 : i32
      %ne3A_3680 = arith.constant 0 : i32
      %ne3A_3681 = arith.cmpi ne, %rem3A_3679, %ne3A_3680 : i32
      %lt3A_3682 = arith.constant 0 : i32
      %lt3A_3683 = arith.cmpi slt, %rem3A_3679, %lt3A_3682 : i32
      %lt3A_3684 = arith.constant 0 : i32
      %lt3A_3685 = arith.cmpi slt, %select_n3A_3678, %lt3A_3684 : i32
      %ne3A_3686 = arith.xori %lt3A_3683, %lt3A_3685 : i1
      %and3A_3687 = arith.andi %ne3A_3686, %ne3A_3681 : i1
      %add3A_3688 = arith.addi %rem3A_3679, %select_n3A_3678 : i32
      %select_n3A_3689 = arith.select %and3A_3687, %add3A_3688, %rem3A_3679 : i32
      %eq3A_3690 = arith.constant 1 : i32
      %eq3A_3691 = arith.cmpi eq, %select_n3A_3689, %eq3A_3690 : i32
      %convert_element_type3A_3692 = arith.extui %eq3A_3691 : i1 to i32
      %cond3A_3693 = arith.constant 0 : i32
      %cond3A_3694 = arith.cmpi ne, %convert_element_type3A_3692, %cond3A_3693 : i32
      scf.if %cond3A_3694 {
        %dma_start3A_4091 = tpu.memref_slice %arg7[%add3A_3649] : memref<32768xf32, #tpu.memory_space<vmem>> -> memref<1024xf32, #tpu.memory_space<vmem>>
        %dma_start3A_4092 = tpu.memref_slice %arg4[%add3A_3646] : memref<1048576xf32, #tpu.memory_space<hbm>> -> memref<1024xf32, #tpu.memory_space<hbm>>
        %dma_start3A_4093 = tpu.memref_slice %arg4[%add3A_3646] : memref<1048576xf32, #tpu.memory_space<hbm>> -> memref<1024xf32, #tpu.memory_space<hbm>>
        %dma_start3A_4094 = tpu.memref_slice %arg7[%add3A_3649] : memref<32768xf32, #tpu.memory_space<vmem>> -> memref<1024xf32, #tpu.memory_space<vmem>>
        tpu.enqueue_dma source(%dma_start3A_4094 : memref<1024xf32, #tpu.memory_space<vmem>>) target(%dma_start3A_4093 : memref<1024xf32, #tpu.memory_space<hbm>>) target_semaphore(%arg22 : memref<!tpu.dma_semaphore, #tpu.memory_space<semaphore_mem>>)
      } else {
      }
      %mul3A_3695 = arith.constant 1024 : i32
      %mul3A_3696 = arith.muli %select_n3A_3689, %mul3A_3695 : i32
      %add3A_3697 = arith.addi %add3A_3646, %mul3A_3696 : i32
      %mul3A_3698 = arith.constant 1024 : i32
      %mul3A_3699 = arith.muli %select_n3A_3689, %mul3A_3698 : i32
      %add3A_3700 = arith.addi %add3A_3649, %mul3A_3699 : i32
      %ge3A_3701 = arith.constant 8 : i32
      %ge3A_3702 = arith.cmpi sge, %select_n3A, %ge3A_3701 : i32
      %convert_element_type3A_3703 = arith.extui %ge3A_3702 : i1 to i32
      %eq3A_3704 = arith.constant 1 : i32
      %eq3A_3705 = arith.cmpi eq, %convert_element_type3A_3703, %eq3A_3704 : i32
      %convert_element_type3A_3706 = arith.extui %eq3A_3705 : i1 to i32
      %cond3A_3707 = arith.constant 0 : i32
      %cond3A_3708 = arith.cmpi ne, %convert_element_type3A_3706, %cond3A_3707 : i32
      scf.if %cond3A_3708 {
        %dma_wait3A_4091 = arith.constant 0 : i32
        %dma_wait3A_4092 = tpu.memref_slice %arg6[%dma_wait3A_4091] : memref<8192xf32, #tpu.memory_space<vmem>> -> memref<8192xf32, #tpu.memory_space<vmem>>
        %dma_wait3A_4093 = tpu.memref_slice %arg4[%mul3A_2] : memref<1048576xf32, #tpu.memory_space<hbm>> -> memref<8192xf32, #tpu.memory_space<hbm>>
        %dma_wait3A_4094 = tpu.memref_slice %arg4[%mul3A_2] : memref<1048576xf32, #tpu.memory_space<hbm>> -> memref<8192xf32, #tpu.memory_space<hbm>>
        %dma_wait3A_4095 = arith.constant 0 : i32
        %dma_wait3A_4096 = tpu.memref_slice %arg6[%dma_wait3A_4095] : memref<8192xf32, #tpu.memory_space<vmem>> -> memref<8192xf32, #tpu.memory_space<vmem>>
        tpu.wait_dma2 semaphore(%arg11 : memref<!tpu.dma_semaphore, #tpu.memory_space<semaphore_mem>>) src(%dma_wait3A_4096 : memref<8192xf32, #tpu.memory_space<vmem>>) dst(%dma_wait3A_4094 : memref<8192xf32, #tpu.memory_space<hbm>>)
      } else {
      }
      %mul3A_3709 = arith.constant 8192 : i32
      %mul3A_3710 = arith.muli %convert_element_type3A_3703, %mul3A_3709 : i32
      %add3A_3711 = arith.addi %mul3A_2, %mul3A_3710 : i32
      %mul3A_3712 = arith.constant 8 : i32
      %mul3A_3713 = arith.muli %convert_element_type3A_3703, %mul3A_3712 : i32
      %sub3A_3714 = arith.subi %select_n3A, %mul3A_3713 : i32
      %ge3A_3715 = arith.constant 8 : i32
      %ge3A_3716 = arith.cmpi sge, %sub3A_3714, %ge3A_3715 : i32
      %convert_element_type3A_3717 = arith.extui %ge3A_3716 : i1 to i32
      %eq3A_3718 = arith.constant 1 : i32
      %eq3A_3719 = arith.cmpi eq, %convert_element_type3A_3717, %eq3A_3718 : i32
      %convert_element_type3A_3720 = arith.extui %eq3A_3719 : i1 to i32
      %cond3A_3721 = arith.constant 0 : i32
      %cond3A_3722 = arith.cmpi ne, %convert_element_type3A_3720, %cond3A_3721 : i32
      scf.if %cond3A_3722 {
        %dma_wait3A_4091 = arith.constant 0 : i32
        %dma_wait3A_4092 = tpu.memref_slice %arg6[%dma_wait3A_4091] : memref<8192xf32, #tpu.memory_space<vmem>> -> memref<8192xf32, #tpu.memory_space<vmem>>
        %dma_wait3A_4093 = tpu.memref_slice %arg4[%add3A_3711] : memref<1048576xf32, #tpu.memory_space<hbm>> -> memref<8192xf32, #tpu.memory_space<hbm>>
        %dma_wait3A_4094 = tpu.memref_slice %arg4[%add3A_3711] : memref<1048576xf32, #tpu.memory_space<hbm>> -> memref<8192xf32, #tpu.memory_space<hbm>>
        %dma_wait3A_4095 = arith.constant 0 : i32
        %dma_wait3A_4096 = tpu.memref_slice %arg6[%dma_wait3A_4095] : memref<8192xf32, #tpu.memory_space<vmem>> -> memref<8192xf32, #tpu.memory_space<vmem>>
        tpu.wait_dma2 semaphore(%arg12 : memref<!tpu.dma_semaphore, #tpu.memory_space<semaphore_mem>>) src(%dma_wait3A_4096 : memref<8192xf32, #tpu.memory_space<vmem>>) dst(%dma_wait3A_4094 : memref<8192xf32, #tpu.memory_space<hbm>>)
      } else {
      }
      %mul3A_3723 = arith.constant 8192 : i32
      %mul3A_3724 = arith.muli %convert_element_type3A_3717, %mul3A_3723 : i32
      %add3A_3725 = arith.addi %add3A_3711, %mul3A_3724 : i32
      %mul3A_3726 = arith.constant 8 : i32
      %mul3A_3727 = arith.muli %convert_element_type3A_3717, %mul3A_3726 : i32
      %sub3A_3728 = arith.subi %sub3A_3714, %mul3A_3727 : i32
      %ge3A_3729 = arith.constant 8 : i32
      %ge3A_3730 = arith.cmpi sge, %sub3A_3728, %ge3A_3729 : i32
      %convert_element_type3A_3731 = arith.extui %ge3A_3730 : i1 to i32
      %eq3A_3732 = arith.constant 1 : i32
      %eq3A_3733 = arith.cmpi eq, %convert_element_type3A_3731, %eq3A_3732 : i32
      %convert_element_type3A_3734 = arith.extui %eq3A_3733 : i1 to i32
      %cond3A_3735 = arith.constant 0 : i32
      %cond3A_3736 = arith.cmpi ne, %convert_element_type3A_3734, %cond3A_3735 : i32
      scf.if %cond3A_3736 {
        %dma_wait3A_4091 = arith.constant 0 : i32
        %dma_wait3A_4092 = tpu.memref_slice %arg6[%dma_wait3A_4091] : memref<8192xf32, #tpu.memory_space<vmem>> -> memref<8192xf32, #tpu.memory_space<vmem>>
        %dma_wait3A_4093 = tpu.memref_slice %arg4[%add3A_3725] : memref<1048576xf32, #tpu.memory_space<hbm>> -> memref<8192xf32, #tpu.memory_space<hbm>>
        %dma_wait3A_4094 = tpu.memref_slice %arg4[%add3A_3725] : memref<1048576xf32, #tpu.memory_space<hbm>> -> memref<8192xf32, #tpu.memory_space<hbm>>
        %dma_wait3A_4095 = arith.constant 0 : i32
        %dma_wait3A_4096 = tpu.memref_slice %arg6[%dma_wait3A_4095] : memref<8192xf32, #tpu.memory_space<vmem>> -> memref<8192xf32, #tpu.memory_space<vmem>>
        tpu.wait_dma2 semaphore(%arg13 : memref<!tpu.dma_semaphore, #tpu.memory_space<semaphore_mem>>) src(%dma_wait3A_4096 : memref<8192xf32, #tpu.memory_space<vmem>>) dst(%dma_wait3A_4094 : memref<8192xf32, #tpu.memory_space<hbm>>)
      } else {
      }
      %mul3A_3737 = arith.constant 8192 : i32
      %mul3A_3738 = arith.muli %convert_element_type3A_3731, %mul3A_3737 : i32
      %add3A_3739 = arith.addi %add3A_3725, %mul3A_3738 : i32
      %mul3A_3740 = arith.constant 8 : i32
      %mul3A_3741 = arith.muli %convert_element_type3A_3731, %mul3A_3740 : i32
      %sub3A_3742 = arith.subi %sub3A_3728, %mul3A_3741 : i32
      %ge3A_3743 = arith.constant 4 : i32
      %ge3A_3744 = arith.cmpi sge, %sub3A_3742, %ge3A_3743 : i32
      %convert_element_type3A_3745 = arith.extui %ge3A_3744 : i1 to i32
      %eq3A_3746 = arith.constant 1 : i32
      %eq3A_3747 = arith.cmpi eq, %convert_element_type3A_3745, %eq3A_3746 : i32
      %convert_element_type3A_3748 = arith.extui %eq3A_3747 : i1 to i32
      %cond3A_3749 = arith.constant 0 : i32
      %cond3A_3750 = arith.cmpi ne, %convert_element_type3A_3748, %cond3A_3749 : i32
      scf.if %cond3A_3750 {
        %dma_wait3A_4091 = arith.constant 0 : i32
        %dma_wait3A_4092 = tpu.memref_slice %arg6[%dma_wait3A_4091] : memref<8192xf32, #tpu.memory_space<vmem>> -> memref<4096xf32, #tpu.memory_space<vmem>>
        %dma_wait3A_4093 = tpu.memref_slice %arg4[%add3A_3739] : memref<1048576xf32, #tpu.memory_space<hbm>> -> memref<4096xf32, #tpu.memory_space<hbm>>
        %dma_wait3A_4094 = tpu.memref_slice %arg4[%add3A_3739] : memref<1048576xf32, #tpu.memory_space<hbm>> -> memref<4096xf32, #tpu.memory_space<hbm>>
        %dma_wait3A_4095 = arith.constant 0 : i32
        %dma_wait3A_4096 = tpu.memref_slice %arg6[%dma_wait3A_4095] : memref<8192xf32, #tpu.memory_space<vmem>> -> memref<4096xf32, #tpu.memory_space<vmem>>
        tpu.wait_dma2 semaphore(%arg14 : memref<!tpu.dma_semaphore, #tpu.memory_space<semaphore_mem>>) src(%dma_wait3A_4096 : memref<4096xf32, #tpu.memory_space<vmem>>) dst(%dma_wait3A_4094 : memref<4096xf32, #tpu.memory_space<hbm>>)
      } else {
      }
      %mul3A_3751 = arith.constant 4096 : i32
      %mul3A_3752 = arith.muli %convert_element_type3A_3745, %mul3A_3751 : i32
      %add3A_3753 = arith.addi %add3A_3739, %mul3A_3752 : i32
      %mul3A_3754 = arith.constant 4 : i32
      %mul3A_3755 = arith.muli %convert_element_type3A_3745, %mul3A_3754 : i32
      %sub3A_3756 = arith.subi %sub3A_3742, %mul3A_3755 : i32
      %ge3A_3757 = arith.constant 2 : i32
      %ge3A_3758 = arith.cmpi sge, %sub3A_3756, %ge3A_3757 : i32
      %convert_element_type3A_3759 = arith.extui %ge3A_3758 : i1 to i32
      %eq3A_3760 = arith.constant 1 : i32
      %eq3A_3761 = arith.cmpi eq, %convert_element_type3A_3759, %eq3A_3760 : i32
      %convert_element_type3A_3762 = arith.extui %eq3A_3761 : i1 to i32
      %cond3A_3763 = arith.constant 0 : i32
      %cond3A_3764 = arith.cmpi ne, %convert_element_type3A_3762, %cond3A_3763 : i32
      scf.if %cond3A_3764 {
        %dma_wait3A_4091 = arith.constant 0 : i32
        %dma_wait3A_4092 = tpu.memref_slice %arg6[%dma_wait3A_4091] : memref<8192xf32, #tpu.memory_space<vmem>> -> memref<2048xf32, #tpu.memory_space<vmem>>
        %dma_wait3A_4093 = tpu.memref_slice %arg4[%add3A_3753] : memref<1048576xf32, #tpu.memory_space<hbm>> -> memref<2048xf32, #tpu.memory_space<hbm>>
        %dma_wait3A_4094 = tpu.memref_slice %arg4[%add3A_3753] : memref<1048576xf32, #tpu.memory_space<hbm>> -> memref<2048xf32, #tpu.memory_space<hbm>>
        %dma_wait3A_4095 = arith.constant 0 : i32
        %dma_wait3A_4096 = tpu.memref_slice %arg6[%dma_wait3A_4095] : memref<8192xf32, #tpu.memory_space<vmem>> -> memref<2048xf32, #tpu.memory_space<vmem>>
        tpu.wait_dma2 semaphore(%arg15 : memref<!tpu.dma_semaphore, #tpu.memory_space<semaphore_mem>>) src(%dma_wait3A_4096 : memref<2048xf32, #tpu.memory_space<vmem>>) dst(%dma_wait3A_4094 : memref<2048xf32, #tpu.memory_space<hbm>>)
      } else {
      }
      %mul3A_3765 = arith.constant 2048 : i32
      %mul3A_3766 = arith.muli %convert_element_type3A_3759, %mul3A_3765 : i32
      %add3A_3767 = arith.addi %add3A_3753, %mul3A_3766 : i32
      %mul3A_3768 = arith.constant 2 : i32
      %mul3A_3769 = arith.muli %convert_element_type3A_3759, %mul3A_3768 : i32
      %sub3A_3770 = arith.subi %sub3A_3756, %mul3A_3769 : i32
      %ge3A_3771 = arith.constant 1 : i32
      %ge3A_3772 = arith.cmpi sge, %sub3A_3770, %ge3A_3771 : i32
      %convert_element_type3A_3773 = arith.extui %ge3A_3772 : i1 to i32
      %eq3A_3774 = arith.constant 1 : i32
      %eq3A_3775 = arith.cmpi eq, %convert_element_type3A_3773, %eq3A_3774 : i32
      %convert_element_type3A_3776 = arith.extui %eq3A_3775 : i1 to i32
      %cond3A_3777 = arith.constant 0 : i32
      %cond3A_3778 = arith.cmpi ne, %convert_element_type3A_3776, %cond3A_3777 : i32
      scf.if %cond3A_3778 {
        %dma_wait3A_4091 = arith.constant 0 : i32
        %dma_wait3A_4092 = tpu.memref_slice %arg6[%dma_wait3A_4091] : memref<8192xf32, #tpu.memory_space<vmem>> -> memref<1024xf32, #tpu.memory_space<vmem>>
        %dma_wait3A_4093 = tpu.memref_slice %arg4[%add3A_3767] : memref<1048576xf32, #tpu.memory_space<hbm>> -> memref<1024xf32, #tpu.memory_space<hbm>>
        %dma_wait3A_4094 = tpu.memref_slice %arg4[%add3A_3767] : memref<1048576xf32, #tpu.memory_space<hbm>> -> memref<1024xf32, #tpu.memory_space<hbm>>
        %dma_wait3A_4095 = arith.constant 0 : i32
        %dma_wait3A_4096 = tpu.memref_slice %arg6[%dma_wait3A_4095] : memref<8192xf32, #tpu.memory_space<vmem>> -> memref<1024xf32, #tpu.memory_space<vmem>>
        tpu.wait_dma2 semaphore(%arg16 : memref<!tpu.dma_semaphore, #tpu.memory_space<semaphore_mem>>) src(%dma_wait3A_4096 : memref<1024xf32, #tpu.memory_space<vmem>>) dst(%dma_wait3A_4094 : memref<1024xf32, #tpu.memory_space<hbm>>)
      } else {
      }
      %mul3A_3779 = arith.constant 1024 : i32
      %mul3A_3780 = arith.muli %convert_element_type3A_3773, %mul3A_3779 : i32
      %add3A_3781 = arith.addi %add3A_3767, %mul3A_3780 : i32
      %mul3A_3782 = arith.constant 1 : i32
      %mul3A_3783 = arith.muli %convert_element_type3A_3773, %mul3A_3782 : i32
      %sub3A_3784 = arith.subi %sub3A_3770, %mul3A_3783 : i32
      %jit3A_3785 = arith.constant 32 : i32
      %div3A_3786 = arith.divsi %sub3A_3394, %jit3A_3785 : i32
      %sign3A_3787 = arith.constant 0 : i32
      %sign3A_3788 = arith.cmpi sgt, %sub3A_3394, %sign3A_3787 : i32
      %sign3A_3789 = arith.extui %sign3A_3788 : i1 to i32
      %sign3A_3790 = arith.constant 0 : i32
      %sign3A_3791 = arith.cmpi slt, %sub3A_3394, %sign3A_3790 : i32
      %sign3A_3792 = arith.extui %sign3A_3791 : i1 to i32
      %sign3A_3793 = arith.subi %sign3A_3789, %sign3A_3792 : i32
      %sign3A_3794 = arith.constant 0 : i32
      %sign3A_3795 = arith.cmpi sgt, %jit3A_3785, %sign3A_3794 : i32
      %sign3A_3796 = arith.extui %sign3A_3795 : i1 to i32
      %sign3A_3797 = arith.constant 0 : i32
      %sign3A_3798 = arith.cmpi slt, %jit3A_3785, %sign3A_3797 : i32
      %sign3A_3799 = arith.extui %sign3A_3798 : i1 to i32
      %sign3A_3800 = arith.subi %sign3A_3796, %sign3A_3799 : i32
      %ne3A_3801 = arith.cmpi ne, %sign3A_3793, %sign3A_3800 : i32
      %rem3A_3802 = arith.remsi %sub3A_3394, %jit3A_3785 : i32
      %ne3A_3803 = arith.constant 0 : i32
      %ne3A_3804 = arith.cmpi ne, %rem3A_3802, %ne3A_3803 : i32
      %and3A_3805 = arith.andi %ne3A_3801, %ne3A_3804 : i1
      %sub3A_3806 = arith.constant 1 : i32
      %sub3A_3807 = arith.subi %div3A_3786, %sub3A_3806 : i32
      %select_n3A_3808 = arith.select %and3A_3805, %sub3A_3807, %div3A_3786 : i32
      %jit3A_3809 = arith.constant 2 : i32
      %eq3A_3810 = arith.constant 0 : i32
      %eq3A_3811 = arith.cmpi eq, %jit3A_3809, %eq3A_3810 : i32
      %jit3A_3812 = arith.constant 1 : i32
      %select_n3A_3813 = arith.select %eq3A_3811, %jit3A_3812, %jit3A_3809 : i32
      %rem3A_3814 = arith.remsi %select_n3A_3808, %select_n3A_3813 : i32
      %ne3A_3815 = arith.constant 0 : i32
      %ne3A_3816 = arith.cmpi ne, %rem3A_3814, %ne3A_3815 : i32
      %lt3A_3817 = arith.constant 0 : i32
      %lt3A_3818 = arith.cmpi slt, %rem3A_3814, %lt3A_3817 : i32
      %lt3A_3819 = arith.constant 0 : i32
      %lt3A_3820 = arith.cmpi slt, %select_n3A_3813, %lt3A_3819 : i32
      %ne3A_3821 = arith.xori %lt3A_3818, %lt3A_3820 : i1
      %and3A_3822 = arith.andi %ne3A_3821, %ne3A_3816 : i1
      %add3A_3823 = arith.addi %rem3A_3814, %select_n3A_3813 : i32
      %select_n3A_3824 = arith.select %and3A_3822, %add3A_3823, %rem3A_3814 : i32
      %eq3A_3825 = arith.constant 1 : i32
      %eq3A_3826 = arith.cmpi eq, %select_n3A_3824, %eq3A_3825 : i32
      %convert_element_type3A_3827 = arith.extui %eq3A_3826 : i1 to i32
      %cond3A_3828 = arith.constant 0 : i32
      %cond3A_3829 = arith.cmpi ne, %convert_element_type3A_3827, %cond3A_3828 : i32
      scf.if %cond3A_3829 {
        %dma_wait3A_4091 = tpu.memref_slice %arg7[%mul3A_2175] : memref<32768xf32, #tpu.memory_space<vmem>> -> memref<32768xf32, #tpu.memory_space<vmem>>
        %dma_wait3A_4092 = tpu.memref_slice %arg4[%add3A_2176] : memref<1048576xf32, #tpu.memory_space<hbm>> -> memref<32768xf32, #tpu.memory_space<hbm>>
        %dma_wait3A_4093 = tpu.memref_slice %arg4[%add3A_2176] : memref<1048576xf32, #tpu.memory_space<hbm>> -> memref<32768xf32, #tpu.memory_space<hbm>>
        %dma_wait3A_4094 = tpu.memref_slice %arg7[%mul3A_2175] : memref<32768xf32, #tpu.memory_space<vmem>> -> memref<32768xf32, #tpu.memory_space<vmem>>
        tpu.wait_dma2 semaphore(%arg17 : memref<!tpu.dma_semaphore, #tpu.memory_space<semaphore_mem>>) src(%dma_wait3A_4094 : memref<32768xf32, #tpu.memory_space<vmem>>) dst(%dma_wait3A_4093 : memref<32768xf32, #tpu.memory_space<hbm>>)
      } else {
      }
      %mul3A_3830 = arith.constant 32768 : i32
      %mul3A_3831 = arith.muli %select_n3A_3824, %mul3A_3830 : i32
      %add3A_3832 = arith.addi %add3A_2176, %mul3A_3831 : i32
      %mul3A_3833 = arith.constant 32768 : i32
      %mul3A_3834 = arith.muli %select_n3A_3824, %mul3A_3833 : i32
      %add3A_3835 = arith.addi %mul3A_2175, %mul3A_3834 : i32
      %jit3A_3836 = arith.constant 16 : i32
      %div3A_3837 = arith.divsi %sub3A_3394, %jit3A_3836 : i32
      %sign3A_3838 = arith.constant 0 : i32
      %sign3A_3839 = arith.cmpi sgt, %sub3A_3394, %sign3A_3838 : i32
      %sign3A_3840 = arith.extui %sign3A_3839 : i1 to i32
      %sign3A_3841 = arith.constant 0 : i32
      %sign3A_3842 = arith.cmpi slt, %sub3A_3394, %sign3A_3841 : i32
      %sign3A_3843 = arith.extui %sign3A_3842 : i1 to i32
      %sign3A_3844 = arith.subi %sign3A_3840, %sign3A_3843 : i32
      %sign3A_3845 = arith.constant 0 : i32
      %sign3A_3846 = arith.cmpi sgt, %jit3A_3836, %sign3A_3845 : i32
      %sign3A_3847 = arith.extui %sign3A_3846 : i1 to i32
      %sign3A_3848 = arith.constant 0 : i32
      %sign3A_3849 = arith.cmpi slt, %jit3A_3836, %sign3A_3848 : i32
      %sign3A_3850 = arith.extui %sign3A_3849 : i1 to i32
      %sign3A_3851 = arith.subi %sign3A_3847, %sign3A_3850 : i32
      %ne3A_3852 = arith.cmpi ne, %sign3A_3844, %sign3A_3851 : i32
      %rem3A_3853 = arith.remsi %sub3A_3394, %jit3A_3836 : i32
      %ne3A_3854 = arith.constant 0 : i32
      %ne3A_3855 = arith.cmpi ne, %rem3A_3853, %ne3A_3854 : i32
      %and3A_3856 = arith.andi %ne3A_3852, %ne3A_3855 : i1
      %sub3A_3857 = arith.constant 1 : i32
      %sub3A_3858 = arith.subi %div3A_3837, %sub3A_3857 : i32
      %select_n3A_3859 = arith.select %and3A_3856, %sub3A_3858, %div3A_3837 : i32
      %jit3A_3860 = arith.constant 2 : i32
      %eq3A_3861 = arith.constant 0 : i32
      %eq3A_3862 = arith.cmpi eq, %jit3A_3860, %eq3A_3861 : i32
      %jit3A_3863 = arith.constant 1 : i32
      %select_n3A_3864 = arith.select %eq3A_3862, %jit3A_3863, %jit3A_3860 : i32
      %rem3A_3865 = arith.remsi %select_n3A_3859, %select_n3A_3864 : i32
      %ne3A_3866 = arith.constant 0 : i32
      %ne3A_3867 = arith.cmpi ne, %rem3A_3865, %ne3A_3866 : i32
      %lt3A_3868 = arith.constant 0 : i32
      %lt3A_3869 = arith.cmpi slt, %rem3A_3865, %lt3A_3868 : i32
      %lt3A_3870 = arith.constant 0 : i32
      %lt3A_3871 = arith.cmpi slt, %select_n3A_3864, %lt3A_3870 : i32
      %ne3A_3872 = arith.xori %lt3A_3869, %lt3A_3871 : i1
      %and3A_3873 = arith.andi %ne3A_3872, %ne3A_3867 : i1
      %add3A_3874 = arith.addi %rem3A_3865, %select_n3A_3864 : i32
      %select_n3A_3875 = arith.select %and3A_3873, %add3A_3874, %rem3A_3865 : i32
      %eq3A_3876 = arith.constant 1 : i32
      %eq3A_3877 = arith.cmpi eq, %select_n3A_3875, %eq3A_3876 : i32
      %convert_element_type3A_3878 = arith.extui %eq3A_3877 : i1 to i32
      %cond3A_3879 = arith.constant 0 : i32
      %cond3A_3880 = arith.cmpi ne, %convert_element_type3A_3878, %cond3A_3879 : i32
      scf.if %cond3A_3880 {
        %dma_wait3A_4091 = tpu.memref_slice %arg7[%add3A_3835] : memref<32768xf32, #tpu.memory_space<vmem>> -> memref<16384xf32, #tpu.memory_space<vmem>>
        %dma_wait3A_4092 = tpu.memref_slice %arg4[%add3A_3832] : memref<1048576xf32, #tpu.memory_space<hbm>> -> memref<16384xf32, #tpu.memory_space<hbm>>
        %dma_wait3A_4093 = tpu.memref_slice %arg4[%add3A_3832] : memref<1048576xf32, #tpu.memory_space<hbm>> -> memref<16384xf32, #tpu.memory_space<hbm>>
        %dma_wait3A_4094 = tpu.memref_slice %arg7[%add3A_3835] : memref<32768xf32, #tpu.memory_space<vmem>> -> memref<16384xf32, #tpu.memory_space<vmem>>
        tpu.wait_dma2 semaphore(%arg18 : memref<!tpu.dma_semaphore, #tpu.memory_space<semaphore_mem>>) src(%dma_wait3A_4094 : memref<16384xf32, #tpu.memory_space<vmem>>) dst(%dma_wait3A_4093 : memref<16384xf32, #tpu.memory_space<hbm>>)
      } else {
      }
      %mul3A_3881 = arith.constant 16384 : i32
      %mul3A_3882 = arith.muli %select_n3A_3875, %mul3A_3881 : i32
      %add3A_3883 = arith.addi %add3A_3832, %mul3A_3882 : i32
      %mul3A_3884 = arith.constant 16384 : i32
      %mul3A_3885 = arith.muli %select_n3A_3875, %mul3A_3884 : i32
      %add3A_3886 = arith.addi %add3A_3835, %mul3A_3885 : i32
      %jit3A_3887 = arith.constant 8 : i32
      %div3A_3888 = arith.divsi %sub3A_3394, %jit3A_3887 : i32
      %sign3A_3889 = arith.constant 0 : i32
      %sign3A_3890 = arith.cmpi sgt, %sub3A_3394, %sign3A_3889 : i32
      %sign3A_3891 = arith.extui %sign3A_3890 : i1 to i32
      %sign3A_3892 = arith.constant 0 : i32
      %sign3A_3893 = arith.cmpi slt, %sub3A_3394, %sign3A_3892 : i32
      %sign3A_3894 = arith.extui %sign3A_3893 : i1 to i32
      %sign3A_3895 = arith.subi %sign3A_3891, %sign3A_3894 : i32
      %sign3A_3896 = arith.constant 0 : i32
      %sign3A_3897 = arith.cmpi sgt, %jit3A_3887, %sign3A_3896 : i32
      %sign3A_3898 = arith.extui %sign3A_3897 : i1 to i32
      %sign3A_3899 = arith.constant 0 : i32
      %sign3A_3900 = arith.cmpi slt, %jit3A_3887, %sign3A_3899 : i32
      %sign3A_3901 = arith.extui %sign3A_3900 : i1 to i32
      %sign3A_3902 = arith.subi %sign3A_3898, %sign3A_3901 : i32
      %ne3A_3903 = arith.cmpi ne, %sign3A_3895, %sign3A_3902 : i32
      %rem3A_3904 = arith.remsi %sub3A_3394, %jit3A_3887 : i32
      %ne3A_3905 = arith.constant 0 : i32
      %ne3A_3906 = arith.cmpi ne, %rem3A_3904, %ne3A_3905 : i32
      %and3A_3907 = arith.andi %ne3A_3903, %ne3A_3906 : i1
      %sub3A_3908 = arith.constant 1 : i32
      %sub3A_3909 = arith.subi %div3A_3888, %sub3A_3908 : i32
      %select_n3A_3910 = arith.select %and3A_3907, %sub3A_3909, %div3A_3888 : i32
      %jit3A_3911 = arith.constant 2 : i32
      %eq3A_3912 = arith.constant 0 : i32
      %eq3A_3913 = arith.cmpi eq, %jit3A_3911, %eq3A_3912 : i32
      %jit3A_3914 = arith.constant 1 : i32
      %select_n3A_3915 = arith.select %eq3A_3913, %jit3A_3914, %jit3A_3911 : i32
      %rem3A_3916 = arith.remsi %select_n3A_3910, %select_n3A_3915 : i32
      %ne3A_3917 = arith.constant 0 : i32
      %ne3A_3918 = arith.cmpi ne, %rem3A_3916, %ne3A_3917 : i32
      %lt3A_3919 = arith.constant 0 : i32
      %lt3A_3920 = arith.cmpi slt, %rem3A_3916, %lt3A_3919 : i32
      %lt3A_3921 = arith.constant 0 : i32
      %lt3A_3922 = arith.cmpi slt, %select_n3A_3915, %lt3A_3921 : i32
      %ne3A_3923 = arith.xori %lt3A_3920, %lt3A_3922 : i1
      %and3A_3924 = arith.andi %ne3A_3923, %ne3A_3918 : i1
      %add3A_3925 = arith.addi %rem3A_3916, %select_n3A_3915 : i32
      %select_n3A_3926 = arith.select %and3A_3924, %add3A_3925, %rem3A_3916 : i32
      %eq3A_3927 = arith.constant 1 : i32
      %eq3A_3928 = arith.cmpi eq, %select_n3A_3926, %eq3A_3927 : i32
      %convert_element_type3A_3929 = arith.extui %eq3A_3928 : i1 to i32
      %cond3A_3930 = arith.constant 0 : i32
      %cond3A_3931 = arith.cmpi ne, %convert_element_type3A_3929, %cond3A_3930 : i32
      scf.if %cond3A_3931 {
        %dma_wait3A_4091 = tpu.memref_slice %arg7[%add3A_3886] : memref<32768xf32, #tpu.memory_space<vmem>> -> memref<8192xf32, #tpu.memory_space<vmem>>
        %dma_wait3A_4092 = tpu.memref_slice %arg4[%add3A_3883] : memref<1048576xf32, #tpu.memory_space<hbm>> -> memref<8192xf32, #tpu.memory_space<hbm>>
        %dma_wait3A_4093 = tpu.memref_slice %arg4[%add3A_3883] : memref<1048576xf32, #tpu.memory_space<hbm>> -> memref<8192xf32, #tpu.memory_space<hbm>>
        %dma_wait3A_4094 = tpu.memref_slice %arg7[%add3A_3886] : memref<32768xf32, #tpu.memory_space<vmem>> -> memref<8192xf32, #tpu.memory_space<vmem>>
        tpu.wait_dma2 semaphore(%arg19 : memref<!tpu.dma_semaphore, #tpu.memory_space<semaphore_mem>>) src(%dma_wait3A_4094 : memref<8192xf32, #tpu.memory_space<vmem>>) dst(%dma_wait3A_4093 : memref<8192xf32, #tpu.memory_space<hbm>>)
      } else {
      }
      %mul3A_3932 = arith.constant 8192 : i32
      %mul3A_3933 = arith.muli %select_n3A_3926, %mul3A_3932 : i32
      %add3A_3934 = arith.addi %add3A_3883, %mul3A_3933 : i32
      %mul3A_3935 = arith.constant 8192 : i32
      %mul3A_3936 = arith.muli %select_n3A_3926, %mul3A_3935 : i32
      %add3A_3937 = arith.addi %add3A_3886, %mul3A_3936 : i32
      %jit3A_3938 = arith.constant 4 : i32
      %div3A_3939 = arith.divsi %sub3A_3394, %jit3A_3938 : i32
      %sign3A_3940 = arith.constant 0 : i32
      %sign3A_3941 = arith.cmpi sgt, %sub3A_3394, %sign3A_3940 : i32
      %sign3A_3942 = arith.extui %sign3A_3941 : i1 to i32
      %sign3A_3943 = arith.constant 0 : i32
      %sign3A_3944 = arith.cmpi slt, %sub3A_3394, %sign3A_3943 : i32
      %sign3A_3945 = arith.extui %sign3A_3944 : i1 to i32
      %sign3A_3946 = arith.subi %sign3A_3942, %sign3A_3945 : i32
      %sign3A_3947 = arith.constant 0 : i32
      %sign3A_3948 = arith.cmpi sgt, %jit3A_3938, %sign3A_3947 : i32
      %sign3A_3949 = arith.extui %sign3A_3948 : i1 to i32
      %sign3A_3950 = arith.constant 0 : i32
      %sign3A_3951 = arith.cmpi slt, %jit3A_3938, %sign3A_3950 : i32
      %sign3A_3952 = arith.extui %sign3A_3951 : i1 to i32
      %sign3A_3953 = arith.subi %sign3A_3949, %sign3A_3952 : i32
      %ne3A_3954 = arith.cmpi ne, %sign3A_3946, %sign3A_3953 : i32
      %rem3A_3955 = arith.remsi %sub3A_3394, %jit3A_3938 : i32
      %ne3A_3956 = arith.constant 0 : i32
      %ne3A_3957 = arith.cmpi ne, %rem3A_3955, %ne3A_3956 : i32
      %and3A_3958 = arith.andi %ne3A_3954, %ne3A_3957 : i1
      %sub3A_3959 = arith.constant 1 : i32
      %sub3A_3960 = arith.subi %div3A_3939, %sub3A_3959 : i32
      %select_n3A_3961 = arith.select %and3A_3958, %sub3A_3960, %div3A_3939 : i32
      %jit3A_3962 = arith.constant 2 : i32
      %eq3A_3963 = arith.constant 0 : i32
      %eq3A_3964 = arith.cmpi eq, %jit3A_3962, %eq3A_3963 : i32
      %jit3A_3965 = arith.constant 1 : i32
      %select_n3A_3966 = arith.select %eq3A_3964, %jit3A_3965, %jit3A_3962 : i32
      %rem3A_3967 = arith.remsi %select_n3A_3961, %select_n3A_3966 : i32
      %ne3A_3968 = arith.constant 0 : i32
      %ne3A_3969 = arith.cmpi ne, %rem3A_3967, %ne3A_3968 : i32
      %lt3A_3970 = arith.constant 0 : i32
      %lt3A_3971 = arith.cmpi slt, %rem3A_3967, %lt3A_3970 : i32
      %lt3A_3972 = arith.constant 0 : i32
      %lt3A_3973 = arith.cmpi slt, %select_n3A_3966, %lt3A_3972 : i32
      %ne3A_3974 = arith.xori %lt3A_3971, %lt3A_3973 : i1
      %and3A_3975 = arith.andi %ne3A_3974, %ne3A_3969 : i1
      %add3A_3976 = arith.addi %rem3A_3967, %select_n3A_3966 : i32
      %select_n3A_3977 = arith.select %and3A_3975, %add3A_3976, %rem3A_3967 : i32
      %eq3A_3978 = arith.constant 1 : i32
      %eq3A_3979 = arith.cmpi eq, %select_n3A_3977, %eq3A_3978 : i32
      %convert_element_type3A_3980 = arith.extui %eq3A_3979 : i1 to i32
      %cond3A_3981 = arith.constant 0 : i32
      %cond3A_3982 = arith.cmpi ne, %convert_element_type3A_3980, %cond3A_3981 : i32
      scf.if %cond3A_3982 {
        %dma_wait3A_4091 = tpu.memref_slice %arg7[%add3A_3937] : memref<32768xf32, #tpu.memory_space<vmem>> -> memref<4096xf32, #tpu.memory_space<vmem>>
        %dma_wait3A_4092 = tpu.memref_slice %arg4[%add3A_3934] : memref<1048576xf32, #tpu.memory_space<hbm>> -> memref<4096xf32, #tpu.memory_space<hbm>>
        %dma_wait3A_4093 = tpu.memref_slice %arg4[%add3A_3934] : memref<1048576xf32, #tpu.memory_space<hbm>> -> memref<4096xf32, #tpu.memory_space<hbm>>
        %dma_wait3A_4094 = tpu.memref_slice %arg7[%add3A_3937] : memref<32768xf32, #tpu.memory_space<vmem>> -> memref<4096xf32, #tpu.memory_space<vmem>>
        tpu.wait_dma2 semaphore(%arg20 : memref<!tpu.dma_semaphore, #tpu.memory_space<semaphore_mem>>) src(%dma_wait3A_4094 : memref<4096xf32, #tpu.memory_space<vmem>>) dst(%dma_wait3A_4093 : memref<4096xf32, #tpu.memory_space<hbm>>)
      } else {
      }
      %mul3A_3983 = arith.constant 4096 : i32
      %mul3A_3984 = arith.muli %select_n3A_3977, %mul3A_3983 : i32
      %add3A_3985 = arith.addi %add3A_3934, %mul3A_3984 : i32
      %mul3A_3986 = arith.constant 4096 : i32
      %mul3A_3987 = arith.muli %select_n3A_3977, %mul3A_3986 : i32
      %add3A_3988 = arith.addi %add3A_3937, %mul3A_3987 : i32
      %jit3A_3989 = arith.constant 2 : i32
      %div3A_3990 = arith.divsi %sub3A_3394, %jit3A_3989 : i32
      %sign3A_3991 = arith.constant 0 : i32
      %sign3A_3992 = arith.cmpi sgt, %sub3A_3394, %sign3A_3991 : i32
      %sign3A_3993 = arith.extui %sign3A_3992 : i1 to i32
      %sign3A_3994 = arith.constant 0 : i32
      %sign3A_3995 = arith.cmpi slt, %sub3A_3394, %sign3A_3994 : i32
      %sign3A_3996 = arith.extui %sign3A_3995 : i1 to i32
      %sign3A_3997 = arith.subi %sign3A_3993, %sign3A_3996 : i32
      %sign3A_3998 = arith.constant 0 : i32
      %sign3A_3999 = arith.cmpi sgt, %jit3A_3989, %sign3A_3998 : i32
      %sign3A_4000 = arith.extui %sign3A_3999 : i1 to i32
      %sign3A_4001 = arith.constant 0 : i32
      %sign3A_4002 = arith.cmpi slt, %jit3A_3989, %sign3A_4001 : i32
      %sign3A_4003 = arith.extui %sign3A_4002 : i1 to i32
      %sign3A_4004 = arith.subi %sign3A_4000, %sign3A_4003 : i32
      %ne3A_4005 = arith.cmpi ne, %sign3A_3997, %sign3A_4004 : i32
      %rem3A_4006 = arith.remsi %sub3A_3394, %jit3A_3989 : i32
      %ne3A_4007 = arith.constant 0 : i32
      %ne3A_4008 = arith.cmpi ne, %rem3A_4006, %ne3A_4007 : i32
      %and3A_4009 = arith.andi %ne3A_4005, %ne3A_4008 : i1
      %sub3A_4010 = arith.constant 1 : i32
      %sub3A_4011 = arith.subi %div3A_3990, %sub3A_4010 : i32
      %select_n3A_4012 = arith.select %and3A_4009, %sub3A_4011, %div3A_3990 : i32
      %jit3A_4013 = arith.constant 2 : i32
      %eq3A_4014 = arith.constant 0 : i32
      %eq3A_4015 = arith.cmpi eq, %jit3A_4013, %eq3A_4014 : i32
      %jit3A_4016 = arith.constant 1 : i32
      %select_n3A_4017 = arith.select %eq3A_4015, %jit3A_4016, %jit3A_4013 : i32
      %rem3A_4018 = arith.remsi %select_n3A_4012, %select_n3A_4017 : i32
      %ne3A_4019 = arith.constant 0 : i32
      %ne3A_4020 = arith.cmpi ne, %rem3A_4018, %ne3A_4019 : i32
      %lt3A_4021 = arith.constant 0 : i32
      %lt3A_4022 = arith.cmpi slt, %rem3A_4018, %lt3A_4021 : i32
      %lt3A_4023 = arith.constant 0 : i32
      %lt3A_4024 = arith.cmpi slt, %select_n3A_4017, %lt3A_4023 : i32
      %ne3A_4025 = arith.xori %lt3A_4022, %lt3A_4024 : i1
      %and3A_4026 = arith.andi %ne3A_4025, %ne3A_4020 : i1
      %add3A_4027 = arith.addi %rem3A_4018, %select_n3A_4017 : i32
      %select_n3A_4028 = arith.select %and3A_4026, %add3A_4027, %rem3A_4018 : i32
      %eq3A_4029 = arith.constant 1 : i32
      %eq3A_4030 = arith.cmpi eq, %select_n3A_4028, %eq3A_4029 : i32
      %convert_element_type3A_4031 = arith.extui %eq3A_4030 : i1 to i32
      %cond3A_4032 = arith.constant 0 : i32
      %cond3A_4033 = arith.cmpi ne, %convert_element_type3A_4031, %cond3A_4032 : i32
      scf.if %cond3A_4033 {
        %dma_wait3A_4091 = tpu.memref_slice %arg7[%add3A_3988] : memref<32768xf32, #tpu.memory_space<vmem>> -> memref<2048xf32, #tpu.memory_space<vmem>>
        %dma_wait3A_4092 = tpu.memref_slice %arg4[%add3A_3985] : memref<1048576xf32, #tpu.memory_space<hbm>> -> memref<2048xf32, #tpu.memory_space<hbm>>
        %dma_wait3A_4093 = tpu.memref_slice %arg4[%add3A_3985] : memref<1048576xf32, #tpu.memory_space<hbm>> -> memref<2048xf32, #tpu.memory_space<hbm>>
        %dma_wait3A_4094 = tpu.memref_slice %arg7[%add3A_3988] : memref<32768xf32, #tpu.memory_space<vmem>> -> memref<2048xf32, #tpu.memory_space<vmem>>
        tpu.wait_dma2 semaphore(%arg21 : memref<!tpu.dma_semaphore, #tpu.memory_space<semaphore_mem>>) src(%dma_wait3A_4094 : memref<2048xf32, #tpu.memory_space<vmem>>) dst(%dma_wait3A_4093 : memref<2048xf32, #tpu.memory_space<hbm>>)
      } else {
      }
      %mul3A_4034 = arith.constant 2048 : i32
      %mul3A_4035 = arith.muli %select_n3A_4028, %mul3A_4034 : i32
      %add3A_4036 = arith.addi %add3A_3985, %mul3A_4035 : i32
      %mul3A_4037 = arith.constant 2048 : i32
      %mul3A_4038 = arith.muli %select_n3A_4028, %mul3A_4037 : i32
      %add3A_4039 = arith.addi %add3A_3988, %mul3A_4038 : i32
      %jit3A_4040 = arith.constant 1 : i32
      %div3A_4041 = arith.divsi %sub3A_3394, %jit3A_4040 : i32
      %sign3A_4042 = arith.constant 0 : i32
      %sign3A_4043 = arith.cmpi sgt, %sub3A_3394, %sign3A_4042 : i32
      %sign3A_4044 = arith.extui %sign3A_4043 : i1 to i32
      %sign3A_4045 = arith.constant 0 : i32
      %sign3A_4046 = arith.cmpi slt, %sub3A_3394, %sign3A_4045 : i32
      %sign3A_4047 = arith.extui %sign3A_4046 : i1 to i32
      %sign3A_4048 = arith.subi %sign3A_4044, %sign3A_4047 : i32
      %sign3A_4049 = arith.constant 0 : i32
      %sign3A_4050 = arith.cmpi sgt, %jit3A_4040, %sign3A_4049 : i32
      %sign3A_4051 = arith.extui %sign3A_4050 : i1 to i32
      %sign3A_4052 = arith.constant 0 : i32
      %sign3A_4053 = arith.cmpi slt, %jit3A_4040, %sign3A_4052 : i32
      %sign3A_4054 = arith.extui %sign3A_4053 : i1 to i32
      %sign3A_4055 = arith.subi %sign3A_4051, %sign3A_4054 : i32
      %ne3A_4056 = arith.cmpi ne, %sign3A_4048, %sign3A_4055 : i32
      %rem3A_4057 = arith.remsi %sub3A_3394, %jit3A_4040 : i32
      %ne3A_4058 = arith.constant 0 : i32
      %ne3A_4059 = arith.cmpi ne, %rem3A_4057, %ne3A_4058 : i32
      %and3A_4060 = arith.andi %ne3A_4056, %ne3A_4059 : i1
      %sub3A_4061 = arith.constant 1 : i32
      %sub3A_4062 = arith.subi %div3A_4041, %sub3A_4061 : i32
      %select_n3A_4063 = arith.select %and3A_4060, %sub3A_4062, %div3A_4041 : i32
      %jit3A_4064 = arith.constant 2 : i32
      %eq3A_4065 = arith.constant 0 : i32
      %eq3A_4066 = arith.cmpi eq, %jit3A_4064, %eq3A_4065 : i32
      %jit3A_4067 = arith.constant 1 : i32
      %select_n3A_4068 = arith.select %eq3A_4066, %jit3A_4067, %jit3A_4064 : i32
      %rem3A_4069 = arith.remsi %select_n3A_4063, %select_n3A_4068 : i32
      %ne3A_4070 = arith.constant 0 : i32
      %ne3A_4071 = arith.cmpi ne, %rem3A_4069, %ne3A_4070 : i32
      %lt3A_4072 = arith.constant 0 : i32
      %lt3A_4073 = arith.cmpi slt, %rem3A_4069, %lt3A_4072 : i32
      %lt3A_4074 = arith.constant 0 : i32
      %lt3A_4075 = arith.cmpi slt, %select_n3A_4068, %lt3A_4074 : i32
      %ne3A_4076 = arith.xori %lt3A_4073, %lt3A_4075 : i1
      %and3A_4077 = arith.andi %ne3A_4076, %ne3A_4071 : i1
      %add3A_4078 = arith.addi %rem3A_4069, %select_n3A_4068 : i32
      %select_n3A_4079 = arith.select %and3A_4077, %add3A_4078, %rem3A_4069 : i32
      %eq3A_4080 = arith.constant 1 : i32
      %eq3A_4081 = arith.cmpi eq, %select_n3A_4079, %eq3A_4080 : i32
      %convert_element_type3A_4082 = arith.extui %eq3A_4081 : i1 to i32
      %cond3A_4083 = arith.constant 0 : i32
      %cond3A_4084 = arith.cmpi ne, %convert_element_type3A_4082, %cond3A_4083 : i32
      scf.if %cond3A_4084 {
        %dma_wait3A_4091 = tpu.memref_slice %arg7[%add3A_4039] : memref<32768xf32, #tpu.memory_space<vmem>> -> memref<1024xf32, #tpu.memory_space<vmem>>
        %dma_wait3A_4092 = tpu.memref_slice %arg4[%add3A_4036] : memref<1048576xf32, #tpu.memory_space<hbm>> -> memref<1024xf32, #tpu.memory_space<hbm>>
        %dma_wait3A_4093 = tpu.memref_slice %arg4[%add3A_4036] : memref<1048576xf32, #tpu.memory_space<hbm>> -> memref<1024xf32, #tpu.memory_space<hbm>>
        %dma_wait3A_4094 = tpu.memref_slice %arg7[%add3A_4039] : memref<32768xf32, #tpu.memory_space<vmem>> -> memref<1024xf32, #tpu.memory_space<vmem>>
        tpu.wait_dma2 semaphore(%arg22 : memref<!tpu.dma_semaphore, #tpu.memory_space<semaphore_mem>>) src(%dma_wait3A_4094 : memref<1024xf32, #tpu.memory_space<vmem>>) dst(%dma_wait3A_4093 : memref<1024xf32, #tpu.memory_space<hbm>>)
      } else {
      }
      %mul3A_4085 = arith.constant 1024 : i32
      %mul3A_4086 = arith.muli %select_n3A_4079, %mul3A_4085 : i32
      %add3A_4087 = arith.addi %add3A_4036, %mul3A_4086 : i32
      %mul3A_4088 = arith.constant 1024 : i32
      %mul3A_4089 = arith.muli %select_n3A_4079, %mul3A_4088 : i32
      %add3A_4090 = arith.addi %add3A_4039, %mul3A_4089 : i32
    } else {
    }
    return
  }
}

</mosaic_0001>

<sc_bundles>
// kernel: kernel.3.cloned.1.call-start
scs
__scs_entry_jumppad:
0x0: {  	(pc) =	sbr.rel $0x88, $3  }
0x1: {  	(tag) =	ssettag $0x0;
	lr =	simm.s32 $0x1  }
0x2: {  	[smem:$0x3F9F] =	sst lr;
	_ =	strace $0xD0000000  }
0x3: {  	_ = 	snop  }
0x4: {  	_ = 	snop  }
0x5: {  	_ = 	snop  }
0x6: {  	_ = 	snop  }
0x7: {  	_ = 	snop  }
__scs_overlays_trampoline_lowered:
0x8: {  	[smem:$0x3FAE] =	sst s0  }
0x9: {  	[smem:$0x3FAF] =	sst s1  }
0xa: {  	[smem:$0x3FB0] =	sst s2  }
0xb: {  	[smem:$0x3FB1] =	sst s3  }
0xc: {  	[smem:$0x3FB2] =	sst s4  }
0xd: {  	[smem:$0x3FB3] =	sst s5  }
0xe: {  	[smem:$0x3FB4] =	sst s6  }
0xf: {  	[smem:$0x3FB5] =	sst s7  }
0x10: {  	[smem:$0x3FB6] =	sst s8  }
0x11: {  	[smem:$0x3FB7] =	sst s9;
	s0 =	simm.s32 @!p0 $0x0  }
0x12: {  	s1 =	sld [smem:$0x3F9D];
	s0 =	simm.s32 @p0 $0x1  }
0x13: {  	[smem:$0x3FB8] =	sst s0;
	s0 =	simm.s32 @!p1 $0x0  }
0x14: {  	s2 =	sld [smem:$0x3F9C];
	s0 =	simm.s32 @p1 $0x1  }
0x15: {  	[smem:$0x3FB9] =	sst s0;
	s0 =	simm.s32 @!p2 $0x0  }
0x16: {  	s3 =	sld [smem:$0x3FDB];
	s0 =	simm.s32 @p2 $0x1  }
0x17: {  	s4 =	simm.s32 $0x1BF5;
	[smem:$0x3FBB] =	sst s0  }
0x18: {  	s0 =	sld [smem:$0x3F9E];
	_ =	swait.ge [sflag:s4], $0x0  }
0x19: {  	s7 =	sld [smem:$0x3F9F]  }
0x1a: {  	s8 =	sadd.s32 $0xFFFFE003, lr  }
0x1b: {  	s9 =	sadd.s32 $0xFFFFFEF7, lr;
	s5 =	simm.s32 $0xFFFFFFFF;
	p2 =	slt.u32 s8, $0xFFFFF086  }
0x1c: {  	p1 =	slt.u32 s9, $0xF7A;
	s5 =	simm.s32 @!p2 $0x0  }
0x1d: {  	s5 =	simm.s32 @p1 $0x1;
	p0 =	seq.s32 s7, s2  }
0x1e: {  	s7 =	smul.u32 @!p0 $0xF7A, s2;
	p2 =	seq.s32 @!p0 s5, $0x0  }
0x1f: {  	s9 =	smul.u32 $0xF7A, s1;
	s8 =	simm.s32 @!p0 $0x1BF5;
	p2 =	por !p2, p0  }
0x20: {  	[sflag:s8] =	ssyncset.s32 @!p0 $0xFFFFF086;
	s6 =	sadd.s32 @!p0 s3, s7;
	s7 =	simm.s32 @!p0 $0x108  }
0x21: {  	s3 =	sadd.s32 s3, s9;
	s6 =	sadd.s32 @!p0 $0x88, s6;
	s7 =	simm.s32 @p2 $0x1082  }
0x22: {  	[simem:s7], [sflag:s8] =	dma.local @!p0 [hbm:s6], $0xF7A  }
0x23: {  	s9 =	sor.u32 $0xD0000000, s2;
	s6 =	simm.s32 $0x108;
	_ =	swait.ge @!p0 [sflag:s8], $0x0  }
0x24: {  	s3 =	sadd.s32 $0x88, s3;
	s6 =	simm.s32 @!p1 $0x1082;
	[sflag:s4] =	ssyncset.s32 $0xFFFFF086  }
0x25: {  	[simem:s6], [sflag:s4] =	dma.local [hbm:s3], $0xF7A  }
0x26: {  	[smem:$0x3F9F] =	sst s1;
	(tag) =	ssettag s2;
	_ =	strace s9  }
0x27: {  	s1 =	sld [smem:$0x3FAF]  }
0x28: {  	s2 =	sld [smem:$0x3FB0]  }
0x29: {  	s4 =	sld [smem:$0x3FB2]  }
0x2a: {  	p0 =	seq.s32 s5, $0x0;
	s5 =	sld [smem:$0x3FB3]  }
0x2b: {  	s6 =	sld [smem:$0x3FB4]  }
0x2c: {  	s7 =	sld [smem:$0x3FB5]  }
0x2d: {  	s3 =	simm.s32 $0x108;
	s8 =	sld [smem:$0x3FB6]  }
0x2e: {  	s3 =	simm.s32 @!p0 $0x1082;
	s9 =	sld [smem:$0x3FB7]  }
0x2f: {  	lr =	sadd.s32 s0, s3;
	s0 =	sld [smem:$0x3FAE]  }
0x30: {  	s3 =	sld [smem:$0x3FB1]  }
0x31: {  	[smem:$0x3FBA] =	sst s10  }
0x32: {  	s10 =	sld [smem:$0x3FB8];
	_ =	sdelay $0x3  }
0x33: {  	p0 =	seq.s32 s10, $0x1;
	s10 =	sld [smem:$0x3FBA];
	_ =	sdelay $0x3  }
0x34: {  	[smem:$0x3FBA] =	sst s10  }
0x35: {  	s10 =	sld [smem:$0x3FB9];
	_ =	sdelay $0x3  }
0x36: {  	p1 =	seq.s32 s10, $0x1;
	s10 =	sld [smem:$0x3FBA];
	_ =	sdelay $0x3  }
0x37: {  	[smem:$0x3FBA] =	sst s10  }
0x38: {  	s10 =	sld [smem:$0x3FBB]  }
0x39: {  	_ = 	snop;
	(pc) =	sbr.ind lr, $3  }
0x3a: {  	_ = 	snop  }
0x3b: {  	_ = 	snop  }
0x3c: {  	p2 =	seq.s32 s10, $0x1;
	s10 =	sld [smem:$0x3FBA]  }
0x3d: {  	_ =	shalt  }
0x3e: {  	_ =	shalt  }
0x3f: {  	_ =	shalt  }
0x40: {  	_ =	shalt  }
0x41: {  	_ =	shalt  }
0x42: {  	_ =	shalt  }
0x43: {  	_ =	shalt  }
0x44: {  	_ =	shalt  }
0x45: {  	_ =	shalt  }
0x46: {  	_ =	shalt  }
0x47: {  	_ =	shalt  }
0x48: {  	_ =	shalt  }
0x49: {  	_ =	shalt  }
0x4a: {  	_ =	shalt  }
0x4b: {  	_ =	shalt  }
0x4c: {  	_ =	shalt  }
0x4d: {  	_ =	shalt  }
0x4e: {  	_ =	shalt  }
0x4f: {  	_ =	shalt  }
0x50: {  	_ =	shalt  }
0x51: {  	_ =	shalt  }
0x52: {  	_ =	shalt  }
0x53: {  	_ =	shalt  }
0x54: {  	_ =	shalt  }
0x55: {  	_ =	shalt  }
0x56: {  	_ =	shalt  }
0x57: {  	_ =	shalt  }
0x58: {  	_ =	shalt  }
0x59: {  	_ =	shalt  }
0x5a: {  	_ =	shalt  }
0x5b: {  	_ =	shalt  }
0x5c: {  	_ =	shalt  }
0x5d: {  	_ =	shalt  }
0x5e: {  	_ =	shalt  }
0x5f: {  	_ =	shalt  }
0x60: {  	_ =	shalt  }
0x61: {  	_ =	shalt  }
0x62: {  	_ =	shalt  }
0x63: {  	_ =	shalt  }
0x64: {  	_ =	shalt  }
0x65: {  	_ =	shalt  }
0x66: {  	_ =	shalt  }
0x67: {  	_ =	shalt  }
0x68: {  	_ =	shalt  }
0x69: {  	_ =	shalt  }
0x6a: {  	_ =	shalt  }
0x6b: {  	_ =	shalt  }
0x6c: {  	_ =	shalt  }
0x6d: {  	_ =	shalt  }
0x6e: {  	_ =	shalt  }
0x6f: {  	_ =	shalt  }
0x70: {  	_ =	shalt  }
0x71: {  	_ =	shalt  }
0x72: {  	_ =	shalt  }
0x73: {  	_ =	shalt  }
0x74: {  	_ =	shalt  }
0x75: {  	_ =	shalt  }
0x76: {  	_ =	shalt  }
0x77: {  	_ =	shalt  }
0x78: {  	_ =	shalt  }
0x79: {  	_ =	shalt  }
0x7a: {  	_ =	shalt  }
0x7b: {  	_ =	shalt  }
0x7c: {  	_ =	shalt  }
0x7d: {  	_ =	shalt  }
0x7e: {  	_ =	shalt  }
0x7f: {  	_ =	shalt  }
0x80: {  	_ =	shalt  }
0x81: {  	_ =	shalt  }
0x82: {  	_ =	shalt  }
0x83: {  	_ =	shalt  }
0x84: {  	_ =	shalt  }
0x85: {  	_ =	shalt  }
0x86: {  	_ =	shalt  }
0x87: {  	_ =	shalt  }
.Lfunc_end0:
.L_simem_size_0:
called_computation_lowered:
.L_overlay_start_0:
0x88: {  	s2 =	sld [smem:$0x3FD9]  }
0x89: {  	s3 =	sld [smem:$0x3FFE];
	_ =	sdelay $0x1  }
0x8a: {  	s1 =	srdreg.scid  }
0x8b: {  	s0 =	sand.u32 $0x1, s1  }
0x8c: {  	s17 =	sshll.u32 s0, $0xA;
	s2 =	sadd.s32 s3, s2  }
0x8d: {  	s2 =	sadd.s32 s2, s17  }
0x8e: {  	[smem:$0x3FC6] =	sst s2  }
0x8f: {  	_ = 	snop  }
0x90: {  	s2 =	sld [smem:$0x3FD0];
	(tm) =	ssettm $0x1  }
0x91: {  	s18 =	sld [smem:$0x3FFB];
	_ =	sdelay $0x3  }
0x92: {  	_ =	strace s18  }
0x93: {  	s3 =	sld [smem:$0x3FFC];
	_ =	sdelay $0x3  }
0x94: {  	_ =	strace s3  }
0x95: {  	s3 =	sld [smem:$0x3FFD];
	_ =	sdelay $0x3  }
0x96: {  	_ =	strace s3  }
0x97: {  	_ =	strace $0x8FFFFFFF  }
0x98: {  	s19 =	sld [smem:$0x3FDB];
	_ =	sdelay $0x1  }
0x99: {  	s4 =	simm.s32 $_scs_section_size  }
0x9a: {  	s5 =	simm.s32 $_size__tile_overlayer_lowered;
	s6 =	simm.s32 $_tile_overlayer_lowered  }
0x9b: {  	s22 =	simm.s32 $0x1BFF;
	s21 =	sshll.u32 s6, $0x1;
	s3 =	sadd.s32 s4, s19  }
0x9c: {  	s7 =	simm.s32 $0x0;
	s20 =	sshll.u32 s5, $0x1;
	s5 =	sadd.s32 s21, s3  }
0x9d: {  	[timem:s7], [sflag:s22] =	dma.local [hbm:s5], s20  }
0x9e: {  	_ =	swait.ge [sflag:s22], s20  }
0x9f: {  	s4 =	ssub.s32 $0x0, s20;
	[sflag:s22] =	ssyncset.done $0x0  }
0xa0: {  	[sflag:s22] =	ssyncadd.s32 s4;
	_ =	sdelay $0x1  }
0xa1: {  	s23 =	simm.s32 $0x1B8B  }
0xa2: {  	_ =	swait.ge [sflag:s23], $0x1  }
0xa3: {  	[sflag:s23] =	ssyncset.done $0x0  }
0xa4: {  	s25 =	simm.s32 $0x1B8E;
	s24 =	sld [smem:$0x3FFE];
	[sflag:s23] =	ssyncadd.s32 $0xFFFFFFFF  }
0xa5: {  	s26 =	simm.s32 $execute0_lowered;
	[smem:$0x3FD2] =	sst s25  }
0xa6: {  	s5 =	sshll.u32 s26, $0x1;
	_ =	strace $0x80000046;
	[dreg:$0x1] =	wrdreg $0xFFFFFFFF  }
0xa7: {  	s28 =	simm.s32 $_size_execute0_lowered;
	s3 =	sadd.s32 s3, s5;
	[dreg:$0x0] =	wrdreg $0x0  }
0xa8: {  	s5 =	sshll.u32 s28, $0x1;
	[dreg:$0x2] =	wrdreg s3  }
0xa9: {  	[dreg:$0x3] =	wrdreg s5  }
0xaa: {  	[dreg:$0x4] =	wrdreg $0xC0  }
0xab: {  	_ =	task [dreg:s7], $0x5FFFF  }
0xac: {  	[dreg:$0x1] =	wrdreg $0xFFFFFFFF  }
0xad: {  	[dreg:$0x0] =	wrdreg $0x60  }
0xae: {  	[dreg:$0x2] =	wrdreg s2  }
0xaf: {  	[dreg:$0x3] =	wrdreg s24  }
0xb0: {  	[dreg:$0x4] =	wrdreg $0x9  }
0xb1: {  	_ =	task.clear_ibuf [dreg:s7], $0x5FFFF;
	_ =	strace $0x90000046  }
0xb2: {  	s29 =	simm.s32 $0x9;
	_ =	strace $0x80000048  }
0xb3: {  	_ =	swait.ge [sflag:s29], $0x1  }
0xb4: {  	[sflag:s29] =	ssyncadd.s32 $0xFFFFFFFF  }
0xb5: {  	_ =	strace $0x90000048  }
0xb6: {  	_ =	sfence  }
0xb7: {  	s30 =	sld [smem:$0x0];
	_ =	sdelay $0x2  }
0xb8: {  	s31 =	sshll.u32 s1, $0xD;
	s1 =	sshrl.u32 s1, $0x2  }
0xb9: {  	s3 =	sand.u32 $0x4000, s31;
	s1 =	sadd.s32 s1, s30  }
0xba: {  	s0 =	sor.u32 s3, s0;
	s1 =	sshll.u32 s1, $0x11  }
0xbb: {  	s0 =	sor.u32 s1, s0  }
0xbc: {  	s0 =	sadd.s32 $0x8F2B, s0  }
0xbd: {  	[sflag:s0] =	ssyncadd.remote.s32 $0x1  }
0xbe: {  	_ =	sfence.sel $0xFFFF  }
0xbf: {  	[dreg:$0x0] =	wrdreg $0xFFFFFFFF;
	(pc) =	sbr.abs _section_cstart, $3  }
0xc0: {  	[dreg:$0x1] =	wrdreg $0xFFFFFFFF  }
0xc1: {  	_ =	task.clear_ibuf [dreg:s7], $0x2FFFF;
	_ =	strace $0x9FFFFFFF  }
0xc2: {  	(tm) =	ssettm $0x7FFFFFFF  }
0xc3: {  	_ =	shalt  }
tec
execute0_lowered:
.L_overlay_start_1:
0x0: {  	(tag) =	ssettag $0x1  }
0x1: {  	s7 =	rddreg [dreg:$0x0]  }
0x2: {  	s5 =	rddreg [dreg:$0x1]  }
0x3: {  	s0 =	rddreg [dreg:$0x2];
	s3 =	srdreg.scid;
	s2 =	simm.s32 $0x0  }
0x4: {  	s1 =	stileid.u32;
	s14 =	simm.s32 $0x2080;
	s15 =	simm.s32 $0x1  }
0x5: {  	s16 =	simm.s32 $0x80;
	s17 =	simm.s32 $0x2;
	s18 =	simm.s32 $0x4  }
0x6: {  	s19 =	simm.s32 $0x5;
	s20 =	simm.s32 $0x6;
	s21 =	simm.s32 $0x7  }
0x7: {  	s3 =	sand.u32 $0x1, s3;
	[smem:$0x7FF] =	sst s2;
	s4 =	sshll.u32 s1, $0x10  }
0x8: {  	s12 =	sadd.s32 $0x3FEA, s1;
	s6 =	sshll.u32 s3, $0xF;
	_ =	strace $0x80000047  }
.Ltmp0:
0x9: {  	s8 =	ssub.s32 $0x2, s3;
	s3 =	sor.u32 s6, s4;
	(pc) =	sbr.rel .LBB2_1-.Ltmp0, $4  }
0xa: {  	s4 =	sadd.s32 $0x800, s5;
	s31 =	sshrl.u32 s8, $0x1;
	s5 =	sadd.s32 $0x600, s5  }
0xb: {  	s9 =	sshrl.u32 s3, $0x3;
	s13 =	ssub.s32 s8, s31;
	s11 =	sor.u32 $0x2000, s3  }
0xc: {  	s6 =	sadd.s32 s4, s9;
	s7 =	sadd.s32 s7, s9;
	s13 =	smax.u32 s13, $0x1  }
0xd: {  	v0 =	vimm.f32 $0.0e+00;
	v1 =	vlaneseq.u32;
	s8 =	sadd.s32 $0x400, s6;
	s9 =	sadd.s32 $0x800, s6;
	s10 =	sadd.s32 $0xC00, s6  }
.LBB2_3:
0xe: {  	s13 =	sadd.s32 $0xFFFFFFFF, s13  }
0xf: {  	p0 =	sne.s32 s13, $0x0  }
.Ltmp1:
0x10: {  	_ = 	snop;
	(pc) =	sbr.rel @!p0 .LBB2_4-.Ltmp1, $1  }
0x11: {  	_ =	sdelay $0x3  }
.LBB2_1:
0x12: {  	[tilespmem:s2], [sflag:$0x1] =	stream.linear.gather [hbm4b:s5+s2], $0x80, $0x38;
	[tilespmem:$0xA080] =	vst v63  }
0x13: {  	_ = 	snop  }
0x14: {  	[tilespmem:s14], [sflag:$0x2] =	stream.linear.gather [hbm4b:s7+s2], $0x8000, $0x38;
	[tilespmem:$0xA080] =	vst v63  }
0x15: {  	[tilespmem:$0x80] =	vst v0  }
0x16: {  	[tilespmem:$0x90] =	vst v0  }
0x17: {  	[tilespmem:$0xA0] =	vst v0  }
0x18: {  	[tilespmem:$0xB0] =	vst v0  }
0x19: {  	[tilespmem:$0xC0] =	vst v0  }
0x1a: {  	[tilespmem:$0xD0] =	vst v0  }
0x1b: {  	[tilespmem:$0xE0] =	vst v0  }
0x1c: {  	[tilespmem:$0xF0] =	vst v0  }
0x1d: {  	[tilespmem:$0x100] =	vst v0  }
0x1e: {  	[tilespmem:$0x110] =	vst v0  }
0x1f: {  	[tilespmem:$0x120] =	vst v0  }
0x20: {  	[tilespmem:$0x130] =	vst v0  }
0x21: {  	[tilespmem:$0x140] =	vst v0  }
0x22: {  	[tilespmem:$0x150] =	vst v0  }
0x23: {  	[tilespmem:$0x160] =	vst v0  }
0x24: {  	[tilespmem:$0x170] =	vst v0  }
0x25: {  	[tilespmem:$0x180] =	vst v0  }
0x26: {  	[tilespmem:$0x190] =	vst v0  }
0x27: {  	[tilespmem:$0x1A0] =	vst v0  }
0x28: {  	[tilespmem:$0x1B0] =	vst v0  }
0x29: {  	[tilespmem:$0x1C0] =	vst v0  }
0x2a: {  	[tilespmem:$0x1D0] =	vst v0  }
0x2b: {  	[tilespmem:$0x1E0] =	vst v0  }
0x2c: {  	[tilespmem:$0x1F0] =	vst v0  }
0x2d: {  	[tilespmem:$0x200] =	vst v0  }
0x2e: {  	[tilespmem:$0x210] =	vst v0  }
0x2f: {  	[tilespmem:$0x220] =	vst v0  }
0x30: {  	[tilespmem:$0x230] =	vst v0  }
0x31: {  	[tilespmem:$0x240] =	vst v0  }
0x32: {  	[tilespmem:$0x250] =	vst v0  }
0x33: {  	[tilespmem:$0x260] =	vst v0  }
0x34: {  	[tilespmem:$0x270] =	vst v0  }
0x35: {  	[tilespmem:$0x280] =	vst v0  }
0x36: {  	[tilespmem:$0x290] =	vst v0  }
0x37: {  	[tilespmem:$0x2A0] =	vst v0  }
0x38: {  	[tilespmem:$0x2B0] =	vst v0  }
0x39: {  	[tilespmem:$0x2C0] =	vst v0  }
0x3a: {  	[tilespmem:$0x2D0] =	vst v0  }
0x3b: {  	[tilespmem:$0x2E0] =	vst v0  }
0x3c: {  	[tilespmem:$0x2F0] =	vst v0  }
0x3d: {  	[tilespmem:$0x300] =	vst v0  }
0x3e: {  	[tilespmem:$0x310] =	vst v0  }
0x3f: {  	[tilespmem:$0x320] =	vst v0  }
0x40: {  	[tilespmem:$0x330] =	vst v0  }
0x41: {  	[tilespmem:$0x340] =	vst v0  }
0x42: {  	[tilespmem:$0x350] =	vst v0  }
0x43: {  	[tilespmem:$0x360] =	vst v0  }
0x44: {  	[tilespmem:$0x370] =	vst v0  }
0x45: {  	[tilespmem:$0x380] =	vst v0  }
0x46: {  	[tilespmem:$0x390] =	vst v0  }
0x47: {  	[tilespmem:$0x3A0] =	vst v0  }
0x48: {  	[tilespmem:$0x3B0] =	vst v0  }
0x49: {  	[tilespmem:$0x3C0] =	vst v0  }
0x4a: {  	[tilespmem:$0x3D0] =	vst v0  }
0x4b: {  	[tilespmem:$0x3E0] =	vst v0  }
0x4c: {  	[tilespmem:$0x3F0] =	vst v0  }
0x4d: {  	[tilespmem:$0x400] =	vst v0  }
0x4e: {  	[tilespmem:$0x410] =	vst v0  }
0x4f: {  	[tilespmem:$0x420] =	vst v0  }
0x50: {  	[tilespmem:$0x430] =	vst v0  }
0x51: {  	[tilespmem:$0x440] =	vst v0  }
0x52: {  	[tilespmem:$0x450] =	vst v0  }
0x53: {  	[tilespmem:$0x460] =	vst v0  }
0x54: {  	[tilespmem:$0x470] =	vst v0  }
0x55: {  	[tilespmem:$0x480] =	vst v0  }
0x56: {  	[tilespmem:$0x490] =	vst v0  }
0x57: {  	[tilespmem:$0x4A0] =	vst v0  }
0x58: {  	[tilespmem:$0x4B0] =	vst v0  }
0x59: {  	[tilespmem:$0x4C0] =	vst v0  }
0x5a: {  	[tilespmem:$0x4D0] =	vst v0  }
0x5b: {  	[tilespmem:$0x4E0] =	vst v0  }
0x5c: {  	[tilespmem:$0x4F0] =	vst v0  }
0x5d: {  	[tilespmem:$0x500] =	vst v0  }
0x5e: {  	[tilespmem:$0x510] =	vst v0  }
0x5f: {  	[tilespmem:$0x520] =	vst v0  }
0x60: {  	[tilespmem:$0x530] =	vst v0  }
0x61: {  	[tilespmem:$0x540] =	vst v0  }
0x62: {  	[tilespmem:$0x550] =	vst v0  }
0x63: {  	[tilespmem:$0x560] =	vst v0  }
0x64: {  	[tilespmem:$0x570] =	vst v0  }
0x65: {  	[tilespmem:$0x580] =	vst v0  }
0x66: {  	[tilespmem:$0x590] =	vst v0  }
0x67: {  	[tilespmem:$0x5A0] =	vst v0  }
0x68: {  	[tilespmem:$0x5B0] =	vst v0  }
0x69: {  	[tilespmem:$0x5C0] =	vst v0  }
0x6a: {  	[tilespmem:$0x5D0] =	vst v0  }
0x6b: {  	[tilespmem:$0x5E0] =	vst v0  }
0x6c: {  	[tilespmem:$0x5F0] =	vst v0  }
0x6d: {  	[tilespmem:$0x600] =	vst v0  }
0x6e: {  	[tilespmem:$0x610] =	vst v0  }
0x6f: {  	[tilespmem:$0x620] =	vst v0  }
0x70: {  	[tilespmem:$0x630] =	vst v0  }
0x71: {  	[tilespmem:$0x640] =	vst v0  }
0x72: {  	[tilespmem:$0x650] =	vst v0  }
0x73: {  	[tilespmem:$0x660] =	vst v0  }
0x74: {  	[tilespmem:$0x670] =	vst v0  }
0x75: {  	[tilespmem:$0x680] =	vst v0  }
0x76: {  	[tilespmem:$0x690] =	vst v0  }
0x77: {  	[tilespmem:$0x6A0] =	vst v0  }
0x78: {  	[tilespmem:$0x6B0] =	vst v0  }
0x79: {  	[tilespmem:$0x6C0] =	vst v0  }
0x7a: {  	[tilespmem:$0x6D0] =	vst v0  }
0x7b: {  	[tilespmem:$0x6E0] =	vst v0  }
0x7c: {  	[tilespmem:$0x6F0] =	vst v0  }
0x7d: {  	[tilespmem:$0x700] =	vst v0  }
0x7e: {  	[tilespmem:$0x710] =	vst v0  }
0x7f: {  	[tilespmem:$0x720] =	vst v0  }
0x80: {  	[tilespmem:$0x730] =	vst v0  }
0x81: {  	[tilespmem:$0x740] =	vst v0  }
0x82: {  	[tilespmem:$0x750] =	vst v0  }
0x83: {  	[tilespmem:$0x760] =	vst v0  }
0x84: {  	[tilespmem:$0x770] =	vst v0  }
0x85: {  	[tilespmem:$0x780] =	vst v0  }
0x86: {  	[tilespmem:$0x790] =	vst v0  }
0x87: {  	[tilespmem:$0x7A0] =	vst v0  }
0x88: {  	[tilespmem:$0x7B0] =	vst v0  }
0x89: {  	[tilespmem:$0x7C0] =	vst v0  }
0x8a: {  	[tilespmem:$0x7D0] =	vst v0  }
0x8b: {  	[tilespmem:$0x7E0] =	vst v0  }
0x8c: {  	[tilespmem:$0x7F0] =	vst v0  }
0x8d: {  	[tilespmem:$0x800] =	vst v0  }
0x8e: {  	[tilespmem:$0x810] =	vst v0  }
0x8f: {  	[tilespmem:$0x820] =	vst v0  }
0x90: {  	[tilespmem:$0x830] =	vst v0  }
0x91: {  	[tilespmem:$0x840] =	vst v0  }
0x92: {  	[tilespmem:$0x850] =	vst v0  }
0x93: {  	[tilespmem:$0x860] =	vst v0  }
0x94: {  	[tilespmem:$0x870] =	vst v0  }
0x95: {  	[tilespmem:$0x880] =	vst v0  }
0x96: {  	[tilespmem:$0x890] =	vst v0  }
0x97: {  	[tilespmem:$0x8A0] =	vst v0  }
0x98: {  	[tilespmem:$0x8B0] =	vst v0  }
0x99: {  	[tilespmem:$0x8C0] =	vst v0  }
0x9a: {  	[tilespmem:$0x8D0] =	vst v0  }
0x9b: {  	[tilespmem:$0x8E0] =	vst v0  }
0x9c: {  	[tilespmem:$0x8F0] =	vst v0  }
0x9d: {  	[tilespmem:$0x900] =	vst v0  }
0x9e: {  	[tilespmem:$0x910] =	vst v0  }
0x9f: {  	[tilespmem:$0x920] =	vst v0  }
0xa0: {  	[tilespmem:$0x930] =	vst v0  }
0xa1: {  	[tilespmem:$0x940] =	vst v0  }
0xa2: {  	[tilespmem:$0x950] =	vst v0  }
0xa3: {  	[tilespmem:$0x960] =	vst v0  }
0xa4: {  	[tilespmem:$0x970] =	vst v0  }
0xa5: {  	[tilespmem:$0x980] =	vst v0  }
0xa6: {  	[tilespmem:$0x990] =	vst v0  }
0xa7: {  	[tilespmem:$0x9A0] =	vst v0  }
0xa8: {  	[tilespmem:$0x9B0] =	vst v0  }
0xa9: {  	[tilespmem:$0x9C0] =	vst v0  }
0xaa: {  	[tilespmem:$0x9D0] =	vst v0  }
0xab: {  	[tilespmem:$0x9E0] =	vst v0  }
0xac: {  	[tilespmem:$0x9F0] =	vst v0  }
0xad: {  	[tilespmem:$0xA00] =	vst v0  }
0xae: {  	[tilespmem:$0xA10] =	vst v0  }
0xaf: {  	[tilespmem:$0xA20] =	vst v0  }
0xb0: {  	[tilespmem:$0xA30] =	vst v0  }
0xb1: {  	[tilespmem:$0xA40] =	vst v0  }
0xb2: {  	[tilespmem:$0xA50] =	vst v0  }
0xb3: {  	[tilespmem:$0xA60] =	vst v0  }
0xb4: {  	[tilespmem:$0xA70] =	vst v0  }
0xb5: {  	[tilespmem:$0xA80] =	vst v0  }
0xb6: {  	[tilespmem:$0xA90] =	vst v0  }
0xb7: {  	[tilespmem:$0xAA0] =	vst v0  }
0xb8: {  	[tilespmem:$0xAB0] =	vst v0  }
0xb9: {  	[tilespmem:$0xAC0] =	vst v0  }
0xba: {  	[tilespmem:$0xAD0] =	vst v0  }
0xbb: {  	[tilespmem:$0xAE0] =	vst v0  }
0xbc: {  	[tilespmem:$0xAF0] =	vst v0  }
0xbd: {  	[tilespmem:$0xB00] =	vst v0  }
0xbe: {  	[tilespmem:$0xB10] =	vst v0  }
0xbf: {  	[tilespmem:$0xB20] =	vst v0  }
0xc0: {  	[tilespmem:$0xB30] =	vst v0  }
0xc1: {  	[tilespmem:$0xB40] =	vst v0  }
0xc2: {  	[tilespmem:$0xB50] =	vst v0  }
0xc3: {  	[tilespmem:$0xB60] =	vst v0  }
0xc4: {  	[tilespmem:$0xB70] =	vst v0  }
0xc5: {  	[tilespmem:$0xB80] =	vst v0  }
0xc6: {  	[tilespmem:$0xB90] =	vst v0  }
0xc7: {  	[tilespmem:$0xBA0] =	vst v0  }
0xc8: {  	[tilespmem:$0xBB0] =	vst v0  }
0xc9: {  	[tilespmem:$0xBC0] =	vst v0  }
0xca: {  	[tilespmem:$0xBD0] =	vst v0  }
0xcb: {  	[tilespmem:$0xBE0] =	vst v0  }
0xcc: {  	[tilespmem:$0xBF0] =	vst v0  }
0xcd: {  	[tilespmem:$0xC00] =	vst v0  }
0xce: {  	[tilespmem:$0xC10] =	vst v0  }
0xcf: {  	[tilespmem:$0xC20] =	vst v0  }
0xd0: {  	[tilespmem:$0xC30] =	vst v0  }
0xd1: {  	[tilespmem:$0xC40] =	vst v0  }
0xd2: {  	[tilespmem:$0xC50] =	vst v0  }
0xd3: {  	[tilespmem:$0xC60] =	vst v0  }
0xd4: {  	[tilespmem:$0xC70] =	vst v0  }
0xd5: {  	[tilespmem:$0xC80] =	vst v0  }
0xd6: {  	[tilespmem:$0xC90] =	vst v0  }
0xd7: {  	[tilespmem:$0xCA0] =	vst v0  }
0xd8: {  	[tilespmem:$0xCB0] =	vst v0  }
0xd9: {  	[tilespmem:$0xCC0] =	vst v0  }
0xda: {  	[tilespmem:$0xCD0] =	vst v0  }
0xdb: {  	[tilespmem:$0xCE0] =	vst v0  }
0xdc: {  	[tilespmem:$0xCF0] =	vst v0  }
0xdd: {  	[tilespmem:$0xD00] =	vst v0  }
0xde: {  	[tilespmem:$0xD10] =	vst v0  }
0xdf: {  	[tilespmem:$0xD20] =	vst v0  }
0xe0: {  	[tilespmem:$0xD30] =	vst v0  }
0xe1: {  	[tilespmem:$0xD40] =	vst v0  }
0xe2: {  	[tilespmem:$0xD50] =	vst v0  }
0xe3: {  	[tilespmem:$0xD60] =	vst v0  }
0xe4: {  	[tilespmem:$0xD70] =	vst v0  }
0xe5: {  	[tilespmem:$0xD80] =	vst v0  }
0xe6: {  	[tilespmem:$0xD90] =	vst v0  }
0xe7: {  	[tilespmem:$0xDA0] =	vst v0  }
0xe8: {  	[tilespmem:$0xDB0] =	vst v0  }
0xe9: {  	[tilespmem:$0xDC0] =	vst v0  }
0xea: {  	[tilespmem:$0xDD0] =	vst v0  }
0xeb: {  	[tilespmem:$0xDE0] =	vst v0  }
0xec: {  	[tilespmem:$0xDF0] =	vst v0  }
0xed: {  	[tilespmem:$0xE00] =	vst v0  }
0xee: {  	[tilespmem:$0xE10] =	vst v0  }
0xef: {  	[tilespmem:$0xE20] =	vst v0  }
0xf0: {  	[tilespmem:$0xE30] =	vst v0  }
0xf1: {  	[tilespmem:$0xE40] =	vst v0  }
0xf2: {  	[tilespmem:$0xE50] =	vst v0  }
0xf3: {  	[tilespmem:$0xE60] =	vst v0  }
0xf4: {  	[tilespmem:$0xE70] =	vst v0  }
0xf5: {  	[tilespmem:$0xE80] =	vst v0  }
0xf6: {  	[tilespmem:$0xE90] =	vst v0  }
0xf7: {  	[tilespmem:$0xEA0] =	vst v0  }
0xf8: {  	[tilespmem:$0xEB0] =	vst v0  }
0xf9: {  	[tilespmem:$0xEC0] =	vst v0  }
0xfa: {  	[tilespmem:$0xED0] =	vst v0  }
0xfb: {  	[tilespmem:$0xEE0] =	vst v0  }
0xfc: {  	[tilespmem:$0xEF0] =	vst v0  }
0xfd: {  	[tilespmem:$0xF00] =	vst v0  }
0xfe: {  	[tilespmem:$0xF10] =	vst v0  }
0xff: {  	[tilespmem:$0xF20] =	vst v0  }
0x100: {  	[tilespmem:$0xF30] =	vst v0  }
0x101: {  	[tilespmem:$0xF40] =	vst v0  }
0x102: {  	[tilespmem:$0xF50] =	vst v0  }
0x103: {  	[tilespmem:$0xF60] =	vst v0  }
0x104: {  	[tilespmem:$0xF70] =	vst v0  }
0x105: {  	[tilespmem:$0xF80] =	vst v0  }
0x106: {  	[tilespmem:$0xF90] =	vst v0  }
0x107: {  	[tilespmem:$0xFA0] =	vst v0  }
0x108: {  	[tilespmem:$0xFB0] =	vst v0  }
0x109: {  	[tilespmem:$0xFC0] =	vst v0  }
0x10a: {  	[tilespmem:$0xFD0] =	vst v0  }
0x10b: {  	[tilespmem:$0xFE0] =	vst v0  }
0x10c: {  	[tilespmem:$0xFF0] =	vst v0  }
0x10d: {  	[tilespmem:$0x1000] =	vst v0  }
0x10e: {  	[tilespmem:$0x1010] =	vst v0  }
0x10f: {  	[tilespmem:$0x1020] =	vst v0  }
0x110: {  	[tilespmem:$0x1030] =	vst v0  }
0x111: {  	[tilespmem:$0x1040] =	vst v0  }
0x112: {  	[tilespmem:$0x1050] =	vst v0  }
0x113: {  	[tilespmem:$0x1060] =	vst v0  }
0x114: {  	[tilespmem:$0x1070] =	vst v0  }
0x115: {  	[tilespmem:$0x1080] =	vst v0  }
0x116: {  	[tilespmem:$0x1090] =	vst v0  }
0x117: {  	[tilespmem:$0x10A0] =	vst v0  }
0x118: {  	[tilespmem:$0x10B0] =	vst v0  }
0x119: {  	[tilespmem:$0x10C0] =	vst v0  }
0x11a: {  	[tilespmem:$0x10D0] =	vst v0  }
0x11b: {  	[tilespmem:$0x10E0] =	vst v0  }
0x11c: {  	[tilespmem:$0x10F0] =	vst v0  }
0x11d: {  	[tilespmem:$0x1100] =	vst v0  }
0x11e: {  	[tilespmem:$0x1110] =	vst v0  }
0x11f: {  	[tilespmem:$0x1120] =	vst v0  }
0x120: {  	[tilespmem:$0x1130] =	vst v0  }
0x121: {  	[tilespmem:$0x1140] =	vst v0  }
0x122: {  	[tilespmem:$0x1150] =	vst v0  }
0x123: {  	[tilespmem:$0x1160] =	vst v0  }
0x124: {  	[tilespmem:$0x1170] =	vst v0  }
0x125: {  	[tilespmem:$0x1180] =	vst v0  }
0x126: {  	[tilespmem:$0x1190] =	vst v0  }
0x127: {  	[tilespmem:$0x11A0] =	vst v0  }
0x128: {  	[tilespmem:$0x11B0] =	vst v0  }
0x129: {  	[tilespmem:$0x11C0] =	vst v0  }
0x12a: {  	[tilespmem:$0x11D0] =	vst v0  }
0x12b: {  	[tilespmem:$0x2060] =	vst v0  }
0x12c: {  	[tilespmem:$0x2050] =	vst v0  }
0x12d: {  	[tilespmem:$0x2040] =	vst v0  }
0x12e: {  	[tilespmem:$0x2030] =	vst v0  }
0x12f: {  	[tilespmem:$0x2020] =	vst v0  }
0x130: {  	[tilespmem:$0x2010] =	vst v0  }
0x131: {  	[tilespmem:$0x2000] =	vst v0  }
0x132: {  	[tilespmem:$0x1FF0] =	vst v0  }
0x133: {  	[tilespmem:$0x1FE0] =	vst v0  }
0x134: {  	[tilespmem:$0x1FD0] =	vst v0  }
0x135: {  	[tilespmem:$0x1FC0] =	vst v0  }
0x136: {  	[tilespmem:$0x1FB0] =	vst v0  }
0x137: {  	[tilespmem:$0x1FA0] =	vst v0  }
0x138: {  	[tilespmem:$0x1F90] =	vst v0  }
0x139: {  	[tilespmem:$0x11E0] =	vst v0  }
0x13a: {  	[tilespmem:$0x11F0] =	vst v0  }
0x13b: {  	[tilespmem:$0x1200] =	vst v0  }
0x13c: {  	[tilespmem:$0x1210] =	vst v0  }
0x13d: {  	[tilespmem:$0x1220] =	vst v0  }
0x13e: {  	[tilespmem:$0x1230] =	vst v0  }
0x13f: {  	[tilespmem:$0x1240] =	vst v0  }
0x140: {  	[tilespmem:$0x1250] =	vst v0  }
0x141: {  	[tilespmem:$0x1260] =	vst v0  }
0x142: {  	[tilespmem:$0x1270] =	vst v0  }
0x143: {  	[tilespmem:$0x1280] =	vst v0  }
0x144: {  	[tilespmem:$0x1290] =	vst v0  }
0x145: {  	[tilespmem:$0x12A0] =	vst v0  }
0x146: {  	[tilespmem:$0x12B0] =	vst v0  }
0x147: {  	[tilespmem:$0x12C0] =	vst v0  }
0x148: {  	[tilespmem:$0x12D0] =	vst v0  }
0x149: {  	[tilespmem:$0x12E0] =	vst v0  }
0x14a: {  	[tilespmem:$0x12F0] =	vst v0  }
0x14b: {  	[tilespmem:$0x1300] =	vst v0  }
0x14c: {  	[tilespmem:$0x1310] =	vst v0  }
0x14d: {  	[tilespmem:$0x1320] =	vst v0  }
0x14e: {  	[tilespmem:$0x1330] =	vst v0  }
0x14f: {  	[tilespmem:$0x1340] =	vst v0  }
0x150: {  	[tilespmem:$0x1350] =	vst v0  }
0x151: {  	[tilespmem:$0x1360] =	vst v0  }
0x152: {  	[tilespmem:$0x1370] =	vst v0  }
0x153: {  	[tilespmem:$0x1380] =	vst v0  }
0x154: {  	[tilespmem:$0x1390] =	vst v0  }
0x155: {  	[tilespmem:$0x13A0] =	vst v0  }
0x156: {  	[tilespmem:$0x13B0] =	vst v0  }
0x157: {  	[tilespmem:$0x13C0] =	vst v0  }
0x158: {  	[tilespmem:$0x13D0] =	vst v0  }
0x159: {  	[tilespmem:$0x13E0] =	vst v0  }
0x15a: {  	[tilespmem:$0x13F0] =	vst v0  }
0x15b: {  	[tilespmem:$0x1400] =	vst v0  }
0x15c: {  	[tilespmem:$0x1410] =	vst v0  }
0x15d: {  	[tilespmem:$0x1420] =	vst v0  }
0x15e: {  	[tilespmem:$0x1430] =	vst v0  }
0x15f: {  	[tilespmem:$0x1440] =	vst v0  }
0x160: {  	[tilespmem:$0x1450] =	vst v0  }
0x161: {  	[tilespmem:$0x1460] =	vst v0  }
0x162: {  	[tilespmem:$0x1470] =	vst v0  }
0x163: {  	[tilespmem:$0x1480] =	vst v0  }
0x164: {  	[tilespmem:$0x1490] =	vst v0  }
0x165: {  	[tilespmem:$0x14A0] =	vst v0  }
0x166: {  	[tilespmem:$0x14B0] =	vst v0  }
0x167: {  	[tilespmem:$0x14C0] =	vst v0  }
0x168: {  	[tilespmem:$0x14D0] =	vst v0  }
0x169: {  	[tilespmem:$0x14E0] =	vst v0  }
0x16a: {  	[tilespmem:$0x14F0] =	vst v0  }
0x16b: {  	[tilespmem:$0x1500] =	vst v0  }
0x16c: {  	[tilespmem:$0x1510] =	vst v0  }
0x16d: {  	[tilespmem:$0x1520] =	vst v0  }
0x16e: {  	[tilespmem:$0x1530] =	vst v0  }
0x16f: {  	[tilespmem:$0x1540] =	vst v0  }
0x170: {  	[tilespmem:$0x1550] =	vst v0  }
0x171: {  	[tilespmem:$0x1560] =	vst v0  }
0x172: {  	[tilespmem:$0x1570] =	vst v0  }
0x173: {  	[tilespmem:$0x1580] =	vst v0  }
0x174: {  	[tilespmem:$0x1590] =	vst v0  }
0x175: {  	[tilespmem:$0x15A0] =	vst v0  }
0x176: {  	[tilespmem:$0x15B0] =	vst v0  }
0x177: {  	[tilespmem:$0x15C0] =	vst v0  }
0x178: {  	[tilespmem:$0x15D0] =	vst v0  }
0x179: {  	[tilespmem:$0x15E0] =	vst v0  }
0x17a: {  	[tilespmem:$0x15F0] =	vst v0  }
0x17b: {  	[tilespmem:$0x1600] =	vst v0  }
0x17c: {  	[tilespmem:$0x1610] =	vst v0  }
0x17d: {  	[tilespmem:$0x1620] =	vst v0  }
0x17e: {  	[tilespmem:$0x1630] =	vst v0  }
0x17f: {  	[tilespmem:$0x1640] =	vst v0  }
0x180: {  	[tilespmem:$0x1650] =	vst v0  }
0x181: {  	[tilespmem:$0x1660] =	vst v0  }
0x182: {  	[tilespmem:$0x1670] =	vst v0  }
0x183: {  	[tilespmem:$0x1680] =	vst v0  }
0x184: {  	[tilespmem:$0x1690] =	vst v0  }
0x185: {  	[tilespmem:$0x16A0] =	vst v0  }
0x186: {  	[tilespmem:$0x16B0] =	vst v0  }
0x187: {  	[tilespmem:$0x16C0] =	vst v0  }
0x188: {  	[tilespmem:$0x16D0] =	vst v0  }
0x189: {  	[tilespmem:$0x16E0] =	vst v0  }
0x18a: {  	[tilespmem:$0x16F0] =	vst v0  }
0x18b: {  	[tilespmem:$0x1700] =	vst v0  }
0x18c: {  	[tilespmem:$0x1710] =	vst v0  }
0x18d: {  	[tilespmem:$0x1720] =	vst v0  }
0x18e: {  	[tilespmem:$0x1730] =	vst v0  }
0x18f: {  	[tilespmem:$0x1740] =	vst v0  }
0x190: {  	[tilespmem:$0x1750] =	vst v0  }
0x191: {  	[tilespmem:$0x1760] =	vst v0  }
0x192: {  	[tilespmem:$0x1770] =	vst v0  }
0x193: {  	[tilespmem:$0x1780] =	vst v0  }
0x194: {  	[tilespmem:$0x1790] =	vst v0  }
0x195: {  	[tilespmem:$0x17A0] =	vst v0  }
0x196: {  	[tilespmem:$0x17B0] =	vst v0  }
0x197: {  	[tilespmem:$0x17C0] =	vst v0  }
0x198: {  	[tilespmem:$0x17D0] =	vst v0  }
0x199: {  	[tilespmem:$0x17E0] =	vst v0  }
0x19a: {  	[tilespmem:$0x17F0] =	vst v0  }
0x19b: {  	[tilespmem:$0x1800] =	vst v0  }
0x19c: {  	[tilespmem:$0x1810] =	vst v0  }
0x19d: {  	[tilespmem:$0x1820] =	vst v0  }
0x19e: {  	[tilespmem:$0x1830] =	vst v0  }
0x19f: {  	[tilespmem:$0x1840] =	vst v0  }
0x1a0: {  	[tilespmem:$0x1850] =	vst v0  }
0x1a1: {  	[tilespmem:$0x1860] =	vst v0  }
0x1a2: {  	[tilespmem:$0x1870] =	vst v0  }
0x1a3: {  	[tilespmem:$0x1880] =	vst v0  }
0x1a4: {  	[tilespmem:$0x1890] =	vst v0  }
0x1a5: {  	[tilespmem:$0x18A0] =	vst v0  }
0x1a6: {  	[tilespmem:$0x18B0] =	vst v0  }
0x1a7: {  	[tilespmem:$0x18C0] =	vst v0  }
0x1a8: {  	[tilespmem:$0x18D0] =	vst v0  }
0x1a9: {  	[tilespmem:$0x18E0] =	vst v0  }
0x1aa: {  	[tilespmem:$0x18F0] =	vst v0  }
0x1ab: {  	[tilespmem:$0x1900] =	vst v0  }
0x1ac: {  	[tilespmem:$0x1910] =	vst v0  }
0x1ad: {  	[tilespmem:$0x1920] =	vst v0  }
0x1ae: {  	[tilespmem:$0x1930] =	vst v0  }
0x1af: {  	[tilespmem:$0x1940] =	vst v0  }
0x1b0: {  	[tilespmem:$0x1950] =	vst v0  }
0x1b1: {  	[tilespmem:$0x1960] =	vst v0  }
0x1b2: {  	[tilespmem:$0x1970] =	vst v0  }
0x1b3: {  	[tilespmem:$0x1980] =	vst v0  }
0x1b4: {  	[tilespmem:$0x1990] =	vst v0  }
0x1b5: {  	[tilespmem:$0x19A0] =	vst v0  }
0x1b6: {  	[tilespmem:$0x19B0] =	vst v0  }
0x1b7: {  	[tilespmem:$0x19C0] =	vst v0  }
0x1b8: {  	[tilespmem:$0x19D0] =	vst v0  }
0x1b9: {  	[tilespmem:$0x19E0] =	vst v0  }
0x1ba: {  	[tilespmem:$0x19F0] =	vst v0  }
0x1bb: {  	[tilespmem:$0x1A00] =	vst v0  }
0x1bc: {  	[tilespmem:$0x1A10] =	vst v0  }
0x1bd: {  	[tilespmem:$0x1A20] =	vst v0  }
0x1be: {  	[tilespmem:$0x1A30] =	vst v0  }
0x1bf: {  	[tilespmem:$0x1A40] =	vst v0  }
0x1c0: {  	[tilespmem:$0x1A50] =	vst v0  }
0x1c1: {  	[tilespmem:$0x1A60] =	vst v0  }
0x1c2: {  	[tilespmem:$0x1A70] =	vst v0  }
0x1c3: {  	[tilespmem:$0x1A80] =	vst v0  }
0x1c4: {  	[tilespmem:$0x1A90] =	vst v0  }
0x1c5: {  	[tilespmem:$0x1AA0] =	vst v0  }
0x1c6: {  	[tilespmem:$0x1AB0] =	vst v0  }
0x1c7: {  	[tilespmem:$0x1AC0] =	vst v0  }
0x1c8: {  	[tilespmem:$0x1AD0] =	vst v0  }
0x1c9: {  	[tilespmem:$0x1AE0] =	vst v0  }
0x1ca: {  	[tilespmem:$0x1AF0] =	vst v0  }
0x1cb: {  	[tilespmem:$0x1B00] =	vst v0  }
0x1cc: {  	[tilespmem:$0x1B10] =	vst v0  }
0x1cd: {  	[tilespmem:$0x1B20] =	vst v0  }
0x1ce: {  	[tilespmem:$0x1B30] =	vst v0  }
0x1cf: {  	[tilespmem:$0x1B40] =	vst v0  }
0x1d0: {  	[tilespmem:$0x1B50] =	vst v0  }
0x1d1: {  	[tilespmem:$0x1B60] =	vst v0  }
0x1d2: {  	[tilespmem:$0x1B70] =	vst v0  }
0x1d3: {  	[tilespmem:$0x1B80] =	vst v0  }
0x1d4: {  	[tilespmem:$0x1B90] =	vst v0  }
0x1d5: {  	[tilespmem:$0x1BA0] =	vst v0  }
0x1d6: {  	[tilespmem:$0x1BB0] =	vst v0  }
0x1d7: {  	[tilespmem:$0x1BC0] =	vst v0  }
0x1d8: {  	[tilespmem:$0x1BD0] =	vst v0  }
0x1d9: {  	[tilespmem:$0x1BE0] =	vst v0  }
0x1da: {  	[tilespmem:$0x1BF0] =	vst v0  }
0x1db: {  	[tilespmem:$0x1C00] =	vst v0  }
0x1dc: {  	[tilespmem:$0x1C10] =	vst v0  }
0x1dd: {  	[tilespmem:$0x1C20] =	vst v0  }
0x1de: {  	[tilespmem:$0x1C30] =	vst v0  }
0x1df: {  	[tilespmem:$0x1C40] =	vst v0  }
0x1e0: {  	[tilespmem:$0x1C50] =	vst v0  }
0x1e1: {  	[tilespmem:$0x1C60] =	vst v0  }
0x1e2: {  	[tilespmem:$0x1C70] =	vst v0  }
0x1e3: {  	[tilespmem:$0x1C80] =	vst v0  }
0x1e4: {  	[tilespmem:$0x1C90] =	vst v0  }
0x1e5: {  	[tilespmem:$0x1CA0] =	vst v0  }
0x1e6: {  	[tilespmem:$0x1CB0] =	vst v0  }
0x1e7: {  	[tilespmem:$0x1CC0] =	vst v0  }
0x1e8: {  	[tilespmem:$0x1CD0] =	vst v0  }
0x1e9: {  	[tilespmem:$0x1CE0] =	vst v0  }
0x1ea: {  	[tilespmem:$0x1CF0] =	vst v0  }
0x1eb: {  	[tilespmem:$0x1D00] =	vst v0  }
0x1ec: {  	[tilespmem:$0x1D10] =	vst v0  }
0x1ed: {  	[tilespmem:$0x1D20] =	vst v0  }
0x1ee: {  	[tilespmem:$0x1D30] =	vst v0  }
0x1ef: {  	[tilespmem:$0x1D40] =	vst v0  }
0x1f0: {  	[tilespmem:$0x1D50] =	vst v0  }
0x1f1: {  	[tilespmem:$0x1D60] =	vst v0  }
0x1f2: {  	[tilespmem:$0x1D70] =	vst v0  }
0x1f3: {  	[tilespmem:$0x1D80] =	vst v0  }
0x1f4: {  	[tilespmem:$0x1D90] =	vst v0  }
0x1f5: {  	[tilespmem:$0x1DA0] =	vst v0  }
0x1f6: {  	[tilespmem:$0x1DB0] =	vst v0  }
0x1f7: {  	[tilespmem:$0x1DC0] =	vst v0  }
0x1f8: {  	[tilespmem:$0x1DD0] =	vst v0  }
0x1f9: {  	[tilespmem:$0x1DE0] =	vst v0  }
0x1fa: {  	[tilespmem:$0x1DF0] =	vst v0  }
0x1fb: {  	[tilespmem:$0x1E00] =	vst v0  }
0x1fc: {  	[tilespmem:$0x1E10] =	vst v0  }
0x1fd: {  	[tilespmem:$0x1E20] =	vst v0  }
0x1fe: {  	[tilespmem:$0x1E30] =	vst v0  }
0x1ff: {  	[tilespmem:$0x1E40] =	vst v0  }
0x200: {  	[tilespmem:$0x1E50] =	vst v0  }
0x201: {  	[tilespmem:$0x1E60] =	vst v0  }
0x202: {  	[tilespmem:$0x1E70] =	vst v0  }
0x203: {  	[tilespmem:$0x1E80] =	vst v0  }
0x204: {  	[tilespmem:$0x1E90] =	vst v0  }
0x205: {  	[tilespmem:$0x1EA0] =	vst v0  }
0x206: {  	[tilespmem:$0x1EB0] =	vst v0  }
0x207: {  	[tilespmem:$0x1EC0] =	vst v0  }
0x208: {  	[tilespmem:$0x1ED0] =	vst v0  }
0x209: {  	[tilespmem:$0x1EE0] =	vst v0  }
0x20a: {  	[tilespmem:$0x1EF0] =	vst v0  }
0x20b: {  	[tilespmem:$0x1F00] =	vst v0  }
0x20c: {  	[tilespmem:$0x1F10] =	vst v0  }
0x20d: {  	[tilespmem:$0x1F20] =	vst v0  }
0x20e: {  	[tilespmem:$0x1F30] =	vst v0  }
0x20f: {  	[tilespmem:$0x1F40] =	vst v0  }
0x210: {  	[tilespmem:$0x1F50] =	vst v0  }
0x211: {  	[tilespmem:$0x1F60] =	vst v0  }
0x212: {  	[tilespmem:$0x1F70] =	vst v0  }
0x213: {  	[tilespmem:$0x1F80] =	vst v0  }
0x214: {  	[tilespmem:$0x2070] =	vst v0  }
0x215: {  	_ =	swait.ge [sflag:s15], $0x80  }
0x216: {  	[sflag:s15] =	ssyncset.done $0x0  }
0x217: {  	[sflag:s15] =	ssyncadd.s32 $0xFFFFFF80  }
0x218: {  	v2 =	vld [tilespmem:$0x0];
	_ =	sdelay $0x4  }
0x219: {  	v2 =	vmul.f32 $1.048576000e+06, v2;
	_ =	sdelay $0x1  }
0x21a: {  	v2 =	vtrunc.f32 v2  }
0x21b: {  	v2 =	vcvt.f32.s32 v2;
	_ =	sdelay $0x1  }
0x21c: {  	(v2sf) =	vpush v2, $0x0;
	_ =	sdelay $0xe  }
0x21d: {  	s22 =	spop (v2sf)  }
0x21e: {  	s22 =	ssub.s32 s22, s3  }
0x21f: {  	p0 =	sgt.s32 s22, $0x0;
	s23 =	smov.u32 s22  }
0x220: {  	s23 =	simm.s32 @!p0 $0x0  }
0x221: {  	s23 =	smin.u32 s23, $0x8000  }
0x222: {  	p0 =	seq.s32 s23, $0x8000  }
0x223: {  	p1 =	sne.s32 @!p0 s23, $0x0  }
0x224: {  	p2 =	por p1, p0  }
0x225: {  	s24 =	simm.s32 @!p2 $0x2  }
0x226: {  	_ =	swait.ge @!p2 [sflag:s24], $0x8000  }
0x227: {  	[sflag:s24] =	ssyncset.done @!p2 $0x0  }
0x228: {  	s25 =	simm.s32 @!p2 $0x2080;
	[sflag:s24] =	ssyncadd.s32 @!p2 $0xFFFF8000;
	s24 =	simm.s32 @!p2 $0x0  }
0x229: {  	[hbm4b:s6+s24] =	stream.linear.scatter @!p2 [tilespmem:s25], [sflag:$0x3], $0x8000, $0x38;
	[tilespmem:$0xA080] =	vst v63  }
0x22a: {  	s24 =	simm.s32 @!p2 $0x3  }
0x22b: {  	p3 =	slt.s32 @!p2 s22, $0x8000;
	_ =	swait.ge @!p2 [sflag:s24], $0x8000  }
0x22c: {  	p1 =	por @!p0 p1, p3;
	[sflag:s24] =	ssyncset.done @!p2 $0x0  }
0x22d: {  	p0 =	por p0, !p1;
	[sflag:s24] =	ssyncadd.s32 @!p2 $0xFFFF8000  }
0x22e: {  	[hbm4b:s6+s2] =	stream.linear.scatter @p0 [tilespmem:s16], [sflag:$0x4], $0x2000, $0x38;
	[tilespmem:$0xA080] =	vst v63  }
0x22f: {  	_ = 	snop  }
0x230: {  	[hbm4b:s8+s2] =	stream.linear.scatter @p0 [tilespmem:s16], [sflag:$0x5], $0x2000, $0x38;
	[tilespmem:$0xA080] =	vst v63  }
0x231: {  	_ = 	snop  }
0x232: {  	[hbm4b:s9+s2] =	stream.linear.scatter @p0 [tilespmem:s16], [sflag:$0x6], $0x2000, $0x38;
	[tilespmem:$0xA080] =	vst v63  }
0x233: {  	_ = 	snop  }
0x234: {  	[hbm4b:s10+s2] =	stream.linear.scatter @p0 [tilespmem:s16], [sflag:$0x7], $0x2000, $0x38;
	[tilespmem:$0xA080] =	vst v63  }
0x235: {  	_ =	swait.ge @p0 [sflag:s17], $0x8000  }
0x236: {  	[sflag:s17] =	ssyncset.done @p0 $0x0  }
0x237: {  	[sflag:s17] =	ssyncadd.s32 @p0 $0xFFFF8000  }
0x238: {  	_ =	swait.ge @p0 [sflag:s18], $0x2000  }
0x239: {  	[sflag:s18] =	ssyncset.done @p0 $0x0  }
0x23a: {  	[sflag:s18] =	ssyncadd.s32 @p0 $0xFFFFE000  }
0x23b: {  	_ =	swait.ge @p0 [sflag:s19], $0x2000  }
0x23c: {  	[sflag:s19] =	ssyncset.done @p0 $0x0  }
0x23d: {  	[sflag:s19] =	ssyncadd.s32 @p0 $0xFFFFE000  }
0x23e: {  	_ =	swait.ge @p0 [sflag:s20], $0x2000  }
0x23f: {  	[sflag:s20] =	ssyncset.done @p0 $0x0  }
0x240: {  	[sflag:s20] =	ssyncadd.s32 @p0 $0xFFFFE000  }
0x241: {  	_ =	swait.ge @p0 [sflag:s21], $0x2000  }
0x242: {  	s31 =	sadd.s32 $0xFFFFFFFF, s22;
	[sflag:s21] =	ssyncset.done @p0 $0x0  }
0x243: {  	[sflag:s21] =	ssyncadd.s32 @p0 $0xFFFFE000;
	p0 =	sgt.u32 s31, $0x7FFE  }
.Ltmp2:
0x244: {  	_ = 	snop;
	(pc) =	sbr.rel @p0 .LBB2_3-.Ltmp2, $1  }
0x245: {  	_ =	sdelay $0x3  }
0x246: {  	p0 =	slt.u32 s22, $0x2000  }
0x247: {  	s22 =	simm.s32 @!p0 $0x0  }
0x248: {  	s24 =	simm.s32 @!p0 $0x80;
	s22 =	simm.s32 @p0 $0x1  }
0x249: {  	s25 =	simm.s32 @!p0 $0xFFFFFFF8;
	[smem:$0x7F8] =	sst s22;
	s22 =	simm.s32 @!p0 $0x0  }
0x24a: {  	[hbm4b:s6+s22] =	stream.linear.scatter @!p0 [tilespmem:s24], [sflag:$0x4], $0x2000, $0x38;
	[tilespmem:$0xA080] =	vst v63  }
0x24b: {  	s25 =	simm.s32 @p0 $0x0;
	s22 =	sshrl.u32 s23, $0xA  }
0x24c: {  	s24 =	smov.u32 s11;
	s25 =	sadd.s32 s22, s25  }
0x24d: {  	s24 =	smov.u32 @p0 s3;
	p3 =	slt.s32 s25, $0x8  }
0x24e: {  	s26 =	sand.u32 @!p3 $0x7, s24;
	s28 =	sld @!p3 [smem:$0x7FF]  }
0x24f: {  	p0 =	seq.s32 @!p3 s26, $0x0  }
0x250: {  	p1 =	por p0, p3  }
0x251: {  	p1 =	sne.s32 @!p1 s28, $0x1  }
0x252: {  	p0 =	por @!p3 !p1, p0  }
0x253: {  	p0 =	por p0, p3  }
0x254: {  	s26 =	sor.u32 @!p0 $0x100000, s12  }
0x255: {  	[smem:s26], [sflag:$0x0] =	smem.add.s32 @!p0 $0x8E;
	s26 =	simm.s32 @!p0 $0x0  }
0x256: {  	s28 =	simm.s32 @!p0 $0x1;
	_ =	swait.done @!p0 [sflag:s26]  }
0x257: {  	[smem:$0x7FF] =	sst @!p0 s28  }
0x258: {  	_ =	sint @!p0 $0x2  }
0x259: {  	_ =	swait.notdone @!p0 [sflag:s26];
	s26 =	sshrl.u32 @!p3 s24, $0x3  }
0x25a: {  	s29 =	simm.s32 @!p3 $0x80;
	s28 =	simm.s32 @!p3 $0x0;
	s26 =	sadd.s32 @!p3 s4, s26  }
0x25b: {  	[hbm4b:s26+s28] =	stream.linear.scatter @!p3 [tilespmem:s29], [sflag:$0x5], $0x2000, $0x38;
	[tilespmem:$0xA080] =	vst v63  }
0x25c: {  	s26 =	simm.s32 @!p3 $0xFFFFFFF8  }
0x25d: {  	s26 =	simm.s32 @p3 $0x0  }
0x25e: {  	s25 =	sadd.s32 s25, s26  }
0x25f: {  	p2 =	slt.s32 s25, $0x8  }
0x260: {  	s26 =	sand.u32 @!p2 $0x7, s24;
	s28 =	sld @!p2 [smem:$0x7FF]  }
0x261: {  	p0 =	seq.s32 @!p2 s26, $0x0  }
0x262: {  	p1 =	por p0, p2  }
0x263: {  	p1 =	sne.s32 @!p1 s28, $0x1  }
0x264: {  	p0 =	por @!p2 !p1, p0  }
0x265: {  	p0 =	por p0, p2  }
0x266: {  	s28 =	simm.s32 @!p3 $0x0;
	s26 =	sor.u32 @!p0 $0x100000, s12  }
0x267: {  	s28 =	simm.s32 @p3 $0x1;
	[smem:s26], [sflag:$0x0] =	smem.add.s32 @!p0 $0x9B  }
0x268: {  	s26 =	simm.s32 @!p0 $0x0;
	[smem:$0x7F9] =	sst s28  }
0x269: {  	s29 =	simm.s32 @!p0 $0x1;
	s28 =	simm.s32 @!p3 $0x2000;
	_ =	swait.done @!p0 [sflag:s26]  }
0x26a: {  	s28 =	simm.s32 @p3 $0x0;
	[smem:$0x7FF] =	sst @!p0 s29  }
0x26b: {  	s28 =	sadd.s32 s24, s28;
	_ =	sint @!p0 $0x2  }
0x26c: {  	_ =	swait.notdone @!p0 [sflag:s26];
	s26 =	sshrl.u32 @!p2 s28, $0x3  }
0x26d: {  	s30 =	simm.s32 @!p2 $0x80;
	s29 =	simm.s32 @!p2 $0x0;
	s26 =	sadd.s32 @!p2 s4, s26  }
0x26e: {  	[hbm4b:s26+s29] =	stream.linear.scatter @!p2 [tilespmem:s30], [sflag:$0x6], $0x2000, $0x38;
	[tilespmem:$0xA080] =	vst v63  }
0x26f: {  	s26 =	simm.s32 @!p2 $0xFFFFFFF8  }
0x270: {  	s26 =	simm.s32 @p2 $0x0  }
0x271: {  	s25 =	sadd.s32 s25, s26  }
0x272: {  	p3 =	por p2, p2;
	p2 =	slt.s32 s25, $0x4  }
0x273: {  	s26 =	sand.u32 @!p2 $0x7, s24;
	s29 =	sld @!p2 [smem:$0x7FF]  }
0x274: {  	p0 =	seq.s32 @!p2 s26, $0x0  }
0x275: {  	p1 =	por p0, p2  }
0x276: {  	p1 =	sne.s32 @!p1 s29, $0x1  }
0x277: {  	s26 =	simm.s32 @!p3 $0x0;
	p0 =	por @!p2 !p1, p0  }
0x278: {  	s26 =	simm.s32 @p3 $0x1;
	p0 =	por p0, p2  }
0x279: {  	[smem:$0x7FA] =	sst s26;
	s26 =	simm.s32 @!p3 $0x2000;
	s29 =	sor.u32 @!p0 $0x100000, s12  }
0x27a: {  	s26 =	simm.s32 @p3 $0x0;
	[smem:s29], [sflag:$0x0] =	smem.add.s32 @!p0 $0xA8;
	s29 =	simm.s32 @!p0 $0x0  }
0x27b: {  	s26 =	sadd.s32 s28, s26;
	s28 =	simm.s32 @!p0 $0x1;
	_ =	swait.done @!p0 [sflag:s29]  }
0x27c: {  	s30 =	sand.u32 @!p2 $0x3FFF80, s26;
	[smem:$0x7FF] =	sst @!p0 s28;
	s28 =	sand.u32 @!p2 $0x78, s24  }
0x27d: {  	s28 =	sor.u32 @!p2 s28, s30  }
0x27e: {  	_ =	sint @!p0 $0x2;
	s30 =	simm.s32 @!p2 $0x80;
	s28 =	sshrl.u32 @!p2 s28, $0x3  }
0x27f: {  	_ =	swait.notdone @!p0 [sflag:s29];
	s29 =	simm.s32 @!p2 $0x0;
	s28 =	sadd.s32 @!p2 s4, s28  }
0x280: {  	[hbm4b:s28+s29] =	stream.linear.scatter @!p2 [tilespmem:s30], [sflag:$0x7], $0x1000, $0x38;
	[tilespmem:$0xA080] =	vst v63  }
0x281: {  	s28 =	simm.s32 @!p2 $0xFFFFFFFC  }
0x282: {  	s28 =	simm.s32 @p2 $0x0  }
0x283: {  	s25 =	sadd.s32 s25, s28  }
0x284: {  	p3 =	por p2, p2;
	p2 =	slt.s32 s25, $0x2  }
0x285: {  	s28 =	simm.s32 @!p2 $0x0  }
0x286: {  	s29 =	sld @!p2 [smem:$0x7FF];
	s28 =	simm.s32 @p2 $0x1  }
0x287: {  	[smem:$0x7FC] =	sst s28;
	s28 =	sand.u32 @!p2 $0x7, s24  }
0x288: {  	p0 =	seq.s32 @!p2 s28, $0x0  }
0x289: {  	p1 =	por p0, p2  }
0x28a: {  	p1 =	sne.s32 @!p1 s29, $0x1  }
0x28b: {  	p0 =	por @!p2 !p1, p0  }
0x28c: {  	p0 =	por p0, p2  }
0x28d: {  	s28 =	sor.u32 @!p0 $0x100000, s12  }
0x28e: {  	s30 =	simm.s32 @!p2 $0xFFFFFFFE;
	[smem:s28], [sflag:$0x0] =	smem.add.s32 @!p0 $0xB5;
	s28 =	simm.s32 @!p0 $0x0  }
0x28f: {  	s30 =	simm.s32 @p2 $0x0;
	s29 =	simm.s32 @!p0 $0x1;
	_ =	swait.done @!p0 [sflag:s28]  }
0x290: {  	s25 =	sadd.s32 s25, s30;
	[smem:$0x7FF] =	sst @!p0 s29;
	s29 =	simm.s32 @!p3 $0x0  }
0x291: {  	p4 =	slt.s32 s25, $0x1;
	s29 =	simm.s32 @p3 $0x1  }
0x292: {  	s25 =	simm.s32 @!p4 $0x0;
	_ =	sint @!p0 $0x2;
	[smem:$0x7FB] =	sst s29  }
0x293: {  	s25 =	simm.s32 @p4 $0x1;
	s29 =	simm.s32 @!p3 $0x1000;
	_ =	swait.notdone @!p0 [sflag:s28]  }
0x294: {  	s29 =	simm.s32 @p3 $0x0;
	[smem:$0x7FD] =	sst s25  }
0x295: {  	s25 =	sand.u32 @!p4 $0x7, s24;
	s28 =	sld @!p4 [smem:$0x7FF];
	s26 =	sadd.s32 s26, s29  }
0x296: {  	s29 =	sand.u32 @!p2 $0x78, s24;
	p0 =	seq.s32 @!p4 s25, $0x0;
	s25 =	sand.u32 @!p2 $0x7FFF80, s26  }
0x297: {  	p1 =	por p0, p4;
	s25 =	sor.u32 @!p2 s29, s25  }
0x298: {  	s29 =	simm.s32 @!p2 $0x80;
	p1 =	sne.s32 @!p1 s28, $0x1;
	s25 =	sshrl.u32 @!p2 s25, $0x3  }
0x299: {  	s28 =	simm.s32 @!p2 $0x0;
	p0 =	por @!p4 !p1, p0;
	s25 =	sadd.s32 @!p2 s4, s25  }
0x29a: {  	[hbm4b:s25+s28] =	stream.linear.scatter @!p2 [tilespmem:s29], [sflag:$0x8], $0x800, $0x38;
	[tilespmem:$0xA080] =	vst v63  }
0x29b: {  	p0 =	por p0, p4;
	s25 =	simm.s32 @!p2 $0x800  }
0x29c: {  	s24 =	sand.u32 @!p4 $0x78, s24;
	s28 =	sor.u32 @!p0 $0x100000, s12;
	s25 =	simm.s32 @p2 $0x0  }
0x29d: {  	[smem:s28], [sflag:$0x0] =	smem.add.s32 @!p0 $0xC2;
	s28 =	simm.s32 @!p0 $0x0;
	s25 =	sadd.s32 @!p4 s26, s25  }
0x29e: {  	s26 =	simm.s32 @!p0 $0x1;
	_ =	swait.done @!p0 [sflag:s28];
	s25 =	sand.u32 @!p4 $0xFFFF80, s25  }
0x29f: {  	s23 =	sand.u32 $0x7C00, s23;
	[smem:$0x7FF] =	sst @!p0 s26;
	s24 =	sor.u32 @!p4 s24, s25  }
0x2a0: {  	s25 =	simm.s32 @!p4 $0x0;
	_ =	sint @!p0 $0x2;
	s24 =	sshrl.u32 @!p4 s24, $0x3  }
0x2a1: {  	s26 =	simm.s32 @!p4 $0x80;
	_ =	swait.notdone @!p0 [sflag:s28];
	s24 =	sadd.s32 @!p4 s4, s24  }
0x2a2: {  	[hbm4b:s24+s25] =	stream.linear.scatter @!p4 [tilespmem:s26], [sflag:$0x9], $0x400, $0x38;
	[tilespmem:$0xA080] =	vst v63  }
0x2a3: {  	s24 =	sor.u32 s3, s23;
	_ =	swait.ge [sflag:s17], $0x8000  }
0x2a4: {  	v6 =	vor.u32 s24, v1;
	s28 =	sor.u32 $0x10, s24;
	s29 =	sor.u32 $0x20, s24;
	[sflag:s17] =	ssyncset.done $0x0  }
0x2a5: {  	s30 =	sor.u32 $0x30, s24;
	s31 =	sor.u32 $0x40, s24;
	vm0 =	vlt.s32 v6, v2;
	v48 =	vor.u32 s28, v1;
	[sflag:s17] =	ssyncadd.s32 $0xFFFF8000  }
0x2a6: {  	s26 =	sor.u32 $0x50, s24;
	v49 =	vor.u32 s29, v1;
	v50 =	vor.u32 s30, v1;
	v52 =	vor.u32 s31, v1;
	v3 =	vld [tilespmem:s23+$0x2080]  }
0x2a7: {  	v54 =	vor.u32 s26, v1;
	vm13 =	vlt.s32 v48, v2;
	vm14 =	vlt.s32 v49, v2;
	v4 =	vld [tilespmem:s23+$0x2090]  }
0x2a8: {  	s28 =	sor.u32 $0x60, s24;
	s29 =	sor.u32 $0x70, s24;
	s30 =	sor.u32 $0x80, s24;
	vm15 =	vlt.s32 v50, v2;
	vm4 =	vlt.s32 v52, v2;
	vm5 =	vlt.s32 v54, v2;
	v5 =	vld [tilespmem:s23+$0x20A0]  }
0x2a9: {  	s31 =	sor.u32 $0x90, s24;
	s26 =	sor.u32 $0xA0, s24;
	v56 =	vor.u32 s28, v1;
	v58 =	vor.u32 s29, v1;
	v60 =	vor.u32 s30, v1;
	v7 =	vld [tilespmem:s23+$0x20B0]  }
0x2aa: {  	v62 =	vor.u32 s31, v1;
	v11 =	vor.u32 s26, v1;
	v8 =	vld [tilespmem:s23+$0x20C0];
	vm6 =	vlt.s32 v56, v2  }
0x2ab: {  	v9 =	vld [tilespmem:s23+$0x20D0];
	vm7 =	vlt.s32 v58, v2;
	vm8 =	vlt.s32 v60, v2;
	v3 =	vsel vm0, $0x0, v3  }
0x2ac: {  	s28 =	sor.u32 $0xB0, s24;
	s29 =	sor.u32 $0xC0, s24;
	v51 =	vld [tilespmem:s23+$0x20E0];
	vm9 =	vlt.s32 v62, v2;
	vm10 =	vlt.s32 v11, v2;
	[tilespmem:s23+$0x2080] =	vst v3;
	v3 =	vsel vm13, $0x0, v4  }
0x2ad: {  	s30 =	sor.u32 $0xD0, s24;
	s31 =	sor.u32 $0xE0, s24;
	v53 =	vld [tilespmem:s23+$0x20F0];
	v13 =	vor.u32 s28, v1;
	v15 =	vor.u32 s29, v1;
	[tilespmem:s23+$0x2090] =	vst v3;
	v3 =	vsel vm14, $0x0, v5  }
0x2ae: {  	s26 =	sor.u32 $0xF0, s24;
	v55 =	vld [tilespmem:s23+$0x2100];
	v17 =	vor.u32 s30, v1;
	v19 =	vor.u32 s31, v1;
	[tilespmem:s23+$0x20A0] =	vst v3;
	v3 =	vsel vm15, $0x0, v7  }
0x2af: {  	v57 =	vld [tilespmem:s23+$0x2110];
	v21 =	vor.u32 s26, v1;
	s28 =	sor.u32 $0x100, s24;
	vm11 =	vlt.s32 v13, v2;
	[tilespmem:s23+$0x20B0] =	vst v3;
	v3 =	vsel vm4, $0x0, v8  }
0x2b0: {  	v59 =	vld [tilespmem:s23+$0x2120];
	s29 =	sor.u32 $0x110, s24;
	s30 =	sor.u32 $0x120, s24;
	vm12 =	vlt.s32 v15, v2;
	v23 =	vor.u32 s28, v1;
	[tilespmem:s23+$0x20C0] =	vst v3;
	v3 =	vsel vm5, $0x0, v9  }
0x2b1: {  	v61 =	vld [tilespmem:s23+$0x2130];
	s31 =	sor.u32 $0x130, s24;
	s26 =	sor.u32 $0x140, s24;
	v25 =	vor.u32 s29, v1;
	v27 =	vor.u32 s30, v1;
	[tilespmem:s23+$0x20D0] =	vst v3;
	v3 =	vsel vm6, $0x0, v51  }
0x2b2: {  	v63 =	vld [tilespmem:s23+$0x2140];
	v29 =	vor.u32 s31, v1;
	v31 =	vor.u32 s26, v1;
	s28 =	sor.u32 $0x150, s24;
	s29 =	sor.u32 $0x160, s24;
	[tilespmem:s23+$0x20E0] =	vst v3;
	v3 =	vsel vm7, $0x0, v53  }
0x2b3: {  	v12 =	vld [tilespmem:s23+$0x2150];
	s30 =	sor.u32 $0x170, s24;
	s31 =	sor.u32 $0x180, s24;
	v33 =	vor.u32 s28, v1;
	v35 =	vor.u32 s29, v1;
	[tilespmem:s23+$0x20F0] =	vst v3;
	v3 =	vsel vm8, $0x0, v55  }
0x2b4: {  	v14 =	vld [tilespmem:s23+$0x2160];
	s26 =	sor.u32 $0x190, s24;
	v37 =	vor.u32 s30, v1;
	v39 =	vor.u32 s31, v1;
	s28 =	sor.u32 $0x1A0, s24;
	[tilespmem:s23+$0x2100] =	vst v3;
	v3 =	vsel vm9, $0x0, v57  }
0x2b5: {  	v16 =	vld [tilespmem:s23+$0x2170];
	v41 =	vor.u32 s26, v1;
	s29 =	sor.u32 $0x1B0, s24;
	s30 =	sor.u32 $0x1C0, s24;
	v43 =	vor.u32 s28, v1;
	[tilespmem:s23+$0x2110] =	vst v3;
	v3 =	vsel vm10, $0x0, v59  }
0x2b6: {  	v18 =	vld [tilespmem:s23+$0x2180];
	s31 =	sor.u32 $0x1D0, s24;
	v45 =	vor.u32 s29, v1;
	v47 =	vor.u32 s30, v1;
	[tilespmem:s23+$0x2120] =	vst v3;
	v3 =	vsel vm11, $0x0, v61  }
0x2b7: {  	v20 =	vld [tilespmem:s23+$0x2190];
	v49 =	vor.u32 s31, v1;
	vm13 =	vlt.s32 v17, v2;
	[tilespmem:s23+$0x2130] =	vst v3;
	v3 =	vsel vm12, $0x0, v63  }
0x2b8: {  	v22 =	vld [tilespmem:s23+$0x21A0];
	vm14 =	vlt.s32 v19, v2;
	vm15 =	vlt.s32 v21, v2;
	[tilespmem:s23+$0x2140] =	vst v3;
	v3 =	vsel vm13, $0x0, v12  }
0x2b9: {  	v24 =	vld [tilespmem:s23+$0x21B0];
	s26 =	sor.u32 $0x1E0, s24;
	vm4 =	vlt.s32 v23, v2;
	vm5 =	vlt.s32 v25, v2;
	[tilespmem:s23+$0x2150] =	vst v3;
	v3 =	vsel vm14, $0x0, v14  }
0x2ba: {  	v26 =	vld [tilespmem:s23+$0x21C0];
	s28 =	sor.u32 $0x1F0, s24;
	vm6 =	vlt.s32 v27, v2;
	v51 =	vor.u32 s26, v1;
	[tilespmem:s23+$0x2160] =	vst v3;
	v3 =	vsel vm15, $0x0, v16  }
0x2bb: {  	v28 =	vld [tilespmem:s23+$0x21D0];
	s29 =	sor.u32 $0x200, s24;
	vm7 =	vlt.s32 v29, v2;
	v53 =	vor.u32 s28, v1;
	[tilespmem:s23+$0x2170] =	vst v3;
	v3 =	vsel vm4, $0x0, v18  }
0x2bc: {  	v30 =	vld [tilespmem:s23+$0x21E0];
	s30 =	sor.u32 $0x210, s24;
	vm8 =	vlt.s32 v31, v2;
	v55 =	vor.u32 s29, v1;
	[tilespmem:s23+$0x2180] =	vst v3;
	v3 =	vsel vm5, $0x0, v20  }
0x2bd: {  	v32 =	vld [tilespmem:s23+$0x21F0];
	s29 =	sor.u32 $0x250, s24;
	vm9 =	vlt.s32 v33, v2;
	v57 =	vor.u32 s30, v1;
	[tilespmem:s23+$0x2190] =	vst v3;
	v3 =	vsel vm6, $0x0, v22  }
0x2be: {  	v34 =	vld [tilespmem:s23+$0x2200];
	s31 =	sor.u32 $0x220, s24;
	v13 =	vor.u32 s29, v1;
	s30 =	sor.u32 $0x260, s24;
	vm10 =	vlt.s32 v35, v2;
	[tilespmem:s23+$0x21A0] =	vst v3;
	v3 =	vsel vm7, $0x0, v24  }
0x2bf: {  	v36 =	vld [tilespmem:s23+$0x2210];
	s29 =	sor.u32 $0x2A0, s24;
	v59 =	vor.u32 s31, v1;
	v15 =	vor.u32 s30, v1;
	[tilespmem:s23+$0x21B0] =	vst v3;
	v3 =	vsel vm8, $0x0, v26  }
0x2c0: {  	v38 =	vld [tilespmem:s23+$0x2220];
	s26 =	sor.u32 $0x230, s24;
	s31 =	sor.u32 $0x270, s24;
	v23 =	vor.u32 s29, v1;
	vm11 =	vlt.s32 v37, v2;
	[tilespmem:s23+$0x21C0] =	vst v3;
	v3 =	vsel vm9, $0x0, v28  }
0x2c1: {  	v40 =	vld [tilespmem:s23+$0x2230];
	s30 =	sor.u32 $0x2B0, s24;
	v61 =	vor.u32 s26, v1;
	v17 =	vor.u32 s31, v1;
	[tilespmem:s23+$0x21D0] =	vst v3;
	v3 =	vsel vm10, $0x0, v30  }
0x2c2: {  	v42 =	vld [tilespmem:s23+$0x2240];
	s29 =	sor.u32 $0x2F0, s24;
	v25 =	vor.u32 s30, v1;
	vm12 =	vlt.s32 v39, v2;
	[tilespmem:s23+$0x21E0] =	vst v3;
	v3 =	vsel vm11, $0x0, v32  }
0x2c3: {  	v44 =	vld [tilespmem:s23+$0x2250];
	s28 =	sor.u32 $0x240, s24;
	v33 =	vor.u32 s29, v1;
	vm13 =	vlt.s32 v41, v2;
	[tilespmem:s23+$0x21F0] =	vst v3;
	v3 =	vsel vm12, $0x0, v34  }
0x2c4: {  	v46 =	vld [tilespmem:s23+$0x2260];
	s26 =	sor.u32 $0x280, s24;
	v63 =	vor.u32 s28, v1;
	vm14 =	vlt.s32 v43, v2;
	[tilespmem:s23+$0x2200] =	vst v3;
	v3 =	vsel vm13, $0x0, v36  }
0x2c5: {  	v48 =	vld [tilespmem:s23+$0x2270];
	s31 =	sor.u32 $0x2C0, s24;
	v19 =	vor.u32 s26, v1;
	vm15 =	vlt.s32 v45, v2;
	[tilespmem:s23+$0x2210] =	vst v3;
	v3 =	vsel vm14, $0x0, v38  }
0x2c6: {  	v50 =	vld [tilespmem:s23+$0x2280];
	s30 =	sor.u32 $0x300, s24;
	v27 =	vor.u32 s31, v1;
	vm4 =	vlt.s32 v47, v2;
	[tilespmem:s23+$0x2220] =	vst v3;
	v3 =	vsel vm15, $0x0, v40  }
0x2c7: {  	v52 =	vld [tilespmem:s23+$0x2290];
	s28 =	sor.u32 $0x290, s24;
	v35 =	vor.u32 s30, v1;
	vm5 =	vlt.s32 v49, v2;
	[tilespmem:s23+$0x2230] =	vst v3;
	v3 =	vsel vm4, $0x0, v42  }
0x2c8: {  	v54 =	vld [tilespmem:s23+$0x22A0];
	s26 =	sor.u32 $0x2D0, s24;
	v21 =	vor.u32 s28, v1;
	vm6 =	vlt.s32 v51, v2;
	[tilespmem:s23+$0x2240] =	vst v3;
	v3 =	vsel vm5, $0x0, v44  }
0x2c9: {  	v56 =	vld [tilespmem:s23+$0x22B0];
	s31 =	sor.u32 $0x310, s24;
	v29 =	vor.u32 s26, v1;
	vm7 =	vlt.s32 v53, v2;
	[tilespmem:s23+$0x2250] =	vst v3;
	v3 =	vsel vm6, $0x0, v46  }
0x2ca: {  	v58 =	vld [tilespmem:s23+$0x22C0];
	s28 =	sor.u32 $0x2E0, s24;
	v37 =	vor.u32 s31, v1;
	vm8 =	vlt.s32 v55, v2;
	[tilespmem:s23+$0x2260] =	vst v3;
	v3 =	vsel vm7, $0x0, v48  }
0x2cb: {  	v60 =	vld [tilespmem:s23+$0x22D0];
	s26 =	sor.u32 $0x320, s24;
	v31 =	vor.u32 s28, v1;
	vm9 =	vlt.s32 v57, v2;
	[tilespmem:s23+$0x2270] =	vst v3;
	v3 =	vsel vm8, $0x0, v50  }
0x2cc: {  	v62 =	vld [tilespmem:s23+$0x22E0];
	s29 =	sor.u32 $0x340, s24;
	v39 =	vor.u32 s26, v1;
	vm10 =	vlt.s32 v59, v2;
	[tilespmem:s23+$0x2280] =	vst v3;
	v3 =	vsel vm9, $0x0, v52  }
0x2cd: {  	v12 =	vld [tilespmem:s23+$0x22F0];
	s28 =	sor.u32 $0x330, s24;
	v43 =	vor.u32 s29, v1;
	vm11 =	vlt.s32 v61, v2;
	[tilespmem:s23+$0x2290] =	vst v3;
	v3 =	vsel vm10, $0x0, v54  }
0x2ce: {  	s30 =	sor.u32 $0x350, s24;
	v14 =	vld [tilespmem:s23+$0x2300];
	v41 =	vor.u32 s28, v1;
	vm12 =	vlt.s32 v63, v2;
	[tilespmem:s23+$0x22A0] =	vst v3;
	v3 =	vsel vm11, $0x0, v56  }
0x2cf: {  	s31 =	sor.u32 $0x360, s24;
	v16 =	vld [tilespmem:s23+$0x2310];
	v45 =	vor.u32 s30, v1;
	vm13 =	vlt.s32 v13, v2;
	[tilespmem:s23+$0x22B0] =	vst v3;
	v3 =	vsel vm12, $0x0, v58  }
0x2d0: {  	s26 =	sor.u32 $0x370, s24;
	v18 =	vld [tilespmem:s23+$0x2320];
	v47 =	vor.u32 s31, v1;
	vm14 =	vlt.s32 v15, v2;
	[tilespmem:s23+$0x22C0] =	vst v3;
	v3 =	vsel vm13, $0x0, v60  }
0x2d1: {  	s28 =	sor.u32 $0x380, s24;
	v20 =	vld [tilespmem:s23+$0x2330];
	v49 =	vor.u32 s26, v1;
	vm15 =	vlt.s32 v17, v2;
	[tilespmem:s23+$0x22D0] =	vst v3;
	v3 =	vsel vm14, $0x0, v62  }
0x2d2: {  	s29 =	sor.u32 $0x390, s24;
	v22 =	vld [tilespmem:s23+$0x2340];
	v51 =	vor.u32 s28, v1;
	vm4 =	vlt.s32 v19, v2;
	[tilespmem:s23+$0x22E0] =	vst v3;
	v3 =	vsel vm15, $0x0, v12  }
0x2d3: {  	s30 =	sor.u32 $0x3A0, s24;
	v24 =	vld [tilespmem:s23+$0x2350];
	v53 =	vor.u32 s29, v1;
	vm5 =	vlt.s32 v21, v2;
	[tilespmem:s23+$0x22F0] =	vst v3;
	v3 =	vsel vm4, $0x0, v14  }
0x2d4: {  	s31 =	sor.u32 $0x3B0, s24;
	v26 =	vld [tilespmem:s23+$0x2360];
	v55 =	vor.u32 s30, v1;
	vm6 =	vlt.s32 v23, v2;
	[tilespmem:s23+$0x2300] =	vst v3;
	v3 =	vsel vm5, $0x0, v16  }
0x2d5: {  	s26 =	sor.u32 $0x3C0, s24;
	v28 =	vld [tilespmem:s23+$0x2370];
	v57 =	vor.u32 s31, v1;
	vm7 =	vlt.s32 v25, v2;
	[tilespmem:s23+$0x2310] =	vst v3;
	v3 =	vsel vm6, $0x0, v18  }
0x2d6: {  	s28 =	sor.u32 $0x3D0, s24;
	v30 =	vld [tilespmem:s23+$0x2380];
	v59 =	vor.u32 s26, v1;
	vm8 =	vlt.s32 v27, v2;
	[tilespmem:s23+$0x2320] =	vst v3;
	v3 =	vsel vm7, $0x0, v20  }
0x2d7: {  	s30 =	sor.u32 $0x3F0, s24;
	v32 =	vld [tilespmem:s23+$0x2390];
	v61 =	vor.u32 s28, v1;
	vm9 =	vlt.s32 v29, v2;
	[tilespmem:s23+$0x2330] =	vst v3;
	v3 =	vsel vm8, $0x0, v22  }
0x2d8: {  	v34 =	vld [tilespmem:s23+$0x23A0];
	v63 =	vor.u32 s30, v1;
	vm10 =	vlt.s32 v31, v2;
	[tilespmem:s23+$0x2340] =	vst v3;
	v3 =	vsel vm9, $0x0, v24  }
0x2d9: {  	v36 =	vld [tilespmem:s23+$0x23B0];
	vm11 =	vlt.s32 v33, v2;
	vm12 =	vlt.s32 v35, v2;
	[tilespmem:s23+$0x2350] =	vst v3;
	v3 =	vsel vm10, $0x0, v26  }
0x2da: {  	s29 =	sor.u32 $0x3E0, s24;
	v58 =	vld [tilespmem:s23+$0x2460];
	vm13 =	vlt.s32 v37, v2;
	vm14 =	vlt.s32 v39, v2;
	[tilespmem:s23+$0x2360] =	vst v3;
	v3 =	vsel vm11, $0x0, v28  }
0x2db: {  	v38 =	vld [tilespmem:s23+$0x23C0];
	v62 =	vor.u32 s29, v1;
	vm15 =	vlt.s32 v41, v2;
	[tilespmem:s23+$0x2370] =	vst v3;
	v3 =	vsel vm12, $0x0, v30  }
0x2dc: {  	v60 =	vld [tilespmem:s23+$0x2470];
	vm4 =	vlt.s32 v43, v2;
	vm5 =	vlt.s32 v45, v2;
	[tilespmem:s23+$0x2380] =	vst v3;
	v3 =	vsel vm13, $0x0, v32  }
0x2dd: {  	v40 =	vld [tilespmem:s23+$0x23D0];
	vm6 =	vlt.s32 v47, v2;
	vm7 =	vlt.s32 v49, v2;
	[tilespmem:s23+$0x2390] =	vst v3;
	v3 =	vsel vm14, $0x0, v34  }
0x2de: {  	v42 =	vld [tilespmem:s23+$0x23E0];
	vm8 =	vlt.s32 v51, v2;
	vm14 =	vlt.s32 v62, v2;
	[tilespmem:s23+$0x23A0] =	vst v3;
	v3 =	vsel vm15, $0x0, v36  }
0x2df: {  	v44 =	vld [tilespmem:s23+$0x23F0];
	vm9 =	vlt.s32 v53, v2;
	vm10 =	vlt.s32 v55, v2;
	v5 =	vsel vm14, $0x0, v58;
	[tilespmem:s23+$0x23B0] =	vst v3  }
0x2e0: {  	v46 =	vld [tilespmem:s23+$0x2400];
	vm11 =	vlt.s32 v57, v2;
	vm15 =	vlt.s32 v63, v2;
	v3 =	vsel vm4, $0x0, v38;
	[tilespmem:s23+$0x2460] =	vst v5  }
0x2e1: {  	v48 =	vld [tilespmem:s23+$0x2410];
	vm12 =	vlt.s32 v59, v2;
	vm13 =	vlt.s32 v61, v2;
	v2 =	vsel vm15, $0x0, v60;
	[tilespmem:s23+$0x23C0] =	vst v3  }
0x2e2: {  	v50 =	vld [tilespmem:s23+$0x2420];
	v3 =	vsel vm5, $0x0, v40;
	[tilespmem:s23+$0x2470] =	vst v2  }
0x2e3: {  	v52 =	vld [tilespmem:s23+$0x2430];
	[tilespmem:s23+$0x23D0] =	vst v3;
	v3 =	vsel vm6, $0x0, v42  }
0x2e4: {  	v54 =	vld [tilespmem:s23+$0x2440];
	[tilespmem:s23+$0x23E0] =	vst v3;
	v3 =	vsel vm7, $0x0, v44  }
0x2e5: {  	v56 =	vld [tilespmem:s23+$0x2450];
	[tilespmem:s23+$0x23F0] =	vst v3;
	v3 =	vsel vm8, $0x0, v46  }
0x2e6: {  	[tilespmem:s23+$0x2400] =	vst v3;
	v3 =	vsel vm9, $0x0, v48  }
0x2e7: {  	s22 =	ssub.s32 $0x20, s22;
	[tilespmem:s23+$0x2410] =	vst v3;
	v3 =	vsel vm10, $0x0, v50  }
0x2e8: {  	s31 =	sshrl.u32 s22, $0x5;
	[tilespmem:s23+$0x2420] =	vst v3;
	v3 =	vsel vm11, $0x0, v52  }
0x2e9: {  	p6 =	seq.s32 s31, $0x0;
	[tilespmem:s23+$0x2430] =	vst v3;
	v3 =	vsel vm12, $0x0, v54  }
0x2ea: {  	s26 =	sshrl.u32 @!p6 s24, $0x3;
	[tilespmem:s23+$0x2440] =	vst v3;
	v3 =	vsel vm13, $0x0, v56  }
0x2eb: {  	s28 =	sadd.s32 $0x2080, s23;
	s26 =	sadd.s32 @!p6 s4, s26;
	s29 =	simm.s32 @!p6 $0x0;
	[tilespmem:s23+$0x2450] =	vst v3  }
0x2ec: {  	[hbm4b:s26+s29] =	stream.linear.scatter @!p6 [tilespmem:s28], [sflag:$0xA], $0x8000, $0x38;
	[tilespmem:$0xA080] =	vst v63  }
0x2ed: {  	s28 =	sshrl.u32 s22, $0x4  }
0x2ee: {  	s25 =	sshll.u32 s31, $0xF;
	s26 =	sand.u32 $0x1, s28  }
0x2ef: {  	s24 =	sadd.s32 s24, s25;
	p5 =	seq.s32 s26, $0x0  }
0x2f0: {  	s23 =	sor.u32 s23, s25;
	s25 =	sshrl.u32 @!p5 s24, $0x3  }
0x2f1: {  	s28 =	sadd.s32 @!p5 $0x2080, s23;
	s29 =	simm.s32 @!p5 $0x0;
	s25 =	sadd.s32 @!p5 s4, s25  }
0x2f2: {  	[hbm4b:s25+s29] =	stream.linear.scatter @!p5 [tilespmem:s28], [sflag:$0xB], $0x4000, $0x38;
	[tilespmem:$0xA080] =	vst v63  }
0x2f3: {  	s29 =	sshrl.u32 s22, $0x3  }
0x2f4: {  	s26 =	sshll.u32 s26, $0xE;
	s25 =	sand.u32 $0x1, s29  }
0x2f5: {  	s24 =	sadd.s32 s26, s24;
	p4 =	seq.s32 s25, $0x0  }
0x2f6: {  	s30 =	sshrl.u32 s22, $0x2;
	s23 =	sadd.s32 s26, s23;
	s26 =	sshrl.u32 @!p4 s24, $0x3  }
0x2f7: {  	s28 =	sadd.s32 @!p4 $0x2080, s23;
	s29 =	simm.s32 @!p4 $0x0;
	s26 =	sadd.s32 @!p4 s4, s26  }
0x2f8: {  	[hbm4b:s26+s29] =	stream.linear.scatter @!p4 [tilespmem:s28], [sflag:$0xC], $0x2000, $0x38;
	[tilespmem:$0xA080] =	vst v63  }
0x2f9: {  	s25 =	sshll.u32 s25, $0xD;
	s26 =	sand.u32 $0x1, s30  }
0x2fa: {  	s31 =	sshrl.u32 s22, $0x1;
	s24 =	sadd.s32 s25, s24;
	p3 =	seq.s32 s26, $0x0  }
0x2fb: {  	s22 =	sand.u32 $0x1, s22;
	s23 =	sadd.s32 s25, s23;
	s25 =	sshrl.u32 @!p3 s24, $0x3  }
0x2fc: {  	s28 =	sadd.s32 @!p3 $0x2080, s23;
	s29 =	simm.s32 @!p3 $0x0;
	s25 =	sadd.s32 @!p3 s4, s25  }
0x2fd: {  	[hbm4b:s25+s29] =	stream.linear.scatter @!p3 [tilespmem:s28], [sflag:$0xD], $0x1000, $0x38;
	[tilespmem:$0xA080] =	vst v63  }
0x2fe: {  	p1 =	seq.s32 s22, $0x0;
	s26 =	sshll.u32 s26, $0xC;
	s25 =	sand.u32 $0x1, s31  }
0x2ff: {  	s24 =	sadd.s32 s26, s24;
	s23 =	sadd.s32 s26, s23;
	p2 =	seq.s32 s25, $0x0  }
0x300: {  	s22 =	sshll.u32 @!p1 s25, $0xB;
	s25 =	sld [smem:$0x7F8];
	s28 =	sshrl.u32 @!p2 s24, $0x3  }
0x301: {  	s29 =	simm.s32 @!p2 $0x0;
	s24 =	sadd.s32 @!p1 s22, s24;
	s22 =	sadd.s32 @!p1 s22, s23  }
0x302: {  	s26 =	sand.u32 @!p2 $0x1FFFF0, s28;
	s28 =	sadd.s32 @!p2 $0x2080, s23;
	s24 =	sshrl.u32 @!p1 s24, $0x3  }
0x303: {  	s22 =	sadd.s32 @!p1 $0x2080, s22;
	s26 =	sadd.s32 @!p2 s4, s26;
	s24 =	sand.u32 @!p1 $0x3FFFF0, s24  }
0x304: {  	[hbm4b:s26+s29] =	stream.linear.scatter @!p2 [tilespmem:s28], [sflag:$0xE], $0x800, $0x38;
	[tilespmem:$0xA080] =	vst v63  }
0x305: {  	p0 =	seq.s32 s25, $0x1;
	s23 =	sadd.s32 @!p1 s4, s24;
	s24 =	simm.s32 @!p1 $0x0  }
0x306: {  	[hbm4b:s23+s24] =	stream.linear.scatter @!p1 [tilespmem:s22], [sflag:$0xF], $0x400, $0x38;
	[tilespmem:$0xA080] =	vst v63  }
0x307: {  	s22 =	simm.s32 @!p0 $0x4  }
0x308: {  	_ =	swait.ge @!p0 [sflag:s22], $0x2000  }
0x309: {  	s26 =	sld [smem:$0x7F9];
	_ =	sdelay $0x1  }
0x30a: {  	[sflag:s22] =	ssyncset.done @!p0 $0x0  }
0x30b: {  	[sflag:s22] =	ssyncadd.s32 @!p0 $0xFFFFE000;
	p0 =	seq.s32 s26, $0x1  }
0x30c: {  	s22 =	simm.s32 @!p0 $0x5  }
0x30d: {  	_ =	swait.ge @!p0 [sflag:s22], $0x2000  }
0x30e: {  	s28 =	sld [smem:$0x7FA];
	_ =	sdelay $0x1  }
0x30f: {  	[sflag:s22] =	ssyncset.done @!p0 $0x0  }
0x310: {  	[sflag:s22] =	ssyncadd.s32 @!p0 $0xFFFFE000;
	p0 =	seq.s32 s28, $0x1  }
0x311: {  	s22 =	simm.s32 @!p0 $0x6  }
0x312: {  	_ =	swait.ge @!p0 [sflag:s22], $0x2000  }
0x313: {  	s29 =	sld [smem:$0x7FB];
	_ =	sdelay $0x1  }
0x314: {  	[sflag:s22] =	ssyncset.done @!p0 $0x0  }
0x315: {  	[sflag:s22] =	ssyncadd.s32 @!p0 $0xFFFFE000;
	p0 =	seq.s32 s29, $0x1  }
0x316: {  	s22 =	simm.s32 @!p0 $0x7  }
0x317: {  	_ =	swait.ge @!p0 [sflag:s22], $0x1000  }
0x318: {  	s30 =	sld [smem:$0x7FC];
	_ =	sdelay $0x1  }
0x319: {  	[sflag:s22] =	ssyncset.done @!p0 $0x0  }
0x31a: {  	[sflag:s22] =	ssyncadd.s32 @!p0 $0xFFFFF000;
	p0 =	seq.s32 s30, $0x1  }
0x31b: {  	s22 =	simm.s32 @!p0 $0x8  }
0x31c: {  	_ =	swait.ge @!p0 [sflag:s22], $0x800  }
0x31d: {  	s31 =	sld [smem:$0x7FD];
	_ =	sdelay $0x1  }
0x31e: {  	[sflag:s22] =	ssyncset.done @!p0 $0x0  }
0x31f: {  	[sflag:s22] =	ssyncadd.s32 @!p0 $0xFFFFF800;
	p0 =	seq.s32 s31, $0x1  }
0x320: {  	s22 =	simm.s32 @!p0 $0x9  }
0x321: {  	_ =	swait.ge @!p0 [sflag:s22], $0x400  }
0x322: {  	[sflag:s22] =	ssyncset.done @!p0 $0x0  }
0x323: {  	[sflag:s22] =	ssyncadd.s32 @!p0 $0xFFFFFC00;
	s22 =	simm.s32 @!p6 $0xA  }
0x324: {  	_ =	swait.ge @!p6 [sflag:s22], $0x8000  }
0x325: {  	[sflag:s22] =	ssyncset.done @!p6 $0x0  }
0x326: {  	[sflag:s22] =	ssyncadd.s32 @!p6 $0xFFFF8000;
	s22 =	simm.s32 @!p5 $0xB  }
0x327: {  	_ =	swait.ge @!p5 [sflag:s22], $0x4000  }
0x328: {  	[sflag:s22] =	ssyncset.done @!p5 $0x0  }
0x329: {  	[sflag:s22] =	ssyncadd.s32 @!p5 $0xFFFFC000;
	s22 =	simm.s32 @!p4 $0xC  }
0x32a: {  	_ =	swait.ge @!p4 [sflag:s22], $0x2000  }
0x32b: {  	[sflag:s22] =	ssyncset.done @!p4 $0x0  }
0x32c: {  	[sflag:s22] =	ssyncadd.s32 @!p4 $0xFFFFE000;
	s22 =	simm.s32 @!p3 $0xD  }
0x32d: {  	_ =	swait.ge @!p3 [sflag:s22], $0x1000  }
0x32e: {  	[sflag:s22] =	ssyncset.done @!p3 $0x0  }
0x32f: {  	[sflag:s22] =	ssyncadd.s32 @!p3 $0xFFFFF000;
	s22 =	simm.s32 @!p2 $0xE  }
0x330: {  	_ =	swait.ge @!p2 [sflag:s22], $0x800  }
.Ltmp3:
0x331: {  	[sflag:s22] =	ssyncset.done @!p2 $0x0;
	(pc) =	sbr.rel .LBB2_3-.Ltmp3, $4  }
0x332: {  	[sflag:s22] =	ssyncadd.s32 @!p2 $0xFFFFF800;
	s22 =	simm.s32 @!p1 $0xF  }
0x333: {  	_ =	swait.ge @!p1 [sflag:s22], $0x400  }
0x334: {  	[sflag:s22] =	ssyncset.done @!p1 $0x0  }
0x335: {  	[sflag:s22] =	ssyncadd.s32 @!p1 $0xFFFFFC00  }
.LBB2_4:
0x336: {  	_ =	sfence.sel $0x180000  }
0x337: {  	[bflag:$0x0] =	sbarrier.arrive $0xFFFF  }
0x338: {  	p0 =	sne.s32 s1, $0x0;
	_ =	strace $0x90000047  }
0x339: {  	s0 =	sadd.s32 @!p0 $0x100000, s0;
	[bflag:$0x2] =	sbarrier.arrive $0xFFFF  }
0x33a: {  	[sflag:s0] =	ssyncadd.tile.s32 @!p0 $0x1;
	_ =	shalt  }
.Lfunc_end2:
_tile_overlayer_lowered:
.L_overlay_start_2:
0x33b: {  	(tag) =	ssettag $0x2  }
0x33c: {  	s0 =	rddreg [dreg:$0x0];
	s2 =	stileid.u32  }
0x33d: {  	s1 =	rddreg [dreg:$0x1];
	p0 =	sne.s32 s2, $0x0  }
0x33e: {  	s3 =	rddreg [dreg:$0x2];
	[bflag:$0x3] =	sbarrier.arrive $0xFFFF;
	s2 =	simm.s32 @!p0 $0x1C10  }
0x33f: {  	[timem:s3], [sflag:s2] =	dma.local @!p0 [hbm:s0], s1  }
0x340: {  	s0 =	simm.s32 @!p0 $0x10  }
0x341: {  	_ =	swait.ge @!p0 [sflag:s0], s1  }
0x342: {  	s1 =	ssub.s32 @!p0 $0x0, s1;
	[sflag:s0] =	ssyncset.done @!p0 $0x0  }
0x343: {  	[sflag:s0] =	ssyncadd.s32 @!p0 s1  }
0x344: {  	[bflag:$0x3] =	sbarrier.arrive $0xFFFF  }
0x345: {  	_ =	shalt  }

</sc_bundles>
